<compile_context>
chip_gen: v7x
topology: tpu7x:2x2x1
jax: 0.10.2.dev20260603
libtpu: 0.0.44.dev20260713+nightly
codegen_flags: <defaults>
</compile_context>

<pallas_src>
import functools

import jax
import jax.numpy as jnp
from jax import lax
from jax.experimental import pallas as pl
from jax.experimental.pallas import tpu as pltpu
from jax.experimental.pallas import tpu_sc as plsc

N = 10000
E = 320000
H = 128
G = 128
NC = 2
NS = 16
NW = NC * NS
EPW = E // NW
CH = 80
NCHUNK = EPW // CH
NCB = 25
NSB = NCHUNK // NCB
NHC = 5008
ACC_R = NHC + 8
EPT = E // NS
NCH_C = EPT // CH
NSB_C = NCH_C // NCB
ZR = 312
ZCH_C = 104


def _sc_mesh():
    return plsc.VectorSubcoreMesh(
        core_axis_name="c", subcore_axis_name="s", num_cores=NC, num_subcores=NS
    )


_SC_PARAMS = pltpu.CompilerParams(needs_layout_passes=False)


def _edge_pre(row2, col2, batch, posx, posy, posz, sig64, noise_level):

    @functools.partial(
        pl.kernel,
        out_type=(
            jax.ShapeDtypeStruct((E,), jnp.float32),
            jax.ShapeDtypeStruct((E,), jnp.float32),
            jax.ShapeDtypeStruct((E,), jnp.int32),
        ),
        mesh=_sc_mesh(),
        compiler_params=_SC_PARAMS,
        scratch_types=[
            pltpu.VMEM((NCB, CH), jnp.int32),
            pltpu.VMEM((NCB, CH), jnp.int32),
            pltpu.VMEM((N,), jnp.int32),
            pltpu.VMEM((N,), jnp.float32),
            pltpu.VMEM((N,), jnp.float32),
            pltpu.VMEM((N,), jnp.float32),
            pltpu.VMEM((64,), jnp.float32),
            pltpu.VMEM((G,), jnp.int32),
            pltpu.VMEM((G,), jnp.float32),
            pltpu.VMEM((NCB * CH,), jnp.float32),
            pltpu.VMEM((NCB * CH,), jnp.float32),
            pltpu.VMEM((NCB * CH,), jnp.int32),
        ],
    )
    def k(row_h, col_h, batch_h, px_h, py_h, pz_h, sig_h, nl_h,
          d2_h, se_h, eg_h,
          rows_v, cols_v, batch_v, px_v, py_v, pz_v, sig_v, nl_v, sg_v,
          d2_v, se_v, eg_v):
        wid = lax.axis_index("s") * NC + lax.axis_index("c")
        ebase = wid * EPW
        pltpu.sync_copy(batch_h, batch_v)
        pltpu.sync_copy(px_h, px_v)
        pltpu.sync_copy(py_h, py_v)
        pltpu.sync_copy(pz_h, pz_v)
        pltpu.sync_copy(sig_h, sig_v)
        pltpu.sync_copy(nl_h, nl_v)
        for i in range(G // 16):
            nl = nl_v[pl.ds(16 * i, 16)]
            sg_v[pl.ds(16 * i, 16)] = plsc.load_gather(sig_v, [nl])

        def outer(sb, carry):
            pltpu.sync_copy(row_h.at[wid, sb], rows_v)
            pltpu.sync_copy(col_h.at[wid, sb], cols_v)

            def body(j, c2):
                for kk in range(CH // 16):
                    o = j * CH + 16 * kk
                    r = rows_v[j, pl.ds(16 * kk, 16)]
                    c = cols_v[j, pl.ds(16 * kk, 16)]
                    eg = plsc.load_gather(batch_v, [r])
                    se = plsc.load_gather(sg_v, [eg])
                    dx = plsc.load_gather(px_v, [r]) - plsc.load_gather(px_v, [c])
                    dy = plsc.load_gather(py_v, [r]) - plsc.load_gather(py_v, [c])
                    dz = plsc.load_gather(pz_v, [r]) - plsc.load_gather(pz_v, [c])
                    d2_v[pl.ds(o, 16)] = dx * dx + dy * dy + dz * dz
                    se_v[pl.ds(o, 16)] = se
                    eg_v[pl.ds(o, 16)] = eg
                return c2

            lax.fori_loop(0, NCB, body, 0)
            ob = ebase + sb * NCB * CH
            pltpu.sync_copy(d2_v, d2_h.at[pl.ds(ob, NCB * CH)])
            pltpu.sync_copy(se_v, se_h.at[pl.ds(ob, NCB * CH)])
            pltpu.sync_copy(eg_v, eg_h.at[pl.ds(ob, NCB * CH)])
            return carry

        lax.fori_loop(0, NSB, outer, 0)

    return k(row2, col2, batch, posx, posy, posz, sig64, noise_level)


def _conv_sc(hidden, eattr, rowc, colc):

    @functools.partial(
        pl.kernel,
        out_type=jax.ShapeDtypeStruct((N, H), jnp.float32),
        mesh=_sc_mesh(),
        compiler_params=_SC_PARAMS,
        scratch_types=[
            pltpu.VMEM((NCB, CH), jnp.int32),
            pltpu.VMEM((NCB, CH), jnp.int32),
            pltpu.VMEM((CH,), jnp.int32),
            pltpu.VMEM((CH, H), jnp.float32),
            pltpu.VMEM((CH, H), jnp.float32),
            pltpu.VMEM((ZCH_C, H), jnp.float32),
            pltpu.VMEM_SHARED((ACC_R, H), jnp.float32),
        ],
    )
    def k(hid_h, ea_h, row_h, col_h, out_h,
          rows_v, cols_v, idx_v, g_v, e_v, z_v, acc):
        cid = lax.axis_index("c")
        sid = lax.axis_index("s")
        nbase = cid * NHC

        def zb(r, carry):
            for c8 in range(H // 16):
                z_v[r, pl.ds(16 * c8, 16)] = jnp.zeros((16,), jnp.float32)
            return carry

        lax.fori_loop(0, ZCH_C, zb, 0)
        t0 = sid * ZR
        for zz in range(ZR // ZCH_C):
            pltpu.sync_copy(z_v, acc.at[pl.ds(t0 + zz * ZCH_C, ZCH_C)])

        @pl.when(sid == NS - 1)
        def _():
            pltpu.sync_copy(z_v.at[pl.ds(0, ACC_R - NS * ZR)],
                            acc.at[pl.ds(NS * ZR, ACC_R - NS * ZR)])

        plsc.subcore_barrier()

        def outer(sb, carry):
            pltpu.sync_copy(row_h.at[sid, sb], rows_v)
            pltpu.sync_copy(col_h.at[sid, sb], cols_v)

            def body(j, c3):
                pltpu.sync_copy(hid_h.at[rows_v.at[j]], g_v)
                pltpu.sync_copy(
                    ea_h.at[pl.ds(sid * EPT + (sb * NCB + j) * CH, CH)], e_v)
                for kk in range(CH // 16):
                    c = cols_v[j, pl.ds(16 * kk, 16)]
                    c2 = c - nbase
                    inb = jnp.logical_and(c2 >= 0, c2 < NHC)
                    idx_v[pl.ds(16 * kk, 16)] = jnp.where(inb, c2, NHC)

                def rb(r, c4):
                    for c8 in range(H // 16):
                        s = pl.ds(16 * c8, 16)
                        g_v[r, s] = jnp.maximum(g_v[r, s] + e_v[r, s], 0.0)
                    return c4

                lax.fori_loop(0, CH, rb, 0)
                pltpu.sync_copy(g_v, acc.at[idx_v], add=True)
                return c3

            lax.fori_loop(0, NCB, body, 0)
            return carry

        lax.fori_loop(0, NSB_C, outer, 0)
        plsc.subcore_barrier()
        pltpu.sync_copy(acc.at[pl.ds(t0, ZR)], out_h.at[pl.ds(nbase + t0, ZR)])

        @pl.when(jnp.logical_and(sid == NS - 1, cid == 0))
        def _():
            pltpu.sync_copy(acc.at[pl.ds(NS * ZR, NHC - NS * ZR)],
                            out_h.at[pl.ds(NS * ZR, NHC - NS * ZR)])

    return k(hidden, eattr, rowc, colc)


def _pair_sc(hidden, row2, col2):

    @functools.partial(
        pl.kernel,
        out_type=jax.ShapeDtypeStruct((E, H), jnp.float32),
        mesh=_sc_mesh(),
        compiler_params=_SC_PARAMS,
        scratch_types=[
            pltpu.VMEM((NCB, CH), jnp.int32),
            pltpu.VMEM((NCB, CH), jnp.int32),
            pltpu.VMEM((CH, H), jnp.float32),
            pltpu.VMEM((CH, H), jnp.float32),
        ],
    )
    def k(hid_h, row_h, col_h, out_h, rows_v, cols_v, a_v, b_v):
        wid = lax.axis_index("s") * NC + lax.axis_index("c")

        def outer(sb, carry):
            pltpu.sync_copy(row_h.at[wid, sb], rows_v)
            pltpu.sync_copy(col_h.at[wid, sb], cols_v)

            def body(j, c3):
                pltpu.sync_copy(hid_h.at[rows_v.at[j]], a_v)
                pltpu.sync_copy(hid_h.at[cols_v.at[j]], b_v)

                def rb(r, c2):
                    for c8 in range(H // 16):
                        s = pl.ds(16 * c8, 16)
                        a_v[r, s] = a_v[r, s] * b_v[r, s]
                    return c2

                lax.fori_loop(0, CH, rb, 0)
                pltpu.sync_copy(
                    a_v, out_h.at[pl.ds(wid * EPW + (sb * NCB + j) * CH, CH)])
                return c3

            lax.fori_loop(0, NCB, body, 0)
            return carry

        lax.fori_loop(0, NSB, outer, 0)

    return k(hidden, row2, col2)


def _node_init(atom_type2, emb_pad):
    Nb = 2000

    def body(at_r, em_r, o_r):
        io = lax.broadcasted_iota(jnp.int32, (Nb, 128), 1)
        oh = (at_r[...] == io).astype(jnp.float32)
        o_r[...] = jnp.dot(oh, em_r[...], preferred_element_type=jnp.float32)

    return pl.pallas_call(
        body,
        grid=(N // Nb,),
        in_specs=[
            pl.BlockSpec((Nb, 1), lambda i: (i, 0)),
            pl.BlockSpec((128, H), lambda i: (0, 0)),
        ],
        out_specs=pl.BlockSpec((Nb, H), lambda i: (i, 0)),
        out_shape=jax.ShapeDtypeStruct((N, H), jnp.float32),
    )(atom_type2, emb_pad)


def _edge_mlp(d2, sig, dn, et, w1, b1, w2, b2, emb_pad):
    Eb = 512

    def body(d2_r, sg_r, dn_r, et_r, w1_r, b1_r, w2_r, b2_r, em_r, o_r):
        d = jnp.sqrt(d2_r[...])
        pert = d + dn_r[...] * sg_r[...]
        t1 = jnp.maximum(pert * w1_r[...] + b1_r[...], 0.0)
        demb = jnp.dot(t1, w2_r[...], preferred_element_type=jnp.float32) + b2_r[...]
        io = lax.broadcasted_iota(jnp.int32, (Eb, 128), 1)
        oh = (et_r[...] == io).astype(jnp.float32)
        ea = jnp.dot(oh, em_r[...], preferred_element_type=jnp.float32)
        o_r[...] = demb * ea

    eb = lambda i: (i, 0)
    cb = lambda i: (0, 0)
    return pl.pallas_call(
        body,
        grid=(E // Eb,),
        in_specs=[
            pl.BlockSpec((Eb, 1), eb),
            pl.BlockSpec((Eb, 1), eb),
            pl.BlockSpec((Eb, 1), eb),
            pl.BlockSpec((Eb, 1), eb),
            pl.BlockSpec((1, H), cb),
            pl.BlockSpec((1, H), cb),
            pl.BlockSpec((H, H), cb),
            pl.BlockSpec((1, H), cb),
            pl.BlockSpec((128, H), cb),
        ],
        out_specs=pl.BlockSpec((Eb, H), eb),
        out_shape=jax.ShapeDtypeStruct((E, H), jnp.float32),
    )(d2, sig, dn, et, w1, b1, w2, b2, emb_pad)


def _conv_mlp(hidden, agg, epsv, w1, b1, w2, b2):
    Nb = 2000

    def body(h_r, a_r, ep_r, w1_r, b1_r, w2_r, b2_r, o_r):
        x = ep_r[...] * h_r[...] + a_r[...]
        t = jnp.maximum(
            jnp.dot(x, w1_r[...], preferred_element_type=jnp.float32) + b1_r[...], 0.0
        )
        o_r[...] = jnp.dot(t, w2_r[...], preferred_element_type=jnp.float32) + b2_r[...]

    nb = lambda i: (i, 0)
    cb = lambda i: (0, 0)
    return pl.pallas_call(
        body,
        grid=(N // Nb,),
        in_specs=[
            pl.BlockSpec((Nb, H), nb),
            pl.BlockSpec((Nb, H), nb),
            pl.BlockSpec((1, H), cb),
            pl.BlockSpec((H, H), cb),
            pl.BlockSpec((1, H), cb),
            pl.BlockSpec((H, H), cb),
            pl.BlockSpec((1, H), cb),
        ],
        out_specs=pl.BlockSpec((Nb, H), nb),
        out_shape=jax.ShapeDtypeStruct((N, H), jnp.float32),
    )(hidden, agg, epsv, w1, b1, w2, b2)


def _out_loss(hprod, ea, dn, eg, wa, wb, b1, w2, b2, w3, b3):
    Eb = 512

    def body(hp_r, ea_r, dn_r, eg_r, wa_r, wb_r, b1_r, w2_r, b2_r, w3_r, b3_r, o_r):
        i = pl.program_id(0)
        x = jnp.maximum(
            jnp.dot(hp_r[...], wa_r[...], preferred_element_type=jnp.float32)
            + jnp.dot(ea_r[...], wb_r[...], preferred_element_type=jnp.float32)
            + b1_r[...],
            0.0,
        )
        y = jnp.maximum(
            jnp.dot(x, w2_r[...], preferred_element_type=jnp.float32) + b2_r[...], 0.0
        )
        s = jnp.sum(y * w3_r[...], axis=1, keepdims=True) + b3_r[...]
        le = 0.5 * (s + dn_r[...]) ** 2
        io = lax.broadcasted_iota(jnp.int32, (Eb, G), 1)
        contrib = jnp.sum(jnp.where(eg_r[...] == io, le, 0.0), axis=0, keepdims=True)

        @pl.when(i == 0)
        def _():
            o_r[...] = jnp.zeros_like(o_r)

        o_r[...] += contrib

    eb = lambda i: (i, 0)
    cb = lambda i: (0, 0)
    return pl.pallas_call(
        body,
        grid=(E // Eb,),
        in_specs=[
            pl.BlockSpec((Eb, H), eb),
            pl.BlockSpec((Eb, H), eb),
            pl.BlockSpec((Eb, 1), eb),
            pl.BlockSpec((Eb, 1), eb),
            pl.BlockSpec((H, H), cb),
            pl.BlockSpec((H, H), cb),
            pl.BlockSpec((1, H), cb),
            pl.BlockSpec((H, H // 2), cb),
            pl.BlockSpec((1, H // 2), cb),
            pl.BlockSpec((1, H // 2), cb),
            pl.BlockSpec((1, 1), cb),
        ],
        out_specs=pl.BlockSpec((1, G), cb),
        out_shape=jax.ShapeDtypeStruct((1, G), jnp.float32),
    )(hprod, ea, dn, eg, wa, wb, b1, w2, b2, w3, b3)


def kernel(atom_type, edge_index, edge_type, pos, batch, noise_level, d_noise,
           num_graphs, sigmas, params):
    f32 = jnp.float32
    i32 = jnp.int32
    row = edge_index[0].astype(i32)
    col = edge_index[1].astype(i32)
    row2 = row.reshape(NW, NSB, NCB, CH)
    col2 = col.reshape(NW, NSB, NCB, CH)
    rowc = row.reshape(NS, NSB_C, NCB, CH)
    colc = col.reshape(NS, NSB_C, NCB, CH)
    posx = pos[:, 0].astype(f32)
    posy = pos[:, 1].astype(f32)
    posz = pos[:, 2].astype(f32)
    sig64 = jnp.zeros((64,), f32).at[: sigmas.shape[0]].set(sigmas.astype(f32))

    d2, sig_e, e2g = _edge_pre(
        row2, col2, batch.astype(i32), posx, posy, posz, sig64,
        noise_level.astype(i32)
    )

    emb_n = jnp.zeros((128, H), f32).at[:100].set(params["node_emb"])
    emb_e = jnp.zeros((128, H), f32).at[:100].set(params["edge_emb"])
    hidden = _node_init(atom_type.astype(i32).reshape(N, 1), emb_n)

    im = params["input_mlp"]
    eattr = _edge_mlp(
        d2.reshape(E, 1), sig_e.reshape(E, 1), d_noise.astype(f32),
        edge_type.astype(i32).reshape(E, 1),
        im[0]["W"], im[0]["b"][None], im[1]["W"], im[1]["b"][None], emb_e,
    )

    for conv in params["convs"]:
        agg = _conv_sc(hidden, eattr, rowc, colc)
        epsv = jnp.broadcast_to(1.0 + conv["eps"], (1, H)).astype(f32)
        m = conv["mlp"]
        hidden = _conv_mlp(
            hidden, agg, epsv,
            m[0]["W"], m[0]["b"][None], m[1]["W"], m[1]["b"][None],
        )

    hprod = _pair_sc(hidden, row2, col2)

    om = params["output_mlp"]
    wa = om[0]["W"][:H]
    wb = om[0]["W"][H:]
    loss = _out_loss(
        hprod, eattr, d_noise.astype(f32), e2g.reshape(E, 1),
        wa, wb, om[0]["b"][None], om[1]["W"], om[1]["b"][None],
        om[2]["W"].reshape(1, H // 2), om[2]["b"].reshape(1, 1),
    )
    return loss.reshape(G)

# --- scband reference (transcript-rebuilt; emitter-appended) ---
"""Pipeline reference for scband-distance-score-match-19344532701345 (READ-ONLY COPY).

The authoritative reference and input builder live on the scoring server;
editing this copy changes nothing except your own understanding.
"""

import jax, jax.numpy as jnp
import numpy as np

N = 10000
E = 320000
H = 128
G = 128
NUM_CONVS = 4
NUM_NOISE = 50
SIGMA_BEGIN = 10.0
SIGMA_END = 0.01
ANNEAL_POWER = 2.0


def _lin(k, fan_in, fan_out):
    s = 1.0 / np.sqrt(fan_in)
    kw, kb = jax.random.split(k)
    return {"W": jax.random.uniform(kw, (fan_in, fan_out), minval=-s, maxval=s, dtype=jnp.float32),
            "b": jax.random.uniform(kb, (fan_out,), minval=-s, maxval=s, dtype=jnp.float32)}


def setup_inputs(seed: int = 0) -> dict:
    key = jax.random.key(seed)
    ks = jax.random.split(key, 16)
    atom_type = jax.random.randint(ks[0], (N,), 0, 100)
    edge_index = jax.random.randint(ks[1], (2, E), 0, N)
    edge_type = jax.random.randint(ks[2], (E,), 0, 100)
    pos = jax.random.normal(ks[3], (N, 3), dtype=jnp.float32)
    batch = jnp.sort(jax.random.randint(ks[4], (N,), 0, G))
    noise_level = jax.random.randint(ks[5], (G,), 0, NUM_NOISE)
    d_noise = jax.random.normal(ks[6], (E, 1), dtype=jnp.float32)
    sigmas = jnp.asarray(np.exp(np.linspace(np.log(SIGMA_BEGIN), np.log(SIGMA_END), NUM_NOISE)), dtype=jnp.float32)
    params = {
        "node_emb": jax.random.normal(ks[7], (100, H), dtype=jnp.float32) * 0.02,
        "edge_emb": jax.random.normal(ks[8], (100, H), dtype=jnp.float32) * 0.02,
        "input_mlp": [_lin(ks[9], 1, H), _lin(ks[10], H, H)],
        "convs": [{"eps": jnp.zeros((), dtype=jnp.float32),
                   "mlp": [_lin(jax.random.fold_in(ks[11], 2 * i), H, H),
                           _lin(jax.random.fold_in(ks[11], 2 * i + 1), H, H)]}
                  for i in range(NUM_CONVS)],
        "output_mlp": [_lin(ks[12], 2 * H, H), _lin(ks[13], H, H // 2), _lin(ks[14], H // 2, 1)],
    }
    return {"atom_type": atom_type, "edge_index": edge_index, "edge_type": edge_type,
            "pos": pos, "batch": batch, "noise_level": noise_level, "d_noise": d_noise,
            "num_graphs": G, "sigmas": sigmas, "params": params}


def _mlp(layers, x):
    for i, l in enumerate(layers):
        x = x @ l["W"] + l["b"]
        if i < len(layers) - 1:
            x = jax.nn.relu(x)
    return x


def reference(atom_type, edge_index, edge_type, pos, batch, noise_level, d_noise, num_graphs, sigmas, params):
    row, col = edge_index[0], edge_index[1]
    # get_distance (no_grad in original)
    d = jnp.linalg.norm(pos[row] - pos[col], axis=-1, keepdims=True)
    edge2graph = batch[row]
    used_sigmas = sigmas[noise_level][edge2graph][:, None]
    # noise_type == 'rand'
    perturbed_d = d + d_noise * used_sigmas
    target = -1.0 / used_sigmas ** 2 * (perturbed_d - d)
    node_attr = params["node_emb"][atom_type]
    edge_attr = params["edge_emb"][edge_type]
    d_emb = _mlp(params["input_mlp"], perturbed_d)
    edge_attr = d_emb * edge_attr
    # GraphIsomorphismNetwork (GINE-style convs, readout not needed for loss)
    hidden = node_attr
    for conv in params["convs"]:
        msg = jax.nn.relu(hidden[row] + edge_attr)
        agg = jax.ops.segment_sum(msg, col, num_segments=hidden.shape[0])
        hidden = _mlp(conv["mlp"], (1.0 + conv["eps"]) * hidden + agg)
    h_row, h_col = hidden[row], hidden[col]
    distance_feature = jnp.concatenate([h_row * h_col, edge_attr], axis=-1)
    scores = _mlp(params["output_mlp"], distance_feature)
    scores = scores * (1.0 / used_sigmas)
    target = target.reshape(-1)
    scores = scores.reshape(-1)
    loss = 0.5 * (scores - target) ** 2 * used_sigmas[:, 0] ** ANNEAL_POWER
    num_segments = noise_level.shape[0]
    loss = jax.ops.segment_sum(loss, edge2graph, num_segments=num_segments)
    loss = loss + (jnp.asarray(num_graphs) - jnp.asarray(num_graphs)).astype(loss.dtype)
    return loss

if __name__ == "__main__":
    import jax
    _d = setup_inputs()
    print(jax.jit(kernel)(*tuple(_d.values())))

</pallas_src>

<mosaic_0001>
#map = affine_map<(d0, d1) -> (0, 0)>
#map1 = affine_map<(d0, d1) -> (0, 0, 0, 0)>
module attributes {stable_mosaic.version = 14 : i64} {
  func.func @k(%arg0: i32, %arg1: i32, %arg2: memref<10000x128xf32, #tpu.memory_space<hbm>>, %arg3: memref<320000x128xf32, #tpu.memory_space<hbm>>, %arg4: memref<16x10x25x80xi32, #tpu.memory_space<hbm>>, %arg5: memref<16x10x25x80xi32, #tpu.memory_space<hbm>>, %arg6: memref<10000x128xf32, #tpu.memory_space<hbm>>, %arg7: memref<25x80xi32, #tpu.memory_space<vmem>>, %arg8: memref<25x80xi32, #tpu.memory_space<vmem>>, %arg9: memref<80xi32, #tpu.memory_space<vmem>>, %arg10: memref<80x128xf32, #tpu.memory_space<vmem>>, %arg11: memref<80x128xf32, #tpu.memory_space<vmem>>, %arg12: memref<104x128xf32, #tpu.memory_space<vmem>>, %arg13: memref<5016x128xf32, #tpu.memory_space<vmem_shared>>) attributes {dimension_semantics = [#tpu.dimension_semantics<core_parallel>, #tpu.dimension_semantics<subcore_parallel>], iteration_bounds = array<i64: 2, 16>, scalar_prefetch = 0 : i64, scratch_operands = 7 : i64, tpu.core_type = #tpu.core_type<sc_vector_subcore>, window_params = [{transform_indices = #map}, {transform_indices = #map}, {transform_indices = #map1}, {transform_indices = #map1}, {transform_indices = #map}]} {
    %mul3A = arith.constant 5008 : i32
    %mul3A_0 = arith.muli %arg0, %mul3A : i32
    %scan3A = arith.constant 0 : i32
    %scan3A_1 = arith.constant 0 : i32
    %scan3A_2 = arith.constant 104 : i32
    %scan3A_3 = arith.addi %scan3A_1, %scan3A_2 : i32
    %scan3A_4 = arith.constant 1 : i32
    scf.for %scan3A_30 = %scan3A_1 to %scan3A_3 step %scan3A_4  : i32 {
      %broadcast_in_dim3A = arith.constant 0.000000e+00 : f32
      %broadcast_in_dim3A_31 = vector.broadcast %broadcast_in_dim3A : f32 to vector<16xf32>
      %swap3A = arith.index_cast %scan3A_30 : i32 to index
      %swap3A_32 = arith.constant 0 : index
      %swap3A_33 = tpu.vector_load %arg12[%swap3A, %swap3A_32] {strides = array<i32>} : memref<104x128xf32, #tpu.memory_space<vmem>>, vector<16xf32>,
      tpu.vector_store %arg12[%swap3A, %swap3A_32], %broadcast_in_dim3A_31 {strides = array<i32>} : memref<104x128xf32, #tpu.memory_space<vmem>>, vector<16xf32>,
      %broadcast_in_dim3A_34 = arith.constant 0.000000e+00 : f32
      %broadcast_in_dim3A_35 = vector.broadcast %broadcast_in_dim3A_34 : f32 to vector<16xf32>
      %swap3A_36 = arith.index_cast %scan3A_30 : i32 to index
      %swap3A_37 = arith.constant 16 : index
      %swap3A_38 = tpu.vector_load %arg12[%swap3A_36, %swap3A_37] {strides = array<i32>} : memref<104x128xf32, #tpu.memory_space<vmem>>, vector<16xf32>,
      tpu.vector_store %arg12[%swap3A_36, %swap3A_37], %broadcast_in_dim3A_35 {strides = array<i32>} : memref<104x128xf32, #tpu.memory_space<vmem>>, vector<16xf32>,
      %broadcast_in_dim3A_39 = arith.constant 0.000000e+00 : f32
      %broadcast_in_dim3A_40 = vector.broadcast %broadcast_in_dim3A_39 : f32 to vector<16xf32>
      %swap3A_41 = arith.index_cast %scan3A_30 : i32 to index
      %swap3A_42 = arith.constant 32 : index
      %swap3A_43 = tpu.vector_load %arg12[%swap3A_41, %swap3A_42] {strides = array<i32>} : memref<104x128xf32, #tpu.memory_space<vmem>>, vector<16xf32>,
      tpu.vector_store %arg12[%swap3A_41, %swap3A_42], %broadcast_in_dim3A_40 {strides = array<i32>} : memref<104x128xf32, #tpu.memory_space<vmem>>, vector<16xf32>,
      %broadcast_in_dim3A_44 = arith.constant 0.000000e+00 : f32
      %broadcast_in_dim3A_45 = vector.broadcast %broadcast_in_dim3A_44 : f32 to vector<16xf32>
      %swap3A_46 = arith.index_cast %scan3A_30 : i32 to index
      %swap3A_47 = arith.constant 48 : index
      %swap3A_48 = tpu.vector_load %arg12[%swap3A_46, %swap3A_47] {strides = array<i32>} : memref<104x128xf32, #tpu.memory_space<vmem>>, vector<16xf32>,
      tpu.vector_store %arg12[%swap3A_46, %swap3A_47], %broadcast_in_dim3A_45 {strides = array<i32>} : memref<104x128xf32, #tpu.memory_space<vmem>>, vector<16xf32>,
      %broadcast_in_dim3A_49 = arith.constant 0.000000e+00 : f32
      %broadcast_in_dim3A_50 = vector.broadcast %broadcast_in_dim3A_49 : f32 to vector<16xf32>
      %swap3A_51 = arith.index_cast %scan3A_30 : i32 to index
      %swap3A_52 = arith.constant 64 : index
      %swap3A_53 = tpu.vector_load %arg12[%swap3A_51, %swap3A_52] {strides = array<i32>} : memref<104x128xf32, #tpu.memory_space<vmem>>, vector<16xf32>,
      tpu.vector_store %arg12[%swap3A_51, %swap3A_52], %broadcast_in_dim3A_50 {strides = array<i32>} : memref<104x128xf32, #tpu.memory_space<vmem>>, vector<16xf32>,
      %broadcast_in_dim3A_54 = arith.constant 0.000000e+00 : f32
      %broadcast_in_dim3A_55 = vector.broadcast %broadcast_in_dim3A_54 : f32 to vector<16xf32>
      %swap3A_56 = arith.index_cast %scan3A_30 : i32 to index
      %swap3A_57 = arith.constant 80 : index
      %swap3A_58 = tpu.vector_load %arg12[%swap3A_56, %swap3A_57] {strides = array<i32>} : memref<104x128xf32, #tpu.memory_space<vmem>>, vector<16xf32>,
      tpu.vector_store %arg12[%swap3A_56, %swap3A_57], %broadcast_in_dim3A_55 {strides = array<i32>} : memref<104x128xf32, #tpu.memory_space<vmem>>, vector<16xf32>,
      %broadcast_in_dim3A_59 = arith.constant 0.000000e+00 : f32
      %broadcast_in_dim3A_60 = vector.broadcast %broadcast_in_dim3A_59 : f32 to vector<16xf32>
      %swap3A_61 = arith.index_cast %scan3A_30 : i32 to index
      %swap3A_62 = arith.constant 96 : index
      %swap3A_63 = tpu.vector_load %arg12[%swap3A_61, %swap3A_62] {strides = array<i32>} : memref<104x128xf32, #tpu.memory_space<vmem>>, vector<16xf32>,
      tpu.vector_store %arg12[%swap3A_61, %swap3A_62], %broadcast_in_dim3A_60 {strides = array<i32>} : memref<104x128xf32, #tpu.memory_space<vmem>>, vector<16xf32>,
      %broadcast_in_dim3A_64 = arith.constant 0.000000e+00 : f32
      %broadcast_in_dim3A_65 = vector.broadcast %broadcast_in_dim3A_64 : f32 to vector<16xf32>
      %swap3A_66 = arith.index_cast %scan3A_30 : i32 to index
      %swap3A_67 = arith.constant 112 : index
      %swap3A_68 = tpu.vector_load %arg12[%swap3A_66, %swap3A_67] {strides = array<i32>} : memref<104x128xf32, #tpu.memory_space<vmem>>, vector<16xf32>,
      tpu.vector_store %arg12[%swap3A_66, %swap3A_67], %broadcast_in_dim3A_65 {strides = array<i32>} : memref<104x128xf32, #tpu.memory_space<vmem>>, vector<16xf32>,
    }
    %scan3A_5 = arith.constant 104 : i32
    %mul3A_6 = arith.constant 312 : i32
    %mul3A_7 = arith.muli %arg1, %mul3A_6 : i32
    %add3A = arith.constant 0 : i32
    %add3A_8 = arith.addi %mul3A_7, %add3A : i32
    "tpu.region"() ({
      %run_scoped3A = tpu.sem_alloc : memref<!tpu.dma_semaphore, #tpu.memory_space<semaphore_mem>>
      %dma_start3A = arith.constant 0 : i32
      %dma_start3A_30 = tpu.memref_slice %arg13[%add3A_8, %dma_start3A] : memref<5016x128xf32, #tpu.memory_space<vmem_shared>> -> memref<104x128xf32, #tpu.memory_space<vmem_shared>>
      %dma_start3A_31 = arith.constant 0 : i32
      %dma_start3A_32 = tpu.memref_slice %arg13[%add3A_8, %dma_start3A_31] : memref<5016x128xf32, #tpu.memory_space<vmem_shared>> -> memref<104x128xf32, #tpu.memory_space<vmem_shared>>
      tpu.enqueue_dma source(%arg12 : memref<104x128xf32, #tpu.memory_space<vmem>>) target(%dma_start3A_32 : memref<104x128xf32, #tpu.memory_space<vmem_shared>>) target_semaphore(%run_scoped3A : memref<!tpu.dma_semaphore, #tpu.memory_space<semaphore_mem>>)
      %dma_wait3A = arith.constant 0 : i32
      %dma_wait3A_33 = tpu.memref_slice %arg13[%add3A_8, %dma_wait3A] : memref<5016x128xf32, #tpu.memory_space<vmem_shared>> -> memref<104x128xf32, #tpu.memory_space<vmem_shared>>
      %dma_wait3A_34 = arith.constant 0 : i32
      %dma_wait3A_35 = tpu.memref_slice %arg13[%add3A_8, %dma_wait3A_34] : memref<5016x128xf32, #tpu.memory_space<vmem_shared>> -> memref<104x128xf32, #tpu.memory_space<vmem_shared>>
      tpu.wait_dma2 semaphore(%run_scoped3A : memref<!tpu.dma_semaphore, #tpu.memory_space<semaphore_mem>>) src(%arg12 : memref<104x128xf32, #tpu.memory_space<vmem>>) dst(%dma_wait3A_35 : memref<104x128xf32, #tpu.memory_space<vmem_shared>>)
      tpu.yield
    }) : () -> ()
    %add3A_9 = arith.constant 104 : i32
    %add3A_10 = arith.addi %mul3A_7, %add3A_9 : i32
    "tpu.region"() ({
      %run_scoped3A = tpu.sem_alloc : memref<!tpu.dma_semaphore, #tpu.memory_space<semaphore_mem>>
      %dma_start3A = arith.constant 0 : i32
      %dma_start3A_30 = tpu.memref_slice %arg13[%add3A_10, %dma_start3A] : memref<5016x128xf32, #tpu.memory_space<vmem_shared>> -> memref<104x128xf32, #tpu.memory_space<vmem_shared>>
      %dma_start3A_31 = arith.constant 0 : i32
      %dma_start3A_32 = tpu.memref_slice %arg13[%add3A_10, %dma_start3A_31] : memref<5016x128xf32, #tpu.memory_space<vmem_shared>> -> memref<104x128xf32, #tpu.memory_space<vmem_shared>>
      tpu.enqueue_dma source(%arg12 : memref<104x128xf32, #tpu.memory_space<vmem>>) target(%dma_start3A_32 : memref<104x128xf32, #tpu.memory_space<vmem_shared>>) target_semaphore(%run_scoped3A : memref<!tpu.dma_semaphore, #tpu.memory_space<semaphore_mem>>)
      %dma_wait3A = arith.constant 0 : i32
      %dma_wait3A_33 = tpu.memref_slice %arg13[%add3A_10, %dma_wait3A] : memref<5016x128xf32, #tpu.memory_space<vmem_shared>> -> memref<104x128xf32, #tpu.memory_space<vmem_shared>>
      %dma_wait3A_34 = arith.constant 0 : i32
      %dma_wait3A_35 = tpu.memref_slice %arg13[%add3A_10, %dma_wait3A_34] : memref<5016x128xf32, #tpu.memory_space<vmem_shared>> -> memref<104x128xf32, #tpu.memory_space<vmem_shared>>
      tpu.wait_dma2 semaphore(%run_scoped3A : memref<!tpu.dma_semaphore, #tpu.memory_space<semaphore_mem>>) src(%arg12 : memref<104x128xf32, #tpu.memory_space<vmem>>) dst(%dma_wait3A_35 : memref<104x128xf32, #tpu.memory_space<vmem_shared>>)
      tpu.yield
    }) : () -> ()
    %add3A_11 = arith.constant 208 : i32
    %add3A_12 = arith.addi %mul3A_7, %add3A_11 : i32
    "tpu.region"() ({
      %run_scoped3A = tpu.sem_alloc : memref<!tpu.dma_semaphore, #tpu.memory_space<semaphore_mem>>
      %dma_start3A = arith.constant 0 : i32
      %dma_start3A_30 = tpu.memref_slice %arg13[%add3A_12, %dma_start3A] : memref<5016x128xf32, #tpu.memory_space<vmem_shared>> -> memref<104x128xf32, #tpu.memory_space<vmem_shared>>
      %dma_start3A_31 = arith.constant 0 : i32
      %dma_start3A_32 = tpu.memref_slice %arg13[%add3A_12, %dma_start3A_31] : memref<5016x128xf32, #tpu.memory_space<vmem_shared>> -> memref<104x128xf32, #tpu.memory_space<vmem_shared>>
      tpu.enqueue_dma source(%arg12 : memref<104x128xf32, #tpu.memory_space<vmem>>) target(%dma_start3A_32 : memref<104x128xf32, #tpu.memory_space<vmem_shared>>) target_semaphore(%run_scoped3A : memref<!tpu.dma_semaphore, #tpu.memory_space<semaphore_mem>>)
      %dma_wait3A = arith.constant 0 : i32
      %dma_wait3A_33 = tpu.memref_slice %arg13[%add3A_12, %dma_wait3A] : memref<5016x128xf32, #tpu.memory_space<vmem_shared>> -> memref<104x128xf32, #tpu.memory_space<vmem_shared>>
      %dma_wait3A_34 = arith.constant 0 : i32
      %dma_wait3A_35 = tpu.memref_slice %arg13[%add3A_12, %dma_wait3A_34] : memref<5016x128xf32, #tpu.memory_space<vmem_shared>> -> memref<104x128xf32, #tpu.memory_space<vmem_shared>>
      tpu.wait_dma2 semaphore(%run_scoped3A : memref<!tpu.dma_semaphore, #tpu.memory_space<semaphore_mem>>) src(%arg12 : memref<104x128xf32, #tpu.memory_space<vmem>>) dst(%dma_wait3A_35 : memref<104x128xf32, #tpu.memory_space<vmem_shared>>)
      tpu.yield
    }) : () -> ()
    %eq3A = arith.constant 15 : i32
    %eq3A_13 = arith.cmpi eq, %arg1, %eq3A : i32
    %convert_element_type3A = arith.extui %eq3A_13 : i1 to i32
    %cond3A = arith.constant 0 : i32
    %cond3A_14 = arith.cmpi ne, %convert_element_type3A, %cond3A : i32
    scf.if %cond3A_14 {
      "tpu.region"() ({
        %run_scoped3A = tpu.sem_alloc : memref<!tpu.dma_semaphore, #tpu.memory_space<semaphore_mem>>
        %dma_start3A = arith.constant 0 : i32
        %dma_start3A_30 = arith.constant 0 : i32
        %dma_start3A_31 = tpu.memref_slice %arg12[%dma_start3A, %dma_start3A_30] : memref<104x128xf32, #tpu.memory_space<vmem>> -> memref<24x128xf32, #tpu.memory_space<vmem>>
        %dma_start3A_32 = arith.constant 4992 : i32
        %dma_start3A_33 = arith.constant 0 : i32
        %dma_start3A_34 = tpu.memref_slice %arg13[%dma_start3A_32, %dma_start3A_33] : memref<5016x128xf32, #tpu.memory_space<vmem_shared>> -> memref<24x128xf32, #tpu.memory_space<vmem_shared>>
        %dma_start3A_35 = arith.constant 4992 : i32
        %dma_start3A_36 = arith.constant 0 : i32
        %dma_start3A_37 = tpu.memref_slice %arg13[%dma_start3A_35, %dma_start3A_36] : memref<5016x128xf32, #tpu.memory_space<vmem_shared>> -> memref<24x128xf32, #tpu.memory_space<vmem_shared>>
        %dma_start3A_38 = arith.constant 0 : i32
        %dma_start3A_39 = arith.constant 0 : i32
        %dma_start3A_40 = tpu.memref_slice %arg12[%dma_start3A_38, %dma_start3A_39] : memref<104x128xf32, #tpu.memory_space<vmem>> -> memref<24x128xf32, #tpu.memory_space<vmem>>
        tpu.enqueue_dma source(%dma_start3A_40 : memref<24x128xf32, #tpu.memory_space<vmem>>) target(%dma_start3A_37 : memref<24x128xf32, #tpu.memory_space<vmem_shared>>) target_semaphore(%run_scoped3A : memref<!tpu.dma_semaphore, #tpu.memory_space<semaphore_mem>>)
        %dma_wait3A = arith.constant 0 : i32
        %dma_wait3A_41 = arith.constant 0 : i32
        %dma_wait3A_42 = tpu.memref_slice %arg12[%dma_wait3A, %dma_wait3A_41] : memref<104x128xf32, #tpu.memory_space<vmem>> -> memref<24x128xf32, #tpu.memory_space<vmem>>
        %dma_wait3A_43 = arith.constant 4992 : i32
        %dma_wait3A_44 = arith.constant 0 : i32
        %dma_wait3A_45 = tpu.memref_slice %arg13[%dma_wait3A_43, %dma_wait3A_44] : memref<5016x128xf32, #tpu.memory_space<vmem_shared>> -> memref<24x128xf32, #tpu.memory_space<vmem_shared>>
        %dma_wait3A_46 = arith.constant 4992 : i32
        %dma_wait3A_47 = arith.constant 0 : i32
        %dma_wait3A_48 = tpu.memref_slice %arg13[%dma_wait3A_46, %dma_wait3A_47] : memref<5016x128xf32, #tpu.memory_space<vmem_shared>> -> memref<24x128xf32, #tpu.memory_space<vmem_shared>>
        %dma_wait3A_49 = arith.constant 0 : i32
        %dma_wait3A_50 = arith.constant 0 : i32
        %dma_wait3A_51 = tpu.memref_slice %arg12[%dma_wait3A_49, %dma_wait3A_50] : memref<104x128xf32, #tpu.memory_space<vmem>> -> memref<24x128xf32, #tpu.memory_space<vmem>>
        tpu.wait_dma2 semaphore(%run_scoped3A : memref<!tpu.dma_semaphore, #tpu.memory_space<semaphore_mem>>) src(%dma_wait3A_51 : memref<24x128xf32, #tpu.memory_space<vmem>>) dst(%dma_wait3A_48 : memref<24x128xf32, #tpu.memory_space<vmem_shared>>)
        tpu.yield
      }) : () -> ()
    } else {
    }
    %barrier3A = arith.constant 0 : index
    tpu.barrier barrier_id(%barrier3A)
    %scan3A_15 = arith.constant 0 : i32
    %scan3A_16 = arith.constant 0 : i32
    %scan3A_17 = arith.constant 10 : i32
    %scan3A_18 = arith.addi %scan3A_16, %scan3A_17 : i32
    %scan3A_19 = arith.constant 1 : i32
    scf.for %scan3A_30 = %scan3A_16 to %scan3A_18 step %scan3A_19  : i32 {
      "tpu.region"() ({
        %run_scoped3A = tpu.sem_alloc : memref<!tpu.dma_semaphore, #tpu.memory_space<semaphore_mem>>
        %dma_start3A = arith.constant 0 : i32
        %dma_start3A_37 = arith.constant 0 : i32
        %dma_start3A_38 = tpu.memref_slice %arg4[%arg1, %scan3A_30, %dma_start3A, %dma_start3A_37] : memref<16x10x25x80xi32, #tpu.memory_space<hbm>> -> memref<1x1x25x80xi32, #tpu.memory_space<hbm>>
        %dma_start3A_39 = tpu.memref_squeeze %dma_start3A_38 : memref<1x1x25x80xi32, #tpu.memory_space<hbm>> -> memref<25x80xi32, #tpu.memory_space<hbm>>
        %dma_start3A_40 = arith.constant 0 : i32
        %dma_start3A_41 = arith.constant 0 : i32
        %dma_start3A_42 = tpu.memref_slice %arg4[%arg1, %scan3A_30, %dma_start3A_40, %dma_start3A_41] : memref<16x10x25x80xi32, #tpu.memory_space<hbm>> -> memref<1x1x25x80xi32, #tpu.memory_space<hbm>>
        %dma_start3A_43 = tpu.memref_squeeze %dma_start3A_42 : memref<1x1x25x80xi32, #tpu.memory_space<hbm>> -> memref<25x80xi32, #tpu.memory_space<hbm>>
        tpu.enqueue_dma source(%dma_start3A_43 : memref<25x80xi32, #tpu.memory_space<hbm>>) target(%arg7 : memref<25x80xi32, #tpu.memory_space<vmem>>) target_semaphore(%run_scoped3A : memref<!tpu.dma_semaphore, #tpu.memory_space<semaphore_mem>>)
        %dma_wait3A = arith.constant 0 : i32
        %dma_wait3A_44 = arith.constant 0 : i32
        %dma_wait3A_45 = tpu.memref_slice %arg4[%arg1, %scan3A_30, %dma_wait3A, %dma_wait3A_44] : memref<16x10x25x80xi32, #tpu.memory_space<hbm>> -> memref<1x1x25x80xi32, #tpu.memory_space<hbm>>
        %dma_wait3A_46 = tpu.memref_squeeze %dma_wait3A_45 : memref<1x1x25x80xi32, #tpu.memory_space<hbm>> -> memref<25x80xi32, #tpu.memory_space<hbm>>
        %dma_wait3A_47 = arith.constant 0 : i32
        %dma_wait3A_48 = arith.constant 0 : i32
        %dma_wait3A_49 = tpu.memref_slice %arg4[%arg1, %scan3A_30, %dma_wait3A_47, %dma_wait3A_48] : memref<16x10x25x80xi32, #tpu.memory_space<hbm>> -> memref<1x1x25x80xi32, #tpu.memory_space<hbm>>
        %dma_wait3A_50 = tpu.memref_squeeze %dma_wait3A_49 : memref<1x1x25x80xi32, #tpu.memory_space<hbm>> -> memref<25x80xi32, #tpu.memory_space<hbm>>
        tpu.wait_dma2 semaphore(%run_scoped3A : memref<!tpu.dma_semaphore, #tpu.memory_space<semaphore_mem>>) src(%dma_wait3A_50 : memref<25x80xi32, #tpu.memory_space<hbm>>) dst(%arg7 : memref<25x80xi32, #tpu.memory_space<vmem>>)
        tpu.yield
      }) : () -> ()
      "tpu.region"() ({
        %run_scoped3A = tpu.sem_alloc : memref<!tpu.dma_semaphore, #tpu.memory_space<semaphore_mem>>
        %dma_start3A = arith.constant 0 : i32
        %dma_start3A_37 = arith.constant 0 : i32
        %dma_start3A_38 = tpu.memref_slice %arg5[%arg1, %scan3A_30, %dma_start3A, %dma_start3A_37] : memref<16x10x25x80xi32, #tpu.memory_space<hbm>> -> memref<1x1x25x80xi32, #tpu.memory_space<hbm>>
        %dma_start3A_39 = tpu.memref_squeeze %dma_start3A_38 : memref<1x1x25x80xi32, #tpu.memory_space<hbm>> -> memref<25x80xi32, #tpu.memory_space<hbm>>
        %dma_start3A_40 = arith.constant 0 : i32
        %dma_start3A_41 = arith.constant 0 : i32
        %dma_start3A_42 = tpu.memref_slice %arg5[%arg1, %scan3A_30, %dma_start3A_40, %dma_start3A_41] : memref<16x10x25x80xi32, #tpu.memory_space<hbm>> -> memref<1x1x25x80xi32, #tpu.memory_space<hbm>>
        %dma_start3A_43 = tpu.memref_squeeze %dma_start3A_42 : memref<1x1x25x80xi32, #tpu.memory_space<hbm>> -> memref<25x80xi32, #tpu.memory_space<hbm>>
        tpu.enqueue_dma source(%dma_start3A_43 : memref<25x80xi32, #tpu.memory_space<hbm>>) target(%arg8 : memref<25x80xi32, #tpu.memory_space<vmem>>) target_semaphore(%run_scoped3A : memref<!tpu.dma_semaphore, #tpu.memory_space<semaphore_mem>>)
        %dma_wait3A = arith.constant 0 : i32
        %dma_wait3A_44 = arith.constant 0 : i32
        %dma_wait3A_45 = tpu.memref_slice %arg5[%arg1, %scan3A_30, %dma_wait3A, %dma_wait3A_44] : memref<16x10x25x80xi32, #tpu.memory_space<hbm>> -> memref<1x1x25x80xi32, #tpu.memory_space<hbm>>
        %dma_wait3A_46 = tpu.memref_squeeze %dma_wait3A_45 : memref<1x1x25x80xi32, #tpu.memory_space<hbm>> -> memref<25x80xi32, #tpu.memory_space<hbm>>
        %dma_wait3A_47 = arith.constant 0 : i32
        %dma_wait3A_48 = arith.constant 0 : i32
        %dma_wait3A_49 = tpu.memref_slice %arg5[%arg1, %scan3A_30, %dma_wait3A_47, %dma_wait3A_48] : memref<16x10x25x80xi32, #tpu.memory_space<hbm>> -> memref<1x1x25x80xi32, #tpu.memory_space<hbm>>
        %dma_wait3A_50 = tpu.memref_squeeze %dma_wait3A_49 : memref<1x1x25x80xi32, #tpu.memory_space<hbm>> -> memref<25x80xi32, #tpu.memory_space<hbm>>
        tpu.wait_dma2 semaphore(%run_scoped3A : memref<!tpu.dma_semaphore, #tpu.memory_space<semaphore_mem>>) src(%dma_wait3A_50 : memref<25x80xi32, #tpu.memory_space<hbm>>) dst(%arg8 : memref<25x80xi32, #tpu.memory_space<vmem>>)
        tpu.yield
      }) : () -> ()
      %scan3A_31 = arith.constant 0 : i32
      %scan3A_32 = arith.constant 0 : i32
      %scan3A_33 = arith.constant 25 : i32
      %scan3A_34 = arith.addi %scan3A_32, %scan3A_33 : i32
      %scan3A_35 = arith.constant 1 : i32
      scf.for %scan3A_37 = %scan3A_32 to %scan3A_34 step %scan3A_35  : i32 {
        "tpu.region"() ({
          %run_scoped3A = tpu.sem_alloc : memref<!tpu.dma_semaphore, #tpu.memory_space<semaphore_mem>>
          %dma_start3A = arith.constant 0 : i32
          %dma_start3A_129 = tpu.memref_slice %arg7[%scan3A_37, %dma_start3A] : memref<25x80xi32, #tpu.memory_space<vmem>> -> memref<1x80xi32, #tpu.memory_space<vmem>>
          %dma_start3A_130 = tpu.memref_squeeze %dma_start3A_129 : memref<1x80xi32, #tpu.memory_space<vmem>> -> memref<80xi32, #tpu.memory_space<vmem>>
          %dma_start3A_131 = arith.constant 0 : i32
          %dma_start3A_132 = arith.constant 0 : i32
          %dma_start3A_133 = tpu.memref_slice %arg2[%dma_start3A_131, %dma_start3A_132] : memref<10000x128xf32, #tpu.memory_space<hbm>> -> memref<10000x128xf32, #tpu.memory_space<hbm>>
          tpu.enqueue_indirect_dma source(%dma_start3A_133 : memref<10000x128xf32, #tpu.memory_space<hbm>>) target(%arg10 : memref<80x128xf32, #tpu.memory_space<vmem>>) offsets(%dma_start3A_130 : memref<80xi32, #tpu.memory_space<vmem>>) semaphore(%run_scoped3A : memref<!tpu.dma_semaphore, #tpu.memory_space<semaphore_mem>>)
          %dma_wait3A = arith.constant 0 : i32
          %dma_wait3A_134 = tpu.memref_slice %arg7[%scan3A_37, %dma_wait3A] : memref<25x80xi32, #tpu.memory_space<vmem>> -> memref<1x80xi32, #tpu.memory_space<vmem>>
          %dma_wait3A_135 = tpu.memref_squeeze %dma_wait3A_134 : memref<1x80xi32, #tpu.memory_space<vmem>> -> memref<80xi32, #tpu.memory_space<vmem>>
          %dma_wait3A_136 = arith.constant 0 : i32
          %dma_wait3A_137 = arith.constant 0 : i32
          %dma_wait3A_138 = tpu.memref_slice %arg2[%dma_wait3A_136, %dma_wait3A_137] : memref<10000x128xf32, #tpu.memory_space<hbm>> -> memref<10000x128xf32, #tpu.memory_space<hbm>>
          tpu.wait_indirect_dma semaphore(%run_scoped3A : memref<!tpu.dma_semaphore, #tpu.memory_space<semaphore_mem>>) src(%dma_wait3A_138 : memref<10000x128xf32, #tpu.memory_space<hbm>>) dst(%arg10 : memref<80x128xf32, #tpu.memory_space<vmem>>)
          tpu.yield
        }) : () -> ()
        %mul3A_38 = arith.constant 20000 : i32
        %mul3A_39 = arith.muli %arg1, %mul3A_38 : i32
        %mul3A_40 = arith.constant 25 : i32
        %mul3A_41 = arith.muli %scan3A_30, %mul3A_40 : i32
        %add3A_42 = arith.addi %mul3A_41, %scan3A_37 : i32
        %mul3A_43 = arith.constant 80 : i32
        %mul3A_44 = arith.muli %add3A_42, %mul3A_43 : i32
        %add3A_45 = arith.addi %mul3A_39, %mul3A_44 : i32
        "tpu.region"() ({
          %run_scoped3A = tpu.sem_alloc : memref<!tpu.dma_semaphore, #tpu.memory_space<semaphore_mem>>
          %dma_start3A = arith.constant 0 : i32
          %dma_start3A_129 = tpu.memref_slice %arg3[%add3A_45, %dma_start3A] : memref<320000x128xf32, #tpu.memory_space<hbm>> -> memref<80x128xf32, #tpu.memory_space<hbm>>
          %dma_start3A_130 = arith.constant 0 : i32
          %dma_start3A_131 = tpu.memref_slice %arg3[%add3A_45, %dma_start3A_130] : memref<320000x128xf32, #tpu.memory_space<hbm>> -> memref<80x128xf32, #tpu.memory_space<hbm>>
          tpu.enqueue_dma source(%dma_start3A_131 : memref<80x128xf32, #tpu.memory_space<hbm>>) target(%arg11 : memref<80x128xf32, #tpu.memory_space<vmem>>) target_semaphore(%run_scoped3A : memref<!tpu.dma_semaphore, #tpu.memory_space<semaphore_mem>>)
          %dma_wait3A = arith.constant 0 : i32
          %dma_wait3A_132 = tpu.memref_slice %arg3[%add3A_45, %dma_wait3A] : memref<320000x128xf32, #tpu.memory_space<hbm>> -> memref<80x128xf32, #tpu.memory_space<hbm>>
          %dma_wait3A_133 = arith.constant 0 : i32
          %dma_wait3A_134 = tpu.memref_slice %arg3[%add3A_45, %dma_wait3A_133] : memref<320000x128xf32, #tpu.memory_space<hbm>> -> memref<80x128xf32, #tpu.memory_space<hbm>>
          tpu.wait_dma2 semaphore(%run_scoped3A : memref<!tpu.dma_semaphore, #tpu.memory_space<semaphore_mem>>) src(%dma_wait3A_134 : memref<80x128xf32, #tpu.memory_space<hbm>>) dst(%arg11 : memref<80x128xf32, #tpu.memory_space<vmem>>)
          tpu.yield
        }) : () -> ()
        %get3A = arith.index_cast %scan3A_37 : i32 to index
        %get3A_46 = arith.constant 0 : index
        %get3A_47 = tpu.vector_load %arg8[%get3A, %get3A_46] {strides = array<i32>} : memref<25x80xi32, #tpu.memory_space<vmem>>, vector<16xi32>,
        %sub3A = vector.broadcast %mul3A_0 : i32 to vector<16xi32>
        %sub3A_48 = arith.subi %get3A_47, %sub3A : vector<16xi32>
        %ge3A = arith.constant 0 : i32
        %ge3A_49 = vector.broadcast %ge3A : i32 to vector<16xi32>
        %ge3A_50 = arith.cmpi sge, %sub3A_48, %ge3A_49 : vector<16xi32>
        %lt3A = arith.constant 5008 : i32
        %lt3A_51 = vector.broadcast %lt3A : i32 to vector<16xi32>
        %lt3A_52 = arith.cmpi slt, %sub3A_48, %lt3A_51 : vector<16xi32>
        %and3A_53 = arith.andi %ge3A_50, %lt3A_52 : vector<16xi1>
        %jit3A = arith.constant 5008 : i32
        %broadcast_in_dim3A = vector.broadcast %jit3A : i32 to vector<16xi32>
        %select_n3A = arith.select %and3A_53, %sub3A_48, %broadcast_in_dim3A : vector<16xi1>, vector<16xi32>
        %swap3A = arith.constant 0 : index
        %swap3A_54 = tpu.vector_load %arg9[%swap3A] {strides = array<i32>} : memref<80xi32, #tpu.memory_space<vmem>>, vector<16xi32>,
        tpu.vector_store %arg9[%swap3A], %select_n3A {strides = array<i32>} : memref<80xi32, #tpu.memory_space<vmem>>, vector<16xi32>,
        %get3A_55 = arith.index_cast %scan3A_37 : i32 to index
        %get3A_56 = arith.constant 16 : index
        %get3A_57 = tpu.vector_load %arg8[%get3A_55, %get3A_56] {strides = array<i32>} : memref<25x80xi32, #tpu.memory_space<vmem>>, vector<16xi32>,
        %sub3A_58 = vector.broadcast %mul3A_0 : i32 to vector<16xi32>
        %sub3A_59 = arith.subi %get3A_57, %sub3A_58 : vector<16xi32>
        %ge3A_60 = arith.constant 0 : i32
        %ge3A_61 = vector.broadcast %ge3A_60 : i32 to vector<16xi32>
        %ge3A_62 = arith.cmpi sge, %sub3A_59, %ge3A_61 : vector<16xi32>
        %lt3A_63 = arith.constant 5008 : i32
        %lt3A_64 = vector.broadcast %lt3A_63 : i32 to vector<16xi32>
        %lt3A_65 = arith.cmpi slt, %sub3A_59, %lt3A_64 : vector<16xi32>
        %and3A_66 = arith.andi %ge3A_62, %lt3A_65 : vector<16xi1>
        %jit3A_67 = arith.constant 5008 : i32
        %broadcast_in_dim3A_68 = vector.broadcast %jit3A_67 : i32 to vector<16xi32>
        %select_n3A_69 = arith.select %and3A_66, %sub3A_59, %broadcast_in_dim3A_68 : vector<16xi1>, vector<16xi32>
        %swap3A_70 = arith.constant 16 : index
        %swap3A_71 = tpu.vector_load %arg9[%swap3A_70] {strides = array<i32>} : memref<80xi32, #tpu.memory_space<vmem>>, vector<16xi32>,
        tpu.vector_store %arg9[%swap3A_70], %select_n3A_69 {strides = array<i32>} : memref<80xi32, #tpu.memory_space<vmem>>, vector<16xi32>,
        %get3A_72 = arith.index_cast %scan3A_37 : i32 to index
        %get3A_73 = arith.constant 32 : index
        %get3A_74 = tpu.vector_load %arg8[%get3A_72, %get3A_73] {strides = array<i32>} : memref<25x80xi32, #tpu.memory_space<vmem>>, vector<16xi32>,
        %sub3A_75 = vector.broadcast %mul3A_0 : i32 to vector<16xi32>
        %sub3A_76 = arith.subi %get3A_74, %sub3A_75 : vector<16xi32>
        %ge3A_77 = arith.constant 0 : i32
        %ge3A_78 = vector.broadcast %ge3A_77 : i32 to vector<16xi32>
        %ge3A_79 = arith.cmpi sge, %sub3A_76, %ge3A_78 : vector<16xi32>
        %lt3A_80 = arith.constant 5008 : i32
        %lt3A_81 = vector.broadcast %lt3A_80 : i32 to vector<16xi32>
        %lt3A_82 = arith.cmpi slt, %sub3A_76, %lt3A_81 : vector<16xi32>
        %and3A_83 = arith.andi %ge3A_79, %lt3A_82 : vector<16xi1>
        %jit3A_84 = arith.constant 5008 : i32
        %broadcast_in_dim3A_85 = vector.broadcast %jit3A_84 : i32 to vector<16xi32>
        %select_n3A_86 = arith.select %and3A_83, %sub3A_76, %broadcast_in_dim3A_85 : vector<16xi1>, vector<16xi32>
        %swap3A_87 = arith.constant 32 : index
        %swap3A_88 = tpu.vector_load %arg9[%swap3A_87] {strides = array<i32>} : memref<80xi32, #tpu.memory_space<vmem>>, vector<16xi32>,
        tpu.vector_store %arg9[%swap3A_87], %select_n3A_86 {strides = array<i32>} : memref<80xi32, #tpu.memory_space<vmem>>, vector<16xi32>,
        %get3A_89 = arith.index_cast %scan3A_37 : i32 to index
        %get3A_90 = arith.constant 48 : index
        %get3A_91 = tpu.vector_load %arg8[%get3A_89, %get3A_90] {strides = array<i32>} : memref<25x80xi32, #tpu.memory_space<vmem>>, vector<16xi32>,
        %sub3A_92 = vector.broadcast %mul3A_0 : i32 to vector<16xi32>
        %sub3A_93 = arith.subi %get3A_91, %sub3A_92 : vector<16xi32>
        %ge3A_94 = arith.constant 0 : i32
        %ge3A_95 = vector.broadcast %ge3A_94 : i32 to vector<16xi32>
        %ge3A_96 = arith.cmpi sge, %sub3A_93, %ge3A_95 : vector<16xi32>
        %lt3A_97 = arith.constant 5008 : i32
        %lt3A_98 = vector.broadcast %lt3A_97 : i32 to vector<16xi32>
        %lt3A_99 = arith.cmpi slt, %sub3A_93, %lt3A_98 : vector<16xi32>
        %and3A_100 = arith.andi %ge3A_96, %lt3A_99 : vector<16xi1>
        %jit3A_101 = arith.constant 5008 : i32
        %broadcast_in_dim3A_102 = vector.broadcast %jit3A_101 : i32 to vector<16xi32>
        %select_n3A_103 = arith.select %and3A_100, %sub3A_93, %broadcast_in_dim3A_102 : vector<16xi1>, vector<16xi32>
        %swap3A_104 = arith.constant 48 : index
        %swap3A_105 = tpu.vector_load %arg9[%swap3A_104] {strides = array<i32>} : memref<80xi32, #tpu.memory_space<vmem>>, vector<16xi32>,
        tpu.vector_store %arg9[%swap3A_104], %select_n3A_103 {strides = array<i32>} : memref<80xi32, #tpu.memory_space<vmem>>, vector<16xi32>,
        %get3A_106 = arith.index_cast %scan3A_37 : i32 to index
        %get3A_107 = arith.constant 64 : index
        %get3A_108 = tpu.vector_load %arg8[%get3A_106, %get3A_107] {strides = array<i32>} : memref<25x80xi32, #tpu.memory_space<vmem>>, vector<16xi32>,
        %sub3A_109 = vector.broadcast %mul3A_0 : i32 to vector<16xi32>
        %sub3A_110 = arith.subi %get3A_108, %sub3A_109 : vector<16xi32>
        %ge3A_111 = arith.constant 0 : i32
        %ge3A_112 = vector.broadcast %ge3A_111 : i32 to vector<16xi32>
        %ge3A_113 = arith.cmpi sge, %sub3A_110, %ge3A_112 : vector<16xi32>
        %lt3A_114 = arith.constant 5008 : i32
        %lt3A_115 = vector.broadcast %lt3A_114 : i32 to vector<16xi32>
        %lt3A_116 = arith.cmpi slt, %sub3A_110, %lt3A_115 : vector<16xi32>
        %and3A_117 = arith.andi %ge3A_113, %lt3A_116 : vector<16xi1>
        %jit3A_118 = arith.constant 5008 : i32
        %broadcast_in_dim3A_119 = vector.broadcast %jit3A_118 : i32 to vector<16xi32>
        %select_n3A_120 = arith.select %and3A_117, %sub3A_110, %broadcast_in_dim3A_119 : vector<16xi1>, vector<16xi32>
        %swap3A_121 = arith.constant 64 : index
        %swap3A_122 = tpu.vector_load %arg9[%swap3A_121] {strides = array<i32>} : memref<80xi32, #tpu.memory_space<vmem>>, vector<16xi32>,
        tpu.vector_store %arg9[%swap3A_121], %select_n3A_120 {strides = array<i32>} : memref<80xi32, #tpu.memory_space<vmem>>, vector<16xi32>,
        %scan3A_123 = arith.constant 0 : i32
        %scan3A_124 = arith.constant 0 : i32
        %scan3A_125 = arith.constant 80 : i32
        %scan3A_126 = arith.addi %scan3A_124, %scan3A_125 : i32
        %scan3A_127 = arith.constant 1 : i32
        scf.for %scan3A_129 = %scan3A_124 to %scan3A_126 step %scan3A_127  : i32 {
          %get3A_130 = arith.index_cast %scan3A_129 : i32 to index
          %get3A_131 = arith.constant 0 : index
          %get3A_132 = tpu.vector_load %arg10[%get3A_130, %get3A_131] {strides = array<i32>} : memref<80x128xf32, #tpu.memory_space<vmem>>, vector<16xf32>,
          %get3A_133 = arith.index_cast %scan3A_129 : i32 to index
          %get3A_134 = arith.constant 0 : index
          %get3A_135 = tpu.vector_load %arg11[%get3A_133, %get3A_134] {strides = array<i32>} : memref<80x128xf32, #tpu.memory_space<vmem>>, vector<16xf32>,
          %add3A_136 = arith.addf %get3A_132, %get3A_135 : vector<16xf32>
          %max3A = arith.constant 0.000000e+00 : f32
          %max3A_137 = vector.broadcast %max3A : f32 to vector<16xf32>
          %max3A_138 = arith.maximumf %add3A_136, %max3A_137 : vector<16xf32>
          %swap3A_139 = arith.index_cast %scan3A_129 : i32 to index
          %swap3A_140 = arith.constant 0 : index
          %swap3A_141 = tpu.vector_load %arg10[%swap3A_139, %swap3A_140] {strides = array<i32>} : memref<80x128xf32, #tpu.memory_space<vmem>>, vector<16xf32>,
          tpu.vector_store %arg10[%swap3A_139, %swap3A_140], %max3A_138 {strides = array<i32>} : memref<80x128xf32, #tpu.memory_space<vmem>>, vector<16xf32>,
          %get3A_142 = arith.index_cast %scan3A_129 : i32 to index
          %get3A_143 = arith.constant 16 : index
          %get3A_144 = tpu.vector_load %arg10[%get3A_142, %get3A_143] {strides = array<i32>} : memref<80x128xf32, #tpu.memory_space<vmem>>, vector<16xf32>,
          %get3A_145 = arith.index_cast %scan3A_129 : i32 to index
          %get3A_146 = arith.constant 16 : index
          %get3A_147 = tpu.vector_load %arg11[%get3A_145, %get3A_146] {strides = array<i32>} : memref<80x128xf32, #tpu.memory_space<vmem>>, vector<16xf32>,
          %add3A_148 = arith.addf %get3A_144, %get3A_147 : vector<16xf32>
          %max3A_149 = arith.constant 0.000000e+00 : f32
          %max3A_150 = vector.broadcast %max3A_149 : f32 to vector<16xf32>
          %max3A_151 = arith.maximumf %add3A_148, %max3A_150 : vector<16xf32>
          %swap3A_152 = arith.index_cast %scan3A_129 : i32 to index
          %swap3A_153 = arith.constant 16 : index
          %swap3A_154 = tpu.vector_load %arg10[%swap3A_152, %swap3A_153] {strides = array<i32>} : memref<80x128xf32, #tpu.memory_space<vmem>>, vector<16xf32>,
          tpu.vector_store %arg10[%swap3A_152, %swap3A_153], %max3A_151 {strides = array<i32>} : memref<80x128xf32, #tpu.memory_space<vmem>>, vector<16xf32>,
          %get3A_155 = arith.index_cast %scan3A_129 : i32 to index
          %get3A_156 = arith.constant 32 : index
          %get3A_157 = tpu.vector_load %arg10[%get3A_155, %get3A_156] {strides = array<i32>} : memref<80x128xf32, #tpu.memory_space<vmem>>, vector<16xf32>,
          %get3A_158 = arith.index_cast %scan3A_129 : i32 to index
          %get3A_159 = arith.constant 32 : index
          %get3A_160 = tpu.vector_load %arg11[%get3A_158, %get3A_159] {strides = array<i32>} : memref<80x128xf32, #tpu.memory_space<vmem>>, vector<16xf32>,
          %add3A_161 = arith.addf %get3A_157, %get3A_160 : vector<16xf32>
          %max3A_162 = arith.constant 0.000000e+00 : f32
          %max3A_163 = vector.broadcast %max3A_162 : f32 to vector<16xf32>
          %max3A_164 = arith.maximumf %add3A_161, %max3A_163 : vector<16xf32>
          %swap3A_165 = arith.index_cast %scan3A_129 : i32 to index
          %swap3A_166 = arith.constant 32 : index
          %swap3A_167 = tpu.vector_load %arg10[%swap3A_165, %swap3A_166] {strides = array<i32>} : memref<80x128xf32, #tpu.memory_space<vmem>>, vector<16xf32>,
          tpu.vector_store %arg10[%swap3A_165, %swap3A_166], %max3A_164 {strides = array<i32>} : memref<80x128xf32, #tpu.memory_space<vmem>>, vector<16xf32>,
          %get3A_168 = arith.index_cast %scan3A_129 : i32 to index
          %get3A_169 = arith.constant 48 : index
          %get3A_170 = tpu.vector_load %arg10[%get3A_168, %get3A_169] {strides = array<i32>} : memref<80x128xf32, #tpu.memory_space<vmem>>, vector<16xf32>,
          %get3A_171 = arith.index_cast %scan3A_129 : i32 to index
          %get3A_172 = arith.constant 48 : index
          %get3A_173 = tpu.vector_load %arg11[%get3A_171, %get3A_172] {strides = array<i32>} : memref<80x128xf32, #tpu.memory_space<vmem>>, vector<16xf32>,
          %add3A_174 = arith.addf %get3A_170, %get3A_173 : vector<16xf32>
          %max3A_175 = arith.constant 0.000000e+00 : f32
          %max3A_176 = vector.broadcast %max3A_175 : f32 to vector<16xf32>
          %max3A_177 = arith.maximumf %add3A_174, %max3A_176 : vector<16xf32>
          %swap3A_178 = arith.index_cast %scan3A_129 : i32 to index
          %swap3A_179 = arith.constant 48 : index
          %swap3A_180 = tpu.vector_load %arg10[%swap3A_178, %swap3A_179] {strides = array<i32>} : memref<80x128xf32, #tpu.memory_space<vmem>>, vector<16xf32>,
          tpu.vector_store %arg10[%swap3A_178, %swap3A_179], %max3A_177 {strides = array<i32>} : memref<80x128xf32, #tpu.memory_space<vmem>>, vector<16xf32>,
          %get3A_181 = arith.index_cast %scan3A_129 : i32 to index
          %get3A_182 = arith.constant 64 : index
          %get3A_183 = tpu.vector_load %arg10[%get3A_181, %get3A_182] {strides = array<i32>} : memref<80x128xf32, #tpu.memory_space<vmem>>, vector<16xf32>,
          %get3A_184 = arith.index_cast %scan3A_129 : i32 to index
          %get3A_185 = arith.constant 64 : index
          %get3A_186 = tpu.vector_load %arg11[%get3A_184, %get3A_185] {strides = array<i32>} : memref<80x128xf32, #tpu.memory_space<vmem>>, vector<16xf32>,
          %add3A_187 = arith.addf %get3A_183, %get3A_186 : vector<16xf32>
          %max3A_188 = arith.constant 0.000000e+00 : f32
          %max3A_189 = vector.broadcast %max3A_188 : f32 to vector<16xf32>
          %max3A_190 = arith.maximumf %add3A_187, %max3A_189 : vector<16xf32>
          %swap3A_191 = arith.index_cast %scan3A_129 : i32 to index
          %swap3A_192 = arith.constant 64 : index
          %swap3A_193 = tpu.vector_load %arg10[%swap3A_191, %swap3A_192] {strides = array<i32>} : memref<80x128xf32, #tpu.memory_space<vmem>>, vector<16xf32>,
          tpu.vector_store %arg10[%swap3A_191, %swap3A_192], %max3A_190 {strides = array<i32>} : memref<80x128xf32, #tpu.memory_space<vmem>>, vector<16xf32>,
          %get3A_194 = arith.index_cast %scan3A_129 : i32 to index
          %get3A_195 = arith.constant 80 : index
          %get3A_196 = tpu.vector_load %arg10[%get3A_194, %get3A_195] {strides = array<i32>} : memref<80x128xf32, #tpu.memory_space<vmem>>, vector<16xf32>,
          %get3A_197 = arith.index_cast %scan3A_129 : i32 to index
          %get3A_198 = arith.constant 80 : index
          %get3A_199 = tpu.vector_load %arg11[%get3A_197, %get3A_198] {strides = array<i32>} : memref<80x128xf32, #tpu.memory_space<vmem>>, vector<16xf32>,
          %add3A_200 = arith.addf %get3A_196, %get3A_199 : vector<16xf32>
          %max3A_201 = arith.constant 0.000000e+00 : f32
          %max3A_202 = vector.broadcast %max3A_201 : f32 to vector<16xf32>
          %max3A_203 = arith.maximumf %add3A_200, %max3A_202 : vector<16xf32>
          %swap3A_204 = arith.index_cast %scan3A_129 : i32 to index
          %swap3A_205 = arith.constant 80 : index
          %swap3A_206 = tpu.vector_load %arg10[%swap3A_204, %swap3A_205] {strides = array<i32>} : memref<80x128xf32, #tpu.memory_space<vmem>>, vector<16xf32>,
          tpu.vector_store %arg10[%swap3A_204, %swap3A_205], %max3A_203 {strides = array<i32>} : memref<80x128xf32, #tpu.memory_space<vmem>>, vector<16xf32>,
          %get3A_207 = arith.index_cast %scan3A_129 : i32 to index
          %get3A_208 = arith.constant 96 : index
          %get3A_209 = tpu.vector_load %arg10[%get3A_207, %get3A_208] {strides = array<i32>} : memref<80x128xf32, #tpu.memory_space<vmem>>, vector<16xf32>,
          %get3A_210 = arith.index_cast %scan3A_129 : i32 to index
          %get3A_211 = arith.constant 96 : index
          %get3A_212 = tpu.vector_load %arg11[%get3A_210, %get3A_211] {strides = array<i32>} : memref<80x128xf32, #tpu.memory_space<vmem>>, vector<16xf32>,
          %add3A_213 = arith.addf %get3A_209, %get3A_212 : vector<16xf32>
          %max3A_214 = arith.constant 0.000000e+00 : f32
          %max3A_215 = vector.broadcast %max3A_214 : f32 to vector<16xf32>
          %max3A_216 = arith.maximumf %add3A_213, %max3A_215 : vector<16xf32>
          %swap3A_217 = arith.index_cast %scan3A_129 : i32 to index
          %swap3A_218 = arith.constant 96 : index
          %swap3A_219 = tpu.vector_load %arg10[%swap3A_217, %swap3A_218] {strides = array<i32>} : memref<80x128xf32, #tpu.memory_space<vmem>>, vector<16xf32>,
          tpu.vector_store %arg10[%swap3A_217, %swap3A_218], %max3A_216 {strides = array<i32>} : memref<80x128xf32, #tpu.memory_space<vmem>>, vector<16xf32>,
          %get3A_220 = arith.index_cast %scan3A_129 : i32 to index
          %get3A_221 = arith.constant 112 : index
          %get3A_222 = tpu.vector_load %arg10[%get3A_220, %get3A_221] {strides = array<i32>} : memref<80x128xf32, #tpu.memory_space<vmem>>, vector<16xf32>,
          %get3A_223 = arith.index_cast %scan3A_129 : i32 to index
          %get3A_224 = arith.constant 112 : index
          %get3A_225 = tpu.vector_load %arg11[%get3A_223, %get3A_224] {strides = array<i32>} : memref<80x128xf32, #tpu.memory_space<vmem>>, vector<16xf32>,
          %add3A_226 = arith.addf %get3A_222, %get3A_225 : vector<16xf32>
          %max3A_227 = arith.constant 0.000000e+00 : f32
          %max3A_228 = vector.broadcast %max3A_227 : f32 to vector<16xf32>
          %max3A_229 = arith.maximumf %add3A_226, %max3A_228 : vector<16xf32>
          %swap3A_230 = arith.index_cast %scan3A_129 : i32 to index
          %swap3A_231 = arith.constant 112 : index
          %swap3A_232 = tpu.vector_load %arg10[%swap3A_230, %swap3A_231] {strides = array<i32>} : memref<80x128xf32, #tpu.memory_space<vmem>>, vector<16xf32>,
          tpu.vector_store %arg10[%swap3A_230, %swap3A_231], %max3A_229 {strides = array<i32>} : memref<80x128xf32, #tpu.memory_space<vmem>>, vector<16xf32>,
        }
        %scan3A_128 = arith.constant 80 : i32
        "tpu.region"() ({
          %run_scoped3A = tpu.sem_alloc : memref<!tpu.dma_semaphore, #tpu.memory_space<semaphore_mem>>
          %dma_start3A = arith.constant 0 : i32
          %dma_start3A_129 = arith.constant 0 : i32
          %dma_start3A_130 = tpu.memref_slice %arg13[%dma_start3A, %dma_start3A_129] : memref<5016x128xf32, #tpu.memory_space<vmem_shared>> -> memref<5016x128xf32, #tpu.memory_space<vmem_shared>>
          tpu.enqueue_indirect_dma source(%arg10 : memref<80x128xf32, #tpu.memory_space<vmem>>) target(%dma_start3A_130 : memref<5016x128xf32, #tpu.memory_space<vmem_shared>>) offsets(%arg9 : memref<80xi32, #tpu.memory_space<vmem>>) semaphore(%run_scoped3A : memref<!tpu.dma_semaphore, #tpu.memory_space<semaphore_mem>>) {add = true}
          %dma_wait3A = arith.constant 0 : i32
          %dma_wait3A_131 = arith.constant 0 : i32
          %dma_wait3A_132 = tpu.memref_slice %arg13[%dma_wait3A, %dma_wait3A_131] : memref<5016x128xf32, #tpu.memory_space<vmem_shared>> -> memref<5016x128xf32, #tpu.memory_space<vmem_shared>>
          tpu.wait_indirect_dma semaphore(%run_scoped3A : memref<!tpu.dma_semaphore, #tpu.memory_space<semaphore_mem>>) src(%arg10 : memref<80x128xf32, #tpu.memory_space<vmem>>) dst(%dma_wait3A_132 : memref<5016x128xf32, #tpu.memory_space<vmem_shared>>)
          tpu.yield
        }) : () -> ()
      }
      %scan3A_36 = arith.constant 25 : i32
    }
    %scan3A_20 = arith.constant 10 : i32
    %barrier3A_21 = arith.constant 0 : index
    tpu.barrier barrier_id(%barrier3A_21)
    %add3A_22 = arith.addi %mul3A_0, %mul3A_7 : i32
    "tpu.region"() ({
      %run_scoped3A = tpu.sem_alloc : memref<!tpu.dma_semaphore, #tpu.memory_space<semaphore_mem>>
      %dma_start3A = arith.constant 0 : i32
      %dma_start3A_30 = tpu.memref_slice %arg6[%add3A_22, %dma_start3A] : memref<10000x128xf32, #tpu.memory_space<hbm>> -> memref<312x128xf32, #tpu.memory_space<hbm>>
      %dma_start3A_31 = arith.constant 0 : i32
      %dma_start3A_32 = tpu.memref_slice %arg13[%mul3A_7, %dma_start3A_31] : memref<5016x128xf32, #tpu.memory_space<vmem_shared>> -> memref<312x128xf32, #tpu.memory_space<vmem_shared>>
      tpu.enqueue_dma source(%dma_start3A_32 : memref<312x128xf32, #tpu.memory_space<vmem_shared>>) target(%dma_start3A_30 : memref<312x128xf32, #tpu.memory_space<hbm>>) target_semaphore(%run_scoped3A : memref<!tpu.dma_semaphore, #tpu.memory_space<semaphore_mem>>)
      %dma_wait3A = arith.constant 0 : i32
      %dma_wait3A_33 = tpu.memref_slice %arg6[%add3A_22, %dma_wait3A] : memref<10000x128xf32, #tpu.memory_space<hbm>> -> memref<312x128xf32, #tpu.memory_space<hbm>>
      %dma_wait3A_34 = arith.constant 0 : i32
      %dma_wait3A_35 = tpu.memref_slice %arg13[%mul3A_7, %dma_wait3A_34] : memref<5016x128xf32, #tpu.memory_space<vmem_shared>> -> memref<312x128xf32, #tpu.memory_space<vmem_shared>>
      tpu.wait_dma2 semaphore(%run_scoped3A : memref<!tpu.dma_semaphore, #tpu.memory_space<semaphore_mem>>) src(%dma_wait3A_35 : memref<312x128xf32, #tpu.memory_space<vmem_shared>>) dst(%dma_wait3A_33 : memref<312x128xf32, #tpu.memory_space<hbm>>)
      tpu.yield
    }) : () -> ()
    %eq3A_23 = arith.constant 15 : i32
    %eq3A_24 = arith.cmpi eq, %arg1, %eq3A_23 : i32
    %eq3A_25 = arith.constant 0 : i32
    %eq3A_26 = arith.cmpi eq, %arg0, %eq3A_25 : i32
    %and3A = arith.andi %eq3A_24, %eq3A_26 : i1
    %convert_element_type3A_27 = arith.extui %and3A : i1 to i32
    %cond3A_28 = arith.constant 0 : i32
    %cond3A_29 = arith.cmpi ne, %convert_element_type3A_27, %cond3A_28 : i32
    scf.if %cond3A_29 {
      "tpu.region"() ({
        %run_scoped3A = tpu.sem_alloc : memref<!tpu.dma_semaphore, #tpu.memory_space<semaphore_mem>>
        %dma_start3A = arith.constant 4992 : i32
        %dma_start3A_30 = arith.constant 0 : i32
        %dma_start3A_31 = tpu.memref_slice %arg6[%dma_start3A, %dma_start3A_30] : memref<10000x128xf32, #tpu.memory_space<hbm>> -> memref<16x128xf32, #tpu.memory_space<hbm>>
        %dma_start3A_32 = arith.constant 4992 : i32
        %dma_start3A_33 = arith.constant 0 : i32
        %dma_start3A_34 = tpu.memref_slice %arg13[%dma_start3A_32, %dma_start3A_33] : memref<5016x128xf32, #tpu.memory_space<vmem_shared>> -> memref<16x128xf32, #tpu.memory_space<vmem_shared>>
        tpu.enqueue_dma source(%dma_start3A_34 : memref<16x128xf32, #tpu.memory_space<vmem_shared>>) target(%dma_start3A_31 : memref<16x128xf32, #tpu.memory_space<hbm>>) target_semaphore(%run_scoped3A : memref<!tpu.dma_semaphore, #tpu.memory_space<semaphore_mem>>)
        %dma_wait3A = arith.constant 4992 : i32
        %dma_wait3A_35 = arith.constant 0 : i32
        %dma_wait3A_36 = tpu.memref_slice %arg6[%dma_wait3A, %dma_wait3A_35] : memref<10000x128xf32, #tpu.memory_space<hbm>> -> memref<16x128xf32, #tpu.memory_space<hbm>>
        %dma_wait3A_37 = arith.constant 4992 : i32
        %dma_wait3A_38 = arith.constant 0 : i32
        %dma_wait3A_39 = tpu.memref_slice %arg13[%dma_wait3A_37, %dma_wait3A_38] : memref<5016x128xf32, #tpu.memory_space<vmem_shared>> -> memref<16x128xf32, #tpu.memory_space<vmem_shared>>
        tpu.wait_dma2 semaphore(%run_scoped3A : memref<!tpu.dma_semaphore, #tpu.memory_space<semaphore_mem>>) src(%dma_wait3A_39 : memref<16x128xf32, #tpu.memory_space<vmem_shared>>) dst(%dma_wait3A_36 : memref<16x128xf32, #tpu.memory_space<hbm>>)
        tpu.yield
      }) : () -> ()
    } else {
    }
    return
  }
}

#map = affine_map<(d0, d1) -> (0, 0, 0, 0)>
#map1 = affine_map<(d0, d1) -> (0)>
module attributes {stable_mosaic.version = 14 : i64} {
  func.func @k(%arg0: i32, %arg1: i32, %arg2: memref<32x5x25x80xi32, #tpu.memory_space<hbm>>, %arg3: memref<32x5x25x80xi32, #tpu.memory_space<hbm>>, %arg4: memref<10000xi32, #tpu.memory_space<hbm>>, %arg5: memref<10000xf32, #tpu.memory_space<hbm>>, %arg6: memref<10000xf32, #tpu.memory_space<hbm>>, %arg7: memref<10000xf32, #tpu.memory_space<hbm>>, %arg8: memref<64xf32, #tpu.memory_space<hbm>>, %arg9: memref<128xi32, #tpu.memory_space<hbm>>, %arg10: memref<320000xf32, #tpu.memory_space<hbm>>, %arg11: memref<320000xf32, #tpu.memory_space<hbm>>, %arg12: memref<320000xi32, #tpu.memory_space<hbm>>, %arg13: memref<25x80xi32, #tpu.memory_space<vmem>>, %arg14: memref<25x80xi32, #tpu.memory_space<vmem>>, %arg15: memref<10000xi32, #tpu.memory_space<vmem>>, %arg16: memref<10000xf32, #tpu.memory_space<vmem>>, %arg17: memref<10000xf32, #tpu.memory_space<vmem>>, %arg18: memref<10000xf32, #tpu.memory_space<vmem>>, %arg19: memref<64xf32, #tpu.memory_space<vmem>>, %arg20: memref<128xi32, #tpu.memory_space<vmem>>, %arg21: memref<128xf32, #tpu.memory_space<vmem>>, %arg22: memref<2000xf32, #tpu.memory_space<vmem>>, %arg23: memref<2000xf32, #tpu.memory_space<vmem>>, %arg24: memref<2000xi32, #tpu.memory_space<vmem>>) attributes {dimension_semantics = [#tpu.dimension_semantics<core_parallel>, #tpu.dimension_semantics<subcore_parallel>], iteration_bounds = array<i64: 2, 16>, scalar_prefetch = 0 : i64, scratch_operands = 12 : i64, tpu.core_type = #tpu.core_type<sc_vector_subcore>, window_params = [{transform_indices = #map}, {transform_indices = #map}, {transform_indices = #map1}, {transform_indices = #map1}, {transform_indices = #map1}, {transform_indices = #map1}, {transform_indices = #map1}, {transform_indices = #map1}, {transform_indices = #map1}, {transform_indices = #map1}, {transform_indices = #map1}]} {
    %mul3A = arith.constant 2 : i32
    %mul3A_0 = arith.muli %arg1, %mul3A : i32
    %add3A = arith.addi %mul3A_0, %arg0 : i32
    %mul3A_1 = arith.constant 10000 : i32
    %mul3A_2 = arith.muli %add3A, %mul3A_1 : i32
    "tpu.region"() ({
      %run_scoped3A = tpu.sem_alloc : memref<!tpu.dma_semaphore, #tpu.memory_space<semaphore_mem>>
      tpu.enqueue_dma source(%arg4 : memref<10000xi32, #tpu.memory_space<hbm>>) target(%arg15 : memref<10000xi32, #tpu.memory_space<vmem>>) target_semaphore(%run_scoped3A : memref<!tpu.dma_semaphore, #tpu.memory_space<semaphore_mem>>)
      tpu.wait_dma2 semaphore(%run_scoped3A : memref<!tpu.dma_semaphore, #tpu.memory_space<semaphore_mem>>) src(%arg4 : memref<10000xi32, #tpu.memory_space<hbm>>) dst(%arg15 : memref<10000xi32, #tpu.memory_space<vmem>>)
      tpu.yield
    }) : () -> ()
    "tpu.region"() ({
      %run_scoped3A = tpu.sem_alloc : memref<!tpu.dma_semaphore, #tpu.memory_space<semaphore_mem>>
      tpu.enqueue_dma source(%arg5 : memref<10000xf32, #tpu.memory_space<hbm>>) target(%arg16 : memref<10000xf32, #tpu.memory_space<vmem>>) target_semaphore(%run_scoped3A : memref<!tpu.dma_semaphore, #tpu.memory_space<semaphore_mem>>)
      tpu.wait_dma2 semaphore(%run_scoped3A : memref<!tpu.dma_semaphore, #tpu.memory_space<semaphore_mem>>) src(%arg5 : memref<10000xf32, #tpu.memory_space<hbm>>) dst(%arg16 : memref<10000xf32, #tpu.memory_space<vmem>>)
      tpu.yield
    }) : () -> ()
    "tpu.region"() ({
      %run_scoped3A = tpu.sem_alloc : memref<!tpu.dma_semaphore, #tpu.memory_space<semaphore_mem>>
      tpu.enqueue_dma source(%arg6 : memref<10000xf32, #tpu.memory_space<hbm>>) target(%arg17 : memref<10000xf32, #tpu.memory_space<vmem>>) target_semaphore(%run_scoped3A : memref<!tpu.dma_semaphore, #tpu.memory_space<semaphore_mem>>)
      tpu.wait_dma2 semaphore(%run_scoped3A : memref<!tpu.dma_semaphore, #tpu.memory_space<semaphore_mem>>) src(%arg6 : memref<10000xf32, #tpu.memory_space<hbm>>) dst(%arg17 : memref<10000xf32, #tpu.memory_space<vmem>>)
      tpu.yield
    }) : () -> ()
    "tpu.region"() ({
      %run_scoped3A = tpu.sem_alloc : memref<!tpu.dma_semaphore, #tpu.memory_space<semaphore_mem>>
      tpu.enqueue_dma source(%arg7 : memref<10000xf32, #tpu.memory_space<hbm>>) target(%arg18 : memref<10000xf32, #tpu.memory_space<vmem>>) target_semaphore(%run_scoped3A : memref<!tpu.dma_semaphore, #tpu.memory_space<semaphore_mem>>)
      tpu.wait_dma2 semaphore(%run_scoped3A : memref<!tpu.dma_semaphore, #tpu.memory_space<semaphore_mem>>) src(%arg7 : memref<10000xf32, #tpu.memory_space<hbm>>) dst(%arg18 : memref<10000xf32, #tpu.memory_space<vmem>>)
      tpu.yield
    }) : () -> ()
    "tpu.region"() ({
      %run_scoped3A = tpu.sem_alloc : memref<!tpu.dma_semaphore, #tpu.memory_space<semaphore_mem>>
      tpu.enqueue_dma source(%arg8 : memref<64xf32, #tpu.memory_space<hbm>>) target(%arg19 : memref<64xf32, #tpu.memory_space<vmem>>) target_semaphore(%run_scoped3A : memref<!tpu.dma_semaphore, #tpu.memory_space<semaphore_mem>>)
      tpu.wait_dma2 semaphore(%run_scoped3A : memref<!tpu.dma_semaphore, #tpu.memory_space<semaphore_mem>>) src(%arg8 : memref<64xf32, #tpu.memory_space<hbm>>) dst(%arg19 : memref<64xf32, #tpu.memory_space<vmem>>)
      tpu.yield
    }) : () -> ()
    "tpu.region"() ({
      %run_scoped3A = tpu.sem_alloc : memref<!tpu.dma_semaphore, #tpu.memory_space<semaphore_mem>>
      tpu.enqueue_dma source(%arg9 : memref<128xi32, #tpu.memory_space<hbm>>) target(%arg20 : memref<128xi32, #tpu.memory_space<vmem>>) target_semaphore(%run_scoped3A : memref<!tpu.dma_semaphore, #tpu.memory_space<semaphore_mem>>)
      tpu.wait_dma2 semaphore(%run_scoped3A : memref<!tpu.dma_semaphore, #tpu.memory_space<semaphore_mem>>) src(%arg9 : memref<128xi32, #tpu.memory_space<hbm>>) dst(%arg20 : memref<128xi32, #tpu.memory_space<vmem>>)
      tpu.yield
    }) : () -> ()
    %get3A = arith.constant 0 : index
    %get3A_3 = tpu.vector_load %arg20[%get3A] {strides = array<i32>} : memref<128xi32, #tpu.memory_space<vmem>>, vector<16xi32>,
    %gather3A = tpu.vector_load_idx %arg19[%get3A_3] : memref<64xf32, #tpu.memory_space<vmem>>[vector<16xi32>], vector<16xf32>,
    %swap3A = arith.constant 0 : index
    %swap3A_4 = tpu.vector_load %arg21[%swap3A] {strides = array<i32>} : memref<128xf32, #tpu.memory_space<vmem>>, vector<16xf32>,
    tpu.vector_store %arg21[%swap3A], %gather3A {strides = array<i32>} : memref<128xf32, #tpu.memory_space<vmem>>, vector<16xf32>,
    %get3A_5 = arith.constant 16 : index
    %get3A_6 = tpu.vector_load %arg20[%get3A_5] {strides = array<i32>} : memref<128xi32, #tpu.memory_space<vmem>>, vector<16xi32>,
    %gather3A_7 = tpu.vector_load_idx %arg19[%get3A_6] : memref<64xf32, #tpu.memory_space<vmem>>[vector<16xi32>], vector<16xf32>,
    %swap3A_8 = arith.constant 16 : index
    %swap3A_9 = tpu.vector_load %arg21[%swap3A_8] {strides = array<i32>} : memref<128xf32, #tpu.memory_space<vmem>>, vector<16xf32>,
    tpu.vector_store %arg21[%swap3A_8], %gather3A_7 {strides = array<i32>} : memref<128xf32, #tpu.memory_space<vmem>>, vector<16xf32>,
    %get3A_10 = arith.constant 32 : index
    %get3A_11 = tpu.vector_load %arg20[%get3A_10] {strides = array<i32>} : memref<128xi32, #tpu.memory_space<vmem>>, vector<16xi32>,
    %gather3A_12 = tpu.vector_load_idx %arg19[%get3A_11] : memref<64xf32, #tpu.memory_space<vmem>>[vector<16xi32>], vector<16xf32>,
    %swap3A_13 = arith.constant 32 : index
    %swap3A_14 = tpu.vector_load %arg21[%swap3A_13] {strides = array<i32>} : memref<128xf32, #tpu.memory_space<vmem>>, vector<16xf32>,
    tpu.vector_store %arg21[%swap3A_13], %gather3A_12 {strides = array<i32>} : memref<128xf32, #tpu.memory_space<vmem>>, vector<16xf32>,
    %get3A_15 = arith.constant 48 : index
    %get3A_16 = tpu.vector_load %arg20[%get3A_15] {strides = array<i32>} : memref<128xi32, #tpu.memory_space<vmem>>, vector<16xi32>,
    %gather3A_17 = tpu.vector_load_idx %arg19[%get3A_16] : memref<64xf32, #tpu.memory_space<vmem>>[vector<16xi32>], vector<16xf32>,
    %swap3A_18 = arith.constant 48 : index
    %swap3A_19 = tpu.vector_load %arg21[%swap3A_18] {strides = array<i32>} : memref<128xf32, #tpu.memory_space<vmem>>, vector<16xf32>,
    tpu.vector_store %arg21[%swap3A_18], %gather3A_17 {strides = array<i32>} : memref<128xf32, #tpu.memory_space<vmem>>, vector<16xf32>,
    %get3A_20 = arith.constant 64 : index
    %get3A_21 = tpu.vector_load %arg20[%get3A_20] {strides = array<i32>} : memref<128xi32, #tpu.memory_space<vmem>>, vector<16xi32>,
    %gather3A_22 = tpu.vector_load_idx %arg19[%get3A_21] : memref<64xf32, #tpu.memory_space<vmem>>[vector<16xi32>], vector<16xf32>,
    %swap3A_23 = arith.constant 64 : index
    %swap3A_24 = tpu.vector_load %arg21[%swap3A_23] {strides = array<i32>} : memref<128xf32, #tpu.memory_space<vmem>>, vector<16xf32>,
    tpu.vector_store %arg21[%swap3A_23], %gather3A_22 {strides = array<i32>} : memref<128xf32, #tpu.memory_space<vmem>>, vector<16xf32>,
    %get3A_25 = arith.constant 80 : index
    %get3A_26 = tpu.vector_load %arg20[%get3A_25] {strides = array<i32>} : memref<128xi32, #tpu.memory_space<vmem>>, vector<16xi32>,
    %gather3A_27 = tpu.vector_load_idx %arg19[%get3A_26] : memref<64xf32, #tpu.memory_space<vmem>>[vector<16xi32>], vector<16xf32>,
    %swap3A_28 = arith.constant 80 : index
    %swap3A_29 = tpu.vector_load %arg21[%swap3A_28] {strides = array<i32>} : memref<128xf32, #tpu.memory_space<vmem>>, vector<16xf32>,
    tpu.vector_store %arg21[%swap3A_28], %gather3A_27 {strides = array<i32>} : memref<128xf32, #tpu.memory_space<vmem>>, vector<16xf32>,
    %get3A_30 = arith.constant 96 : index
    %get3A_31 = tpu.vector_load %arg20[%get3A_30] {strides = array<i32>} : memref<128xi32, #tpu.memory_space<vmem>>, vector<16xi32>,
    %gather3A_32 = tpu.vector_load_idx %arg19[%get3A_31] : memref<64xf32, #tpu.memory_space<vmem>>[vector<16xi32>], vector<16xf32>,
    %swap3A_33 = arith.constant 96 : index
    %swap3A_34 = tpu.vector_load %arg21[%swap3A_33] {strides = array<i32>} : memref<128xf32, #tpu.memory_space<vmem>>, vector<16xf32>,
    tpu.vector_store %arg21[%swap3A_33], %gather3A_32 {strides = array<i32>} : memref<128xf32, #tpu.memory_space<vmem>>, vector<16xf32>,
    %get3A_35 = arith.constant 112 : index
    %get3A_36 = tpu.vector_load %arg20[%get3A_35] {strides = array<i32>} : memref<128xi32, #tpu.memory_space<vmem>>, vector<16xi32>,
    %gather3A_37 = tpu.vector_load_idx %arg19[%get3A_36] : memref<64xf32, #tpu.memory_space<vmem>>[vector<16xi32>], vector<16xf32>,
    %swap3A_38 = arith.constant 112 : index
    %swap3A_39 = tpu.vector_load %arg21[%swap3A_38] {strides = array<i32>} : memref<128xf32, #tpu.memory_space<vmem>>, vector<16xf32>,
    tpu.vector_store %arg21[%swap3A_38], %gather3A_37 {strides = array<i32>} : memref<128xf32, #tpu.memory_space<vmem>>, vector<16xf32>,
    %scan3A = arith.constant 0 : i32
    %scan3A_40 = arith.constant 0 : i32
    %scan3A_41 = arith.constant 5 : i32
    %scan3A_42 = arith.addi %scan3A_40, %scan3A_41 : i32
    %scan3A_43 = arith.constant 1 : i32
    scf.for %scan3A_45 = %scan3A_40 to %scan3A_42 step %scan3A_43  : i32 {
      "tpu.region"() ({
        %run_scoped3A = tpu.sem_alloc : memref<!tpu.dma_semaphore, #tpu.memory_space<semaphore_mem>>
        %dma_start3A = arith.constant 0 : i32
        %dma_start3A_57 = arith.constant 0 : i32
        %dma_start3A_58 = tpu.memref_slice %arg2[%add3A, %scan3A_45, %dma_start3A, %dma_start3A_57] : memref<32x5x25x80xi32, #tpu.memory_space<hbm>> -> memref<1x1x25x80xi32, #tpu.memory_space<hbm>>
        %dma_start3A_59 = tpu.memref_squeeze %dma_start3A_58 : memref<1x1x25x80xi32, #tpu.memory_space<hbm>> -> memref<25x80xi32, #tpu.memory_space<hbm>>
        %dma_start3A_60 = arith.constant 0 : i32
        %dma_start3A_61 = arith.constant 0 : i32
        %dma_start3A_62 = tpu.memref_slice %arg2[%add3A, %scan3A_45, %dma_start3A_60, %dma_start3A_61] : memref<32x5x25x80xi32, #tpu.memory_space<hbm>> -> memref<1x1x25x80xi32, #tpu.memory_space<hbm>>
        %dma_start3A_63 = tpu.memref_squeeze %dma_start3A_62 : memref<1x1x25x80xi32, #tpu.memory_space<hbm>> -> memref<25x80xi32, #tpu.memory_space<hbm>>
        tpu.enqueue_dma source(%dma_start3A_63 : memref<25x80xi32, #tpu.memory_space<hbm>>) target(%arg13 : memref<25x80xi32, #tpu.memory_space<vmem>>) target_semaphore(%run_scoped3A : memref<!tpu.dma_semaphore, #tpu.memory_space<semaphore_mem>>)
        %dma_wait3A = arith.constant 0 : i32
        %dma_wait3A_64 = arith.constant 0 : i32
        %dma_wait3A_65 = tpu.memref_slice %arg2[%add3A, %scan3A_45, %dma_wait3A, %dma_wait3A_64] : memref<32x5x25x80xi32, #tpu.memory_space<hbm>> -> memref<1x1x25x80xi32, #tpu.memory_space<hbm>>
        %dma_wait3A_66 = tpu.memref_squeeze %dma_wait3A_65 : memref<1x1x25x80xi32, #tpu.memory_space<hbm>> -> memref<25x80xi32, #tpu.memory_space<hbm>>
        %dma_wait3A_67 = arith.constant 0 : i32
        %dma_wait3A_68 = arith.constant 0 : i32
        %dma_wait3A_69 = tpu.memref_slice %arg2[%add3A, %scan3A_45, %dma_wait3A_67, %dma_wait3A_68] : memref<32x5x25x80xi32, #tpu.memory_space<hbm>> -> memref<1x1x25x80xi32, #tpu.memory_space<hbm>>
        %dma_wait3A_70 = tpu.memref_squeeze %dma_wait3A_69 : memref<1x1x25x80xi32, #tpu.memory_space<hbm>> -> memref<25x80xi32, #tpu.memory_space<hbm>>
        tpu.wait_dma2 semaphore(%run_scoped3A : memref<!tpu.dma_semaphore, #tpu.memory_space<semaphore_mem>>) src(%dma_wait3A_70 : memref<25x80xi32, #tpu.memory_space<hbm>>) dst(%arg13 : memref<25x80xi32, #tpu.memory_space<vmem>>)
        tpu.yield
      }) : () -> ()
      "tpu.region"() ({
        %run_scoped3A = tpu.sem_alloc : memref<!tpu.dma_semaphore, #tpu.memory_space<semaphore_mem>>
        %dma_start3A = arith.constant 0 : i32
        %dma_start3A_57 = arith.constant 0 : i32
        %dma_start3A_58 = tpu.memref_slice %arg3[%add3A, %scan3A_45, %dma_start3A, %dma_start3A_57] : memref<32x5x25x80xi32, #tpu.memory_space<hbm>> -> memref<1x1x25x80xi32, #tpu.memory_space<hbm>>
        %dma_start3A_59 = tpu.memref_squeeze %dma_start3A_58 : memref<1x1x25x80xi32, #tpu.memory_space<hbm>> -> memref<25x80xi32, #tpu.memory_space<hbm>>
        %dma_start3A_60 = arith.constant 0 : i32
        %dma_start3A_61 = arith.constant 0 : i32
        %dma_start3A_62 = tpu.memref_slice %arg3[%add3A, %scan3A_45, %dma_start3A_60, %dma_start3A_61] : memref<32x5x25x80xi32, #tpu.memory_space<hbm>> -> memref<1x1x25x80xi32, #tpu.memory_space<hbm>>
        %dma_start3A_63 = tpu.memref_squeeze %dma_start3A_62 : memref<1x1x25x80xi32, #tpu.memory_space<hbm>> -> memref<25x80xi32, #tpu.memory_space<hbm>>
        tpu.enqueue_dma source(%dma_start3A_63 : memref<25x80xi32, #tpu.memory_space<hbm>>) target(%arg14 : memref<25x80xi32, #tpu.memory_space<vmem>>) target_semaphore(%run_scoped3A : memref<!tpu.dma_semaphore, #tpu.memory_space<semaphore_mem>>)
        %dma_wait3A = arith.constant 0 : i32
        %dma_wait3A_64 = arith.constant 0 : i32
        %dma_wait3A_65 = tpu.memref_slice %arg3[%add3A, %scan3A_45, %dma_wait3A, %dma_wait3A_64] : memref<32x5x25x80xi32, #tpu.memory_space<hbm>> -> memref<1x1x25x80xi32, #tpu.memory_space<hbm>>
        %dma_wait3A_66 = tpu.memref_squeeze %dma_wait3A_65 : memref<1x1x25x80xi32, #tpu.memory_space<hbm>> -> memref<25x80xi32, #tpu.memory_space<hbm>>
        %dma_wait3A_67 = arith.constant 0 : i32
        %dma_wait3A_68 = arith.constant 0 : i32
        %dma_wait3A_69 = tpu.memref_slice %arg3[%add3A, %scan3A_45, %dma_wait3A_67, %dma_wait3A_68] : memref<32x5x25x80xi32, #tpu.memory_space<hbm>> -> memref<1x1x25x80xi32, #tpu.memory_space<hbm>>
        %dma_wait3A_70 = tpu.memref_squeeze %dma_wait3A_69 : memref<1x1x25x80xi32, #tpu.memory_space<hbm>> -> memref<25x80xi32, #tpu.memory_space<hbm>>
        tpu.wait_dma2 semaphore(%run_scoped3A : memref<!tpu.dma_semaphore, #tpu.memory_space<semaphore_mem>>) src(%dma_wait3A_70 : memref<25x80xi32, #tpu.memory_space<hbm>>) dst(%arg14 : memref<25x80xi32, #tpu.memory_space<vmem>>)
        tpu.yield
      }) : () -> ()
      %scan3A_46 = arith.constant 0 : i32
      %scan3A_47 = arith.constant 0 : i32
      %scan3A_48 = arith.constant 25 : i32
      %scan3A_49 = arith.addi %scan3A_47, %scan3A_48 : i32
      %scan3A_50 = arith.constant 1 : i32
      scf.for %scan3A_57 = %scan3A_47 to %scan3A_49 step %scan3A_50  : i32 {
        %mul3A_58 = arith.constant 80 : i32
        %mul3A_59 = arith.muli %scan3A_57, %mul3A_58 : i32
        %add3A_60 = arith.constant 0 : i32
        %add3A_61 = arith.addi %mul3A_59, %add3A_60 : i32
        %get3A_62 = arith.index_cast %scan3A_57 : i32 to index
        %get3A_63 = arith.constant 0 : index
        %get3A_64 = tpu.vector_load %arg13[%get3A_62, %get3A_63] {strides = array<i32>} : memref<25x80xi32, #tpu.memory_space<vmem>>, vector<16xi32>,
        %get3A_65 = arith.index_cast %scan3A_57 : i32 to index
        %get3A_66 = arith.constant 0 : index
        %get3A_67 = tpu.vector_load %arg14[%get3A_65, %get3A_66] {strides = array<i32>} : memref<25x80xi32, #tpu.memory_space<vmem>>, vector<16xi32>,
        %gather3A_68 = tpu.vector_load_idx %arg15[%get3A_64] : memref<10000xi32, #tpu.memory_space<vmem>>[vector<16xi32>], vector<16xi32>,
        %gather3A_69 = tpu.vector_load_idx %arg21[%gather3A_68] : memref<128xf32, #tpu.memory_space<vmem>>[vector<16xi32>], vector<16xf32>,
        %gather3A_70 = tpu.vector_load_idx %arg16[%get3A_64] : memref<10000xf32, #tpu.memory_space<vmem>>[vector<16xi32>], vector<16xf32>,
        %gather3A_71 = tpu.vector_load_idx %arg16[%get3A_67] : memref<10000xf32, #tpu.memory_space<vmem>>[vector<16xi32>], vector<16xf32>,
        %sub3A = arith.subf %gather3A_70, %gather3A_71 : vector<16xf32>
        %gather3A_72 = tpu.vector_load_idx %arg17[%get3A_64] : memref<10000xf32, #tpu.memory_space<vmem>>[vector<16xi32>], vector<16xf32>,
        %gather3A_73 = tpu.vector_load_idx %arg17[%get3A_67] : memref<10000xf32, #tpu.memory_space<vmem>>[vector<16xi32>], vector<16xf32>,
        %sub3A_74 = arith.subf %gather3A_72, %gather3A_73 : vector<16xf32>
        %gather3A_75 = tpu.vector_load_idx %arg18[%get3A_64] : memref<10000xf32, #tpu.memory_space<vmem>>[vector<16xi32>], vector<16xf32>,
        %gather3A_76 = tpu.vector_load_idx %arg18[%get3A_67] : memref<10000xf32, #tpu.memory_space<vmem>>[vector<16xi32>], vector<16xf32>,
        %sub3A_77 = arith.subf %gather3A_75, %gather3A_76 : vector<16xf32>
        %mul3A_78 = arith.mulf %sub3A, %sub3A : vector<16xf32>
        %mul3A_79 = arith.mulf %sub3A_74, %sub3A_74 : vector<16xf32>
        %add3A_80 = arith.addf %mul3A_78, %mul3A_79 : vector<16xf32>
        %mul3A_81 = arith.mulf %sub3A_77, %sub3A_77 : vector<16xf32>
        %add3A_82 = arith.addf %add3A_80, %mul3A_81 : vector<16xf32>
        %swap3A_83 = arith.index_cast %add3A_61 : i32 to index
        %swap3A_84 = tpu.vector_load %arg22[%swap3A_83] {strides = array<i32>} : memref<2000xf32, #tpu.memory_space<vmem>>, vector<16xf32>,
        tpu.vector_store %arg22[%swap3A_83], %add3A_82 {strides = array<i32>} : memref<2000xf32, #tpu.memory_space<vmem>>, vector<16xf32>,
        %swap3A_85 = arith.index_cast %add3A_61 : i32 to index
        %swap3A_86 = tpu.vector_load %arg23[%swap3A_85] {strides = array<i32>} : memref<2000xf32, #tpu.memory_space<vmem>>, vector<16xf32>,
        tpu.vector_store %arg23[%swap3A_85], %gather3A_69 {strides = array<i32>} : memref<2000xf32, #tpu.memory_space<vmem>>, vector<16xf32>,
        %swap3A_87 = arith.index_cast %add3A_61 : i32 to index
        %swap3A_88 = tpu.vector_load %arg24[%swap3A_87] {strides = array<i32>} : memref<2000xi32, #tpu.memory_space<vmem>>, vector<16xi32>,
        tpu.vector_store %arg24[%swap3A_87], %gather3A_68 {strides = array<i32>} : memref<2000xi32, #tpu.memory_space<vmem>>, vector<16xi32>,
        %mul3A_89 = arith.constant 80 : i32
        %mul3A_90 = arith.muli %scan3A_57, %mul3A_89 : i32
        %add3A_91 = arith.constant 16 : i32
        %add3A_92 = arith.addi %mul3A_90, %add3A_91 : i32
        %get3A_93 = arith.index_cast %scan3A_57 : i32 to index
        %get3A_94 = arith.constant 16 : index
        %get3A_95 = tpu.vector_load %arg13[%get3A_93, %get3A_94] {strides = array<i32>} : memref<25x80xi32, #tpu.memory_space<vmem>>, vector<16xi32>,
        %get3A_96 = arith.index_cast %scan3A_57 : i32 to index
        %get3A_97 = arith.constant 16 : index
        %get3A_98 = tpu.vector_load %arg14[%get3A_96, %get3A_97] {strides = array<i32>} : memref<25x80xi32, #tpu.memory_space<vmem>>, vector<16xi32>,
        %gather3A_99 = tpu.vector_load_idx %arg15[%get3A_95] : memref<10000xi32, #tpu.memory_space<vmem>>[vector<16xi32>], vector<16xi32>,
        %gather3A_100 = tpu.vector_load_idx %arg21[%gather3A_99] : memref<128xf32, #tpu.memory_space<vmem>>[vector<16xi32>], vector<16xf32>,
        %gather3A_101 = tpu.vector_load_idx %arg16[%get3A_95] : memref<10000xf32, #tpu.memory_space<vmem>>[vector<16xi32>], vector<16xf32>,
        %gather3A_102 = tpu.vector_load_idx %arg16[%get3A_98] : memref<10000xf32, #tpu.memory_space<vmem>>[vector<16xi32>], vector<16xf32>,
        %sub3A_103 = arith.subf %gather3A_101, %gather3A_102 : vector<16xf32>
        %gather3A_104 = tpu.vector_load_idx %arg17[%get3A_95] : memref<10000xf32, #tpu.memory_space<vmem>>[vector<16xi32>], vector<16xf32>,
        %gather3A_105 = tpu.vector_load_idx %arg17[%get3A_98] : memref<10000xf32, #tpu.memory_space<vmem>>[vector<16xi32>], vector<16xf32>,
        %sub3A_106 = arith.subf %gather3A_104, %gather3A_105 : vector<16xf32>
        %gather3A_107 = tpu.vector_load_idx %arg18[%get3A_95] : memref<10000xf32, #tpu.memory_space<vmem>>[vector<16xi32>], vector<16xf32>,
        %gather3A_108 = tpu.vector_load_idx %arg18[%get3A_98] : memref<10000xf32, #tpu.memory_space<vmem>>[vector<16xi32>], vector<16xf32>,
        %sub3A_109 = arith.subf %gather3A_107, %gather3A_108 : vector<16xf32>
        %mul3A_110 = arith.mulf %sub3A_103, %sub3A_103 : vector<16xf32>
        %mul3A_111 = arith.mulf %sub3A_106, %sub3A_106 : vector<16xf32>
        %add3A_112 = arith.addf %mul3A_110, %mul3A_111 : vector<16xf32>
        %mul3A_113 = arith.mulf %sub3A_109, %sub3A_109 : vector<16xf32>
        %add3A_114 = arith.addf %add3A_112, %mul3A_113 : vector<16xf32>
        %swap3A_115 = arith.index_cast %add3A_92 : i32 to index
        %swap3A_116 = tpu.vector_load %arg22[%swap3A_115] {strides = array<i32>} : memref<2000xf32, #tpu.memory_space<vmem>>, vector<16xf32>,
        tpu.vector_store %arg22[%swap3A_115], %add3A_114 {strides = array<i32>} : memref<2000xf32, #tpu.memory_space<vmem>>, vector<16xf32>,
        %swap3A_117 = arith.index_cast %add3A_92 : i32 to index
        %swap3A_118 = tpu.vector_load %arg23[%swap3A_117] {strides = array<i32>} : memref<2000xf32, #tpu.memory_space<vmem>>, vector<16xf32>,
        tpu.vector_store %arg23[%swap3A_117], %gather3A_100 {strides = array<i32>} : memref<2000xf32, #tpu.memory_space<vmem>>, vector<16xf32>,
        %swap3A_119 = arith.index_cast %add3A_92 : i32 to index
        %swap3A_120 = tpu.vector_load %arg24[%swap3A_119] {strides = array<i32>} : memref<2000xi32, #tpu.memory_space<vmem>>, vector<16xi32>,
        tpu.vector_store %arg24[%swap3A_119], %gather3A_99 {strides = array<i32>} : memref<2000xi32, #tpu.memory_space<vmem>>, vector<16xi32>,
        %mul3A_121 = arith.constant 80 : i32
        %mul3A_122 = arith.muli %scan3A_57, %mul3A_121 : i32
        %add3A_123 = arith.constant 32 : i32
        %add3A_124 = arith.addi %mul3A_122, %add3A_123 : i32
        %get3A_125 = arith.index_cast %scan3A_57 : i32 to index
        %get3A_126 = arith.constant 32 : index
        %get3A_127 = tpu.vector_load %arg13[%get3A_125, %get3A_126] {strides = array<i32>} : memref<25x80xi32, #tpu.memory_space<vmem>>, vector<16xi32>,
        %get3A_128 = arith.index_cast %scan3A_57 : i32 to index
        %get3A_129 = arith.constant 32 : index
        %get3A_130 = tpu.vector_load %arg14[%get3A_128, %get3A_129] {strides = array<i32>} : memref<25x80xi32, #tpu.memory_space<vmem>>, vector<16xi32>,
        %gather3A_131 = tpu.vector_load_idx %arg15[%get3A_127] : memref<10000xi32, #tpu.memory_space<vmem>>[vector<16xi32>], vector<16xi32>,
        %gather3A_132 = tpu.vector_load_idx %arg21[%gather3A_131] : memref<128xf32, #tpu.memory_space<vmem>>[vector<16xi32>], vector<16xf32>,
        %gather3A_133 = tpu.vector_load_idx %arg16[%get3A_127] : memref<10000xf32, #tpu.memory_space<vmem>>[vector<16xi32>], vector<16xf32>,
        %gather3A_134 = tpu.vector_load_idx %arg16[%get3A_130] : memref<10000xf32, #tpu.memory_space<vmem>>[vector<16xi32>], vector<16xf32>,
        %sub3A_135 = arith.subf %gather3A_133, %gather3A_134 : vector<16xf32>
        %gather3A_136 = tpu.vector_load_idx %arg17[%get3A_127] : memref<10000xf32, #tpu.memory_space<vmem>>[vector<16xi32>], vector<16xf32>,
        %gather3A_137 = tpu.vector_load_idx %arg17[%get3A_130] : memref<10000xf32, #tpu.memory_space<vmem>>[vector<16xi32>], vector<16xf32>,
        %sub3A_138 = arith.subf %gather3A_136, %gather3A_137 : vector<16xf32>
        %gather3A_139 = tpu.vector_load_idx %arg18[%get3A_127] : memref<10000xf32, #tpu.memory_space<vmem>>[vector<16xi32>], vector<16xf32>,
        %gather3A_140 = tpu.vector_load_idx %arg18[%get3A_130] : memref<10000xf32, #tpu.memory_space<vmem>>[vector<16xi32>], vector<16xf32>,
        %sub3A_141 = arith.subf %gather3A_139, %gather3A_140 : vector<16xf32>
        %mul3A_142 = arith.mulf %sub3A_135, %sub3A_135 : vector<16xf32>
        %mul3A_143 = arith.mulf %sub3A_138, %sub3A_138 : vector<16xf32>
        %add3A_144 = arith.addf %mul3A_142, %mul3A_143 : vector<16xf32>
        %mul3A_145 = arith.mulf %sub3A_141, %sub3A_141 : vector<16xf32>
        %add3A_146 = arith.addf %add3A_144, %mul3A_145 : vector<16xf32>
        %swap3A_147 = arith.index_cast %add3A_124 : i32 to index
        %swap3A_148 = tpu.vector_load %arg22[%swap3A_147] {strides = array<i32>} : memref<2000xf32, #tpu.memory_space<vmem>>, vector<16xf32>,
        tpu.vector_store %arg22[%swap3A_147], %add3A_146 {strides = array<i32>} : memref<2000xf32, #tpu.memory_space<vmem>>, vector<16xf32>,
        %swap3A_149 = arith.index_cast %add3A_124 : i32 to index
        %swap3A_150 = tpu.vector_load %arg23[%swap3A_149] {strides = array<i32>} : memref<2000xf32, #tpu.memory_space<vmem>>, vector<16xf32>,
        tpu.vector_store %arg23[%swap3A_149], %gather3A_132 {strides = array<i32>} : memref<2000xf32, #tpu.memory_space<vmem>>, vector<16xf32>,
        %swap3A_151 = arith.index_cast %add3A_124 : i32 to index
        %swap3A_152 = tpu.vector_load %arg24[%swap3A_151] {strides = array<i32>} : memref<2000xi32, #tpu.memory_space<vmem>>, vector<16xi32>,
        tpu.vector_store %arg24[%swap3A_151], %gather3A_131 {strides = array<i32>} : memref<2000xi32, #tpu.memory_space<vmem>>, vector<16xi32>,
        %mul3A_153 = arith.constant 80 : i32
        %mul3A_154 = arith.muli %scan3A_57, %mul3A_153 : i32
        %add3A_155 = arith.constant 48 : i32
        %add3A_156 = arith.addi %mul3A_154, %add3A_155 : i32
        %get3A_157 = arith.index_cast %scan3A_57 : i32 to index
        %get3A_158 = arith.constant 48 : index
        %get3A_159 = tpu.vector_load %arg13[%get3A_157, %get3A_158] {strides = array<i32>} : memref<25x80xi32, #tpu.memory_space<vmem>>, vector<16xi32>,
        %get3A_160 = arith.index_cast %scan3A_57 : i32 to index
        %get3A_161 = arith.constant 48 : index
        %get3A_162 = tpu.vector_load %arg14[%get3A_160, %get3A_161] {strides = array<i32>} : memref<25x80xi32, #tpu.memory_space<vmem>>, vector<16xi32>,
        %gather3A_163 = tpu.vector_load_idx %arg15[%get3A_159] : memref<10000xi32, #tpu.memory_space<vmem>>[vector<16xi32>], vector<16xi32>,
        %gather3A_164 = tpu.vector_load_idx %arg21[%gather3A_163] : memref<128xf32, #tpu.memory_space<vmem>>[vector<16xi32>], vector<16xf32>,
        %gather3A_165 = tpu.vector_load_idx %arg16[%get3A_159] : memref<10000xf32, #tpu.memory_space<vmem>>[vector<16xi32>], vector<16xf32>,
        %gather3A_166 = tpu.vector_load_idx %arg16[%get3A_162] : memref<10000xf32, #tpu.memory_space<vmem>>[vector<16xi32>], vector<16xf32>,
        %sub3A_167 = arith.subf %gather3A_165, %gather3A_166 : vector<16xf32>
        %gather3A_168 = tpu.vector_load_idx %arg17[%get3A_159] : memref<10000xf32, #tpu.memory_space<vmem>>[vector<16xi32>], vector<16xf32>,
        %gather3A_169 = tpu.vector_load_idx %arg17[%get3A_162] : memref<10000xf32, #tpu.memory_space<vmem>>[vector<16xi32>], vector<16xf32>,
        %sub3A_170 = arith.subf %gather3A_168, %gather3A_169 : vector<16xf32>
        %gather3A_171 = tpu.vector_load_idx %arg18[%get3A_159] : memref<10000xf32, #tpu.memory_space<vmem>>[vector<16xi32>], vector<16xf32>,
        %gather3A_172 = tpu.vector_load_idx %arg18[%get3A_162] : memref<10000xf32, #tpu.memory_space<vmem>>[vector<16xi32>], vector<16xf32>,
        %sub3A_173 = arith.subf %gather3A_171, %gather3A_172 : vector<16xf32>
        %mul3A_174 = arith.mulf %sub3A_167, %sub3A_167 : vector<16xf32>
        %mul3A_175 = arith.mulf %sub3A_170, %sub3A_170 : vector<16xf32>
        %add3A_176 = arith.addf %mul3A_174, %mul3A_175 : vector<16xf32>
        %mul3A_177 = arith.mulf %sub3A_173, %sub3A_173 : vector<16xf32>
        %add3A_178 = arith.addf %add3A_176, %mul3A_177 : vector<16xf32>
        %swap3A_179 = arith.index_cast %add3A_156 : i32 to index
        %swap3A_180 = tpu.vector_load %arg22[%swap3A_179] {strides = array<i32>} : memref<2000xf32, #tpu.memory_space<vmem>>, vector<16xf32>,
        tpu.vector_store %arg22[%swap3A_179], %add3A_178 {strides = array<i32>} : memref<2000xf32, #tpu.memory_space<vmem>>, vector<16xf32>,
        %swap3A_181 = arith.index_cast %add3A_156 : i32 to index
        %swap3A_182 = tpu.vector_load %arg23[%swap3A_181] {strides = array<i32>} : memref<2000xf32, #tpu.memory_space<vmem>>, vector<16xf32>,
        tpu.vector_store %arg23[%swap3A_181], %gather3A_164 {strides = array<i32>} : memref<2000xf32, #tpu.memory_space<vmem>>, vector<16xf32>,
        %swap3A_183 = arith.index_cast %add3A_156 : i32 to index
        %swap3A_184 = tpu.vector_load %arg24[%swap3A_183] {strides = array<i32>} : memref<2000xi32, #tpu.memory_space<vmem>>, vector<16xi32>,
        tpu.vector_store %arg24[%swap3A_183], %gather3A_163 {strides = array<i32>} : memref<2000xi32, #tpu.memory_space<vmem>>, vector<16xi32>,
        %mul3A_185 = arith.constant 80 : i32
        %mul3A_186 = arith.muli %scan3A_57, %mul3A_185 : i32
        %add3A_187 = arith.constant 64 : i32
        %add3A_188 = arith.addi %mul3A_186, %add3A_187 : i32
        %get3A_189 = arith.index_cast %scan3A_57 : i32 to index
        %get3A_190 = arith.constant 64 : index
        %get3A_191 = tpu.vector_load %arg13[%get3A_189, %get3A_190] {strides = array<i32>} : memref<25x80xi32, #tpu.memory_space<vmem>>, vector<16xi32>,
        %get3A_192 = arith.index_cast %scan3A_57 : i32 to index
        %get3A_193 = arith.constant 64 : index
        %get3A_194 = tpu.vector_load %arg14[%get3A_192, %get3A_193] {strides = array<i32>} : memref<25x80xi32, #tpu.memory_space<vmem>>, vector<16xi32>,
        %gather3A_195 = tpu.vector_load_idx %arg15[%get3A_191] : memref<10000xi32, #tpu.memory_space<vmem>>[vector<16xi32>], vector<16xi32>,
        %gather3A_196 = tpu.vector_load_idx %arg21[%gather3A_195] : memref<128xf32, #tpu.memory_space<vmem>>[vector<16xi32>], vector<16xf32>,
        %gather3A_197 = tpu.vector_load_idx %arg16[%get3A_191] : memref<10000xf32, #tpu.memory_space<vmem>>[vector<16xi32>], vector<16xf32>,
        %gather3A_198 = tpu.vector_load_idx %arg16[%get3A_194] : memref<10000xf32, #tpu.memory_space<vmem>>[vector<16xi32>], vector<16xf32>,
        %sub3A_199 = arith.subf %gather3A_197, %gather3A_198 : vector<16xf32>
        %gather3A_200 = tpu.vector_load_idx %arg17[%get3A_191] : memref<10000xf32, #tpu.memory_space<vmem>>[vector<16xi32>], vector<16xf32>,
        %gather3A_201 = tpu.vector_load_idx %arg17[%get3A_194] : memref<10000xf32, #tpu.memory_space<vmem>>[vector<16xi32>], vector<16xf32>,
        %sub3A_202 = arith.subf %gather3A_200, %gather3A_201 : vector<16xf32>
        %gather3A_203 = tpu.vector_load_idx %arg18[%get3A_191] : memref<10000xf32, #tpu.memory_space<vmem>>[vector<16xi32>], vector<16xf32>,
        %gather3A_204 = tpu.vector_load_idx %arg18[%get3A_194] : memref<10000xf32, #tpu.memory_space<vmem>>[vector<16xi32>], vector<16xf32>,
        %sub3A_205 = arith.subf %gather3A_203, %gather3A_204 : vector<16xf32>
        %mul3A_206 = arith.mulf %sub3A_199, %sub3A_199 : vector<16xf32>
        %mul3A_207 = arith.mulf %sub3A_202, %sub3A_202 : vector<16xf32>
        %add3A_208 = arith.addf %mul3A_206, %mul3A_207 : vector<16xf32>
        %mul3A_209 = arith.mulf %sub3A_205, %sub3A_205 : vector<16xf32>
        %add3A_210 = arith.addf %add3A_208, %mul3A_209 : vector<16xf32>
        %swap3A_211 = arith.index_cast %add3A_188 : i32 to index
        %swap3A_212 = tpu.vector_load %arg22[%swap3A_211] {strides = array<i32>} : memref<2000xf32, #tpu.memory_space<vmem>>, vector<16xf32>,
        tpu.vector_store %arg22[%swap3A_211], %add3A_210 {strides = array<i32>} : memref<2000xf32, #tpu.memory_space<vmem>>, vector<16xf32>,
        %swap3A_213 = arith.index_cast %add3A_188 : i32 to index
        %swap3A_214 = tpu.vector_load %arg23[%swap3A_213] {strides = array<i32>} : memref<2000xf32, #tpu.memory_space<vmem>>, vector<16xf32>,
        tpu.vector_store %arg23[%swap3A_213], %gather3A_196 {strides = array<i32>} : memref<2000xf32, #tpu.memory_space<vmem>>, vector<16xf32>,
        %swap3A_215 = arith.index_cast %add3A_188 : i32 to index
        %swap3A_216 = tpu.vector_load %arg24[%swap3A_215] {strides = array<i32>} : memref<2000xi32, #tpu.memory_space<vmem>>, vector<16xi32>,
        tpu.vector_store %arg24[%swap3A_215], %gather3A_195 {strides = array<i32>} : memref<2000xi32, #tpu.memory_space<vmem>>, vector<16xi32>,
      }
      %scan3A_51 = arith.constant 25 : i32
      %mul3A_52 = arith.constant 25 : i32
      %mul3A_53 = arith.muli %scan3A_45, %mul3A_52 : i32
      %mul3A_54 = arith.constant 80 : i32
      %mul3A_55 = arith.muli %mul3A_53, %mul3A_54 : i32
      %add3A_56 = arith.addi %mul3A_2, %mul3A_55 : i32
      "tpu.region"() ({
        %run_scoped3A = tpu.sem_alloc : memref<!tpu.dma_semaphore, #tpu.memory_space<semaphore_mem>>
        %dma_start3A = tpu.memref_slice %arg10[%add3A_56] : memref<320000xf32, #tpu.memory_space<hbm>> -> memref<2000xf32, #tpu.memory_space<hbm>>
        %dma_start3A_57 = tpu.memref_slice %arg10[%add3A_56] : memref<320000xf32, #tpu.memory_space<hbm>> -> memref<2000xf32, #tpu.memory_space<hbm>>
        tpu.enqueue_dma source(%arg22 : memref<2000xf32, #tpu.memory_space<vmem>>) target(%dma_start3A_57 : memref<2000xf32, #tpu.memory_space<hbm>>) target_semaphore(%run_scoped3A : memref<!tpu.dma_semaphore, #tpu.memory_space<semaphore_mem>>)
        %dma_wait3A = tpu.memref_slice %arg10[%add3A_56] : memref<320000xf32, #tpu.memory_space<hbm>> -> memref<2000xf32, #tpu.memory_space<hbm>>
        %dma_wait3A_58 = tpu.memref_slice %arg10[%add3A_56] : memref<320000xf32, #tpu.memory_space<hbm>> -> memref<2000xf32, #tpu.memory_space<hbm>>
        tpu.wait_dma2 semaphore(%run_scoped3A : memref<!tpu.dma_semaphore, #tpu.memory_space<semaphore_mem>>) src(%arg22 : memref<2000xf32, #tpu.memory_space<vmem>>) dst(%dma_wait3A_58 : memref<2000xf32, #tpu.memory_space<hbm>>)
        tpu.yield
      }) : () -> ()
      "tpu.region"() ({
        %run_scoped3A = tpu.sem_alloc : memref<!tpu.dma_semaphore, #tpu.memory_space<semaphore_mem>>
        %dma_start3A = tpu.memref_slice %arg11[%add3A_56] : memref<320000xf32, #tpu.memory_space<hbm>> -> memref<2000xf32, #tpu.memory_space<hbm>>
        %dma_start3A_57 = tpu.memref_slice %arg11[%add3A_56] : memref<320000xf32, #tpu.memory_space<hbm>> -> memref<2000xf32, #tpu.memory_space<hbm>>
        tpu.enqueue_dma source(%arg23 : memref<2000xf32, #tpu.memory_space<vmem>>) target(%dma_start3A_57 : memref<2000xf32, #tpu.memory_space<hbm>>) target_semaphore(%run_scoped3A : memref<!tpu.dma_semaphore, #tpu.memory_space<semaphore_mem>>)
        %dma_wait3A = tpu.memref_slice %arg11[%add3A_56] : memref<320000xf32, #tpu.memory_space<hbm>> -> memref<2000xf32, #tpu.memory_space<hbm>>
        %dma_wait3A_58 = tpu.memref_slice %arg11[%add3A_56] : memref<320000xf32, #tpu.memory_space<hbm>> -> memref<2000xf32, #tpu.memory_space<hbm>>
        tpu.wait_dma2 semaphore(%run_scoped3A : memref<!tpu.dma_semaphore, #tpu.memory_space<semaphore_mem>>) src(%arg23 : memref<2000xf32, #tpu.memory_space<vmem>>) dst(%dma_wait3A_58 : memref<2000xf32, #tpu.memory_space<hbm>>)
        tpu.yield
      }) : () -> ()
      "tpu.region"() ({
        %run_scoped3A = tpu.sem_alloc : memref<!tpu.dma_semaphore, #tpu.memory_space<semaphore_mem>>
        %dma_start3A = tpu.memref_slice %arg12[%add3A_56] : memref<320000xi32, #tpu.memory_space<hbm>> -> memref<2000xi32, #tpu.memory_space<hbm>>
        %dma_start3A_57 = tpu.memref_slice %arg12[%add3A_56] : memref<320000xi32, #tpu.memory_space<hbm>> -> memref<2000xi32, #tpu.memory_space<hbm>>
        tpu.enqueue_dma source(%arg24 : memref<2000xi32, #tpu.memory_space<vmem>>) target(%dma_start3A_57 : memref<2000xi32, #tpu.memory_space<hbm>>) target_semaphore(%run_scoped3A : memref<!tpu.dma_semaphore, #tpu.memory_space<semaphore_mem>>)
        %dma_wait3A = tpu.memref_slice %arg12[%add3A_56] : memref<320000xi32, #tpu.memory_space<hbm>> -> memref<2000xi32, #tpu.memory_space<hbm>>
        %dma_wait3A_58 = tpu.memref_slice %arg12[%add3A_56] : memref<320000xi32, #tpu.memory_space<hbm>> -> memref<2000xi32, #tpu.memory_space<hbm>>
        tpu.wait_dma2 semaphore(%run_scoped3A : memref<!tpu.dma_semaphore, #tpu.memory_space<semaphore_mem>>) src(%arg24 : memref<2000xi32, #tpu.memory_space<vmem>>) dst(%dma_wait3A_58 : memref<2000xi32, #tpu.memory_space<hbm>>)
        tpu.yield
      }) : () -> ()
    }
    %scan3A_44 = arith.constant 5 : i32
    return
  }
}

#map = affine_map<(d0, d1) -> (0, 0)>
#map1 = affine_map<(d0, d1) -> (0, 0, 0, 0)>
module attributes {stable_mosaic.version = 14 : i64} {
  func.func @k(%arg0: i32, %arg1: i32, %arg2: memref<10000x128xf32, #tpu.memory_space<hbm>>, %arg3: memref<320000x128xf32, #tpu.memory_space<hbm>>, %arg4: memref<16x10x25x80xi32, #tpu.memory_space<hbm>>, %arg5: memref<16x10x25x80xi32, #tpu.memory_space<hbm>>, %arg6: memref<10000x128xf32, #tpu.memory_space<hbm>>, %arg7: memref<25x80xi32, #tpu.memory_space<vmem>>, %arg8: memref<25x80xi32, #tpu.memory_space<vmem>>, %arg9: memref<80xi32, #tpu.memory_space<vmem>>, %arg10: memref<80x128xf32, #tpu.memory_space<vmem>>, %arg11: memref<80x128xf32, #tpu.memory_space<vmem>>, %arg12: memref<104x128xf32, #tpu.memory_space<vmem>>, %arg13: memref<5016x128xf32, #tpu.memory_space<vmem_shared>>) attributes {dimension_semantics = [#tpu.dimension_semantics<core_parallel>, #tpu.dimension_semantics<subcore_parallel>], iteration_bounds = array<i64: 2, 16>, scalar_prefetch = 0 : i64, scratch_operands = 7 : i64, tpu.core_type = #tpu.core_type<sc_vector_subcore>, window_params = [{transform_indices = #map}, {transform_indices = #map}, {transform_indices = #map1}, {transform_indices = #map1}, {transform_indices = #map}]} {
    %mul3A = arith.constant 5008 : i32
    %mul3A_0 = arith.muli %arg0, %mul3A : i32
    %scan3A = arith.constant 0 : i32
    %scan3A_1 = arith.constant 0 : i32
    %scan3A_2 = arith.constant 104 : i32
    %scan3A_3 = arith.addi %scan3A_1, %scan3A_2 : i32
    %scan3A_4 = arith.constant 1 : i32
    scf.for %scan3A_30 = %scan3A_1 to %scan3A_3 step %scan3A_4  : i32 {
      %broadcast_in_dim3A = arith.constant 0.000000e+00 : f32
      %broadcast_in_dim3A_31 = vector.broadcast %broadcast_in_dim3A : f32 to vector<16xf32>
      %swap3A = arith.index_cast %scan3A_30 : i32 to index
      %swap3A_32 = arith.constant 0 : index
      %swap3A_33 = tpu.vector_load %arg12[%swap3A, %swap3A_32] {strides = array<i32>} : memref<104x128xf32, #tpu.memory_space<vmem>>, vector<16xf32>,
      tpu.vector_store %arg12[%swap3A, %swap3A_32], %broadcast_in_dim3A_31 {strides = array<i32>} : memref<104x128xf32, #tpu.memory_space<vmem>>, vector<16xf32>,
      %broadcast_in_dim3A_34 = arith.constant 0.000000e+00 : f32
      %broadcast_in_dim3A_35 = vector.broadcast %broadcast_in_dim3A_34 : f32 to vector<16xf32>
      %swap3A_36 = arith.index_cast %scan3A_30 : i32 to index
      %swap3A_37 = arith.constant 16 : index
      %swap3A_38 = tpu.vector_load %arg12[%swap3A_36, %swap3A_37] {strides = array<i32>} : memref<104x128xf32, #tpu.memory_space<vmem>>, vector<16xf32>,
      tpu.vector_store %arg12[%swap3A_36, %swap3A_37], %broadcast_in_dim3A_35 {strides = array<i32>} : memref<104x128xf32, #tpu.memory_space<vmem>>, vector<16xf32>,
      %broadcast_in_dim3A_39 = arith.constant 0.000000e+00 : f32
      %broadcast_in_dim3A_40 = vector.broadcast %broadcast_in_dim3A_39 : f32 to vector<16xf32>
      %swap3A_41 = arith.index_cast %scan3A_30 : i32 to index
      %swap3A_42 = arith.constant 32 : index
      %swap3A_43 = tpu.vector_load %arg12[%swap3A_41, %swap3A_42] {strides = array<i32>} : memref<104x128xf32, #tpu.memory_space<vmem>>, vector<16xf32>,
      tpu.vector_store %arg12[%swap3A_41, %swap3A_42], %broadcast_in_dim3A_40 {strides = array<i32>} : memref<104x128xf32, #tpu.memory_space<vmem>>, vector<16xf32>,
      %broadcast_in_dim3A_44 = arith.constant 0.000000e+00 : f32
      %broadcast_in_dim3A_45 = vector.broadcast %broadcast_in_dim3A_44 : f32 to vector<16xf32>
      %swap3A_46 = arith.index_cast %scan3A_30 : i32 to index
      %swap3A_47 = arith.constant 48 : index
      %swap3A_48 = tpu.vector_load %arg12[%swap3A_46, %swap3A_47] {strides = array<i32>} : memref<104x128xf32, #tpu.memory_space<vmem>>, vector<16xf32>,
      tpu.vector_store %arg12[%swap3A_46, %swap3A_47], %broadcast_in_dim3A_45 {strides = array<i32>} : memref<104x128xf32, #tpu.memory_space<vmem>>, vector<16xf32>,
      %broadcast_in_dim3A_49 = arith.constant 0.000000e+00 : f32
      %broadcast_in_dim3A_50 = vector.broadcast %broadcast_in_dim3A_49 : f32 to vector<16xf32>
      %swap3A_51 = arith.index_cast %scan3A_30 : i32 to index
      %swap3A_52 = arith.constant 64 : index
      %swap3A_53 = tpu.vector_load %arg12[%swap3A_51, %swap3A_52] {strides = array<i32>} : memref<104x128xf32, #tpu.memory_space<vmem>>, vector<16xf32>,
      tpu.vector_store %arg12[%swap3A_51, %swap3A_52], %broadcast_in_dim3A_50 {strides = array<i32>} : memref<104x128xf32, #tpu.memory_space<vmem>>, vector<16xf32>,
      %broadcast_in_dim3A_54 = arith.constant 0.000000e+00 : f32
      %broadcast_in_dim3A_55 = vector.broadcast %broadcast_in_dim3A_54 : f32 to vector<16xf32>
      %swap3A_56 = arith.index_cast %scan3A_30 : i32 to index
      %swap3A_57 = arith.constant 80 : index
      %swap3A_58 = tpu.vector_load %arg12[%swap3A_56, %swap3A_57] {strides = array<i32>} : memref<104x128xf32, #tpu.memory_space<vmem>>, vector<16xf32>,
      tpu.vector_store %arg12[%swap3A_56, %swap3A_57], %broadcast_in_dim3A_55 {strides = array<i32>} : memref<104x128xf32, #tpu.memory_space<vmem>>, vector<16xf32>,
      %broadcast_in_dim3A_59 = arith.constant 0.000000e+00 : f32
      %broadcast_in_dim3A_60 = vector.broadcast %broadcast_in_dim3A_59 : f32 to vector<16xf32>
      %swap3A_61 = arith.index_cast %scan3A_30 : i32 to index
      %swap3A_62 = arith.constant 96 : index
      %swap3A_63 = tpu.vector_load %arg12[%swap3A_61, %swap3A_62] {strides = array<i32>} : memref<104x128xf32, #tpu.memory_space<vmem>>, vector<16xf32>,
      tpu.vector_store %arg12[%swap3A_61, %swap3A_62], %broadcast_in_dim3A_60 {strides = array<i32>} : memref<104x128xf32, #tpu.memory_space<vmem>>, vector<16xf32>,
      %broadcast_in_dim3A_64 = arith.constant 0.000000e+00 : f32
      %broadcast_in_dim3A_65 = vector.broadcast %broadcast_in_dim3A_64 : f32 to vector<16xf32>
      %swap3A_66 = arith.index_cast %scan3A_30 : i32 to index
      %swap3A_67 = arith.constant 112 : index
      %swap3A_68 = tpu.vector_load %arg12[%swap3A_66, %swap3A_67] {strides = array<i32>} : memref<104x128xf32, #tpu.memory_space<vmem>>, vector<16xf32>,
      tpu.vector_store %arg12[%swap3A_66, %swap3A_67], %broadcast_in_dim3A_65 {strides = array<i32>} : memref<104x128xf32, #tpu.memory_space<vmem>>, vector<16xf32>,
    }
    %scan3A_5 = arith.constant 104 : i32
    %mul3A_6 = arith.constant 312 : i32
    %mul3A_7 = arith.muli %arg1, %mul3A_6 : i32
    %add3A = arith.constant 0 : i32
    %add3A_8 = arith.addi %mul3A_7, %add3A : i32
    "tpu.region"() ({
      %run_scoped3A = tpu.sem_alloc : memref<!tpu.dma_semaphore, #tpu.memory_space<semaphore_mem>>
      %dma_start3A = arith.constant 0 : i32
      %dma_start3A_30 = tpu.memref_slice %arg13[%add3A_8, %dma_start3A] : memref<5016x128xf32, #tpu.memory_space<vmem_shared>> -> memref<104x128xf32, #tpu.memory_space<vmem_shared>>
      %dma_start3A_31 = arith.constant 0 : i32
      %dma_start3A_32 = tpu.memref_slice %arg13[%add3A_8, %dma_start3A_31] : memref<5016x128xf32, #tpu.memory_space<vmem_shared>> -> memref<104x128xf32, #tpu.memory_space<vmem_shared>>
      tpu.enqueue_dma source(%arg12 : memref<104x128xf32, #tpu.memory_space<vmem>>) target(%dma_start3A_32 : memref<104x128xf32, #tpu.memory_space<vmem_shared>>) target_semaphore(%run_scoped3A : memref<!tpu.dma_semaphore, #tpu.memory_space<semaphore_mem>>)
      %dma_wait3A = arith.constant 0 : i32
      %dma_wait3A_33 = tpu.memref_slice %arg13[%add3A_8, %dma_wait3A] : memref<5016x128xf32, #tpu.memory_space<vmem_shared>> -> memref<104x128xf32, #tpu.memory_space<vmem_shared>>
      %dma_wait3A_34 = arith.constant 0 : i32
      %dma_wait3A_35 = tpu.memref_slice %arg13[%add3A_8, %dma_wait3A_34] : memref<5016x128xf32, #tpu.memory_space<vmem_shared>> -> memref<104x128xf32, #tpu.memory_space<vmem_shared>>
      tpu.wait_dma2 semaphore(%run_scoped3A : memref<!tpu.dma_semaphore, #tpu.memory_space<semaphore_mem>>) src(%arg12 : memref<104x128xf32, #tpu.memory_space<vmem>>) dst(%dma_wait3A_35 : memref<104x128xf32, #tpu.memory_space<vmem_shared>>)
      tpu.yield
    }) : () -> ()
    %add3A_9 = arith.constant 104 : i32
    %add3A_10 = arith.addi %mul3A_7, %add3A_9 : i32
    "tpu.region"() ({
      %run_scoped3A = tpu.sem_alloc : memref<!tpu.dma_semaphore, #tpu.memory_space<semaphore_mem>>
      %dma_start3A = arith.constant 0 : i32
      %dma_start3A_30 = tpu.memref_slice %arg13[%add3A_10, %dma_start3A] : memref<5016x128xf32, #tpu.memory_space<vmem_shared>> -> memref<104x128xf32, #tpu.memory_space<vmem_shared>>
      %dma_start3A_31 = arith.constant 0 : i32
      %dma_start3A_32 = tpu.memref_slice %arg13[%add3A_10, %dma_start3A_31] : memref<5016x128xf32, #tpu.memory_space<vmem_shared>> -> memref<104x128xf32, #tpu.memory_space<vmem_shared>>
      tpu.enqueue_dma source(%arg12 : memref<104x128xf32, #tpu.memory_space<vmem>>) target(%dma_start3A_32 : memref<104x128xf32, #tpu.memory_space<vmem_shared>>) target_semaphore(%run_scoped3A : memref<!tpu.dma_semaphore, #tpu.memory_space<semaphore_mem>>)
      %dma_wait3A = arith.constant 0 : i32
      %dma_wait3A_33 = tpu.memref_slice %arg13[%add3A_10, %dma_wait3A] : memref<5016x128xf32, #tpu.memory_space<vmem_shared>> -> memref<104x128xf32, #tpu.memory_space<vmem_shared>>
      %dma_wait3A_34 = arith.constant 0 : i32
      %dma_wait3A_35 = tpu.memref_slice %arg13[%add3A_10, %dma_wait3A_34] : memref<5016x128xf32, #tpu.memory_space<vmem_shared>> -> memref<104x128xf32, #tpu.memory_space<vmem_shared>>
      tpu.wait_dma2 semaphore(%run_scoped3A : memref<!tpu.dma_semaphore, #tpu.memory_space<semaphore_mem>>) src(%arg12 : memref<104x128xf32, #tpu.memory_space<vmem>>) dst(%dma_wait3A_35 : memref<104x128xf32, #tpu.memory_space<vmem_shared>>)
      tpu.yield
    }) : () -> ()
    %add3A_11 = arith.constant 208 : i32
    %add3A_12 = arith.addi %mul3A_7, %add3A_11 : i32
    "tpu.region"() ({
      %run_scoped3A = tpu.sem_alloc : memref<!tpu.dma_semaphore, #tpu.memory_space<semaphore_mem>>
      %dma_start3A = arith.constant 0 : i32
      %dma_start3A_30 = tpu.memref_slice %arg13[%add3A_12, %dma_start3A] : memref<5016x128xf32, #tpu.memory_space<vmem_shared>> -> memref<104x128xf32, #tpu.memory_space<vmem_shared>>
      %dma_start3A_31 = arith.constant 0 : i32
      %dma_start3A_32 = tpu.memref_slice %arg13[%add3A_12, %dma_start3A_31] : memref<5016x128xf32, #tpu.memory_space<vmem_shared>> -> memref<104x128xf32, #tpu.memory_space<vmem_shared>>
      tpu.enqueue_dma source(%arg12 : memref<104x128xf32, #tpu.memory_space<vmem>>) target(%dma_start3A_32 : memref<104x128xf32, #tpu.memory_space<vmem_shared>>) target_semaphore(%run_scoped3A : memref<!tpu.dma_semaphore, #tpu.memory_space<semaphore_mem>>)
      %dma_wait3A = arith.constant 0 : i32
      %dma_wait3A_33 = tpu.memref_slice %arg13[%add3A_12, %dma_wait3A] : memref<5016x128xf32, #tpu.memory_space<vmem_shared>> -> memref<104x128xf32, #tpu.memory_space<vmem_shared>>
      %dma_wait3A_34 = arith.constant 0 : i32
      %dma_wait3A_35 = tpu.memref_slice %arg13[%add3A_12, %dma_wait3A_34] : memref<5016x128xf32, #tpu.memory_space<vmem_shared>> -> memref<104x128xf32, #tpu.memory_space<vmem_shared>>
      tpu.wait_dma2 semaphore(%run_scoped3A : memref<!tpu.dma_semaphore, #tpu.memory_space<semaphore_mem>>) src(%arg12 : memref<104x128xf32, #tpu.memory_space<vmem>>) dst(%dma_wait3A_35 : memref<104x128xf32, #tpu.memory_space<vmem_shared>>)
      tpu.yield
    }) : () -> ()
    %eq3A = arith.constant 15 : i32
    %eq3A_13 = arith.cmpi eq, %arg1, %eq3A : i32
    %convert_element_type3A = arith.extui %eq3A_13 : i1 to i32
    %cond3A = arith.constant 0 : i32
    %cond3A_14 = arith.cmpi ne, %convert_element_type3A, %cond3A : i32
    scf.if %cond3A_14 {
      "tpu.region"() ({
        %run_scoped3A = tpu.sem_alloc : memref<!tpu.dma_semaphore, #tpu.memory_space<semaphore_mem>>
        %dma_start3A = arith.constant 0 : i32
        %dma_start3A_30 = arith.constant 0 : i32
        %dma_start3A_31 = tpu.memref_slice %arg12[%dma_start3A, %dma_start3A_30] : memref<104x128xf32, #tpu.memory_space<vmem>> -> memref<24x128xf32, #tpu.memory_space<vmem>>
        %dma_start3A_32 = arith.constant 4992 : i32
        %dma_start3A_33 = arith.constant 0 : i32
        %dma_start3A_34 = tpu.memref_slice %arg13[%dma_start3A_32, %dma_start3A_33] : memref<5016x128xf32, #tpu.memory_space<vmem_shared>> -> memref<24x128xf32, #tpu.memory_space<vmem_shared>>
        %dma_start3A_35 = arith.constant 4992 : i32
        %dma_start3A_36 = arith.constant 0 : i32
        %dma_start3A_37 = tpu.memref_slice %arg13[%dma_start3A_35, %dma_start3A_36] : memref<5016x128xf32, #tpu.memory_space<vmem_shared>> -> memref<24x128xf32, #tpu.memory_space<vmem_shared>>
        %dma_start3A_38 = arith.constant 0 : i32
        %dma_start3A_39 = arith.constant 0 : i32
        %dma_start3A_40 = tpu.memref_slice %arg12[%dma_start3A_38, %dma_start3A_39] : memref<104x128xf32, #tpu.memory_space<vmem>> -> memref<24x128xf32, #tpu.memory_space<vmem>>
        tpu.enqueue_dma source(%dma_start3A_40 : memref<24x128xf32, #tpu.memory_space<vmem>>) target(%dma_start3A_37 : memref<24x128xf32, #tpu.memory_space<vmem_shared>>) target_semaphore(%run_scoped3A : memref<!tpu.dma_semaphore, #tpu.memory_space<semaphore_mem>>)
        %dma_wait3A = arith.constant 0 : i32
        %dma_wait3A_41 = arith.constant 0 : i32
        %dma_wait3A_42 = tpu.memref_slice %arg12[%dma_wait3A, %dma_wait3A_41] : memref<104x128xf32, #tpu.memory_space<vmem>> -> memref<24x128xf32, #tpu.memory_space<vmem>>
        %dma_wait3A_43 = arith.constant 4992 : i32
        %dma_wait3A_44 = arith.constant 0 : i32
        %dma_wait3A_45 = tpu.memref_slice %arg13[%dma_wait3A_43, %dma_wait3A_44] : memref<5016x128xf32, #tpu.memory_space<vmem_shared>> -> memref<24x128xf32, #tpu.memory_space<vmem_shared>>
        %dma_wait3A_46 = arith.constant 4992 : i32
        %dma_wait3A_47 = arith.constant 0 : i32
        %dma_wait3A_48 = tpu.memref_slice %arg13[%dma_wait3A_46, %dma_wait3A_47] : memref<5016x128xf32, #tpu.memory_space<vmem_shared>> -> memref<24x128xf32, #tpu.memory_space<vmem_shared>>
        %dma_wait3A_49 = arith.constant 0 : i32
        %dma_wait3A_50 = arith.constant 0 : i32
        %dma_wait3A_51 = tpu.memref_slice %arg12[%dma_wait3A_49, %dma_wait3A_50] : memref<104x128xf32, #tpu.memory_space<vmem>> -> memref<24x128xf32, #tpu.memory_space<vmem>>
        tpu.wait_dma2 semaphore(%run_scoped3A : memref<!tpu.dma_semaphore, #tpu.memory_space<semaphore_mem>>) src(%dma_wait3A_51 : memref<24x128xf32, #tpu.memory_space<vmem>>) dst(%dma_wait3A_48 : memref<24x128xf32, #tpu.memory_space<vmem_shared>>)
        tpu.yield
      }) : () -> ()
    } else {
    }
    %barrier3A = arith.constant 0 : index
    tpu.barrier barrier_id(%barrier3A)
    %scan3A_15 = arith.constant 0 : i32
    %scan3A_16 = arith.constant 0 : i32
    %scan3A_17 = arith.constant 10 : i32
    %scan3A_18 = arith.addi %scan3A_16, %scan3A_17 : i32
    %scan3A_19 = arith.constant 1 : i32
    scf.for %scan3A_30 = %scan3A_16 to %scan3A_18 step %scan3A_19  : i32 {
      "tpu.region"() ({
        %run_scoped3A = tpu.sem_alloc : memref<!tpu.dma_semaphore, #tpu.memory_space<semaphore_mem>>
        %dma_start3A = arith.constant 0 : i32
        %dma_start3A_37 = arith.constant 0 : i32
        %dma_start3A_38 = tpu.memref_slice %arg4[%arg1, %scan3A_30, %dma_start3A, %dma_start3A_37] : memref<16x10x25x80xi32, #tpu.memory_space<hbm>> -> memref<1x1x25x80xi32, #tpu.memory_space<hbm>>
        %dma_start3A_39 = tpu.memref_squeeze %dma_start3A_38 : memref<1x1x25x80xi32, #tpu.memory_space<hbm>> -> memref<25x80xi32, #tpu.memory_space<hbm>>
        %dma_start3A_40 = arith.constant 0 : i32
        %dma_start3A_41 = arith.constant 0 : i32
        %dma_start3A_42 = tpu.memref_slice %arg4[%arg1, %scan3A_30, %dma_start3A_40, %dma_start3A_41] : memref<16x10x25x80xi32, #tpu.memory_space<hbm>> -> memref<1x1x25x80xi32, #tpu.memory_space<hbm>>
        %dma_start3A_43 = tpu.memref_squeeze %dma_start3A_42 : memref<1x1x25x80xi32, #tpu.memory_space<hbm>> -> memref<25x80xi32, #tpu.memory_space<hbm>>
        tpu.enqueue_dma source(%dma_start3A_43 : memref<25x80xi32, #tpu.memory_space<hbm>>) target(%arg7 : memref<25x80xi32, #tpu.memory_space<vmem>>) target_semaphore(%run_scoped3A : memref<!tpu.dma_semaphore, #tpu.memory_space<semaphore_mem>>)
        %dma_wait3A = arith.constant 0 : i32
        %dma_wait3A_44 = arith.constant 0 : i32
        %dma_wait3A_45 = tpu.memref_slice %arg4[%arg1, %scan3A_30, %dma_wait3A, %dma_wait3A_44] : memref<16x10x25x80xi32, #tpu.memory_space<hbm>> -> memref<1x1x25x80xi32, #tpu.memory_space<hbm>>
        %dma_wait3A_46 = tpu.memref_squeeze %dma_wait3A_45 : memref<1x1x25x80xi32, #tpu.memory_space<hbm>> -> memref<25x80xi32, #tpu.memory_space<hbm>>
        %dma_wait3A_47 = arith.constant 0 : i32
        %dma_wait3A_48 = arith.constant 0 : i32
        %dma_wait3A_49 = tpu.memref_slice %arg4[%arg1, %scan3A_30, %dma_wait3A_47, %dma_wait3A_48] : memref<16x10x25x80xi32, #tpu.memory_space<hbm>> -> memref<1x1x25x80xi32, #tpu.memory_space<hbm>>
        %dma_wait3A_50 = tpu.memref_squeeze %dma_wait3A_49 : memref<1x1x25x80xi32, #tpu.memory_space<hbm>> -> memref<25x80xi32, #tpu.memory_space<hbm>>
        tpu.wait_dma2 semaphore(%run_scoped3A : memref<!tpu.dma_semaphore, #tpu.memory_space<semaphore_mem>>) src(%dma_wait3A_50 : memref<25x80xi32, #tpu.memory_space<hbm>>) dst(%arg7 : memref<25x80xi32, #tpu.memory_space<vmem>>)
        tpu.yield
      }) : () -> ()
      "tpu.region"() ({
        %run_scoped3A = tpu.sem_alloc : memref<!tpu.dma_semaphore, #tpu.memory_space<semaphore_mem>>
        %dma_start3A = arith.constant 0 : i32
        %dma_start3A_37 = arith.constant 0 : i32
        %dma_start3A_38 = tpu.memref_slice %arg5[%arg1, %scan3A_30, %dma_start3A, %dma_start3A_37] : memref<16x10x25x80xi32, #tpu.memory_space<hbm>> -> memref<1x1x25x80xi32, #tpu.memory_space<hbm>>
        %dma_start3A_39 = tpu.memref_squeeze %dma_start3A_38 : memref<1x1x25x80xi32, #tpu.memory_space<hbm>> -> memref<25x80xi32, #tpu.memory_space<hbm>>
        %dma_start3A_40 = arith.constant 0 : i32
        %dma_start3A_41 = arith.constant 0 : i32
        %dma_start3A_42 = tpu.memref_slice %arg5[%arg1, %scan3A_30, %dma_start3A_40, %dma_start3A_41] : memref<16x10x25x80xi32, #tpu.memory_space<hbm>> -> memref<1x1x25x80xi32, #tpu.memory_space<hbm>>
        %dma_start3A_43 = tpu.memref_squeeze %dma_start3A_42 : memref<1x1x25x80xi32, #tpu.memory_space<hbm>> -> memref<25x80xi32, #tpu.memory_space<hbm>>
        tpu.enqueue_dma source(%dma_start3A_43 : memref<25x80xi32, #tpu.memory_space<hbm>>) target(%arg8 : memref<25x80xi32, #tpu.memory_space<vmem>>) target_semaphore(%run_scoped3A : memref<!tpu.dma_semaphore, #tpu.memory_space<semaphore_mem>>)
        %dma_wait3A = arith.constant 0 : i32
        %dma_wait3A_44 = arith.constant 0 : i32
        %dma_wait3A_45 = tpu.memref_slice %arg5[%arg1, %scan3A_30, %dma_wait3A, %dma_wait3A_44] : memref<16x10x25x80xi32, #tpu.memory_space<hbm>> -> memref<1x1x25x80xi32, #tpu.memory_space<hbm>>
        %dma_wait3A_46 = tpu.memref_squeeze %dma_wait3A_45 : memref<1x1x25x80xi32, #tpu.memory_space<hbm>> -> memref<25x80xi32, #tpu.memory_space<hbm>>
        %dma_wait3A_47 = arith.constant 0 : i32
        %dma_wait3A_48 = arith.constant 0 : i32
        %dma_wait3A_49 = tpu.memref_slice %arg5[%arg1, %scan3A_30, %dma_wait3A_47, %dma_wait3A_48] : memref<16x10x25x80xi32, #tpu.memory_space<hbm>> -> memref<1x1x25x80xi32, #tpu.memory_space<hbm>>
        %dma_wait3A_50 = tpu.memref_squeeze %dma_wait3A_49 : memref<1x1x25x80xi32, #tpu.memory_space<hbm>> -> memref<25x80xi32, #tpu.memory_space<hbm>>
        tpu.wait_dma2 semaphore(%run_scoped3A : memref<!tpu.dma_semaphore, #tpu.memory_space<semaphore_mem>>) src(%dma_wait3A_50 : memref<25x80xi32, #tpu.memory_space<hbm>>) dst(%arg8 : memref<25x80xi32, #tpu.memory_space<vmem>>)
        tpu.yield
      }) : () -> ()
      %scan3A_31 = arith.constant 0 : i32
      %scan3A_32 = arith.constant 0 : i32
      %scan3A_33 = arith.constant 25 : i32
      %scan3A_34 = arith.addi %scan3A_32, %scan3A_33 : i32
      %scan3A_35 = arith.constant 1 : i32
      scf.for %scan3A_37 = %scan3A_32 to %scan3A_34 step %scan3A_35  : i32 {
        "tpu.region"() ({
          %run_scoped3A = tpu.sem_alloc : memref<!tpu.dma_semaphore, #tpu.memory_space<semaphore_mem>>
          %dma_start3A = arith.constant 0 : i32
          %dma_start3A_129 = tpu.memref_slice %arg7[%scan3A_37, %dma_start3A] : memref<25x80xi32, #tpu.memory_space<vmem>> -> memref<1x80xi32, #tpu.memory_space<vmem>>
          %dma_start3A_130 = tpu.memref_squeeze %dma_start3A_129 : memref<1x80xi32, #tpu.memory_space<vmem>> -> memref<80xi32, #tpu.memory_space<vmem>>
          %dma_start3A_131 = arith.constant 0 : i32
          %dma_start3A_132 = arith.constant 0 : i32
          %dma_start3A_133 = tpu.memref_slice %arg2[%dma_start3A_131, %dma_start3A_132] : memref<10000x128xf32, #tpu.memory_space<hbm>> -> memref<10000x128xf32, #tpu.memory_space<hbm>>
          tpu.enqueue_indirect_dma source(%dma_start3A_133 : memref<10000x128xf32, #tpu.memory_space<hbm>>) target(%arg10 : memref<80x128xf32, #tpu.memory_space<vmem>>) offsets(%dma_start3A_130 : memref<80xi32, #tpu.memory_space<vmem>>) semaphore(%run_scoped3A : memref<!tpu.dma_semaphore, #tpu.memory_space<semaphore_mem>>)
          %dma_wait3A = arith.constant 0 : i32
          %dma_wait3A_134 = tpu.memref_slice %arg7[%scan3A_37, %dma_wait3A] : memref<25x80xi32, #tpu.memory_space<vmem>> -> memref<1x80xi32, #tpu.memory_space<vmem>>
          %dma_wait3A_135 = tpu.memref_squeeze %dma_wait3A_134 : memref<1x80xi32, #tpu.memory_space<vmem>> -> memref<80xi32, #tpu.memory_space<vmem>>
          %dma_wait3A_136 = arith.constant 0 : i32
          %dma_wait3A_137 = arith.constant 0 : i32
          %dma_wait3A_138 = tpu.memref_slice %arg2[%dma_wait3A_136, %dma_wait3A_137] : memref<10000x128xf32, #tpu.memory_space<hbm>> -> memref<10000x128xf32, #tpu.memory_space<hbm>>
          tpu.wait_indirect_dma semaphore(%run_scoped3A : memref<!tpu.dma_semaphore, #tpu.memory_space<semaphore_mem>>) src(%dma_wait3A_138 : memref<10000x128xf32, #tpu.memory_space<hbm>>) dst(%arg10 : memref<80x128xf32, #tpu.memory_space<vmem>>)
          tpu.yield
        }) : () -> ()
        %mul3A_38 = arith.constant 20000 : i32
        %mul3A_39 = arith.muli %arg1, %mul3A_38 : i32
        %mul3A_40 = arith.constant 25 : i32
        %mul3A_41 = arith.muli %scan3A_30, %mul3A_40 : i32
        %add3A_42 = arith.addi %mul3A_41, %scan3A_37 : i32
        %mul3A_43 = arith.constant 80 : i32
        %mul3A_44 = arith.muli %add3A_42, %mul3A_43 : i32
        %add3A_45 = arith.addi %mul3A_39, %mul3A_44 : i32
        "tpu.region"() ({
          %run_scoped3A = tpu.sem_alloc : memref<!tpu.dma_semaphore, #tpu.memory_space<semaphore_mem>>
          %dma_start3A = arith.constant 0 : i32
          %dma_start3A_129 = tpu.memref_slice %arg3[%add3A_45, %dma_start3A] : memref<320000x128xf32, #tpu.memory_space<hbm>> -> memref<80x128xf32, #tpu.memory_space<hbm>>
          %dma_start3A_130 = arith.constant 0 : i32
          %dma_start3A_131 = tpu.memref_slice %arg3[%add3A_45, %dma_start3A_130] : memref<320000x128xf32, #tpu.memory_space<hbm>> -> memref<80x128xf32, #tpu.memory_space<hbm>>
          tpu.enqueue_dma source(%dma_start3A_131 : memref<80x128xf32, #tpu.memory_space<hbm>>) target(%arg11 : memref<80x128xf32, #tpu.memory_space<vmem>>) target_semaphore(%run_scoped3A : memref<!tpu.dma_semaphore, #tpu.memory_space<semaphore_mem>>)
          %dma_wait3A = arith.constant 0 : i32
          %dma_wait3A_132 = tpu.memref_slice %arg3[%add3A_45, %dma_wait3A] : memref<320000x128xf32, #tpu.memory_space<hbm>> -> memref<80x128xf32, #tpu.memory_space<hbm>>
          %dma_wait3A_133 = arith.constant 0 : i32
          %dma_wait3A_134 = tpu.memref_slice %arg3[%add3A_45, %dma_wait3A_133] : memref<320000x128xf32, #tpu.memory_space<hbm>> -> memref<80x128xf32, #tpu.memory_space<hbm>>
          tpu.wait_dma2 semaphore(%run_scoped3A : memref<!tpu.dma_semaphore, #tpu.memory_space<semaphore_mem>>) src(%dma_wait3A_134 : memref<80x128xf32, #tpu.memory_space<hbm>>) dst(%arg11 : memref<80x128xf32, #tpu.memory_space<vmem>>)
          tpu.yield
        }) : () -> ()
        %get3A = arith.index_cast %scan3A_37 : i32 to index
        %get3A_46 = arith.constant 0 : index
        %get3A_47 = tpu.vector_load %arg8[%get3A, %get3A_46] {strides = array<i32>} : memref<25x80xi32, #tpu.memory_space<vmem>>, vector<16xi32>,
        %sub3A = vector.broadcast %mul3A_0 : i32 to vector<16xi32>
        %sub3A_48 = arith.subi %get3A_47, %sub3A : vector<16xi32>
        %ge3A = arith.constant 0 : i32
        %ge3A_49 = vector.broadcast %ge3A : i32 to vector<16xi32>
        %ge3A_50 = arith.cmpi sge, %sub3A_48, %ge3A_49 : vector<16xi32>
        %lt3A = arith.constant 5008 : i32
        %lt3A_51 = vector.broadcast %lt3A : i32 to vector<16xi32>
        %lt3A_52 = arith.cmpi slt, %sub3A_48, %lt3A_51 : vector<16xi32>
        %and3A_53 = arith.andi %ge3A_50, %lt3A_52 : vector<16xi1>
        %jit3A = arith.constant 5008 : i32
        %broadcast_in_dim3A = vector.broadcast %jit3A : i32 to vector<16xi32>
        %select_n3A = arith.select %and3A_53, %sub3A_48, %broadcast_in_dim3A : vector<16xi1>, vector<16xi32>
        %swap3A = arith.constant 0 : index
        %swap3A_54 = tpu.vector_load %arg9[%swap3A] {strides = array<i32>} : memref<80xi32, #tpu.memory_space<vmem>>, vector<16xi32>,
        tpu.vector_store %arg9[%swap3A], %select_n3A {strides = array<i32>} : memref<80xi32, #tpu.memory_space<vmem>>, vector<16xi32>,
        %get3A_55 = arith.index_cast %scan3A_37 : i32 to index
        %get3A_56 = arith.constant 16 : index
        %get3A_57 = tpu.vector_load %arg8[%get3A_55, %get3A_56] {strides = array<i32>} : memref<25x80xi32, #tpu.memory_space<vmem>>, vector<16xi32>,
        %sub3A_58 = vector.broadcast %mul3A_0 : i32 to vector<16xi32>
        %sub3A_59 = arith.subi %get3A_57, %sub3A_58 : vector<16xi32>
        %ge3A_60 = arith.constant 0 : i32
        %ge3A_61 = vector.broadcast %ge3A_60 : i32 to vector<16xi32>
        %ge3A_62 = arith.cmpi sge, %sub3A_59, %ge3A_61 : vector<16xi32>
        %lt3A_63 = arith.constant 5008 : i32
        %lt3A_64 = vector.broadcast %lt3A_63 : i32 to vector<16xi32>
        %lt3A_65 = arith.cmpi slt, %sub3A_59, %lt3A_64 : vector<16xi32>
        %and3A_66 = arith.andi %ge3A_62, %lt3A_65 : vector<16xi1>
        %jit3A_67 = arith.constant 5008 : i32
        %broadcast_in_dim3A_68 = vector.broadcast %jit3A_67 : i32 to vector<16xi32>
        %select_n3A_69 = arith.select %and3A_66, %sub3A_59, %broadcast_in_dim3A_68 : vector<16xi1>, vector<16xi32>
        %swap3A_70 = arith.constant 16 : index
        %swap3A_71 = tpu.vector_load %arg9[%swap3A_70] {strides = array<i32>} : memref<80xi32, #tpu.memory_space<vmem>>, vector<16xi32>,
        tpu.vector_store %arg9[%swap3A_70], %select_n3A_69 {strides = array<i32>} : memref<80xi32, #tpu.memory_space<vmem>>, vector<16xi32>,
        %get3A_72 = arith.index_cast %scan3A_37 : i32 to index
        %get3A_73 = arith.constant 32 : index
        %get3A_74 = tpu.vector_load %arg8[%get3A_72, %get3A_73] {strides = array<i32>} : memref<25x80xi32, #tpu.memory_space<vmem>>, vector<16xi32>,
        %sub3A_75 = vector.broadcast %mul3A_0 : i32 to vector<16xi32>
        %sub3A_76 = arith.subi %get3A_74, %sub3A_75 : vector<16xi32>
        %ge3A_77 = arith.constant 0 : i32
        %ge3A_78 = vector.broadcast %ge3A_77 : i32 to vector<16xi32>
        %ge3A_79 = arith.cmpi sge, %sub3A_76, %ge3A_78 : vector<16xi32>
        %lt3A_80 = arith.constant 5008 : i32
        %lt3A_81 = vector.broadcast %lt3A_80 : i32 to vector<16xi32>
        %lt3A_82 = arith.cmpi slt, %sub3A_76, %lt3A_81 : vector<16xi32>
        %and3A_83 = arith.andi %ge3A_79, %lt3A_82 : vector<16xi1>
        %jit3A_84 = arith.constant 5008 : i32
        %broadcast_in_dim3A_85 = vector.broadcast %jit3A_84 : i32 to vector<16xi32>
        %select_n3A_86 = arith.select %and3A_83, %sub3A_76, %broadcast_in_dim3A_85 : vector<16xi1>, vector<16xi32>
        %swap3A_87 = arith.constant 32 : index
        %swap3A_88 = tpu.vector_load %arg9[%swap3A_87] {strides = array<i32>} : memref<80xi32, #tpu.memory_space<vmem>>, vector<16xi32>,
        tpu.vector_store %arg9[%swap3A_87], %select_n3A_86 {strides = array<i32>} : memref<80xi32, #tpu.memory_space<vmem>>, vector<16xi32>,
        %get3A_89 = arith.index_cast %scan3A_37 : i32 to index
        %get3A_90 = arith.constant 48 : index
        %get3A_91 = tpu.vector_load %arg8[%get3A_89, %get3A_90] {strides = array<i32>} : memref<25x80xi32, #tpu.memory_space<vmem>>, vector<16xi32>,
        %sub3A_92 = vector.broadcast %mul3A_0 : i32 to vector<16xi32>
        %sub3A_93 = arith.subi %get3A_91, %sub3A_92 : vector<16xi32>
        %ge3A_94 = arith.constant 0 : i32
        %ge3A_95 = vector.broadcast %ge3A_94 : i32 to vector<16xi32>
        %ge3A_96 = arith.cmpi sge, %sub3A_93, %ge3A_95 : vector<16xi32>
        %lt3A_97 = arith.constant 5008 : i32
        %lt3A_98 = vector.broadcast %lt3A_97 : i32 to vector<16xi32>
        %lt3A_99 = arith.cmpi slt, %sub3A_93, %lt3A_98 : vector<16xi32>
        %and3A_100 = arith.andi %ge3A_96, %lt3A_99 : vector<16xi1>
        %jit3A_101 = arith.constant 5008 : i32
        %broadcast_in_dim3A_102 = vector.broadcast %jit3A_101 : i32 to vector<16xi32>
        %select_n3A_103 = arith.select %and3A_100, %sub3A_93, %broadcast_in_dim3A_102 : vector<16xi1>, vector<16xi32>
        %swap3A_104 = arith.constant 48 : index
        %swap3A_105 = tpu.vector_load %arg9[%swap3A_104] {strides = array<i32>} : memref<80xi32, #tpu.memory_space<vmem>>, vector<16xi32>,
        tpu.vector_store %arg9[%swap3A_104], %select_n3A_103 {strides = array<i32>} : memref<80xi32, #tpu.memory_space<vmem>>, vector<16xi32>,
        %get3A_106 = arith.index_cast %scan3A_37 : i32 to index
        %get3A_107 = arith.constant 64 : index
        %get3A_108 = tpu.vector_load %arg8[%get3A_106, %get3A_107] {strides = array<i32>} : memref<25x80xi32, #tpu.memory_space<vmem>>, vector<16xi32>,
        %sub3A_109 = vector.broadcast %mul3A_0 : i32 to vector<16xi32>
        %sub3A_110 = arith.subi %get3A_108, %sub3A_109 : vector<16xi32>
        %ge3A_111 = arith.constant 0 : i32
        %ge3A_112 = vector.broadcast %ge3A_111 : i32 to vector<16xi32>
        %ge3A_113 = arith.cmpi sge, %sub3A_110, %ge3A_112 : vector<16xi32>
        %lt3A_114 = arith.constant 5008 : i32
        %lt3A_115 = vector.broadcast %lt3A_114 : i32 to vector<16xi32>
        %lt3A_116 = arith.cmpi slt, %sub3A_110, %lt3A_115 : vector<16xi32>
        %and3A_117 = arith.andi %ge3A_113, %lt3A_116 : vector<16xi1>
        %jit3A_118 = arith.constant 5008 : i32
        %broadcast_in_dim3A_119 = vector.broadcast %jit3A_118 : i32 to vector<16xi32>
        %select_n3A_120 = arith.select %and3A_117, %sub3A_110, %broadcast_in_dim3A_119 : vector<16xi1>, vector<16xi32>
        %swap3A_121 = arith.constant 64 : index
        %swap3A_122 = tpu.vector_load %arg9[%swap3A_121] {strides = array<i32>} : memref<80xi32, #tpu.memory_space<vmem>>, vector<16xi32>,
        tpu.vector_store %arg9[%swap3A_121], %select_n3A_120 {strides = array<i32>} : memref<80xi32, #tpu.memory_space<vmem>>, vector<16xi32>,
        %scan3A_123 = arith.constant 0 : i32
        %scan3A_124 = arith.constant 0 : i32
        %scan3A_125 = arith.constant 80 : i32
        %scan3A_126 = arith.addi %scan3A_124, %scan3A_125 : i32
        %scan3A_127 = arith.constant 1 : i32
        scf.for %scan3A_129 = %scan3A_124 to %scan3A_126 step %scan3A_127  : i32 {
          %get3A_130 = arith.index_cast %scan3A_129 : i32 to index
          %get3A_131 = arith.constant 0 : index
          %get3A_132 = tpu.vector_load %arg10[%get3A_130, %get3A_131] {strides = array<i32>} : memref<80x128xf32, #tpu.memory_space<vmem>>, vector<16xf32>,
          %get3A_133 = arith.index_cast %scan3A_129 : i32 to index
          %get3A_134 = arith.constant 0 : index
          %get3A_135 = tpu.vector_load %arg11[%get3A_133, %get3A_134] {strides = array<i32>} : memref<80x128xf32, #tpu.memory_space<vmem>>, vector<16xf32>,
          %add3A_136 = arith.addf %get3A_132, %get3A_135 : vector<16xf32>
          %max3A = arith.constant 0.000000e+00 : f32
          %max3A_137 = vector.broadcast %max3A : f32 to vector<16xf32>
          %max3A_138 = arith.maximumf %add3A_136, %max3A_137 : vector<16xf32>
          %swap3A_139 = arith.index_cast %scan3A_129 : i32 to index
          %swap3A_140 = arith.constant 0 : index
          %swap3A_141 = tpu.vector_load %arg10[%swap3A_139, %swap3A_140] {strides = array<i32>} : memref<80x128xf32, #tpu.memory_space<vmem>>, vector<16xf32>,
          tpu.vector_store %arg10[%swap3A_139, %swap3A_140], %max3A_138 {strides = array<i32>} : memref<80x128xf32, #tpu.memory_space<vmem>>, vector<16xf32>,
          %get3A_142 = arith.index_cast %scan3A_129 : i32 to index
          %get3A_143 = arith.constant 16 : index
          %get3A_144 = tpu.vector_load %arg10[%get3A_142, %get3A_143] {strides = array<i32>} : memref<80x128xf32, #tpu.memory_space<vmem>>, vector<16xf32>,
          %get3A_145 = arith.index_cast %scan3A_129 : i32 to index
          %get3A_146 = arith.constant 16 : index
          %get3A_147 = tpu.vector_load %arg11[%get3A_145, %get3A_146] {strides = array<i32>} : memref<80x128xf32, #tpu.memory_space<vmem>>, vector<16xf32>,
          %add3A_148 = arith.addf %get3A_144, %get3A_147 : vector<16xf32>
          %max3A_149 = arith.constant 0.000000e+00 : f32
          %max3A_150 = vector.broadcast %max3A_149 : f32 to vector<16xf32>
          %max3A_151 = arith.maximumf %add3A_148, %max3A_150 : vector<16xf32>
          %swap3A_152 = arith.index_cast %scan3A_129 : i32 to index
          %swap3A_153 = arith.constant 16 : index
          %swap3A_154 = tpu.vector_load %arg10[%swap3A_152, %swap3A_153] {strides = array<i32>} : memref<80x128xf32, #tpu.memory_space<vmem>>, vector<16xf32>,
          tpu.vector_store %arg10[%swap3A_152, %swap3A_153], %max3A_151 {strides = array<i32>} : memref<80x128xf32, #tpu.memory_space<vmem>>, vector<16xf32>,
          %get3A_155 = arith.index_cast %scan3A_129 : i32 to index
          %get3A_156 = arith.constant 32 : index
          %get3A_157 = tpu.vector_load %arg10[%get3A_155, %get3A_156] {strides = array<i32>} : memref<80x128xf32, #tpu.memory_space<vmem>>, vector<16xf32>,
          %get3A_158 = arith.index_cast %scan3A_129 : i32 to index
          %get3A_159 = arith.constant 32 : index
          %get3A_160 = tpu.vector_load %arg11[%get3A_158, %get3A_159] {strides = array<i32>} : memref<80x128xf32, #tpu.memory_space<vmem>>, vector<16xf32>,
          %add3A_161 = arith.addf %get3A_157, %get3A_160 : vector<16xf32>
          %max3A_162 = arith.constant 0.000000e+00 : f32
          %max3A_163 = vector.broadcast %max3A_162 : f32 to vector<16xf32>
          %max3A_164 = arith.maximumf %add3A_161, %max3A_163 : vector<16xf32>
          %swap3A_165 = arith.index_cast %scan3A_129 : i32 to index
          %swap3A_166 = arith.constant 32 : index
          %swap3A_167 = tpu.vector_load %arg10[%swap3A_165, %swap3A_166] {strides = array<i32>} : memref<80x128xf32, #tpu.memory_space<vmem>>, vector<16xf32>,
          tpu.vector_store %arg10[%swap3A_165, %swap3A_166], %max3A_164 {strides = array<i32>} : memref<80x128xf32, #tpu.memory_space<vmem>>, vector<16xf32>,
          %get3A_168 = arith.index_cast %scan3A_129 : i32 to index
          %get3A_169 = arith.constant 48 : index
          %get3A_170 = tpu.vector_load %arg10[%get3A_168, %get3A_169] {strides = array<i32>} : memref<80x128xf32, #tpu.memory_space<vmem>>, vector<16xf32>,
          %get3A_171 = arith.index_cast %scan3A_129 : i32 to index
          %get3A_172 = arith.constant 48 : index
          %get3A_173 = tpu.vector_load %arg11[%get3A_171, %get3A_172] {strides = array<i32>} : memref<80x128xf32, #tpu.memory_space<vmem>>, vector<16xf32>,
          %add3A_174 = arith.addf %get3A_170, %get3A_173 : vector<16xf32>
          %max3A_175 = arith.constant 0.000000e+00 : f32
          %max3A_176 = vector.broadcast %max3A_175 : f32 to vector<16xf32>
          %max3A_177 = arith.maximumf %add3A_174, %max3A_176 : vector<16xf32>
          %swap3A_178 = arith.index_cast %scan3A_129 : i32 to index
          %swap3A_179 = arith.constant 48 : index
          %swap3A_180 = tpu.vector_load %arg10[%swap3A_178, %swap3A_179] {strides = array<i32>} : memref<80x128xf32, #tpu.memory_space<vmem>>, vector<16xf32>,
          tpu.vector_store %arg10[%swap3A_178, %swap3A_179], %max3A_177 {strides = array<i32>} : memref<80x128xf32, #tpu.memory_space<vmem>>, vector<16xf32>,
          %get3A_181 = arith.index_cast %scan3A_129 : i32 to index
          %get3A_182 = arith.constant 64 : index
          %get3A_183 = tpu.vector_load %arg10[%get3A_181, %get3A_182] {strides = array<i32>} : memref<80x128xf32, #tpu.memory_space<vmem>>, vector<16xf32>,
          %get3A_184 = arith.index_cast %scan3A_129 : i32 to index
          %get3A_185 = arith.constant 64 : index
          %get3A_186 = tpu.vector_load %arg11[%get3A_184, %get3A_185] {strides = array<i32>} : memref<80x128xf32, #tpu.memory_space<vmem>>, vector<16xf32>,
          %add3A_187 = arith.addf %get3A_183, %get3A_186 : vector<16xf32>
          %max3A_188 = arith.constant 0.000000e+00 : f32
          %max3A_189 = vector.broadcast %max3A_188 : f32 to vector<16xf32>
          %max3A_190 = arith.maximumf %add3A_187, %max3A_189 : vector<16xf32>
          %swap3A_191 = arith.index_cast %scan3A_129 : i32 to index
          %swap3A_192 = arith.constant 64 : index
          %swap3A_193 = tpu.vector_load %arg10[%swap3A_191, %swap3A_192] {strides = array<i32>} : memref<80x128xf32, #tpu.memory_space<vmem>>, vector<16xf32>,
          tpu.vector_store %arg10[%swap3A_191, %swap3A_192], %max3A_190 {strides = array<i32>} : memref<80x128xf32, #tpu.memory_space<vmem>>, vector<16xf32>,
          %get3A_194 = arith.index_cast %scan3A_129 : i32 to index
          %get3A_195 = arith.constant 80 : index
          %get3A_196 = tpu.vector_load %arg10[%get3A_194, %get3A_195] {strides = array<i32>} : memref<80x128xf32, #tpu.memory_space<vmem>>, vector<16xf32>,
          %get3A_197 = arith.index_cast %scan3A_129 : i32 to index
          %get3A_198 = arith.constant 80 : index
          %get3A_199 = tpu.vector_load %arg11[%get3A_197, %get3A_198] {strides = array<i32>} : memref<80x128xf32, #tpu.memory_space<vmem>>, vector<16xf32>,
          %add3A_200 = arith.addf %get3A_196, %get3A_199 : vector<16xf32>
          %max3A_201 = arith.constant 0.000000e+00 : f32
          %max3A_202 = vector.broadcast %max3A_201 : f32 to vector<16xf32>
          %max3A_203 = arith.maximumf %add3A_200, %max3A_202 : vector<16xf32>
          %swap3A_204 = arith.index_cast %scan3A_129 : i32 to index
          %swap3A_205 = arith.constant 80 : index
          %swap3A_206 = tpu.vector_load %arg10[%swap3A_204, %swap3A_205] {strides = array<i32>} : memref<80x128xf32, #tpu.memory_space<vmem>>, vector<16xf32>,
          tpu.vector_store %arg10[%swap3A_204, %swap3A_205], %max3A_203 {strides = array<i32>} : memref<80x128xf32, #tpu.memory_space<vmem>>, vector<16xf32>,
          %get3A_207 = arith.index_cast %scan3A_129 : i32 to index
          %get3A_208 = arith.constant 96 : index
          %get3A_209 = tpu.vector_load %arg10[%get3A_207, %get3A_208] {strides = array<i32>} : memref<80x128xf32, #tpu.memory_space<vmem>>, vector<16xf32>,
          %get3A_210 = arith.index_cast %scan3A_129 : i32 to index
          %get3A_211 = arith.constant 96 : index
          %get3A_212 = tpu.vector_load %arg11[%get3A_210, %get3A_211] {strides = array<i32>} : memref<80x128xf32, #tpu.memory_space<vmem>>, vector<16xf32>,
          %add3A_213 = arith.addf %get3A_209, %get3A_212 : vector<16xf32>
          %max3A_214 = arith.constant 0.000000e+00 : f32
          %max3A_215 = vector.broadcast %max3A_214 : f32 to vector<16xf32>
          %max3A_216 = arith.maximumf %add3A_213, %max3A_215 : vector<16xf32>
          %swap3A_217 = arith.index_cast %scan3A_129 : i32 to index
          %swap3A_218 = arith.constant 96 : index
          %swap3A_219 = tpu.vector_load %arg10[%swap3A_217, %swap3A_218] {strides = array<i32>} : memref<80x128xf32, #tpu.memory_space<vmem>>, vector<16xf32>,
          tpu.vector_store %arg10[%swap3A_217, %swap3A_218], %max3A_216 {strides = array<i32>} : memref<80x128xf32, #tpu.memory_space<vmem>>, vector<16xf32>,
          %get3A_220 = arith.index_cast %scan3A_129 : i32 to index
          %get3A_221 = arith.constant 112 : index
          %get3A_222 = tpu.vector_load %arg10[%get3A_220, %get3A_221] {strides = array<i32>} : memref<80x128xf32, #tpu.memory_space<vmem>>, vector<16xf32>,
          %get3A_223 = arith.index_cast %scan3A_129 : i32 to index
          %get3A_224 = arith.constant 112 : index
          %get3A_225 = tpu.vector_load %arg11[%get3A_223, %get3A_224] {strides = array<i32>} : memref<80x128xf32, #tpu.memory_space<vmem>>, vector<16xf32>,
          %add3A_226 = arith.addf %get3A_222, %get3A_225 : vector<16xf32>
          %max3A_227 = arith.constant 0.000000e+00 : f32
          %max3A_228 = vector.broadcast %max3A_227 : f32 to vector<16xf32>
          %max3A_229 = arith.maximumf %add3A_226, %max3A_228 : vector<16xf32>
          %swap3A_230 = arith.index_cast %scan3A_129 : i32 to index
          %swap3A_231 = arith.constant 112 : index
          %swap3A_232 = tpu.vector_load %arg10[%swap3A_230, %swap3A_231] {strides = array<i32>} : memref<80x128xf32, #tpu.memory_space<vmem>>, vector<16xf32>,
          tpu.vector_store %arg10[%swap3A_230, %swap3A_231], %max3A_229 {strides = array<i32>} : memref<80x128xf32, #tpu.memory_space<vmem>>, vector<16xf32>,
        }
        %scan3A_128 = arith.constant 80 : i32
        "tpu.region"() ({
          %run_scoped3A = tpu.sem_alloc : memref<!tpu.dma_semaphore, #tpu.memory_space<semaphore_mem>>
          %dma_start3A = arith.constant 0 : i32
          %dma_start3A_129 = arith.constant 0 : i32
          %dma_start3A_130 = tpu.memref_slice %arg13[%dma_start3A, %dma_start3A_129] : memref<5016x128xf32, #tpu.memory_space<vmem_shared>> -> memref<5016x128xf32, #tpu.memory_space<vmem_shared>>
          tpu.enqueue_indirect_dma source(%arg10 : memref<80x128xf32, #tpu.memory_space<vmem>>) target(%dma_start3A_130 : memref<5016x128xf32, #tpu.memory_space<vmem_shared>>) offsets(%arg9 : memref<80xi32, #tpu.memory_space<vmem>>) semaphore(%run_scoped3A : memref<!tpu.dma_semaphore, #tpu.memory_space<semaphore_mem>>) {add = true}
          %dma_wait3A = arith.constant 0 : i32
          %dma_wait3A_131 = arith.constant 0 : i32
          %dma_wait3A_132 = tpu.memref_slice %arg13[%dma_wait3A, %dma_wait3A_131] : memref<5016x128xf32, #tpu.memory_space<vmem_shared>> -> memref<5016x128xf32, #tpu.memory_space<vmem_shared>>
          tpu.wait_indirect_dma semaphore(%run_scoped3A : memref<!tpu.dma_semaphore, #tpu.memory_space<semaphore_mem>>) src(%arg10 : memref<80x128xf32, #tpu.memory_space<vmem>>) dst(%dma_wait3A_132 : memref<5016x128xf32, #tpu.memory_space<vmem_shared>>)
          tpu.yield
        }) : () -> ()
      }
      %scan3A_36 = arith.constant 25 : i32
    }
    %scan3A_20 = arith.constant 10 : i32
    %barrier3A_21 = arith.constant 0 : index
    tpu.barrier barrier_id(%barrier3A_21)
    %add3A_22 = arith.addi %mul3A_0, %mul3A_7 : i32
    "tpu.region"() ({
      %run_scoped3A = tpu.sem_alloc : memref<!tpu.dma_semaphore, #tpu.memory_space<semaphore_mem>>
      %dma_start3A = arith.constant 0 : i32
      %dma_start3A_30 = tpu.memref_slice %arg6[%add3A_22, %dma_start3A] : memref<10000x128xf32, #tpu.memory_space<hbm>> -> memref<312x128xf32, #tpu.memory_space<hbm>>
      %dma_start3A_31 = arith.constant 0 : i32
      %dma_start3A_32 = tpu.memref_slice %arg13[%mul3A_7, %dma_start3A_31] : memref<5016x128xf32, #tpu.memory_space<vmem_shared>> -> memref<312x128xf32, #tpu.memory_space<vmem_shared>>
      tpu.enqueue_dma source(%dma_start3A_32 : memref<312x128xf32, #tpu.memory_space<vmem_shared>>) target(%dma_start3A_30 : memref<312x128xf32, #tpu.memory_space<hbm>>) target_semaphore(%run_scoped3A : memref<!tpu.dma_semaphore, #tpu.memory_space<semaphore_mem>>)
      %dma_wait3A = arith.constant 0 : i32
      %dma_wait3A_33 = tpu.memref_slice %arg6[%add3A_22, %dma_wait3A] : memref<10000x128xf32, #tpu.memory_space<hbm>> -> memref<312x128xf32, #tpu.memory_space<hbm>>
      %dma_wait3A_34 = arith.constant 0 : i32
      %dma_wait3A_35 = tpu.memref_slice %arg13[%mul3A_7, %dma_wait3A_34] : memref<5016x128xf32, #tpu.memory_space<vmem_shared>> -> memref<312x128xf32, #tpu.memory_space<vmem_shared>>
      tpu.wait_dma2 semaphore(%run_scoped3A : memref<!tpu.dma_semaphore, #tpu.memory_space<semaphore_mem>>) src(%dma_wait3A_35 : memref<312x128xf32, #tpu.memory_space<vmem_shared>>) dst(%dma_wait3A_33 : memref<312x128xf32, #tpu.memory_space<hbm>>)
      tpu.yield
    }) : () -> ()
    %eq3A_23 = arith.constant 15 : i32
    %eq3A_24 = arith.cmpi eq, %arg1, %eq3A_23 : i32
    %eq3A_25 = arith.constant 0 : i32
    %eq3A_26 = arith.cmpi eq, %arg0, %eq3A_25 : i32
    %and3A = arith.andi %eq3A_24, %eq3A_26 : i1
    %convert_element_type3A_27 = arith.extui %and3A : i1 to i32
    %cond3A_28 = arith.constant 0 : i32
    %cond3A_29 = arith.cmpi ne, %convert_element_type3A_27, %cond3A_28 : i32
    scf.if %cond3A_29 {
      "tpu.region"() ({
        %run_scoped3A = tpu.sem_alloc : memref<!tpu.dma_semaphore, #tpu.memory_space<semaphore_mem>>
        %dma_start3A = arith.constant 4992 : i32
        %dma_start3A_30 = arith.constant 0 : i32
        %dma_start3A_31 = tpu.memref_slice %arg6[%dma_start3A, %dma_start3A_30] : memref<10000x128xf32, #tpu.memory_space<hbm>> -> memref<16x128xf32, #tpu.memory_space<hbm>>
        %dma_start3A_32 = arith.constant 4992 : i32
        %dma_start3A_33 = arith.constant 0 : i32
        %dma_start3A_34 = tpu.memref_slice %arg13[%dma_start3A_32, %dma_start3A_33] : memref<5016x128xf32, #tpu.memory_space<vmem_shared>> -> memref<16x128xf32, #tpu.memory_space<vmem_shared>>
        tpu.enqueue_dma source(%dma_start3A_34 : memref<16x128xf32, #tpu.memory_space<vmem_shared>>) target(%dma_start3A_31 : memref<16x128xf32, #tpu.memory_space<hbm>>) target_semaphore(%run_scoped3A : memref<!tpu.dma_semaphore, #tpu.memory_space<semaphore_mem>>)
        %dma_wait3A = arith.constant 4992 : i32
        %dma_wait3A_35 = arith.constant 0 : i32
        %dma_wait3A_36 = tpu.memref_slice %arg6[%dma_wait3A, %dma_wait3A_35] : memref<10000x128xf32, #tpu.memory_space<hbm>> -> memref<16x128xf32, #tpu.memory_space<hbm>>
        %dma_wait3A_37 = arith.constant 4992 : i32
        %dma_wait3A_38 = arith.constant 0 : i32
        %dma_wait3A_39 = tpu.memref_slice %arg13[%dma_wait3A_37, %dma_wait3A_38] : memref<5016x128xf32, #tpu.memory_space<vmem_shared>> -> memref<16x128xf32, #tpu.memory_space<vmem_shared>>
        tpu.wait_dma2 semaphore(%run_scoped3A : memref<!tpu.dma_semaphore, #tpu.memory_space<semaphore_mem>>) src(%dma_wait3A_39 : memref<16x128xf32, #tpu.memory_space<vmem_shared>>) dst(%dma_wait3A_36 : memref<16x128xf32, #tpu.memory_space<hbm>>)
        tpu.yield
      }) : () -> ()
    } else {
    }
    return
  }
}

#map = affine_map<(d0, d1) -> (0, 0)>
#map1 = affine_map<(d0, d1) -> (0, 0, 0, 0)>
module attributes {stable_mosaic.version = 14 : i64} {
  func.func @k(%arg0: i32, %arg1: i32, %arg2: memref<10000x128xf32, #tpu.memory_space<hbm>>, %arg3: memref<320000x128xf32, #tpu.memory_space<hbm>>, %arg4: memref<16x10x25x80xi32, #tpu.memory_space<hbm>>, %arg5: memref<16x10x25x80xi32, #tpu.memory_space<hbm>>, %arg6: memref<10000x128xf32, #tpu.memory_space<hbm>>, %arg7: memref<25x80xi32, #tpu.memory_space<vmem>>, %arg8: memref<25x80xi32, #tpu.memory_space<vmem>>, %arg9: memref<80xi32, #tpu.memory_space<vmem>>, %arg10: memref<80x128xf32, #tpu.memory_space<vmem>>, %arg11: memref<80x128xf32, #tpu.memory_space<vmem>>, %arg12: memref<104x128xf32, #tpu.memory_space<vmem>>, %arg13: memref<5016x128xf32, #tpu.memory_space<vmem_shared>>) attributes {dimension_semantics = [#tpu.dimension_semantics<core_parallel>, #tpu.dimension_semantics<subcore_parallel>], iteration_bounds = array<i64: 2, 16>, scalar_prefetch = 0 : i64, scratch_operands = 7 : i64, tpu.core_type = #tpu.core_type<sc_vector_subcore>, window_params = [{transform_indices = #map}, {transform_indices = #map}, {transform_indices = #map1}, {transform_indices = #map1}, {transform_indices = #map}]} {
    %mul3A = arith.constant 5008 : i32
    %mul3A_0 = arith.muli %arg0, %mul3A : i32
    %scan3A = arith.constant 0 : i32
    %scan3A_1 = arith.constant 0 : i32
    %scan3A_2 = arith.constant 104 : i32
    %scan3A_3 = arith.addi %scan3A_1, %scan3A_2 : i32
    %scan3A_4 = arith.constant 1 : i32
    scf.for %scan3A_30 = %scan3A_1 to %scan3A_3 step %scan3A_4  : i32 {
      %broadcast_in_dim3A = arith.constant 0.000000e+00 : f32
      %broadcast_in_dim3A_31 = vector.broadcast %broadcast_in_dim3A : f32 to vector<16xf32>
      %swap3A = arith.index_cast %scan3A_30 : i32 to index
      %swap3A_32 = arith.constant 0 : index
      %swap3A_33 = tpu.vector_load %arg12[%swap3A, %swap3A_32] {strides = array<i32>} : memref<104x128xf32, #tpu.memory_space<vmem>>, vector<16xf32>,
      tpu.vector_store %arg12[%swap3A, %swap3A_32], %broadcast_in_dim3A_31 {strides = array<i32>} : memref<104x128xf32, #tpu.memory_space<vmem>>, vector<16xf32>,
      %broadcast_in_dim3A_34 = arith.constant 0.000000e+00 : f32
      %broadcast_in_dim3A_35 = vector.broadcast %broadcast_in_dim3A_34 : f32 to vector<16xf32>
      %swap3A_36 = arith.index_cast %scan3A_30 : i32 to index
      %swap3A_37 = arith.constant 16 : index
      %swap3A_38 = tpu.vector_load %arg12[%swap3A_36, %swap3A_37] {strides = array<i32>} : memref<104x128xf32, #tpu.memory_space<vmem>>, vector<16xf32>,
      tpu.vector_store %arg12[%swap3A_36, %swap3A_37], %broadcast_in_dim3A_35 {strides = array<i32>} : memref<104x128xf32, #tpu.memory_space<vmem>>, vector<16xf32>,
      %broadcast_in_dim3A_39 = arith.constant 0.000000e+00 : f32
      %broadcast_in_dim3A_40 = vector.broadcast %broadcast_in_dim3A_39 : f32 to vector<16xf32>
      %swap3A_41 = arith.index_cast %scan3A_30 : i32 to index
      %swap3A_42 = arith.constant 32 : index
      %swap3A_43 = tpu.vector_load %arg12[%swap3A_41, %swap3A_42] {strides = array<i32>} : memref<104x128xf32, #tpu.memory_space<vmem>>, vector<16xf32>,
      tpu.vector_store %arg12[%swap3A_41, %swap3A_42], %broadcast_in_dim3A_40 {strides = array<i32>} : memref<104x128xf32, #tpu.memory_space<vmem>>, vector<16xf32>,
      %broadcast_in_dim3A_44 = arith.constant 0.000000e+00 : f32
      %broadcast_in_dim3A_45 = vector.broadcast %broadcast_in_dim3A_44 : f32 to vector<16xf32>
      %swap3A_46 = arith.index_cast %scan3A_30 : i32 to index
      %swap3A_47 = arith.constant 48 : index
      %swap3A_48 = tpu.vector_load %arg12[%swap3A_46, %swap3A_47] {strides = array<i32>} : memref<104x128xf32, #tpu.memory_space<vmem>>, vector<16xf32>,
      tpu.vector_store %arg12[%swap3A_46, %swap3A_47], %broadcast_in_dim3A_45 {strides = array<i32>} : memref<104x128xf32, #tpu.memory_space<vmem>>, vector<16xf32>,
      %broadcast_in_dim3A_49 = arith.constant 0.000000e+00 : f32
      %broadcast_in_dim3A_50 = vector.broadcast %broadcast_in_dim3A_49 : f32 to vector<16xf32>
      %swap3A_51 = arith.index_cast %scan3A_30 : i32 to index
      %swap3A_52 = arith.constant 64 : index
      %swap3A_53 = tpu.vector_load %arg12[%swap3A_51, %swap3A_52] {strides = array<i32>} : memref<104x128xf32, #tpu.memory_space<vmem>>, vector<16xf32>,
      tpu.vector_store %arg12[%swap3A_51, %swap3A_52], %broadcast_in_dim3A_50 {strides = array<i32>} : memref<104x128xf32, #tpu.memory_space<vmem>>, vector<16xf32>,
      %broadcast_in_dim3A_54 = arith.constant 0.000000e+00 : f32
      %broadcast_in_dim3A_55 = vector.broadcast %broadcast_in_dim3A_54 : f32 to vector<16xf32>
      %swap3A_56 = arith.index_cast %scan3A_30 : i32 to index
      %swap3A_57 = arith.constant 80 : index
      %swap3A_58 = tpu.vector_load %arg12[%swap3A_56, %swap3A_57] {strides = array<i32>} : memref<104x128xf32, #tpu.memory_space<vmem>>, vector<16xf32>,
      tpu.vector_store %arg12[%swap3A_56, %swap3A_57], %broadcast_in_dim3A_55 {strides = array<i32>} : memref<104x128xf32, #tpu.memory_space<vmem>>, vector<16xf32>,
      %broadcast_in_dim3A_59 = arith.constant 0.000000e+00 : f32
      %broadcast_in_dim3A_60 = vector.broadcast %broadcast_in_dim3A_59 : f32 to vector<16xf32>
      %swap3A_61 = arith.index_cast %scan3A_30 : i32 to index
      %swap3A_62 = arith.constant 96 : index
      %swap3A_63 = tpu.vector_load %arg12[%swap3A_61, %swap3A_62] {strides = array<i32>} : memref<104x128xf32, #tpu.memory_space<vmem>>, vector<16xf32>,
      tpu.vector_store %arg12[%swap3A_61, %swap3A_62], %broadcast_in_dim3A_60 {strides = array<i32>} : memref<104x128xf32, #tpu.memory_space<vmem>>, vector<16xf32>,
      %broadcast_in_dim3A_64 = arith.constant 0.000000e+00 : f32
      %broadcast_in_dim3A_65 = vector.broadcast %broadcast_in_dim3A_64 : f32 to vector<16xf32>
      %swap3A_66 = arith.index_cast %scan3A_30 : i32 to index
      %swap3A_67 = arith.constant 112 : index
      %swap3A_68 = tpu.vector_load %arg12[%swap3A_66, %swap3A_67] {strides = array<i32>} : memref<104x128xf32, #tpu.memory_space<vmem>>, vector<16xf32>,
      tpu.vector_store %arg12[%swap3A_66, %swap3A_67], %broadcast_in_dim3A_65 {strides = array<i32>} : memref<104x128xf32, #tpu.memory_space<vmem>>, vector<16xf32>,
    }
    %scan3A_5 = arith.constant 104 : i32
    %mul3A_6 = arith.constant 312 : i32
    %mul3A_7 = arith.muli %arg1, %mul3A_6 : i32
    %add3A = arith.constant 0 : i32
    %add3A_8 = arith.addi %mul3A_7, %add3A : i32
    "tpu.region"() ({
      %run_scoped3A = tpu.sem_alloc : memref<!tpu.dma_semaphore, #tpu.memory_space<semaphore_mem>>
      %dma_start3A = arith.constant 0 : i32
      %dma_start3A_30 = tpu.memref_slice %arg13[%add3A_8, %dma_start3A] : memref<5016x128xf32, #tpu.memory_space<vmem_shared>> -> memref<104x128xf32, #tpu.memory_space<vmem_shared>>
      %dma_start3A_31 = arith.constant 0 : i32
      %dma_start3A_32 = tpu.memref_slice %arg13[%add3A_8, %dma_start3A_31] : memref<5016x128xf32, #tpu.memory_space<vmem_shared>> -> memref<104x128xf32, #tpu.memory_space<vmem_shared>>
      tpu.enqueue_dma source(%arg12 : memref<104x128xf32, #tpu.memory_space<vmem>>) target(%dma_start3A_32 : memref<104x128xf32, #tpu.memory_space<vmem_shared>>) target_semaphore(%run_scoped3A : memref<!tpu.dma_semaphore, #tpu.memory_space<semaphore_mem>>)
      %dma_wait3A = arith.constant 0 : i32
      %dma_wait3A_33 = tpu.memref_slice %arg13[%add3A_8, %dma_wait3A] : memref<5016x128xf32, #tpu.memory_space<vmem_shared>> -> memref<104x128xf32, #tpu.memory_space<vmem_shared>>
      %dma_wait3A_34 = arith.constant 0 : i32
      %dma_wait3A_35 = tpu.memref_slice %arg13[%add3A_8, %dma_wait3A_34] : memref<5016x128xf32, #tpu.memory_space<vmem_shared>> -> memref<104x128xf32, #tpu.memory_space<vmem_shared>>
      tpu.wait_dma2 semaphore(%run_scoped3A : memref<!tpu.dma_semaphore, #tpu.memory_space<semaphore_mem>>) src(%arg12 : memref<104x128xf32, #tpu.memory_space<vmem>>) dst(%dma_wait3A_35 : memref<104x128xf32, #tpu.memory_space<vmem_shared>>)
      tpu.yield
    }) : () -> ()
    %add3A_9 = arith.constant 104 : i32
    %add3A_10 = arith.addi %mul3A_7, %add3A_9 : i32
    "tpu.region"() ({
      %run_scoped3A = tpu.sem_alloc : memref<!tpu.dma_semaphore, #tpu.memory_space<semaphore_mem>>
      %dma_start3A = arith.constant 0 : i32
      %dma_start3A_30 = tpu.memref_slice %arg13[%add3A_10, %dma_start3A] : memref<5016x128xf32, #tpu.memory_space<vmem_shared>> -> memref<104x128xf32, #tpu.memory_space<vmem_shared>>
      %dma_start3A_31 = arith.constant 0 : i32
      %dma_start3A_32 = tpu.memref_slice %arg13[%add3A_10, %dma_start3A_31] : memref<5016x128xf32, #tpu.memory_space<vmem_shared>> -> memref<104x128xf32, #tpu.memory_space<vmem_shared>>
      tpu.enqueue_dma source(%arg12 : memref<104x128xf32, #tpu.memory_space<vmem>>) target(%dma_start3A_32 : memref<104x128xf32, #tpu.memory_space<vmem_shared>>) target_semaphore(%run_scoped3A : memref<!tpu.dma_semaphore, #tpu.memory_space<semaphore_mem>>)
      %dma_wait3A = arith.constant 0 : i32
      %dma_wait3A_33 = tpu.memref_slice %arg13[%add3A_10, %dma_wait3A] : memref<5016x128xf32, #tpu.memory_space<vmem_shared>> -> memref<104x128xf32, #tpu.memory_space<vmem_shared>>
      %dma_wait3A_34 = arith.constant 0 : i32
      %dma_wait3A_35 = tpu.memref_slice %arg13[%add3A_10, %dma_wait3A_34] : memref<5016x128xf32, #tpu.memory_space<vmem_shared>> -> memref<104x128xf32, #tpu.memory_space<vmem_shared>>
      tpu.wait_dma2 semaphore(%run_scoped3A : memref<!tpu.dma_semaphore, #tpu.memory_space<semaphore_mem>>) src(%arg12 : memref<104x128xf32, #tpu.memory_space<vmem>>) dst(%dma_wait3A_35 : memref<104x128xf32, #tpu.memory_space<vmem_shared>>)
      tpu.yield
    }) : () -> ()
    %add3A_11 = arith.constant 208 : i32
    %add3A_12 = arith.addi %mul3A_7, %add3A_11 : i32
    "tpu.region"() ({
      %run_scoped3A = tpu.sem_alloc : memref<!tpu.dma_semaphore, #tpu.memory_space<semaphore_mem>>
      %dma_start3A = arith.constant 0 : i32
      %dma_start3A_30 = tpu.memref_slice %arg13[%add3A_12, %dma_start3A] : memref<5016x128xf32, #tpu.memory_space<vmem_shared>> -> memref<104x128xf32, #tpu.memory_space<vmem_shared>>
      %dma_start3A_31 = arith.constant 0 : i32
      %dma_start3A_32 = tpu.memref_slice %arg13[%add3A_12, %dma_start3A_31] : memref<5016x128xf32, #tpu.memory_space<vmem_shared>> -> memref<104x128xf32, #tpu.memory_space<vmem_shared>>
      tpu.enqueue_dma source(%arg12 : memref<104x128xf32, #tpu.memory_space<vmem>>) target(%dma_start3A_32 : memref<104x128xf32, #tpu.memory_space<vmem_shared>>) target_semaphore(%run_scoped3A : memref<!tpu.dma_semaphore, #tpu.memory_space<semaphore_mem>>)
      %dma_wait3A = arith.constant 0 : i32
      %dma_wait3A_33 = tpu.memref_slice %arg13[%add3A_12, %dma_wait3A] : memref<5016x128xf32, #tpu.memory_space<vmem_shared>> -> memref<104x128xf32, #tpu.memory_space<vmem_shared>>
      %dma_wait3A_34 = arith.constant 0 : i32
      %dma_wait3A_35 = tpu.memref_slice %arg13[%add3A_12, %dma_wait3A_34] : memref<5016x128xf32, #tpu.memory_space<vmem_shared>> -> memref<104x128xf32, #tpu.memory_space<vmem_shared>>
      tpu.wait_dma2 semaphore(%run_scoped3A : memref<!tpu.dma_semaphore, #tpu.memory_space<semaphore_mem>>) src(%arg12 : memref<104x128xf32, #tpu.memory_space<vmem>>) dst(%dma_wait3A_35 : memref<104x128xf32, #tpu.memory_space<vmem_shared>>)
      tpu.yield
    }) : () -> ()
    %eq3A = arith.constant 15 : i32
    %eq3A_13 = arith.cmpi eq, %arg1, %eq3A : i32
    %convert_element_type3A = arith.extui %eq3A_13 : i1 to i32
    %cond3A = arith.constant 0 : i32
    %cond3A_14 = arith.cmpi ne, %convert_element_type3A, %cond3A : i32
    scf.if %cond3A_14 {
      "tpu.region"() ({
        %run_scoped3A = tpu.sem_alloc : memref<!tpu.dma_semaphore, #tpu.memory_space<semaphore_mem>>
        %dma_start3A = arith.constant 0 : i32
        %dma_start3A_30 = arith.constant 0 : i32
        %dma_start3A_31 = tpu.memref_slice %arg12[%dma_start3A, %dma_start3A_30] : memref<104x128xf32, #tpu.memory_space<vmem>> -> memref<24x128xf32, #tpu.memory_space<vmem>>
        %dma_start3A_32 = arith.constant 4992 : i32
        %dma_start3A_33 = arith.constant 0 : i32
        %dma_start3A_34 = tpu.memref_slice %arg13[%dma_start3A_32, %dma_start3A_33] : memref<5016x128xf32, #tpu.memory_space<vmem_shared>> -> memref<24x128xf32, #tpu.memory_space<vmem_shared>>
        %dma_start3A_35 = arith.constant 4992 : i32
        %dma_start3A_36 = arith.constant 0 : i32
        %dma_start3A_37 = tpu.memref_slice %arg13[%dma_start3A_35, %dma_start3A_36] : memref<5016x128xf32, #tpu.memory_space<vmem_shared>> -> memref<24x128xf32, #tpu.memory_space<vmem_shared>>
        %dma_start3A_38 = arith.constant 0 : i32
        %dma_start3A_39 = arith.constant 0 : i32
        %dma_start3A_40 = tpu.memref_slice %arg12[%dma_start3A_38, %dma_start3A_39] : memref<104x128xf32, #tpu.memory_space<vmem>> -> memref<24x128xf32, #tpu.memory_space<vmem>>
        tpu.enqueue_dma source(%dma_start3A_40 : memref<24x128xf32, #tpu.memory_space<vmem>>) target(%dma_start3A_37 : memref<24x128xf32, #tpu.memory_space<vmem_shared>>) target_semaphore(%run_scoped3A : memref<!tpu.dma_semaphore, #tpu.memory_space<semaphore_mem>>)
        %dma_wait3A = arith.constant 0 : i32
        %dma_wait3A_41 = arith.constant 0 : i32
        %dma_wait3A_42 = tpu.memref_slice %arg12[%dma_wait3A, %dma_wait3A_41] : memref<104x128xf32, #tpu.memory_space<vmem>> -> memref<24x128xf32, #tpu.memory_space<vmem>>
        %dma_wait3A_43 = arith.constant 4992 : i32
        %dma_wait3A_44 = arith.constant 0 : i32
        %dma_wait3A_45 = tpu.memref_slice %arg13[%dma_wait3A_43, %dma_wait3A_44] : memref<5016x128xf32, #tpu.memory_space<vmem_shared>> -> memref<24x128xf32, #tpu.memory_space<vmem_shared>>
        %dma_wait3A_46 = arith.constant 4992 : i32
        %dma_wait3A_47 = arith.constant 0 : i32
        %dma_wait3A_48 = tpu.memref_slice %arg13[%dma_wait3A_46, %dma_wait3A_47] : memref<5016x128xf32, #tpu.memory_space<vmem_shared>> -> memref<24x128xf32, #tpu.memory_space<vmem_shared>>
        %dma_wait3A_49 = arith.constant 0 : i32
        %dma_wait3A_50 = arith.constant 0 : i32
        %dma_wait3A_51 = tpu.memref_slice %arg12[%dma_wait3A_49, %dma_wait3A_50] : memref<104x128xf32, #tpu.memory_space<vmem>> -> memref<24x128xf32, #tpu.memory_space<vmem>>
        tpu.wait_dma2 semaphore(%run_scoped3A : memref<!tpu.dma_semaphore, #tpu.memory_space<semaphore_mem>>) src(%dma_wait3A_51 : memref<24x128xf32, #tpu.memory_space<vmem>>) dst(%dma_wait3A_48 : memref<24x128xf32, #tpu.memory_space<vmem_shared>>)
        tpu.yield
      }) : () -> ()
    } else {
    }
    %barrier3A = arith.constant 0 : index
    tpu.barrier barrier_id(%barrier3A)
    %scan3A_15 = arith.constant 0 : i32
    %scan3A_16 = arith.constant 0 : i32
    %scan3A_17 = arith.constant 10 : i32
    %scan3A_18 = arith.addi %scan3A_16, %scan3A_17 : i32
    %scan3A_19 = arith.constant 1 : i32
    scf.for %scan3A_30 = %scan3A_16 to %scan3A_18 step %scan3A_19  : i32 {
      "tpu.region"() ({
        %run_scoped3A = tpu.sem_alloc : memref<!tpu.dma_semaphore, #tpu.memory_space<semaphore_mem>>
        %dma_start3A = arith.constant 0 : i32
        %dma_start3A_37 = arith.constant 0 : i32
        %dma_start3A_38 = tpu.memref_slice %arg4[%arg1, %scan3A_30, %dma_start3A, %dma_start3A_37] : memref<16x10x25x80xi32, #tpu.memory_space<hbm>> -> memref<1x1x25x80xi32, #tpu.memory_space<hbm>>
        %dma_start3A_39 = tpu.memref_squeeze %dma_start3A_38 : memref<1x1x25x80xi32, #tpu.memory_space<hbm>> -> memref<25x80xi32, #tpu.memory_space<hbm>>
        %dma_start3A_40 = arith.constant 0 : i32
        %dma_start3A_41 = arith.constant 0 : i32
        %dma_start3A_42 = tpu.memref_slice %arg4[%arg1, %scan3A_30, %dma_start3A_40, %dma_start3A_41] : memref<16x10x25x80xi32, #tpu.memory_space<hbm>> -> memref<1x1x25x80xi32, #tpu.memory_space<hbm>>
        %dma_start3A_43 = tpu.memref_squeeze %dma_start3A_42 : memref<1x1x25x80xi32, #tpu.memory_space<hbm>> -> memref<25x80xi32, #tpu.memory_space<hbm>>
        tpu.enqueue_dma source(%dma_start3A_43 : memref<25x80xi32, #tpu.memory_space<hbm>>) target(%arg7 : memref<25x80xi32, #tpu.memory_space<vmem>>) target_semaphore(%run_scoped3A : memref<!tpu.dma_semaphore, #tpu.memory_space<semaphore_mem>>)
        %dma_wait3A = arith.constant 0 : i32
        %dma_wait3A_44 = arith.constant 0 : i32
        %dma_wait3A_45 = tpu.memref_slice %arg4[%arg1, %scan3A_30, %dma_wait3A, %dma_wait3A_44] : memref<16x10x25x80xi32, #tpu.memory_space<hbm>> -> memref<1x1x25x80xi32, #tpu.memory_space<hbm>>
        %dma_wait3A_46 = tpu.memref_squeeze %dma_wait3A_45 : memref<1x1x25x80xi32, #tpu.memory_space<hbm>> -> memref<25x80xi32, #tpu.memory_space<hbm>>
        %dma_wait3A_47 = arith.constant 0 : i32
        %dma_wait3A_48 = arith.constant 0 : i32
        %dma_wait3A_49 = tpu.memref_slice %arg4[%arg1, %scan3A_30, %dma_wait3A_47, %dma_wait3A_48] : memref<16x10x25x80xi32, #tpu.memory_space<hbm>> -> memref<1x1x25x80xi32, #tpu.memory_space<hbm>>
        %dma_wait3A_50 = tpu.memref_squeeze %dma_wait3A_49 : memref<1x1x25x80xi32, #tpu.memory_space<hbm>> -> memref<25x80xi32, #tpu.memory_space<hbm>>
        tpu.wait_dma2 semaphore(%run_scoped3A : memref<!tpu.dma_semaphore, #tpu.memory_space<semaphore_mem>>) src(%dma_wait3A_50 : memref<25x80xi32, #tpu.memory_space<hbm>>) dst(%arg7 : memref<25x80xi32, #tpu.memory_space<vmem>>)
        tpu.yield
      }) : () -> ()
      "tpu.region"() ({
        %run_scoped3A = tpu.sem_alloc : memref<!tpu.dma_semaphore, #tpu.memory_space<semaphore_mem>>
        %dma_start3A = arith.constant 0 : i32
        %dma_start3A_37 = arith.constant 0 : i32
        %dma_start3A_38 = tpu.memref_slice %arg5[%arg1, %scan3A_30, %dma_start3A, %dma_start3A_37] : memref<16x10x25x80xi32, #tpu.memory_space<hbm>> -> memref<1x1x25x80xi32, #tpu.memory_space<hbm>>
        %dma_start3A_39 = tpu.memref_squeeze %dma_start3A_38 : memref<1x1x25x80xi32, #tpu.memory_space<hbm>> -> memref<25x80xi32, #tpu.memory_space<hbm>>
        %dma_start3A_40 = arith.constant 0 : i32
        %dma_start3A_41 = arith.constant 0 : i32
        %dma_start3A_42 = tpu.memref_slice %arg5[%arg1, %scan3A_30, %dma_start3A_40, %dma_start3A_41] : memref<16x10x25x80xi32, #tpu.memory_space<hbm>> -> memref<1x1x25x80xi32, #tpu.memory_space<hbm>>
        %dma_start3A_43 = tpu.memref_squeeze %dma_start3A_42 : memref<1x1x25x80xi32, #tpu.memory_space<hbm>> -> memref<25x80xi32, #tpu.memory_space<hbm>>
        tpu.enqueue_dma source(%dma_start3A_43 : memref<25x80xi32, #tpu.memory_space<hbm>>) target(%arg8 : memref<25x80xi32, #tpu.memory_space<vmem>>) target_semaphore(%run_scoped3A : memref<!tpu.dma_semaphore, #tpu.memory_space<semaphore_mem>>)
        %dma_wait3A = arith.constant 0 : i32
        %dma_wait3A_44 = arith.constant 0 : i32
        %dma_wait3A_45 = tpu.memref_slice %arg5[%arg1, %scan3A_30, %dma_wait3A, %dma_wait3A_44] : memref<16x10x25x80xi32, #tpu.memory_space<hbm>> -> memref<1x1x25x80xi32, #tpu.memory_space<hbm>>
        %dma_wait3A_46 = tpu.memref_squeeze %dma_wait3A_45 : memref<1x1x25x80xi32, #tpu.memory_space<hbm>> -> memref<25x80xi32, #tpu.memory_space<hbm>>
        %dma_wait3A_47 = arith.constant 0 : i32
        %dma_wait3A_48 = arith.constant 0 : i32
        %dma_wait3A_49 = tpu.memref_slice %arg5[%arg1, %scan3A_30, %dma_wait3A_47, %dma_wait3A_48] : memref<16x10x25x80xi32, #tpu.memory_space<hbm>> -> memref<1x1x25x80xi32, #tpu.memory_space<hbm>>
        %dma_wait3A_50 = tpu.memref_squeeze %dma_wait3A_49 : memref<1x1x25x80xi32, #tpu.memory_space<hbm>> -> memref<25x80xi32, #tpu.memory_space<hbm>>
        tpu.wait_dma2 semaphore(%run_scoped3A : memref<!tpu.dma_semaphore, #tpu.memory_space<semaphore_mem>>) src(%dma_wait3A_50 : memref<25x80xi32, #tpu.memory_space<hbm>>) dst(%arg8 : memref<25x80xi32, #tpu.memory_space<vmem>>)
        tpu.yield
      }) : () -> ()
      %scan3A_31 = arith.constant 0 : i32
      %scan3A_32 = arith.constant 0 : i32
      %scan3A_33 = arith.constant 25 : i32
      %scan3A_34 = arith.addi %scan3A_32, %scan3A_33 : i32
      %scan3A_35 = arith.constant 1 : i32
      scf.for %scan3A_37 = %scan3A_32 to %scan3A_34 step %scan3A_35  : i32 {
        "tpu.region"() ({
          %run_scoped3A = tpu.sem_alloc : memref<!tpu.dma_semaphore, #tpu.memory_space<semaphore_mem>>
          %dma_start3A = arith.constant 0 : i32
          %dma_start3A_129 = tpu.memref_slice %arg7[%scan3A_37, %dma_start3A] : memref<25x80xi32, #tpu.memory_space<vmem>> -> memref<1x80xi32, #tpu.memory_space<vmem>>
          %dma_start3A_130 = tpu.memref_squeeze %dma_start3A_129 : memref<1x80xi32, #tpu.memory_space<vmem>> -> memref<80xi32, #tpu.memory_space<vmem>>
          %dma_start3A_131 = arith.constant 0 : i32
          %dma_start3A_132 = arith.constant 0 : i32
          %dma_start3A_133 = tpu.memref_slice %arg2[%dma_start3A_131, %dma_start3A_132] : memref<10000x128xf32, #tpu.memory_space<hbm>> -> memref<10000x128xf32, #tpu.memory_space<hbm>>
          tpu.enqueue_indirect_dma source(%dma_start3A_133 : memref<10000x128xf32, #tpu.memory_space<hbm>>) target(%arg10 : memref<80x128xf32, #tpu.memory_space<vmem>>) offsets(%dma_start3A_130 : memref<80xi32, #tpu.memory_space<vmem>>) semaphore(%run_scoped3A : memref<!tpu.dma_semaphore, #tpu.memory_space<semaphore_mem>>)
          %dma_wait3A = arith.constant 0 : i32
          %dma_wait3A_134 = tpu.memref_slice %arg7[%scan3A_37, %dma_wait3A] : memref<25x80xi32, #tpu.memory_space<vmem>> -> memref<1x80xi32, #tpu.memory_space<vmem>>
          %dma_wait3A_135 = tpu.memref_squeeze %dma_wait3A_134 : memref<1x80xi32, #tpu.memory_space<vmem>> -> memref<80xi32, #tpu.memory_space<vmem>>
          %dma_wait3A_136 = arith.constant 0 : i32
          %dma_wait3A_137 = arith.constant 0 : i32
          %dma_wait3A_138 = tpu.memref_slice %arg2[%dma_wait3A_136, %dma_wait3A_137] : memref<10000x128xf32, #tpu.memory_space<hbm>> -> memref<10000x128xf32, #tpu.memory_space<hbm>>
          tpu.wait_indirect_dma semaphore(%run_scoped3A : memref<!tpu.dma_semaphore, #tpu.memory_space<semaphore_mem>>) src(%dma_wait3A_138 : memref<10000x128xf32, #tpu.memory_space<hbm>>) dst(%arg10 : memref<80x128xf32, #tpu.memory_space<vmem>>)
          tpu.yield
        }) : () -> ()
        %mul3A_38 = arith.constant 20000 : i32
        %mul3A_39 = arith.muli %arg1, %mul3A_38 : i32
        %mul3A_40 = arith.constant 25 : i32
        %mul3A_41 = arith.muli %scan3A_30, %mul3A_40 : i32
        %add3A_42 = arith.addi %mul3A_41, %scan3A_37 : i32
        %mul3A_43 = arith.constant 80 : i32
        %mul3A_44 = arith.muli %add3A_42, %mul3A_43 : i32
        %add3A_45 = arith.addi %mul3A_39, %mul3A_44 : i32
        "tpu.region"() ({
          %run_scoped3A = tpu.sem_alloc : memref<!tpu.dma_semaphore, #tpu.memory_space<semaphore_mem>>
          %dma_start3A = arith.constant 0 : i32
          %dma_start3A_129 = tpu.memref_slice %arg3[%add3A_45, %dma_start3A] : memref<320000x128xf32, #tpu.memory_space<hbm>> -> memref<80x128xf32, #tpu.memory_space<hbm>>
          %dma_start3A_130 = arith.constant 0 : i32
          %dma_start3A_131 = tpu.memref_slice %arg3[%add3A_45, %dma_start3A_130] : memref<320000x128xf32, #tpu.memory_space<hbm>> -> memref<80x128xf32, #tpu.memory_space<hbm>>
          tpu.enqueue_dma source(%dma_start3A_131 : memref<80x128xf32, #tpu.memory_space<hbm>>) target(%arg11 : memref<80x128xf32, #tpu.memory_space<vmem>>) target_semaphore(%run_scoped3A : memref<!tpu.dma_semaphore, #tpu.memory_space<semaphore_mem>>)
          %dma_wait3A = arith.constant 0 : i32
          %dma_wait3A_132 = tpu.memref_slice %arg3[%add3A_45, %dma_wait3A] : memref<320000x128xf32, #tpu.memory_space<hbm>> -> memref<80x128xf32, #tpu.memory_space<hbm>>
          %dma_wait3A_133 = arith.constant 0 : i32
          %dma_wait3A_134 = tpu.memref_slice %arg3[%add3A_45, %dma_wait3A_133] : memref<320000x128xf32, #tpu.memory_space<hbm>> -> memref<80x128xf32, #tpu.memory_space<hbm>>
          tpu.wait_dma2 semaphore(%run_scoped3A : memref<!tpu.dma_semaphore, #tpu.memory_space<semaphore_mem>>) src(%dma_wait3A_134 : memref<80x128xf32, #tpu.memory_space<hbm>>) dst(%arg11 : memref<80x128xf32, #tpu.memory_space<vmem>>)
          tpu.yield
        }) : () -> ()
        %get3A = arith.index_cast %scan3A_37 : i32 to index
        %get3A_46 = arith.constant 0 : index
        %get3A_47 = tpu.vector_load %arg8[%get3A, %get3A_46] {strides = array<i32>} : memref<25x80xi32, #tpu.memory_space<vmem>>, vector<16xi32>,
        %sub3A = vector.broadcast %mul3A_0 : i32 to vector<16xi32>
        %sub3A_48 = arith.subi %get3A_47, %sub3A : vector<16xi32>
        %ge3A = arith.constant 0 : i32
        %ge3A_49 = vector.broadcast %ge3A : i32 to vector<16xi32>
        %ge3A_50 = arith.cmpi sge, %sub3A_48, %ge3A_49 : vector<16xi32>
        %lt3A = arith.constant 5008 : i32
        %lt3A_51 = vector.broadcast %lt3A : i32 to vector<16xi32>
        %lt3A_52 = arith.cmpi slt, %sub3A_48, %lt3A_51 : vector<16xi32>
        %and3A_53 = arith.andi %ge3A_50, %lt3A_52 : vector<16xi1>
        %jit3A = arith.constant 5008 : i32
        %broadcast_in_dim3A = vector.broadcast %jit3A : i32 to vector<16xi32>
        %select_n3A = arith.select %and3A_53, %sub3A_48, %broadcast_in_dim3A : vector<16xi1>, vector<16xi32>
        %swap3A = arith.constant 0 : index
        %swap3A_54 = tpu.vector_load %arg9[%swap3A] {strides = array<i32>} : memref<80xi32, #tpu.memory_space<vmem>>, vector<16xi32>,
        tpu.vector_store %arg9[%swap3A], %select_n3A {strides = array<i32>} : memref<80xi32, #tpu.memory_space<vmem>>, vector<16xi32>,
        %get3A_55 = arith.index_cast %scan3A_37 : i32 to index
        %get3A_56 = arith.constant 16 : index
        %get3A_57 = tpu.vector_load %arg8[%get3A_55, %get3A_56] {strides = array<i32>} : memref<25x80xi32, #tpu.memory_space<vmem>>, vector<16xi32>,
        %sub3A_58 = vector.broadcast %mul3A_0 : i32 to vector<16xi32>
        %sub3A_59 = arith.subi %get3A_57, %sub3A_58 : vector<16xi32>
        %ge3A_60 = arith.constant 0 : i32
        %ge3A_61 = vector.broadcast %ge3A_60 : i32 to vector<16xi32>
        %ge3A_62 = arith.cmpi sge, %sub3A_59, %ge3A_61 : vector<16xi32>
        %lt3A_63 = arith.constant 5008 : i32
        %lt3A_64 = vector.broadcast %lt3A_63 : i32 to vector<16xi32>
        %lt3A_65 = arith.cmpi slt, %sub3A_59, %lt3A_64 : vector<16xi32>
        %and3A_66 = arith.andi %ge3A_62, %lt3A_65 : vector<16xi1>
        %jit3A_67 = arith.constant 5008 : i32
        %broadcast_in_dim3A_68 = vector.broadcast %jit3A_67 : i32 to vector<16xi32>
        %select_n3A_69 = arith.select %and3A_66, %sub3A_59, %broadcast_in_dim3A_68 : vector<16xi1>, vector<16xi32>
        %swap3A_70 = arith.constant 16 : index
        %swap3A_71 = tpu.vector_load %arg9[%swap3A_70] {strides = array<i32>} : memref<80xi32, #tpu.memory_space<vmem>>, vector<16xi32>,
        tpu.vector_store %arg9[%swap3A_70], %select_n3A_69 {strides = array<i32>} : memref<80xi32, #tpu.memory_space<vmem>>, vector<16xi32>,
        %get3A_72 = arith.index_cast %scan3A_37 : i32 to index
        %get3A_73 = arith.constant 32 : index
        %get3A_74 = tpu.vector_load %arg8[%get3A_72, %get3A_73] {strides = array<i32>} : memref<25x80xi32, #tpu.memory_space<vmem>>, vector<16xi32>,
        %sub3A_75 = vector.broadcast %mul3A_0 : i32 to vector<16xi32>
        %sub3A_76 = arith.subi %get3A_74, %sub3A_75 : vector<16xi32>
        %ge3A_77 = arith.constant 0 : i32
        %ge3A_78 = vector.broadcast %ge3A_77 : i32 to vector<16xi32>
        %ge3A_79 = arith.cmpi sge, %sub3A_76, %ge3A_78 : vector<16xi32>
        %lt3A_80 = arith.constant 5008 : i32
        %lt3A_81 = vector.broadcast %lt3A_80 : i32 to vector<16xi32>
        %lt3A_82 = arith.cmpi slt, %sub3A_76, %lt3A_81 : vector<16xi32>
        %and3A_83 = arith.andi %ge3A_79, %lt3A_82 : vector<16xi1>
        %jit3A_84 = arith.constant 5008 : i32
        %broadcast_in_dim3A_85 = vector.broadcast %jit3A_84 : i32 to vector<16xi32>
        %select_n3A_86 = arith.select %and3A_83, %sub3A_76, %broadcast_in_dim3A_85 : vector<16xi1>, vector<16xi32>
        %swap3A_87 = arith.constant 32 : index
        %swap3A_88 = tpu.vector_load %arg9[%swap3A_87] {strides = array<i32>} : memref<80xi32, #tpu.memory_space<vmem>>, vector<16xi32>,
        tpu.vector_store %arg9[%swap3A_87], %select_n3A_86 {strides = array<i32>} : memref<80xi32, #tpu.memory_space<vmem>>, vector<16xi32>,
        %get3A_89 = arith.index_cast %scan3A_37 : i32 to index
        %get3A_90 = arith.constant 48 : index
        %get3A_91 = tpu.vector_load %arg8[%get3A_89, %get3A_90] {strides = array<i32>} : memref<25x80xi32, #tpu.memory_space<vmem>>, vector<16xi32>,
        %sub3A_92 = vector.broadcast %mul3A_0 : i32 to vector<16xi32>
        %sub3A_93 = arith.subi %get3A_91, %sub3A_92 : vector<16xi32>
        %ge3A_94 = arith.constant 0 : i32
        %ge3A_95 = vector.broadcast %ge3A_94 : i32 to vector<16xi32>
        %ge3A_96 = arith.cmpi sge, %sub3A_93, %ge3A_95 : vector<16xi32>
        %lt3A_97 = arith.constant 5008 : i32
        %lt3A_98 = vector.broadcast %lt3A_97 : i32 to vector<16xi32>
        %lt3A_99 = arith.cmpi slt, %sub3A_93, %lt3A_98 : vector<16xi32>
        %and3A_100 = arith.andi %ge3A_96, %lt3A_99 : vector<16xi1>
        %jit3A_101 = arith.constant 5008 : i32
        %broadcast_in_dim3A_102 = vector.broadcast %jit3A_101 : i32 to vector<16xi32>
        %select_n3A_103 = arith.select %and3A_100, %sub3A_93, %broadcast_in_dim3A_102 : vector<16xi1>, vector<16xi32>
        %swap3A_104 = arith.constant 48 : index
        %swap3A_105 = tpu.vector_load %arg9[%swap3A_104] {strides = array<i32>} : memref<80xi32, #tpu.memory_space<vmem>>, vector<16xi32>,
        tpu.vector_store %arg9[%swap3A_104], %select_n3A_103 {strides = array<i32>} : memref<80xi32, #tpu.memory_space<vmem>>, vector<16xi32>,
        %get3A_106 = arith.index_cast %scan3A_37 : i32 to index
        %get3A_107 = arith.constant 64 : index
        %get3A_108 = tpu.vector_load %arg8[%get3A_106, %get3A_107] {strides = array<i32>} : memref<25x80xi32, #tpu.memory_space<vmem>>, vector<16xi32>,
        %sub3A_109 = vector.broadcast %mul3A_0 : i32 to vector<16xi32>
        %sub3A_110 = arith.subi %get3A_108, %sub3A_109 : vector<16xi32>
        %ge3A_111 = arith.constant 0 : i32
        %ge3A_112 = vector.broadcast %ge3A_111 : i32 to vector<16xi32>
        %ge3A_113 = arith.cmpi sge, %sub3A_110, %ge3A_112 : vector<16xi32>
        %lt3A_114 = arith.constant 5008 : i32
        %lt3A_115 = vector.broadcast %lt3A_114 : i32 to vector<16xi32>
        %lt3A_116 = arith.cmpi slt, %sub3A_110, %lt3A_115 : vector<16xi32>
        %and3A_117 = arith.andi %ge3A_113, %lt3A_116 : vector<16xi1>
        %jit3A_118 = arith.constant 5008 : i32
        %broadcast_in_dim3A_119 = vector.broadcast %jit3A_118 : i32 to vector<16xi32>
        %select_n3A_120 = arith.select %and3A_117, %sub3A_110, %broadcast_in_dim3A_119 : vector<16xi1>, vector<16xi32>
        %swap3A_121 = arith.constant 64 : index
        %swap3A_122 = tpu.vector_load %arg9[%swap3A_121] {strides = array<i32>} : memref<80xi32, #tpu.memory_space<vmem>>, vector<16xi32>,
        tpu.vector_store %arg9[%swap3A_121], %select_n3A_120 {strides = array<i32>} : memref<80xi32, #tpu.memory_space<vmem>>, vector<16xi32>,
        %scan3A_123 = arith.constant 0 : i32
        %scan3A_124 = arith.constant 0 : i32
        %scan3A_125 = arith.constant 80 : i32
        %scan3A_126 = arith.addi %scan3A_124, %scan3A_125 : i32
        %scan3A_127 = arith.constant 1 : i32
        scf.for %scan3A_129 = %scan3A_124 to %scan3A_126 step %scan3A_127  : i32 {
          %get3A_130 = arith.index_cast %scan3A_129 : i32 to index
          %get3A_131 = arith.constant 0 : index
          %get3A_132 = tpu.vector_load %arg10[%get3A_130, %get3A_131] {strides = array<i32>} : memref<80x128xf32, #tpu.memory_space<vmem>>, vector<16xf32>,
          %get3A_133 = arith.index_cast %scan3A_129 : i32 to index
          %get3A_134 = arith.constant 0 : index
          %get3A_135 = tpu.vector_load %arg11[%get3A_133, %get3A_134] {strides = array<i32>} : memref<80x128xf32, #tpu.memory_space<vmem>>, vector<16xf32>,
          %add3A_136 = arith.addf %get3A_132, %get3A_135 : vector<16xf32>
          %max3A = arith.constant 0.000000e+00 : f32
          %max3A_137 = vector.broadcast %max3A : f32 to vector<16xf32>
          %max3A_138 = arith.maximumf %add3A_136, %max3A_137 : vector<16xf32>
          %swap3A_139 = arith.index_cast %scan3A_129 : i32 to index
          %swap3A_140 = arith.constant 0 : index
          %swap3A_141 = tpu.vector_load %arg10[%swap3A_139, %swap3A_140] {strides = array<i32>} : memref<80x128xf32, #tpu.memory_space<vmem>>, vector<16xf32>,
          tpu.vector_store %arg10[%swap3A_139, %swap3A_140], %max3A_138 {strides = array<i32>} : memref<80x128xf32, #tpu.memory_space<vmem>>, vector<16xf32>,
          %get3A_142 = arith.index_cast %scan3A_129 : i32 to index
          %get3A_143 = arith.constant 16 : index
          %get3A_144 = tpu.vector_load %arg10[%get3A_142, %get3A_143] {strides = array<i32>} : memref<80x128xf32, #tpu.memory_space<vmem>>, vector<16xf32>,
          %get3A_145 = arith.index_cast %scan3A_129 : i32 to index
          %get3A_146 = arith.constant 16 : index
          %get3A_147 = tpu.vector_load %arg11[%get3A_145, %get3A_146] {strides = array<i32>} : memref<80x128xf32, #tpu.memory_space<vmem>>, vector<16xf32>,
          %add3A_148 = arith.addf %get3A_144, %get3A_147 : vector<16xf32>
          %max3A_149 = arith.constant 0.000000e+00 : f32
          %max3A_150 = vector.broadcast %max3A_149 : f32 to vector<16xf32>
          %max3A_151 = arith.maximumf %add3A_148, %max3A_150 : vector<16xf32>
          %swap3A_152 = arith.index_cast %scan3A_129 : i32 to index
          %swap3A_153 = arith.constant 16 : index
          %swap3A_154 = tpu.vector_load %arg10[%swap3A_152, %swap3A_153] {strides = array<i32>} : memref<80x128xf32, #tpu.memory_space<vmem>>, vector<16xf32>,
          tpu.vector_store %arg10[%swap3A_152, %swap3A_153], %max3A_151 {strides = array<i32>} : memref<80x128xf32, #tpu.memory_space<vmem>>, vector<16xf32>,
          %get3A_155 = arith.index_cast %scan3A_129 : i32 to index
          %get3A_156 = arith.constant 32 : index
          %get3A_157 = tpu.vector_load %arg10[%get3A_155, %get3A_156] {strides = array<i32>} : memref<80x128xf32, #tpu.memory_space<vmem>>, vector<16xf32>,
          %get3A_158 = arith.index_cast %scan3A_129 : i32 to index
          %get3A_159 = arith.constant 32 : index
          %get3A_160 = tpu.vector_load %arg11[%get3A_158, %get3A_159] {strides = array<i32>} : memref<80x128xf32, #tpu.memory_space<vmem>>, vector<16xf32>,
          %add3A_161 = arith.addf %get3A_157, %get3A_160 : vector<16xf32>
          %max3A_162 = arith.constant 0.000000e+00 : f32
          %max3A_163 = vector.broadcast %max3A_162 : f32 to vector<16xf32>
          %max3A_164 = arith.maximumf %add3A_161, %max3A_163 : vector<16xf32>
          %swap3A_165 = arith.index_cast %scan3A_129 : i32 to index
          %swap3A_166 = arith.constant 32 : index
          %swap3A_167 = tpu.vector_load %arg10[%swap3A_165, %swap3A_166] {strides = array<i32>} : memref<80x128xf32, #tpu.memory_space<vmem>>, vector<16xf32>,
          tpu.vector_store %arg10[%swap3A_165, %swap3A_166], %max3A_164 {strides = array<i32>} : memref<80x128xf32, #tpu.memory_space<vmem>>, vector<16xf32>,
          %get3A_168 = arith.index_cast %scan3A_129 : i32 to index
          %get3A_169 = arith.constant 48 : index
          %get3A_170 = tpu.vector_load %arg10[%get3A_168, %get3A_169] {strides = array<i32>} : memref<80x128xf32, #tpu.memory_space<vmem>>, vector<16xf32>,
          %get3A_171 = arith.index_cast %scan3A_129 : i32 to index
          %get3A_172 = arith.constant 48 : index
          %get3A_173 = tpu.vector_load %arg11[%get3A_171, %get3A_172] {strides = array<i32>} : memref<80x128xf32, #tpu.memory_space<vmem>>, vector<16xf32>,
          %add3A_174 = arith.addf %get3A_170, %get3A_173 : vector<16xf32>
          %max3A_175 = arith.constant 0.000000e+00 : f32
          %max3A_176 = vector.broadcast %max3A_175 : f32 to vector<16xf32>
          %max3A_177 = arith.maximumf %add3A_174, %max3A_176 : vector<16xf32>
          %swap3A_178 = arith.index_cast %scan3A_129 : i32 to index
          %swap3A_179 = arith.constant 48 : index
          %swap3A_180 = tpu.vector_load %arg10[%swap3A_178, %swap3A_179] {strides = array<i32>} : memref<80x128xf32, #tpu.memory_space<vmem>>, vector<16xf32>,
          tpu.vector_store %arg10[%swap3A_178, %swap3A_179], %max3A_177 {strides = array<i32>} : memref<80x128xf32, #tpu.memory_space<vmem>>, vector<16xf32>,
          %get3A_181 = arith.index_cast %scan3A_129 : i32 to index
          %get3A_182 = arith.constant 64 : index
          %get3A_183 = tpu.vector_load %arg10[%get3A_181, %get3A_182] {strides = array<i32>} : memref<80x128xf32, #tpu.memory_space<vmem>>, vector<16xf32>,
          %get3A_184 = arith.index_cast %scan3A_129 : i32 to index
          %get3A_185 = arith.constant 64 : index
          %get3A_186 = tpu.vector_load %arg11[%get3A_184, %get3A_185] {strides = array<i32>} : memref<80x128xf32, #tpu.memory_space<vmem>>, vector<16xf32>,
          %add3A_187 = arith.addf %get3A_183, %get3A_186 : vector<16xf32>
          %max3A_188 = arith.constant 0.000000e+00 : f32
          %max3A_189 = vector.broadcast %max3A_188 : f32 to vector<16xf32>
          %max3A_190 = arith.maximumf %add3A_187, %max3A_189 : vector<16xf32>
          %swap3A_191 = arith.index_cast %scan3A_129 : i32 to index
          %swap3A_192 = arith.constant 64 : index
          %swap3A_193 = tpu.vector_load %arg10[%swap3A_191, %swap3A_192] {strides = array<i32>} : memref<80x128xf32, #tpu.memory_space<vmem>>, vector<16xf32>,
          tpu.vector_store %arg10[%swap3A_191, %swap3A_192], %max3A_190 {strides = array<i32>} : memref<80x128xf32, #tpu.memory_space<vmem>>, vector<16xf32>,
          %get3A_194 = arith.index_cast %scan3A_129 : i32 to index
          %get3A_195 = arith.constant 80 : index
          %get3A_196 = tpu.vector_load %arg10[%get3A_194, %get3A_195] {strides = array<i32>} : memref<80x128xf32, #tpu.memory_space<vmem>>, vector<16xf32>,
          %get3A_197 = arith.index_cast %scan3A_129 : i32 to index
          %get3A_198 = arith.constant 80 : index
          %get3A_199 = tpu.vector_load %arg11[%get3A_197, %get3A_198] {strides = array<i32>} : memref<80x128xf32, #tpu.memory_space<vmem>>, vector<16xf32>,
          %add3A_200 = arith.addf %get3A_196, %get3A_199 : vector<16xf32>
          %max3A_201 = arith.constant 0.000000e+00 : f32
          %max3A_202 = vector.broadcast %max3A_201 : f32 to vector<16xf32>
          %max3A_203 = arith.maximumf %add3A_200, %max3A_202 : vector<16xf32>
          %swap3A_204 = arith.index_cast %scan3A_129 : i32 to index
          %swap3A_205 = arith.constant 80 : index
          %swap3A_206 = tpu.vector_load %arg10[%swap3A_204, %swap3A_205] {strides = array<i32>} : memref<80x128xf32, #tpu.memory_space<vmem>>, vector<16xf32>,
          tpu.vector_store %arg10[%swap3A_204, %swap3A_205], %max3A_203 {strides = array<i32>} : memref<80x128xf32, #tpu.memory_space<vmem>>, vector<16xf32>,
          %get3A_207 = arith.index_cast %scan3A_129 : i32 to index
          %get3A_208 = arith.constant 96 : index
          %get3A_209 = tpu.vector_load %arg10[%get3A_207, %get3A_208] {strides = array<i32>} : memref<80x128xf32, #tpu.memory_space<vmem>>, vector<16xf32>,
          %get3A_210 = arith.index_cast %scan3A_129 : i32 to index
          %get3A_211 = arith.constant 96 : index
          %get3A_212 = tpu.vector_load %arg11[%get3A_210, %get3A_211] {strides = array<i32>} : memref<80x128xf32, #tpu.memory_space<vmem>>, vector<16xf32>,
          %add3A_213 = arith.addf %get3A_209, %get3A_212 : vector<16xf32>
          %max3A_214 = arith.constant 0.000000e+00 : f32
          %max3A_215 = vector.broadcast %max3A_214 : f32 to vector<16xf32>
          %max3A_216 = arith.maximumf %add3A_213, %max3A_215 : vector<16xf32>
          %swap3A_217 = arith.index_cast %scan3A_129 : i32 to index
          %swap3A_218 = arith.constant 96 : index
          %swap3A_219 = tpu.vector_load %arg10[%swap3A_217, %swap3A_218] {strides = array<i32>} : memref<80x128xf32, #tpu.memory_space<vmem>>, vector<16xf32>,
          tpu.vector_store %arg10[%swap3A_217, %swap3A_218], %max3A_216 {strides = array<i32>} : memref<80x128xf32, #tpu.memory_space<vmem>>, vector<16xf32>,
          %get3A_220 = arith.index_cast %scan3A_129 : i32 to index
          %get3A_221 = arith.constant 112 : index
          %get3A_222 = tpu.vector_load %arg10[%get3A_220, %get3A_221] {strides = array<i32>} : memref<80x128xf32, #tpu.memory_space<vmem>>, vector<16xf32>,
          %get3A_223 = arith.index_cast %scan3A_129 : i32 to index
          %get3A_224 = arith.constant 112 : index
          %get3A_225 = tpu.vector_load %arg11[%get3A_223, %get3A_224] {strides = array<i32>} : memref<80x128xf32, #tpu.memory_space<vmem>>, vector<16xf32>,
          %add3A_226 = arith.addf %get3A_222, %get3A_225 : vector<16xf32>
          %max3A_227 = arith.constant 0.000000e+00 : f32
          %max3A_228 = vector.broadcast %max3A_227 : f32 to vector<16xf32>
          %max3A_229 = arith.maximumf %add3A_226, %max3A_228 : vector<16xf32>
          %swap3A_230 = arith.index_cast %scan3A_129 : i32 to index
          %swap3A_231 = arith.constant 112 : index
          %swap3A_232 = tpu.vector_load %arg10[%swap3A_230, %swap3A_231] {strides = array<i32>} : memref<80x128xf32, #tpu.memory_space<vmem>>, vector<16xf32>,
          tpu.vector_store %arg10[%swap3A_230, %swap3A_231], %max3A_229 {strides = array<i32>} : memref<80x128xf32, #tpu.memory_space<vmem>>, vector<16xf32>,
        }
        %scan3A_128 = arith.constant 80 : i32
        "tpu.region"() ({
          %run_scoped3A = tpu.sem_alloc : memref<!tpu.dma_semaphore, #tpu.memory_space<semaphore_mem>>
          %dma_start3A = arith.constant 0 : i32
          %dma_start3A_129 = arith.constant 0 : i32
          %dma_start3A_130 = tpu.memref_slice %arg13[%dma_start3A, %dma_start3A_129] : memref<5016x128xf32, #tpu.memory_space<vmem_shared>> -> memref<5016x128xf32, #tpu.memory_space<vmem_shared>>
          tpu.enqueue_indirect_dma source(%arg10 : memref<80x128xf32, #tpu.memory_space<vmem>>) target(%dma_start3A_130 : memref<5016x128xf32, #tpu.memory_space<vmem_shared>>) offsets(%arg9 : memref<80xi32, #tpu.memory_space<vmem>>) semaphore(%run_scoped3A : memref<!tpu.dma_semaphore, #tpu.memory_space<semaphore_mem>>) {add = true}
          %dma_wait3A = arith.constant 0 : i32
          %dma_wait3A_131 = arith.constant 0 : i32
          %dma_wait3A_132 = tpu.memref_slice %arg13[%dma_wait3A, %dma_wait3A_131] : memref<5016x128xf32, #tpu.memory_space<vmem_shared>> -> memref<5016x128xf32, #tpu.memory_space<vmem_shared>>
          tpu.wait_indirect_dma semaphore(%run_scoped3A : memref<!tpu.dma_semaphore, #tpu.memory_space<semaphore_mem>>) src(%arg10 : memref<80x128xf32, #tpu.memory_space<vmem>>) dst(%dma_wait3A_132 : memref<5016x128xf32, #tpu.memory_space<vmem_shared>>)
          tpu.yield
        }) : () -> ()
      }
      %scan3A_36 = arith.constant 25 : i32
    }
    %scan3A_20 = arith.constant 10 : i32
    %barrier3A_21 = arith.constant 0 : index
    tpu.barrier barrier_id(%barrier3A_21)
    %add3A_22 = arith.addi %mul3A_0, %mul3A_7 : i32
    "tpu.region"() ({
      %run_scoped3A = tpu.sem_alloc : memref<!tpu.dma_semaphore, #tpu.memory_space<semaphore_mem>>
      %dma_start3A = arith.constant 0 : i32
      %dma_start3A_30 = tpu.memref_slice %arg6[%add3A_22, %dma_start3A] : memref<10000x128xf32, #tpu.memory_space<hbm>> -> memref<312x128xf32, #tpu.memory_space<hbm>>
      %dma_start3A_31 = arith.constant 0 : i32
      %dma_start3A_32 = tpu.memref_slice %arg13[%mul3A_7, %dma_start3A_31] : memref<5016x128xf32, #tpu.memory_space<vmem_shared>> -> memref<312x128xf32, #tpu.memory_space<vmem_shared>>
      tpu.enqueue_dma source(%dma_start3A_32 : memref<312x128xf32, #tpu.memory_space<vmem_shared>>) target(%dma_start3A_30 : memref<312x128xf32, #tpu.memory_space<hbm>>) target_semaphore(%run_scoped3A : memref<!tpu.dma_semaphore, #tpu.memory_space<semaphore_mem>>)
      %dma_wait3A = arith.constant 0 : i32
      %dma_wait3A_33 = tpu.memref_slice %arg6[%add3A_22, %dma_wait3A] : memref<10000x128xf32, #tpu.memory_space<hbm>> -> memref<312x128xf32, #tpu.memory_space<hbm>>
      %dma_wait3A_34 = arith.constant 0 : i32
      %dma_wait3A_35 = tpu.memref_slice %arg13[%mul3A_7, %dma_wait3A_34] : memref<5016x128xf32, #tpu.memory_space<vmem_shared>> -> memref<312x128xf32, #tpu.memory_space<vmem_shared>>
      tpu.wait_dma2 semaphore(%run_scoped3A : memref<!tpu.dma_semaphore, #tpu.memory_space<semaphore_mem>>) src(%dma_wait3A_35 : memref<312x128xf32, #tpu.memory_space<vmem_shared>>) dst(%dma_wait3A_33 : memref<312x128xf32, #tpu.memory_space<hbm>>)
      tpu.yield
    }) : () -> ()
    %eq3A_23 = arith.constant 15 : i32
    %eq3A_24 = arith.cmpi eq, %arg1, %eq3A_23 : i32
    %eq3A_25 = arith.constant 0 : i32
    %eq3A_26 = arith.cmpi eq, %arg0, %eq3A_25 : i32
    %and3A = arith.andi %eq3A_24, %eq3A_26 : i1
    %convert_element_type3A_27 = arith.extui %and3A : i1 to i32
    %cond3A_28 = arith.constant 0 : i32
    %cond3A_29 = arith.cmpi ne, %convert_element_type3A_27, %cond3A_28 : i32
    scf.if %cond3A_29 {
      "tpu.region"() ({
        %run_scoped3A = tpu.sem_alloc : memref<!tpu.dma_semaphore, #tpu.memory_space<semaphore_mem>>
        %dma_start3A = arith.constant 4992 : i32
        %dma_start3A_30 = arith.constant 0 : i32
        %dma_start3A_31 = tpu.memref_slice %arg6[%dma_start3A, %dma_start3A_30] : memref<10000x128xf32, #tpu.memory_space<hbm>> -> memref<16x128xf32, #tpu.memory_space<hbm>>
        %dma_start3A_32 = arith.constant 4992 : i32
        %dma_start3A_33 = arith.constant 0 : i32
        %dma_start3A_34 = tpu.memref_slice %arg13[%dma_start3A_32, %dma_start3A_33] : memref<5016x128xf32, #tpu.memory_space<vmem_shared>> -> memref<16x128xf32, #tpu.memory_space<vmem_shared>>
        tpu.enqueue_dma source(%dma_start3A_34 : memref<16x128xf32, #tpu.memory_space<vmem_shared>>) target(%dma_start3A_31 : memref<16x128xf32, #tpu.memory_space<hbm>>) target_semaphore(%run_scoped3A : memref<!tpu.dma_semaphore, #tpu.memory_space<semaphore_mem>>)
        %dma_wait3A = arith.constant 4992 : i32
        %dma_wait3A_35 = arith.constant 0 : i32
        %dma_wait3A_36 = tpu.memref_slice %arg6[%dma_wait3A, %dma_wait3A_35] : memref<10000x128xf32, #tpu.memory_space<hbm>> -> memref<16x128xf32, #tpu.memory_space<hbm>>
        %dma_wait3A_37 = arith.constant 4992 : i32
        %dma_wait3A_38 = arith.constant 0 : i32
        %dma_wait3A_39 = tpu.memref_slice %arg13[%dma_wait3A_37, %dma_wait3A_38] : memref<5016x128xf32, #tpu.memory_space<vmem_shared>> -> memref<16x128xf32, #tpu.memory_space<vmem_shared>>
        tpu.wait_dma2 semaphore(%run_scoped3A : memref<!tpu.dma_semaphore, #tpu.memory_space<semaphore_mem>>) src(%dma_wait3A_39 : memref<16x128xf32, #tpu.memory_space<vmem_shared>>) dst(%dma_wait3A_36 : memref<16x128xf32, #tpu.memory_space<hbm>>)
        tpu.yield
      }) : () -> ()
    } else {
    }
    return
  }
}

#map = affine_map<(d0, d1) -> (0, 0)>
#map1 = affine_map<(d0, d1) -> (0, 0, 0, 0)>
module attributes {stable_mosaic.version = 14 : i64} {
  func.func @k(%arg0: i32, %arg1: i32, %arg2: memref<10000x128xf32, #tpu.memory_space<hbm>>, %arg3: memref<320000x128xf32, #tpu.memory_space<hbm>>, %arg4: memref<16x10x25x80xi32, #tpu.memory_space<hbm>>, %arg5: memref<16x10x25x80xi32, #tpu.memory_space<hbm>>, %arg6: memref<10000x128xf32, #tpu.memory_space<hbm>>, %arg7: memref<25x80xi32, #tpu.memory_space<vmem>>, %arg8: memref<25x80xi32, #tpu.memory_space<vmem>>, %arg9: memref<80xi32, #tpu.memory_space<vmem>>, %arg10: memref<80x128xf32, #tpu.memory_space<vmem>>, %arg11: memref<80x128xf32, #tpu.memory_space<vmem>>, %arg12: memref<104x128xf32, #tpu.memory_space<vmem>>, %arg13: memref<5016x128xf32, #tpu.memory_space<vmem_shared>>) attributes {dimension_semantics = [#tpu.dimension_semantics<core_parallel>, #tpu.dimension_semantics<subcore_parallel>], iteration_bounds = array<i64: 2, 16>, scalar_prefetch = 0 : i64, scratch_operands = 7 : i64, tpu.core_type = #tpu.core_type<sc_vector_subcore>, window_params = [{transform_indices = #map}, {transform_indices = #map}, {transform_indices = #map1}, {transform_indices = #map1}, {transform_indices = #map}]} {
    %mul3A = arith.constant 5008 : i32
    %mul3A_0 = arith.muli %arg0, %mul3A : i32
    %scan3A = arith.constant 0 : i32
    %scan3A_1 = arith.constant 0 : i32
    %scan3A_2 = arith.constant 104 : i32
    %scan3A_3 = arith.addi %scan3A_1, %scan3A_2 : i32
    %scan3A_4 = arith.constant 1 : i32
    scf.for %scan3A_30 = %scan3A_1 to %scan3A_3 step %scan3A_4  : i32 {
      %broadcast_in_dim3A = arith.constant 0.000000e+00 : f32
      %broadcast_in_dim3A_31 = vector.broadcast %broadcast_in_dim3A : f32 to vector<16xf32>
      %swap3A = arith.index_cast %scan3A_30 : i32 to index
      %swap3A_32 = arith.constant 0 : index
      %swap3A_33 = tpu.vector_load %arg12[%swap3A, %swap3A_32] {strides = array<i32>} : memref<104x128xf32, #tpu.memory_space<vmem>>, vector<16xf32>,
      tpu.vector_store %arg12[%swap3A, %swap3A_32], %broadcast_in_dim3A_31 {strides = array<i32>} : memref<104x128xf32, #tpu.memory_space<vmem>>, vector<16xf32>,
      %broadcast_in_dim3A_34 = arith.constant 0.000000e+00 : f32
      %broadcast_in_dim3A_35 = vector.broadcast %broadcast_in_dim3A_34 : f32 to vector<16xf32>
      %swap3A_36 = arith.index_cast %scan3A_30 : i32 to index
      %swap3A_37 = arith.constant 16 : index
      %swap3A_38 = tpu.vector_load %arg12[%swap3A_36, %swap3A_37] {strides = array<i32>} : memref<104x128xf32, #tpu.memory_space<vmem>>, vector<16xf32>,
      tpu.vector_store %arg12[%swap3A_36, %swap3A_37], %broadcast_in_dim3A_35 {strides = array<i32>} : memref<104x128xf32, #tpu.memory_space<vmem>>, vector<16xf32>,
      %broadcast_in_dim3A_39 = arith.constant 0.000000e+00 : f32
      %broadcast_in_dim3A_40 = vector.broadcast %broadcast_in_dim3A_39 : f32 to vector<16xf32>
      %swap3A_41 = arith.index_cast %scan3A_30 : i32 to index
      %swap3A_42 = arith.constant 32 : index
      %swap3A_43 = tpu.vector_load %arg12[%swap3A_41, %swap3A_42] {strides = array<i32>} : memref<104x128xf32, #tpu.memory_space<vmem>>, vector<16xf32>,
      tpu.vector_store %arg12[%swap3A_41, %swap3A_42], %broadcast_in_dim3A_40 {strides = array<i32>} : memref<104x128xf32, #tpu.memory_space<vmem>>, vector<16xf32>,
      %broadcast_in_dim3A_44 = arith.constant 0.000000e+00 : f32
      %broadcast_in_dim3A_45 = vector.broadcast %broadcast_in_dim3A_44 : f32 to vector<16xf32>
      %swap3A_46 = arith.index_cast %scan3A_30 : i32 to index
      %swap3A_47 = arith.constant 48 : index
      %swap3A_48 = tpu.vector_load %arg12[%swap3A_46, %swap3A_47] {strides = array<i32>} : memref<104x128xf32, #tpu.memory_space<vmem>>, vector<16xf32>,
      tpu.vector_store %arg12[%swap3A_46, %swap3A_47], %broadcast_in_dim3A_45 {strides = array<i32>} : memref<104x128xf32, #tpu.memory_space<vmem>>, vector<16xf32>,
      %broadcast_in_dim3A_49 = arith.constant 0.000000e+00 : f32
      %broadcast_in_dim3A_50 = vector.broadcast %broadcast_in_dim3A_49 : f32 to vector<16xf32>
      %swap3A_51 = arith.index_cast %scan3A_30 : i32 to index
      %swap3A_52 = arith.constant 64 : index
      %swap3A_53 = tpu.vector_load %arg12[%swap3A_51, %swap3A_52] {strides = array<i32>} : memref<104x128xf32, #tpu.memory_space<vmem>>, vector<16xf32>,
      tpu.vector_store %arg12[%swap3A_51, %swap3A_52], %broadcast_in_dim3A_50 {strides = array<i32>} : memref<104x128xf32, #tpu.memory_space<vmem>>, vector<16xf32>,
      %broadcast_in_dim3A_54 = arith.constant 0.000000e+00 : f32
      %broadcast_in_dim3A_55 = vector.broadcast %broadcast_in_dim3A_54 : f32 to vector<16xf32>
      %swap3A_56 = arith.index_cast %scan3A_30 : i32 to index
      %swap3A_57 = arith.constant 80 : index
      %swap3A_58 = tpu.vector_load %arg12[%swap3A_56, %swap3A_57] {strides = array<i32>} : memref<104x128xf32, #tpu.memory_space<vmem>>, vector<16xf32>,
      tpu.vector_store %arg12[%swap3A_56, %swap3A_57], %broadcast_in_dim3A_55 {strides = array<i32>} : memref<104x128xf32, #tpu.memory_space<vmem>>, vector<16xf32>,
      %broadcast_in_dim3A_59 = arith.constant 0.000000e+00 : f32
      %broadcast_in_dim3A_60 = vector.broadcast %broadcast_in_dim3A_59 : f32 to vector<16xf32>
      %swap3A_61 = arith.index_cast %scan3A_30 : i32 to index
      %swap3A_62 = arith.constant 96 : index
      %swap3A_63 = tpu.vector_load %arg12[%swap3A_61, %swap3A_62] {strides = array<i32>} : memref<104x128xf32, #tpu.memory_space<vmem>>, vector<16xf32>,
      tpu.vector_store %arg12[%swap3A_61, %swap3A_62], %broadcast_in_dim3A_60 {strides = array<i32>} : memref<104x128xf32, #tpu.memory_space<vmem>>, vector<16xf32>,
      %broadcast_in_dim3A_64 = arith.constant 0.000000e+00 : f32
      %broadcast_in_dim3A_65 = vector.broadcast %broadcast_in_dim3A_64 : f32 to vector<16xf32>
      %swap3A_66 = arith.index_cast %scan3A_30 : i32 to index
      %swap3A_67 = arith.constant 112 : index
      %swap3A_68 = tpu.vector_load %arg12[%swap3A_66, %swap3A_67] {strides = array<i32>} : memref<104x128xf32, #tpu.memory_space<vmem>>, vector<16xf32>,
      tpu.vector_store %arg12[%swap3A_66, %swap3A_67], %broadcast_in_dim3A_65 {strides = array<i32>} : memref<104x128xf32, #tpu.memory_space<vmem>>, vector<16xf32>,
    }
    %scan3A_5 = arith.constant 104 : i32
    %mul3A_6 = arith.constant 312 : i32
    %mul3A_7 = arith.muli %arg1, %mul3A_6 : i32
    %add3A = arith.constant 0 : i32
    %add3A_8 = arith.addi %mul3A_7, %add3A : i32
    "tpu.region"() ({
      %run_scoped3A = tpu.sem_alloc : memref<!tpu.dma_semaphore, #tpu.memory_space<semaphore_mem>>
      %dma_start3A = arith.constant 0 : i32
      %dma_start3A_30 = tpu.memref_slice %arg13[%add3A_8, %dma_start3A] : memref<5016x128xf32, #tpu.memory_space<vmem_shared>> -> memref<104x128xf32, #tpu.memory_space<vmem_shared>>
      %dma_start3A_31 = arith.constant 0 : i32
      %dma_start3A_32 = tpu.memref_slice %arg13[%add3A_8, %dma_start3A_31] : memref<5016x128xf32, #tpu.memory_space<vmem_shared>> -> memref<104x128xf32, #tpu.memory_space<vmem_shared>>
      tpu.enqueue_dma source(%arg12 : memref<104x128xf32, #tpu.memory_space<vmem>>) target(%dma_start3A_32 : memref<104x128xf32, #tpu.memory_space<vmem_shared>>) target_semaphore(%run_scoped3A : memref<!tpu.dma_semaphore, #tpu.memory_space<semaphore_mem>>)
      %dma_wait3A = arith.constant 0 : i32
      %dma_wait3A_33 = tpu.memref_slice %arg13[%add3A_8, %dma_wait3A] : memref<5016x128xf32, #tpu.memory_space<vmem_shared>> -> memref<104x128xf32, #tpu.memory_space<vmem_shared>>
      %dma_wait3A_34 = arith.constant 0 : i32
      %dma_wait3A_35 = tpu.memref_slice %arg13[%add3A_8, %dma_wait3A_34] : memref<5016x128xf32, #tpu.memory_space<vmem_shared>> -> memref<104x128xf32, #tpu.memory_space<vmem_shared>>
      tpu.wait_dma2 semaphore(%run_scoped3A : memref<!tpu.dma_semaphore, #tpu.memory_space<semaphore_mem>>) src(%arg12 : memref<104x128xf32, #tpu.memory_space<vmem>>) dst(%dma_wait3A_35 : memref<104x128xf32, #tpu.memory_space<vmem_shared>>)
      tpu.yield
    }) : () -> ()
    %add3A_9 = arith.constant 104 : i32
    %add3A_10 = arith.addi %mul3A_7, %add3A_9 : i32
    "tpu.region"() ({
      %run_scoped3A = tpu.sem_alloc : memref<!tpu.dma_semaphore, #tpu.memory_space<semaphore_mem>>
      %dma_start3A = arith.constant 0 : i32
      %dma_start3A_30 = tpu.memref_slice %arg13[%add3A_10, %dma_start3A] : memref<5016x128xf32, #tpu.memory_space<vmem_shared>> -> memref<104x128xf32, #tpu.memory_space<vmem_shared>>
      %dma_start3A_31 = arith.constant 0 : i32
      %dma_start3A_32 = tpu.memref_slice %arg13[%add3A_10, %dma_start3A_31] : memref<5016x128xf32, #tpu.memory_space<vmem_shared>> -> memref<104x128xf32, #tpu.memory_space<vmem_shared>>
      tpu.enqueue_dma source(%arg12 : memref<104x128xf32, #tpu.memory_space<vmem>>) target(%dma_start3A_32 : memref<104x128xf32, #tpu.memory_space<vmem_shared>>) target_semaphore(%run_scoped3A : memref<!tpu.dma_semaphore, #tpu.memory_space<semaphore_mem>>)
      %dma_wait3A = arith.constant 0 : i32
      %dma_wait3A_33 = tpu.memref_slice %arg13[%add3A_10, %dma_wait3A] : memref<5016x128xf32, #tpu.memory_space<vmem_shared>> -> memref<104x128xf32, #tpu.memory_space<vmem_shared>>
      %dma_wait3A_34 = arith.constant 0 : i32
      %dma_wait3A_35 = tpu.memref_slice %arg13[%add3A_10, %dma_wait3A_34] : memref<5016x128xf32, #tpu.memory_space<vmem_shared>> -> memref<104x128xf32, #tpu.memory_space<vmem_shared>>
      tpu.wait_dma2 semaphore(%run_scoped3A : memref<!tpu.dma_semaphore, #tpu.memory_space<semaphore_mem>>) src(%arg12 : memref<104x128xf32, #tpu.memory_space<vmem>>) dst(%dma_wait3A_35 : memref<104x128xf32, #tpu.memory_space<vmem_shared>>)
      tpu.yield
    }) : () -> ()
    %add3A_11 = arith.constant 208 : i32
    %add3A_12 = arith.addi %mul3A_7, %add3A_11 : i32
    "tpu.region"() ({
      %run_scoped3A = tpu.sem_alloc : memref<!tpu.dma_semaphore, #tpu.memory_space<semaphore_mem>>
      %dma_start3A = arith.constant 0 : i32
      %dma_start3A_30 = tpu.memref_slice %arg13[%add3A_12, %dma_start3A] : memref<5016x128xf32, #tpu.memory_space<vmem_shared>> -> memref<104x128xf32, #tpu.memory_space<vmem_shared>>
      %dma_start3A_31 = arith.constant 0 : i32
      %dma_start3A_32 = tpu.memref_slice %arg13[%add3A_12, %dma_start3A_31] : memref<5016x128xf32, #tpu.memory_space<vmem_shared>> -> memref<104x128xf32, #tpu.memory_space<vmem_shared>>
      tpu.enqueue_dma source(%arg12 : memref<104x128xf32, #tpu.memory_space<vmem>>) target(%dma_start3A_32 : memref<104x128xf32, #tpu.memory_space<vmem_shared>>) target_semaphore(%run_scoped3A : memref<!tpu.dma_semaphore, #tpu.memory_space<semaphore_mem>>)
      %dma_wait3A = arith.constant 0 : i32
      %dma_wait3A_33 = tpu.memref_slice %arg13[%add3A_12, %dma_wait3A] : memref<5016x128xf32, #tpu.memory_space<vmem_shared>> -> memref<104x128xf32, #tpu.memory_space<vmem_shared>>
      %dma_wait3A_34 = arith.constant 0 : i32
      %dma_wait3A_35 = tpu.memref_slice %arg13[%add3A_12, %dma_wait3A_34] : memref<5016x128xf32, #tpu.memory_space<vmem_shared>> -> memref<104x128xf32, #tpu.memory_space<vmem_shared>>
      tpu.wait_dma2 semaphore(%run_scoped3A : memref<!tpu.dma_semaphore, #tpu.memory_space<semaphore_mem>>) src(%arg12 : memref<104x128xf32, #tpu.memory_space<vmem>>) dst(%dma_wait3A_35 : memref<104x128xf32, #tpu.memory_space<vmem_shared>>)
      tpu.yield
    }) : () -> ()
    %eq3A = arith.constant 15 : i32
    %eq3A_13 = arith.cmpi eq, %arg1, %eq3A : i32
    %convert_element_type3A = arith.extui %eq3A_13 : i1 to i32
    %cond3A = arith.constant 0 : i32
    %cond3A_14 = arith.cmpi ne, %convert_element_type3A, %cond3A : i32
    scf.if %cond3A_14 {
      "tpu.region"() ({
        %run_scoped3A = tpu.sem_alloc : memref<!tpu.dma_semaphore, #tpu.memory_space<semaphore_mem>>
        %dma_start3A = arith.constant 0 : i32
        %dma_start3A_30 = arith.constant 0 : i32
        %dma_start3A_31 = tpu.memref_slice %arg12[%dma_start3A, %dma_start3A_30] : memref<104x128xf32, #tpu.memory_space<vmem>> -> memref<24x128xf32, #tpu.memory_space<vmem>>
        %dma_start3A_32 = arith.constant 4992 : i32
        %dma_start3A_33 = arith.constant 0 : i32
        %dma_start3A_34 = tpu.memref_slice %arg13[%dma_start3A_32, %dma_start3A_33] : memref<5016x128xf32, #tpu.memory_space<vmem_shared>> -> memref<24x128xf32, #tpu.memory_space<vmem_shared>>
        %dma_start3A_35 = arith.constant 4992 : i32
        %dma_start3A_36 = arith.constant 0 : i32
        %dma_start3A_37 = tpu.memref_slice %arg13[%dma_start3A_35, %dma_start3A_36] : memref<5016x128xf32, #tpu.memory_space<vmem_shared>> -> memref<24x128xf32, #tpu.memory_space<vmem_shared>>
        %dma_start3A_38 = arith.constant 0 : i32
        %dma_start3A_39 = arith.constant 0 : i32
        %dma_start3A_40 = tpu.memref_slice %arg12[%dma_start3A_38, %dma_start3A_39] : memref<104x128xf32, #tpu.memory_space<vmem>> -> memref<24x128xf32, #tpu.memory_space<vmem>>
        tpu.enqueue_dma source(%dma_start3A_40 : memref<24x128xf32, #tpu.memory_space<vmem>>) target(%dma_start3A_37 : memref<24x128xf32, #tpu.memory_space<vmem_shared>>) target_semaphore(%run_scoped3A : memref<!tpu.dma_semaphore, #tpu.memory_space<semaphore_mem>>)
        %dma_wait3A = arith.constant 0 : i32
        %dma_wait3A_41 = arith.constant 0 : i32
        %dma_wait3A_42 = tpu.memref_slice %arg12[%dma_wait3A, %dma_wait3A_41] : memref<104x128xf32, #tpu.memory_space<vmem>> -> memref<24x128xf32, #tpu.memory_space<vmem>>
        %dma_wait3A_43 = arith.constant 4992 : i32
        %dma_wait3A_44 = arith.constant 0 : i32
        %dma_wait3A_45 = tpu.memref_slice %arg13[%dma_wait3A_43, %dma_wait3A_44] : memref<5016x128xf32, #tpu.memory_space<vmem_shared>> -> memref<24x128xf32, #tpu.memory_space<vmem_shared>>
        %dma_wait3A_46 = arith.constant 4992 : i32
        %dma_wait3A_47 = arith.constant 0 : i32
        %dma_wait3A_48 = tpu.memref_slice %arg13[%dma_wait3A_46, %dma_wait3A_47] : memref<5016x128xf32, #tpu.memory_space<vmem_shared>> -> memref<24x128xf32, #tpu.memory_space<vmem_shared>>
        %dma_wait3A_49 = arith.constant 0 : i32
        %dma_wait3A_50 = arith.constant 0 : i32
        %dma_wait3A_51 = tpu.memref_slice %arg12[%dma_wait3A_49, %dma_wait3A_50] : memref<104x128xf32, #tpu.memory_space<vmem>> -> memref<24x128xf32, #tpu.memory_space<vmem>>
        tpu.wait_dma2 semaphore(%run_scoped3A : memref<!tpu.dma_semaphore, #tpu.memory_space<semaphore_mem>>) src(%dma_wait3A_51 : memref<24x128xf32, #tpu.memory_space<vmem>>) dst(%dma_wait3A_48 : memref<24x128xf32, #tpu.memory_space<vmem_shared>>)
        tpu.yield
      }) : () -> ()
    } else {
    }
    %barrier3A = arith.constant 0 : index
    tpu.barrier barrier_id(%barrier3A)
    %scan3A_15 = arith.constant 0 : i32
    %scan3A_16 = arith.constant 0 : i32
    %scan3A_17 = arith.constant 10 : i32
    %scan3A_18 = arith.addi %scan3A_16, %scan3A_17 : i32
    %scan3A_19 = arith.constant 1 : i32
    scf.for %scan3A_30 = %scan3A_16 to %scan3A_18 step %scan3A_19  : i32 {
      "tpu.region"() ({
        %run_scoped3A = tpu.sem_alloc : memref<!tpu.dma_semaphore, #tpu.memory_space<semaphore_mem>>
        %dma_start3A = arith.constant 0 : i32
        %dma_start3A_37 = arith.constant 0 : i32
        %dma_start3A_38 = tpu.memref_slice %arg4[%arg1, %scan3A_30, %dma_start3A, %dma_start3A_37] : memref<16x10x25x80xi32, #tpu.memory_space<hbm>> -> memref<1x1x25x80xi32, #tpu.memory_space<hbm>>
        %dma_start3A_39 = tpu.memref_squeeze %dma_start3A_38 : memref<1x1x25x80xi32, #tpu.memory_space<hbm>> -> memref<25x80xi32, #tpu.memory_space<hbm>>
        %dma_start3A_40 = arith.constant 0 : i32
        %dma_start3A_41 = arith.constant 0 : i32
        %dma_start3A_42 = tpu.memref_slice %arg4[%arg1, %scan3A_30, %dma_start3A_40, %dma_start3A_41] : memref<16x10x25x80xi32, #tpu.memory_space<hbm>> -> memref<1x1x25x80xi32, #tpu.memory_space<hbm>>
        %dma_start3A_43 = tpu.memref_squeeze %dma_start3A_42 : memref<1x1x25x80xi32, #tpu.memory_space<hbm>> -> memref<25x80xi32, #tpu.memory_space<hbm>>
        tpu.enqueue_dma source(%dma_start3A_43 : memref<25x80xi32, #tpu.memory_space<hbm>>) target(%arg7 : memref<25x80xi32, #tpu.memory_space<vmem>>) target_semaphore(%run_scoped3A : memref<!tpu.dma_semaphore, #tpu.memory_space<semaphore_mem>>)
        %dma_wait3A = arith.constant 0 : i32
        %dma_wait3A_44 = arith.constant 0 : i32
        %dma_wait3A_45 = tpu.memref_slice %arg4[%arg1, %scan3A_30, %dma_wait3A, %dma_wait3A_44] : memref<16x10x25x80xi32, #tpu.memory_space<hbm>> -> memref<1x1x25x80xi32, #tpu.memory_space<hbm>>
        %dma_wait3A_46 = tpu.memref_squeeze %dma_wait3A_45 : memref<1x1x25x80xi32, #tpu.memory_space<hbm>> -> memref<25x80xi32, #tpu.memory_space<hbm>>
        %dma_wait3A_47 = arith.constant 0 : i32
        %dma_wait3A_48 = arith.constant 0 : i32
        %dma_wait3A_49 = tpu.memref_slice %arg4[%arg1, %scan3A_30, %dma_wait3A_47, %dma_wait3A_48] : memref<16x10x25x80xi32, #tpu.memory_space<hbm>> -> memref<1x1x25x80xi32, #tpu.memory_space<hbm>>
        %dma_wait3A_50 = tpu.memref_squeeze %dma_wait3A_49 : memref<1x1x25x80xi32, #tpu.memory_space<hbm>> -> memref<25x80xi32, #tpu.memory_space<hbm>>
        tpu.wait_dma2 semaphore(%run_scoped3A : memref<!tpu.dma_semaphore, #tpu.memory_space<semaphore_mem>>) src(%dma_wait3A_50 : memref<25x80xi32, #tpu.memory_space<hbm>>) dst(%arg7 : memref<25x80xi32, #tpu.memory_space<vmem>>)
        tpu.yield
      }) : () -> ()
      "tpu.region"() ({
        %run_scoped3A = tpu.sem_alloc : memref<!tpu.dma_semaphore, #tpu.memory_space<semaphore_mem>>
        %dma_start3A = arith.constant 0 : i32
        %dma_start3A_37 = arith.constant 0 : i32
        %dma_start3A_38 = tpu.memref_slice %arg5[%arg1, %scan3A_30, %dma_start3A, %dma_start3A_37] : memref<16x10x25x80xi32, #tpu.memory_space<hbm>> -> memref<1x1x25x80xi32, #tpu.memory_space<hbm>>
        %dma_start3A_39 = tpu.memref_squeeze %dma_start3A_38 : memref<1x1x25x80xi32, #tpu.memory_space<hbm>> -> memref<25x80xi32, #tpu.memory_space<hbm>>
        %dma_start3A_40 = arith.constant 0 : i32
        %dma_start3A_41 = arith.constant 0 : i32
        %dma_start3A_42 = tpu.memref_slice %arg5[%arg1, %scan3A_30, %dma_start3A_40, %dma_start3A_41] : memref<16x10x25x80xi32, #tpu.memory_space<hbm>> -> memref<1x1x25x80xi32, #tpu.memory_space<hbm>>
        %dma_start3A_43 = tpu.memref_squeeze %dma_start3A_42 : memref<1x1x25x80xi32, #tpu.memory_space<hbm>> -> memref<25x80xi32, #tpu.memory_space<hbm>>
        tpu.enqueue_dma source(%dma_start3A_43 : memref<25x80xi32, #tpu.memory_space<hbm>>) target(%arg8 : memref<25x80xi32, #tpu.memory_space<vmem>>) target_semaphore(%run_scoped3A : memref<!tpu.dma_semaphore, #tpu.memory_space<semaphore_mem>>)
        %dma_wait3A = arith.constant 0 : i32
        %dma_wait3A_44 = arith.constant 0 : i32
        %dma_wait3A_45 = tpu.memref_slice %arg5[%arg1, %scan3A_30, %dma_wait3A, %dma_wait3A_44] : memref<16x10x25x80xi32, #tpu.memory_space<hbm>> -> memref<1x1x25x80xi32, #tpu.memory_space<hbm>>
        %dma_wait3A_46 = tpu.memref_squeeze %dma_wait3A_45 : memref<1x1x25x80xi32, #tpu.memory_space<hbm>> -> memref<25x80xi32, #tpu.memory_space<hbm>>
        %dma_wait3A_47 = arith.constant 0 : i32
        %dma_wait3A_48 = arith.constant 0 : i32
        %dma_wait3A_49 = tpu.memref_slice %arg5[%arg1, %scan3A_30, %dma_wait3A_47, %dma_wait3A_48] : memref<16x10x25x80xi32, #tpu.memory_space<hbm>> -> memref<1x1x25x80xi32, #tpu.memory_space<hbm>>
        %dma_wait3A_50 = tpu.memref_squeeze %dma_wait3A_49 : memref<1x1x25x80xi32, #tpu.memory_space<hbm>> -> memref<25x80xi32, #tpu.memory_space<hbm>>
        tpu.wait_dma2 semaphore(%run_scoped3A : memref<!tpu.dma_semaphore, #tpu.memory_space<semaphore_mem>>) src(%dma_wait3A_50 : memref<25x80xi32, #tpu.memory_space<hbm>>) dst(%arg8 : memref<25x80xi32, #tpu.memory_space<vmem>>)
        tpu.yield
      }) : () -> ()
      %scan3A_31 = arith.constant 0 : i32
      %scan3A_32 = arith.constant 0 : i32
      %scan3A_33 = arith.constant 25 : i32
      %scan3A_34 = arith.addi %scan3A_32, %scan3A_33 : i32
      %scan3A_35 = arith.constant 1 : i32
      scf.for %scan3A_37 = %scan3A_32 to %scan3A_34 step %scan3A_35  : i32 {
        "tpu.region"() ({
          %run_scoped3A = tpu.sem_alloc : memref<!tpu.dma_semaphore, #tpu.memory_space<semaphore_mem>>
          %dma_start3A = arith.constant 0 : i32
          %dma_start3A_129 = tpu.memref_slice %arg7[%scan3A_37, %dma_start3A] : memref<25x80xi32, #tpu.memory_space<vmem>> -> memref<1x80xi32, #tpu.memory_space<vmem>>
          %dma_start3A_130 = tpu.memref_squeeze %dma_start3A_129 : memref<1x80xi32, #tpu.memory_space<vmem>> -> memref<80xi32, #tpu.memory_space<vmem>>
          %dma_start3A_131 = arith.constant 0 : i32
          %dma_start3A_132 = arith.constant 0 : i32
          %dma_start3A_133 = tpu.memref_slice %arg2[%dma_start3A_131, %dma_start3A_132] : memref<10000x128xf32, #tpu.memory_space<hbm>> -> memref<10000x128xf32, #tpu.memory_space<hbm>>
          tpu.enqueue_indirect_dma source(%dma_start3A_133 : memref<10000x128xf32, #tpu.memory_space<hbm>>) target(%arg10 : memref<80x128xf32, #tpu.memory_space<vmem>>) offsets(%dma_start3A_130 : memref<80xi32, #tpu.memory_space<vmem>>) semaphore(%run_scoped3A : memref<!tpu.dma_semaphore, #tpu.memory_space<semaphore_mem>>)
          %dma_wait3A = arith.constant 0 : i32
          %dma_wait3A_134 = tpu.memref_slice %arg7[%scan3A_37, %dma_wait3A] : memref<25x80xi32, #tpu.memory_space<vmem>> -> memref<1x80xi32, #tpu.memory_space<vmem>>
          %dma_wait3A_135 = tpu.memref_squeeze %dma_wait3A_134 : memref<1x80xi32, #tpu.memory_space<vmem>> -> memref<80xi32, #tpu.memory_space<vmem>>
          %dma_wait3A_136 = arith.constant 0 : i32
          %dma_wait3A_137 = arith.constant 0 : i32
          %dma_wait3A_138 = tpu.memref_slice %arg2[%dma_wait3A_136, %dma_wait3A_137] : memref<10000x128xf32, #tpu.memory_space<hbm>> -> memref<10000x128xf32, #tpu.memory_space<hbm>>
          tpu.wait_indirect_dma semaphore(%run_scoped3A : memref<!tpu.dma_semaphore, #tpu.memory_space<semaphore_mem>>) src(%dma_wait3A_138 : memref<10000x128xf32, #tpu.memory_space<hbm>>) dst(%arg10 : memref<80x128xf32, #tpu.memory_space<vmem>>)
          tpu.yield
        }) : () -> ()
        %mul3A_38 = arith.constant 20000 : i32
        %mul3A_39 = arith.muli %arg1, %mul3A_38 : i32
        %mul3A_40 = arith.constant 25 : i32
        %mul3A_41 = arith.muli %scan3A_30, %mul3A_40 : i32
        %add3A_42 = arith.addi %mul3A_41, %scan3A_37 : i32
        %mul3A_43 = arith.constant 80 : i32
        %mul3A_44 = arith.muli %add3A_42, %mul3A_43 : i32
        %add3A_45 = arith.addi %mul3A_39, %mul3A_44 : i32
        "tpu.region"() ({
          %run_scoped3A = tpu.sem_alloc : memref<!tpu.dma_semaphore, #tpu.memory_space<semaphore_mem>>
          %dma_start3A = arith.constant 0 : i32
          %dma_start3A_129 = tpu.memref_slice %arg3[%add3A_45, %dma_start3A] : memref<320000x128xf32, #tpu.memory_space<hbm>> -> memref<80x128xf32, #tpu.memory_space<hbm>>
          %dma_start3A_130 = arith.constant 0 : i32
          %dma_start3A_131 = tpu.memref_slice %arg3[%add3A_45, %dma_start3A_130] : memref<320000x128xf32, #tpu.memory_space<hbm>> -> memref<80x128xf32, #tpu.memory_space<hbm>>
          tpu.enqueue_dma source(%dma_start3A_131 : memref<80x128xf32, #tpu.memory_space<hbm>>) target(%arg11 : memref<80x128xf32, #tpu.memory_space<vmem>>) target_semaphore(%run_scoped3A : memref<!tpu.dma_semaphore, #tpu.memory_space<semaphore_mem>>)
          %dma_wait3A = arith.constant 0 : i32
          %dma_wait3A_132 = tpu.memref_slice %arg3[%add3A_45, %dma_wait3A] : memref<320000x128xf32, #tpu.memory_space<hbm>> -> memref<80x128xf32, #tpu.memory_space<hbm>>
          %dma_wait3A_133 = arith.constant 0 : i32
          %dma_wait3A_134 = tpu.memref_slice %arg3[%add3A_45, %dma_wait3A_133] : memref<320000x128xf32, #tpu.memory_space<hbm>> -> memref<80x128xf32, #tpu.memory_space<hbm>>
          tpu.wait_dma2 semaphore(%run_scoped3A : memref<!tpu.dma_semaphore, #tpu.memory_space<semaphore_mem>>) src(%dma_wait3A_134 : memref<80x128xf32, #tpu.memory_space<hbm>>) dst(%arg11 : memref<80x128xf32, #tpu.memory_space<vmem>>)
          tpu.yield
        }) : () -> ()
        %get3A = arith.index_cast %scan3A_37 : i32 to index
        %get3A_46 = arith.constant 0 : index
        %get3A_47 = tpu.vector_load %arg8[%get3A, %get3A_46] {strides = array<i32>} : memref<25x80xi32, #tpu.memory_space<vmem>>, vector<16xi32>,
        %sub3A = vector.broadcast %mul3A_0 : i32 to vector<16xi32>
        %sub3A_48 = arith.subi %get3A_47, %sub3A : vector<16xi32>
        %ge3A = arith.constant 0 : i32
        %ge3A_49 = vector.broadcast %ge3A : i32 to vector<16xi32>
        %ge3A_50 = arith.cmpi sge, %sub3A_48, %ge3A_49 : vector<16xi32>
        %lt3A = arith.constant 5008 : i32
        %lt3A_51 = vector.broadcast %lt3A : i32 to vector<16xi32>
        %lt3A_52 = arith.cmpi slt, %sub3A_48, %lt3A_51 : vector<16xi32>
        %and3A_53 = arith.andi %ge3A_50, %lt3A_52 : vector<16xi1>
        %jit3A = arith.constant 5008 : i32
        %broadcast_in_dim3A = vector.broadcast %jit3A : i32 to vector<16xi32>
        %select_n3A = arith.select %and3A_53, %sub3A_48, %broadcast_in_dim3A : vector<16xi1>, vector<16xi32>
        %swap3A = arith.constant 0 : index
        %swap3A_54 = tpu.vector_load %arg9[%swap3A] {strides = array<i32>} : memref<80xi32, #tpu.memory_space<vmem>>, vector<16xi32>,
        tpu.vector_store %arg9[%swap3A], %select_n3A {strides = array<i32>} : memref<80xi32, #tpu.memory_space<vmem>>, vector<16xi32>,
        %get3A_55 = arith.index_cast %scan3A_37 : i32 to index
        %get3A_56 = arith.constant 16 : index
        %get3A_57 = tpu.vector_load %arg8[%get3A_55, %get3A_56] {strides = array<i32>} : memref<25x80xi32, #tpu.memory_space<vmem>>, vector<16xi32>,
        %sub3A_58 = vector.broadcast %mul3A_0 : i32 to vector<16xi32>
        %sub3A_59 = arith.subi %get3A_57, %sub3A_58 : vector<16xi32>
        %ge3A_60 = arith.constant 0 : i32
        %ge3A_61 = vector.broadcast %ge3A_60 : i32 to vector<16xi32>
        %ge3A_62 = arith.cmpi sge, %sub3A_59, %ge3A_61 : vector<16xi32>
        %lt3A_63 = arith.constant 5008 : i32
        %lt3A_64 = vector.broadcast %lt3A_63 : i32 to vector<16xi32>
        %lt3A_65 = arith.cmpi slt, %sub3A_59, %lt3A_64 : vector<16xi32>
        %and3A_66 = arith.andi %ge3A_62, %lt3A_65 : vector<16xi1>
        %jit3A_67 = arith.constant 5008 : i32
        %broadcast_in_dim3A_68 = vector.broadcast %jit3A_67 : i32 to vector<16xi32>
        %select_n3A_69 = arith.select %and3A_66, %sub3A_59, %broadcast_in_dim3A_68 : vector<16xi1>, vector<16xi32>
        %swap3A_70 = arith.constant 16 : index
        %swap3A_71 = tpu.vector_load %arg9[%swap3A_70] {strides = array<i32>} : memref<80xi32, #tpu.memory_space<vmem>>, vector<16xi32>,
        tpu.vector_store %arg9[%swap3A_70], %select_n3A_69 {strides = array<i32>} : memref<80xi32, #tpu.memory_space<vmem>>, vector<16xi32>,
        %get3A_72 = arith.index_cast %scan3A_37 : i32 to index
        %get3A_73 = arith.constant 32 : index
        %get3A_74 = tpu.vector_load %arg8[%get3A_72, %get3A_73] {strides = array<i32>} : memref<25x80xi32, #tpu.memory_space<vmem>>, vector<16xi32>,
        %sub3A_75 = vector.broadcast %mul3A_0 : i32 to vector<16xi32>
        %sub3A_76 = arith.subi %get3A_74, %sub3A_75 : vector<16xi32>
        %ge3A_77 = arith.constant 0 : i32
        %ge3A_78 = vector.broadcast %ge3A_77 : i32 to vector<16xi32>
        %ge3A_79 = arith.cmpi sge, %sub3A_76, %ge3A_78 : vector<16xi32>
        %lt3A_80 = arith.constant 5008 : i32
        %lt3A_81 = vector.broadcast %lt3A_80 : i32 to vector<16xi32>
        %lt3A_82 = arith.cmpi slt, %sub3A_76, %lt3A_81 : vector<16xi32>
        %and3A_83 = arith.andi %ge3A_79, %lt3A_82 : vector<16xi1>
        %jit3A_84 = arith.constant 5008 : i32
        %broadcast_in_dim3A_85 = vector.broadcast %jit3A_84 : i32 to vector<16xi32>
        %select_n3A_86 = arith.select %and3A_83, %sub3A_76, %broadcast_in_dim3A_85 : vector<16xi1>, vector<16xi32>
        %swap3A_87 = arith.constant 32 : index
        %swap3A_88 = tpu.vector_load %arg9[%swap3A_87] {strides = array<i32>} : memref<80xi32, #tpu.memory_space<vmem>>, vector<16xi32>,
        tpu.vector_store %arg9[%swap3A_87], %select_n3A_86 {strides = array<i32>} : memref<80xi32, #tpu.memory_space<vmem>>, vector<16xi32>,
        %get3A_89 = arith.index_cast %scan3A_37 : i32 to index
        %get3A_90 = arith.constant 48 : index
        %get3A_91 = tpu.vector_load %arg8[%get3A_89, %get3A_90] {strides = array<i32>} : memref<25x80xi32, #tpu.memory_space<vmem>>, vector<16xi32>,
        %sub3A_92 = vector.broadcast %mul3A_0 : i32 to vector<16xi32>
        %sub3A_93 = arith.subi %get3A_91, %sub3A_92 : vector<16xi32>
        %ge3A_94 = arith.constant 0 : i32
        %ge3A_95 = vector.broadcast %ge3A_94 : i32 to vector<16xi32>
        %ge3A_96 = arith.cmpi sge, %sub3A_93, %ge3A_95 : vector<16xi32>
        %lt3A_97 = arith.constant 5008 : i32
        %lt3A_98 = vector.broadcast %lt3A_97 : i32 to vector<16xi32>
        %lt3A_99 = arith.cmpi slt, %sub3A_93, %lt3A_98 : vector<16xi32>
        %and3A_100 = arith.andi %ge3A_96, %lt3A_99 : vector<16xi1>
        %jit3A_101 = arith.constant 5008 : i32
        %broadcast_in_dim3A_102 = vector.broadcast %jit3A_101 : i32 to vector<16xi32>
        %select_n3A_103 = arith.select %and3A_100, %sub3A_93, %broadcast_in_dim3A_102 : vector<16xi1>, vector<16xi32>
        %swap3A_104 = arith.constant 48 : index
        %swap3A_105 = tpu.vector_load %arg9[%swap3A_104] {strides = array<i32>} : memref<80xi32, #tpu.memory_space<vmem>>, vector<16xi32>,
        tpu.vector_store %arg9[%swap3A_104], %select_n3A_103 {strides = array<i32>} : memref<80xi32, #tpu.memory_space<vmem>>, vector<16xi32>,
        %get3A_106 = arith.index_cast %scan3A_37 : i32 to index
        %get3A_107 = arith.constant 64 : index
        %get3A_108 = tpu.vector_load %arg8[%get3A_106, %get3A_107] {strides = array<i32>} : memref<25x80xi32, #tpu.memory_space<vmem>>, vector<16xi32>,
        %sub3A_109 = vector.broadcast %mul3A_0 : i32 to vector<16xi32>
        %sub3A_110 = arith.subi %get3A_108, %sub3A_109 : vector<16xi32>
        %ge3A_111 = arith.constant 0 : i32
        %ge3A_112 = vector.broadcast %ge3A_111 : i32 to vector<16xi32>
        %ge3A_113 = arith.cmpi sge, %sub3A_110, %ge3A_112 : vector<16xi32>
        %lt3A_114 = arith.constant 5008 : i32
        %lt3A_115 = vector.broadcast %lt3A_114 : i32 to vector<16xi32>
        %lt3A_116 = arith.cmpi slt, %sub3A_110, %lt3A_115 : vector<16xi32>
        %and3A_117 = arith.andi %ge3A_113, %lt3A_116 : vector<16xi1>
        %jit3A_118 = arith.constant 5008 : i32
        %broadcast_in_dim3A_119 = vector.broadcast %jit3A_118 : i32 to vector<16xi32>
        %select_n3A_120 = arith.select %and3A_117, %sub3A_110, %broadcast_in_dim3A_119 : vector<16xi1>, vector<16xi32>
        %swap3A_121 = arith.constant 64 : index
        %swap3A_122 = tpu.vector_load %arg9[%swap3A_121] {strides = array<i32>} : memref<80xi32, #tpu.memory_space<vmem>>, vector<16xi32>,
        tpu.vector_store %arg9[%swap3A_121], %select_n3A_120 {strides = array<i32>} : memref<80xi32, #tpu.memory_space<vmem>>, vector<16xi32>,
        %scan3A_123 = arith.constant 0 : i32
        %scan3A_124 = arith.constant 0 : i32
        %scan3A_125 = arith.constant 80 : i32
        %scan3A_126 = arith.addi %scan3A_124, %scan3A_125 : i32
        %scan3A_127 = arith.constant 1 : i32
        scf.for %scan3A_129 = %scan3A_124 to %scan3A_126 step %scan3A_127  : i32 {
          %get3A_130 = arith.index_cast %scan3A_129 : i32 to index
          %get3A_131 = arith.constant 0 : index
          %get3A_132 = tpu.vector_load %arg10[%get3A_130, %get3A_131] {strides = array<i32>} : memref<80x128xf32, #tpu.memory_space<vmem>>, vector<16xf32>,
          %get3A_133 = arith.index_cast %scan3A_129 : i32 to index
          %get3A_134 = arith.constant 0 : index
          %get3A_135 = tpu.vector_load %arg11[%get3A_133, %get3A_134] {strides = array<i32>} : memref<80x128xf32, #tpu.memory_space<vmem>>, vector<16xf32>,
          %add3A_136 = arith.addf %get3A_132, %get3A_135 : vector<16xf32>
          %max3A = arith.constant 0.000000e+00 : f32
          %max3A_137 = vector.broadcast %max3A : f32 to vector<16xf32>
          %max3A_138 = arith.maximumf %add3A_136, %max3A_137 : vector<16xf32>
          %swap3A_139 = arith.index_cast %scan3A_129 : i32 to index
          %swap3A_140 = arith.constant 0 : index
          %swap3A_141 = tpu.vector_load %arg10[%swap3A_139, %swap3A_140] {strides = array<i32>} : memref<80x128xf32, #tpu.memory_space<vmem>>, vector<16xf32>,
          tpu.vector_store %arg10[%swap3A_139, %swap3A_140], %max3A_138 {strides = array<i32>} : memref<80x128xf32, #tpu.memory_space<vmem>>, vector<16xf32>,
          %get3A_142 = arith.index_cast %scan3A_129 : i32 to index
          %get3A_143 = arith.constant 16 : index
          %get3A_144 = tpu.vector_load %arg10[%get3A_142, %get3A_143] {strides = array<i32>} : memref<80x128xf32, #tpu.memory_space<vmem>>, vector<16xf32>,
          %get3A_145 = arith.index_cast %scan3A_129 : i32 to index
          %get3A_146 = arith.constant 16 : index
          %get3A_147 = tpu.vector_load %arg11[%get3A_145, %get3A_146] {strides = array<i32>} : memref<80x128xf32, #tpu.memory_space<vmem>>, vector<16xf32>,
          %add3A_148 = arith.addf %get3A_144, %get3A_147 : vector<16xf32>
          %max3A_149 = arith.constant 0.000000e+00 : f32
          %max3A_150 = vector.broadcast %max3A_149 : f32 to vector<16xf32>
          %max3A_151 = arith.maximumf %add3A_148, %max3A_150 : vector<16xf32>
          %swap3A_152 = arith.index_cast %scan3A_129 : i32 to index
          %swap3A_153 = arith.constant 16 : index
          %swap3A_154 = tpu.vector_load %arg10[%swap3A_152, %swap3A_153] {strides = array<i32>} : memref<80x128xf32, #tpu.memory_space<vmem>>, vector<16xf32>,
          tpu.vector_store %arg10[%swap3A_152, %swap3A_153], %max3A_151 {strides = array<i32>} : memref<80x128xf32, #tpu.memory_space<vmem>>, vector<16xf32>,
          %get3A_155 = arith.index_cast %scan3A_129 : i32 to index
          %get3A_156 = arith.constant 32 : index
          %get3A_157 = tpu.vector_load %arg10[%get3A_155, %get3A_156] {strides = array<i32>} : memref<80x128xf32, #tpu.memory_space<vmem>>, vector<16xf32>,
          %get3A_158 = arith.index_cast %scan3A_129 : i32 to index
          %get3A_159 = arith.constant 32 : index
          %get3A_160 = tpu.vector_load %arg11[%get3A_158, %get3A_159] {strides = array<i32>} : memref<80x128xf32, #tpu.memory_space<vmem>>, vector<16xf32>,
          %add3A_161 = arith.addf %get3A_157, %get3A_160 : vector<16xf32>
          %max3A_162 = arith.constant 0.000000e+00 : f32
          %max3A_163 = vector.broadcast %max3A_162 : f32 to vector<16xf32>
          %max3A_164 = arith.maximumf %add3A_161, %max3A_163 : vector<16xf32>
          %swap3A_165 = arith.index_cast %scan3A_129 : i32 to index
          %swap3A_166 = arith.constant 32 : index
          %swap3A_167 = tpu.vector_load %arg10[%swap3A_165, %swap3A_166] {strides = array<i32>} : memref<80x128xf32, #tpu.memory_space<vmem>>, vector<16xf32>,
          tpu.vector_store %arg10[%swap3A_165, %swap3A_166], %max3A_164 {strides = array<i32>} : memref<80x128xf32, #tpu.memory_space<vmem>>, vector<16xf32>,
          %get3A_168 = arith.index_cast %scan3A_129 : i32 to index
          %get3A_169 = arith.constant 48 : index
          %get3A_170 = tpu.vector_load %arg10[%get3A_168, %get3A_169] {strides = array<i32>} : memref<80x128xf32, #tpu.memory_space<vmem>>, vector<16xf32>,
          %get3A_171 = arith.index_cast %scan3A_129 : i32 to index
          %get3A_172 = arith.constant 48 : index
          %get3A_173 = tpu.vector_load %arg11[%get3A_171, %get3A_172] {strides = array<i32>} : memref<80x128xf32, #tpu.memory_space<vmem>>, vector<16xf32>,
          %add3A_174 = arith.addf %get3A_170, %get3A_173 : vector<16xf32>
          %max3A_175 = arith.constant 0.000000e+00 : f32
          %max3A_176 = vector.broadcast %max3A_175 : f32 to vector<16xf32>
          %max3A_177 = arith.maximumf %add3A_174, %max3A_176 : vector<16xf32>
          %swap3A_178 = arith.index_cast %scan3A_129 : i32 to index
          %swap3A_179 = arith.constant 48 : index
          %swap3A_180 = tpu.vector_load %arg10[%swap3A_178, %swap3A_179] {strides = array<i32>} : memref<80x128xf32, #tpu.memory_space<vmem>>, vector<16xf32>,
          tpu.vector_store %arg10[%swap3A_178, %swap3A_179], %max3A_177 {strides = array<i32>} : memref<80x128xf32, #tpu.memory_space<vmem>>, vector<16xf32>,
          %get3A_181 = arith.index_cast %scan3A_129 : i32 to index
          %get3A_182 = arith.constant 64 : index
          %get3A_183 = tpu.vector_load %arg10[%get3A_181, %get3A_182] {strides = array<i32>} : memref<80x128xf32, #tpu.memory_space<vmem>>, vector<16xf32>,
          %get3A_184 = arith.index_cast %scan3A_129 : i32 to index
          %get3A_185 = arith.constant 64 : index
          %get3A_186 = tpu.vector_load %arg11[%get3A_184, %get3A_185] {strides = array<i32>} : memref<80x128xf32, #tpu.memory_space<vmem>>, vector<16xf32>,
          %add3A_187 = arith.addf %get3A_183, %get3A_186 : vector<16xf32>
          %max3A_188 = arith.constant 0.000000e+00 : f32
          %max3A_189 = vector.broadcast %max3A_188 : f32 to vector<16xf32>
          %max3A_190 = arith.maximumf %add3A_187, %max3A_189 : vector<16xf32>
          %swap3A_191 = arith.index_cast %scan3A_129 : i32 to index
          %swap3A_192 = arith.constant 64 : index
          %swap3A_193 = tpu.vector_load %arg10[%swap3A_191, %swap3A_192] {strides = array<i32>} : memref<80x128xf32, #tpu.memory_space<vmem>>, vector<16xf32>,
          tpu.vector_store %arg10[%swap3A_191, %swap3A_192], %max3A_190 {strides = array<i32>} : memref<80x128xf32, #tpu.memory_space<vmem>>, vector<16xf32>,
          %get3A_194 = arith.index_cast %scan3A_129 : i32 to index
          %get3A_195 = arith.constant 80 : index
          %get3A_196 = tpu.vector_load %arg10[%get3A_194, %get3A_195] {strides = array<i32>} : memref<80x128xf32, #tpu.memory_space<vmem>>, vector<16xf32>,
          %get3A_197 = arith.index_cast %scan3A_129 : i32 to index
          %get3A_198 = arith.constant 80 : index
          %get3A_199 = tpu.vector_load %arg11[%get3A_197, %get3A_198] {strides = array<i32>} : memref<80x128xf32, #tpu.memory_space<vmem>>, vector<16xf32>,
          %add3A_200 = arith.addf %get3A_196, %get3A_199 : vector<16xf32>
          %max3A_201 = arith.constant 0.000000e+00 : f32
          %max3A_202 = vector.broadcast %max3A_201 : f32 to vector<16xf32>
          %max3A_203 = arith.maximumf %add3A_200, %max3A_202 : vector<16xf32>
          %swap3A_204 = arith.index_cast %scan3A_129 : i32 to index
          %swap3A_205 = arith.constant 80 : index
          %swap3A_206 = tpu.vector_load %arg10[%swap3A_204, %swap3A_205] {strides = array<i32>} : memref<80x128xf32, #tpu.memory_space<vmem>>, vector<16xf32>,
          tpu.vector_store %arg10[%swap3A_204, %swap3A_205], %max3A_203 {strides = array<i32>} : memref<80x128xf32, #tpu.memory_space<vmem>>, vector<16xf32>,
          %get3A_207 = arith.index_cast %scan3A_129 : i32 to index
          %get3A_208 = arith.constant 96 : index
          %get3A_209 = tpu.vector_load %arg10[%get3A_207, %get3A_208] {strides = array<i32>} : memref<80x128xf32, #tpu.memory_space<vmem>>, vector<16xf32>,
          %get3A_210 = arith.index_cast %scan3A_129 : i32 to index
          %get3A_211 = arith.constant 96 : index
          %get3A_212 = tpu.vector_load %arg11[%get3A_210, %get3A_211] {strides = array<i32>} : memref<80x128xf32, #tpu.memory_space<vmem>>, vector<16xf32>,
          %add3A_213 = arith.addf %get3A_209, %get3A_212 : vector<16xf32>
          %max3A_214 = arith.constant 0.000000e+00 : f32
          %max3A_215 = vector.broadcast %max3A_214 : f32 to vector<16xf32>
          %max3A_216 = arith.maximumf %add3A_213, %max3A_215 : vector<16xf32>
          %swap3A_217 = arith.index_cast %scan3A_129 : i32 to index
          %swap3A_218 = arith.constant 96 : index
          %swap3A_219 = tpu.vector_load %arg10[%swap3A_217, %swap3A_218] {strides = array<i32>} : memref<80x128xf32, #tpu.memory_space<vmem>>, vector<16xf32>,
          tpu.vector_store %arg10[%swap3A_217, %swap3A_218], %max3A_216 {strides = array<i32>} : memref<80x128xf32, #tpu.memory_space<vmem>>, vector<16xf32>,
          %get3A_220 = arith.index_cast %scan3A_129 : i32 to index
          %get3A_221 = arith.constant 112 : index
          %get3A_222 = tpu.vector_load %arg10[%get3A_220, %get3A_221] {strides = array<i32>} : memref<80x128xf32, #tpu.memory_space<vmem>>, vector<16xf32>,
          %get3A_223 = arith.index_cast %scan3A_129 : i32 to index
          %get3A_224 = arith.constant 112 : index
          %get3A_225 = tpu.vector_load %arg11[%get3A_223, %get3A_224] {strides = array<i32>} : memref<80x128xf32, #tpu.memory_space<vmem>>, vector<16xf32>,
          %add3A_226 = arith.addf %get3A_222, %get3A_225 : vector<16xf32>
          %max3A_227 = arith.constant 0.000000e+00 : f32
          %max3A_228 = vector.broadcast %max3A_227 : f32 to vector<16xf32>
          %max3A_229 = arith.maximumf %add3A_226, %max3A_228 : vector<16xf32>
          %swap3A_230 = arith.index_cast %scan3A_129 : i32 to index
          %swap3A_231 = arith.constant 112 : index
          %swap3A_232 = tpu.vector_load %arg10[%swap3A_230, %swap3A_231] {strides = array<i32>} : memref<80x128xf32, #tpu.memory_space<vmem>>, vector<16xf32>,
          tpu.vector_store %arg10[%swap3A_230, %swap3A_231], %max3A_229 {strides = array<i32>} : memref<80x128xf32, #tpu.memory_space<vmem>>, vector<16xf32>,
        }
        %scan3A_128 = arith.constant 80 : i32
        "tpu.region"() ({
          %run_scoped3A = tpu.sem_alloc : memref<!tpu.dma_semaphore, #tpu.memory_space<semaphore_mem>>
          %dma_start3A = arith.constant 0 : i32
          %dma_start3A_129 = arith.constant 0 : i32
          %dma_start3A_130 = tpu.memref_slice %arg13[%dma_start3A, %dma_start3A_129] : memref<5016x128xf32, #tpu.memory_space<vmem_shared>> -> memref<5016x128xf32, #tpu.memory_space<vmem_shared>>
          tpu.enqueue_indirect_dma source(%arg10 : memref<80x128xf32, #tpu.memory_space<vmem>>) target(%dma_start3A_130 : memref<5016x128xf32, #tpu.memory_space<vmem_shared>>) offsets(%arg9 : memref<80xi32, #tpu.memory_space<vmem>>) semaphore(%run_scoped3A : memref<!tpu.dma_semaphore, #tpu.memory_space<semaphore_mem>>) {add = true}
          %dma_wait3A = arith.constant 0 : i32
          %dma_wait3A_131 = arith.constant 0 : i32
          %dma_wait3A_132 = tpu.memref_slice %arg13[%dma_wait3A, %dma_wait3A_131] : memref<5016x128xf32, #tpu.memory_space<vmem_shared>> -> memref<5016x128xf32, #tpu.memory_space<vmem_shared>>
          tpu.wait_indirect_dma semaphore(%run_scoped3A : memref<!tpu.dma_semaphore, #tpu.memory_space<semaphore_mem>>) src(%arg10 : memref<80x128xf32, #tpu.memory_space<vmem>>) dst(%dma_wait3A_132 : memref<5016x128xf32, #tpu.memory_space<vmem_shared>>)
          tpu.yield
        }) : () -> ()
      }
      %scan3A_36 = arith.constant 25 : i32
    }
    %scan3A_20 = arith.constant 10 : i32
    %barrier3A_21 = arith.constant 0 : index
    tpu.barrier barrier_id(%barrier3A_21)
    %add3A_22 = arith.addi %mul3A_0, %mul3A_7 : i32
    "tpu.region"() ({
      %run_scoped3A = tpu.sem_alloc : memref<!tpu.dma_semaphore, #tpu.memory_space<semaphore_mem>>
      %dma_start3A = arith.constant 0 : i32
      %dma_start3A_30 = tpu.memref_slice %arg6[%add3A_22, %dma_start3A] : memref<10000x128xf32, #tpu.memory_space<hbm>> -> memref<312x128xf32, #tpu.memory_space<hbm>>
      %dma_start3A_31 = arith.constant 0 : i32
      %dma_start3A_32 = tpu.memref_slice %arg13[%mul3A_7, %dma_start3A_31] : memref<5016x128xf32, #tpu.memory_space<vmem_shared>> -> memref<312x128xf32, #tpu.memory_space<vmem_shared>>
      tpu.enqueue_dma source(%dma_start3A_32 : memref<312x128xf32, #tpu.memory_space<vmem_shared>>) target(%dma_start3A_30 : memref<312x128xf32, #tpu.memory_space<hbm>>) target_semaphore(%run_scoped3A : memref<!tpu.dma_semaphore, #tpu.memory_space<semaphore_mem>>)
      %dma_wait3A = arith.constant 0 : i32
      %dma_wait3A_33 = tpu.memref_slice %arg6[%add3A_22, %dma_wait3A] : memref<10000x128xf32, #tpu.memory_space<hbm>> -> memref<312x128xf32, #tpu.memory_space<hbm>>
      %dma_wait3A_34 = arith.constant 0 : i32
      %dma_wait3A_35 = tpu.memref_slice %arg13[%mul3A_7, %dma_wait3A_34] : memref<5016x128xf32, #tpu.memory_space<vmem_shared>> -> memref<312x128xf32, #tpu.memory_space<vmem_shared>>
      tpu.wait_dma2 semaphore(%run_scoped3A : memref<!tpu.dma_semaphore, #tpu.memory_space<semaphore_mem>>) src(%dma_wait3A_35 : memref<312x128xf32, #tpu.memory_space<vmem_shared>>) dst(%dma_wait3A_33 : memref<312x128xf32, #tpu.memory_space<hbm>>)
      tpu.yield
    }) : () -> ()
    %eq3A_23 = arith.constant 15 : i32
    %eq3A_24 = arith.cmpi eq, %arg1, %eq3A_23 : i32
    %eq3A_25 = arith.constant 0 : i32
    %eq3A_26 = arith.cmpi eq, %arg0, %eq3A_25 : i32
    %and3A = arith.andi %eq3A_24, %eq3A_26 : i1
    %convert_element_type3A_27 = arith.extui %and3A : i1 to i32
    %cond3A_28 = arith.constant 0 : i32
    %cond3A_29 = arith.cmpi ne, %convert_element_type3A_27, %cond3A_28 : i32
    scf.if %cond3A_29 {
      "tpu.region"() ({
        %run_scoped3A = tpu.sem_alloc : memref<!tpu.dma_semaphore, #tpu.memory_space<semaphore_mem>>
        %dma_start3A = arith.constant 4992 : i32
        %dma_start3A_30 = arith.constant 0 : i32
        %dma_start3A_31 = tpu.memref_slice %arg6[%dma_start3A, %dma_start3A_30] : memref<10000x128xf32, #tpu.memory_space<hbm>> -> memref<16x128xf32, #tpu.memory_space<hbm>>
        %dma_start3A_32 = arith.constant 4992 : i32
        %dma_start3A_33 = arith.constant 0 : i32
        %dma_start3A_34 = tpu.memref_slice %arg13[%dma_start3A_32, %dma_start3A_33] : memref<5016x128xf32, #tpu.memory_space<vmem_shared>> -> memref<16x128xf32, #tpu.memory_space<vmem_shared>>
        tpu.enqueue_dma source(%dma_start3A_34 : memref<16x128xf32, #tpu.memory_space<vmem_shared>>) target(%dma_start3A_31 : memref<16x128xf32, #tpu.memory_space<hbm>>) target_semaphore(%run_scoped3A : memref<!tpu.dma_semaphore, #tpu.memory_space<semaphore_mem>>)
        %dma_wait3A = arith.constant 4992 : i32
        %dma_wait3A_35 = arith.constant 0 : i32
        %dma_wait3A_36 = tpu.memref_slice %arg6[%dma_wait3A, %dma_wait3A_35] : memref<10000x128xf32, #tpu.memory_space<hbm>> -> memref<16x128xf32, #tpu.memory_space<hbm>>
        %dma_wait3A_37 = arith.constant 4992 : i32
        %dma_wait3A_38 = arith.constant 0 : i32
        %dma_wait3A_39 = tpu.memref_slice %arg13[%dma_wait3A_37, %dma_wait3A_38] : memref<5016x128xf32, #tpu.memory_space<vmem_shared>> -> memref<16x128xf32, #tpu.memory_space<vmem_shared>>
        tpu.wait_dma2 semaphore(%run_scoped3A : memref<!tpu.dma_semaphore, #tpu.memory_space<semaphore_mem>>) src(%dma_wait3A_39 : memref<16x128xf32, #tpu.memory_space<vmem_shared>>) dst(%dma_wait3A_36 : memref<16x128xf32, #tpu.memory_space<hbm>>)
        tpu.yield
      }) : () -> ()
    } else {
    }
    return
  }
}

#map = affine_map<(d0, d1) -> (0, 0)>
#map1 = affine_map<(d0, d1) -> (0, 0, 0, 0)>
module attributes {stable_mosaic.version = 14 : i64} {
  func.func @k(%arg0: i32, %arg1: i32, %arg2: memref<10000x128xf32, #tpu.memory_space<hbm>>, %arg3: memref<32x5x25x80xi32, #tpu.memory_space<hbm>>, %arg4: memref<32x5x25x80xi32, #tpu.memory_space<hbm>>, %arg5: memref<320000x128xf32, #tpu.memory_space<hbm>>, %arg6: memref<25x80xi32, #tpu.memory_space<vmem>>, %arg7: memref<25x80xi32, #tpu.memory_space<vmem>>, %arg8: memref<80x128xf32, #tpu.memory_space<vmem>>, %arg9: memref<80x128xf32, #tpu.memory_space<vmem>>) attributes {dimension_semantics = [#tpu.dimension_semantics<core_parallel>, #tpu.dimension_semantics<subcore_parallel>], iteration_bounds = array<i64: 2, 16>, scalar_prefetch = 0 : i64, scratch_operands = 4 : i64, tpu.core_type = #tpu.core_type<sc_vector_subcore>, window_params = [{transform_indices = #map}, {transform_indices = #map1}, {transform_indices = #map1}, {transform_indices = #map}]} {
    %mul3A = arith.constant 2 : i32
    %mul3A_0 = arith.muli %arg1, %mul3A : i32
    %add3A = arith.addi %mul3A_0, %arg0 : i32
    %scan3A = arith.constant 0 : i32
    %scan3A_1 = arith.constant 0 : i32
    %scan3A_2 = arith.constant 5 : i32
    %scan3A_3 = arith.addi %scan3A_1, %scan3A_2 : i32
    %scan3A_4 = arith.constant 1 : i32
    scf.for %scan3A_6 = %scan3A_1 to %scan3A_3 step %scan3A_4  : i32 {
      "tpu.region"() ({
        %run_scoped3A = tpu.sem_alloc : memref<!tpu.dma_semaphore, #tpu.memory_space<semaphore_mem>>
        %dma_start3A = arith.constant 0 : i32
        %dma_start3A_13 = arith.constant 0 : i32
        %dma_start3A_14 = tpu.memref_slice %arg3[%add3A, %scan3A_6, %dma_start3A, %dma_start3A_13] : memref<32x5x25x80xi32, #tpu.memory_space<hbm>> -> memref<1x1x25x80xi32, #tpu.memory_space<hbm>>
        %dma_start3A_15 = tpu.memref_squeeze %dma_start3A_14 : memref<1x1x25x80xi32, #tpu.memory_space<hbm>> -> memref<25x80xi32, #tpu.memory_space<hbm>>
        %dma_start3A_16 = arith.constant 0 : i32
        %dma_start3A_17 = arith.constant 0 : i32
        %dma_start3A_18 = tpu.memref_slice %arg3[%add3A, %scan3A_6, %dma_start3A_16, %dma_start3A_17] : memref<32x5x25x80xi32, #tpu.memory_space<hbm>> -> memref<1x1x25x80xi32, #tpu.memory_space<hbm>>
        %dma_start3A_19 = tpu.memref_squeeze %dma_start3A_18 : memref<1x1x25x80xi32, #tpu.memory_space<hbm>> -> memref<25x80xi32, #tpu.memory_space<hbm>>
        tpu.enqueue_dma source(%dma_start3A_19 : memref<25x80xi32, #tpu.memory_space<hbm>>) target(%arg6 : memref<25x80xi32, #tpu.memory_space<vmem>>) target_semaphore(%run_scoped3A : memref<!tpu.dma_semaphore, #tpu.memory_space<semaphore_mem>>)
        %dma_wait3A = arith.constant 0 : i32
        %dma_wait3A_20 = arith.constant 0 : i32
        %dma_wait3A_21 = tpu.memref_slice %arg3[%add3A, %scan3A_6, %dma_wait3A, %dma_wait3A_20] : memref<32x5x25x80xi32, #tpu.memory_space<hbm>> -> memref<1x1x25x80xi32, #tpu.memory_space<hbm>>
        %dma_wait3A_22 = tpu.memref_squeeze %dma_wait3A_21 : memref<1x1x25x80xi32, #tpu.memory_space<hbm>> -> memref<25x80xi32, #tpu.memory_space<hbm>>
        %dma_wait3A_23 = arith.constant 0 : i32
        %dma_wait3A_24 = arith.constant 0 : i32
        %dma_wait3A_25 = tpu.memref_slice %arg3[%add3A, %scan3A_6, %dma_wait3A_23, %dma_wait3A_24] : memref<32x5x25x80xi32, #tpu.memory_space<hbm>> -> memref<1x1x25x80xi32, #tpu.memory_space<hbm>>
        %dma_wait3A_26 = tpu.memref_squeeze %dma_wait3A_25 : memref<1x1x25x80xi32, #tpu.memory_space<hbm>> -> memref<25x80xi32, #tpu.memory_space<hbm>>
        tpu.wait_dma2 semaphore(%run_scoped3A : memref<!tpu.dma_semaphore, #tpu.memory_space<semaphore_mem>>) src(%dma_wait3A_26 : memref<25x80xi32, #tpu.memory_space<hbm>>) dst(%arg6 : memref<25x80xi32, #tpu.memory_space<vmem>>)
        tpu.yield
      }) : () -> ()
      "tpu.region"() ({
        %run_scoped3A = tpu.sem_alloc : memref<!tpu.dma_semaphore, #tpu.memory_space<semaphore_mem>>
        %dma_start3A = arith.constant 0 : i32
        %dma_start3A_13 = arith.constant 0 : i32
        %dma_start3A_14 = tpu.memref_slice %arg4[%add3A, %scan3A_6, %dma_start3A, %dma_start3A_13] : memref<32x5x25x80xi32, #tpu.memory_space<hbm>> -> memref<1x1x25x80xi32, #tpu.memory_space<hbm>>
        %dma_start3A_15 = tpu.memref_squeeze %dma_start3A_14 : memref<1x1x25x80xi32, #tpu.memory_space<hbm>> -> memref<25x80xi32, #tpu.memory_space<hbm>>
        %dma_start3A_16 = arith.constant 0 : i32
        %dma_start3A_17 = arith.constant 0 : i32
        %dma_start3A_18 = tpu.memref_slice %arg4[%add3A, %scan3A_6, %dma_start3A_16, %dma_start3A_17] : memref<32x5x25x80xi32, #tpu.memory_space<hbm>> -> memref<1x1x25x80xi32, #tpu.memory_space<hbm>>
        %dma_start3A_19 = tpu.memref_squeeze %dma_start3A_18 : memref<1x1x25x80xi32, #tpu.memory_space<hbm>> -> memref<25x80xi32, #tpu.memory_space<hbm>>
        tpu.enqueue_dma source(%dma_start3A_19 : memref<25x80xi32, #tpu.memory_space<hbm>>) target(%arg7 : memref<25x80xi32, #tpu.memory_space<vmem>>) target_semaphore(%run_scoped3A : memref<!tpu.dma_semaphore, #tpu.memory_space<semaphore_mem>>)
        %dma_wait3A = arith.constant 0 : i32
        %dma_wait3A_20 = arith.constant 0 : i32
        %dma_wait3A_21 = tpu.memref_slice %arg4[%add3A, %scan3A_6, %dma_wait3A, %dma_wait3A_20] : memref<32x5x25x80xi32, #tpu.memory_space<hbm>> -> memref<1x1x25x80xi32, #tpu.memory_space<hbm>>
        %dma_wait3A_22 = tpu.memref_squeeze %dma_wait3A_21 : memref<1x1x25x80xi32, #tpu.memory_space<hbm>> -> memref<25x80xi32, #tpu.memory_space<hbm>>
        %dma_wait3A_23 = arith.constant 0 : i32
        %dma_wait3A_24 = arith.constant 0 : i32
        %dma_wait3A_25 = tpu.memref_slice %arg4[%add3A, %scan3A_6, %dma_wait3A_23, %dma_wait3A_24] : memref<32x5x25x80xi32, #tpu.memory_space<hbm>> -> memref<1x1x25x80xi32, #tpu.memory_space<hbm>>
        %dma_wait3A_26 = tpu.memref_squeeze %dma_wait3A_25 : memref<1x1x25x80xi32, #tpu.memory_space<hbm>> -> memref<25x80xi32, #tpu.memory_space<hbm>>
        tpu.wait_dma2 semaphore(%run_scoped3A : memref<!tpu.dma_semaphore, #tpu.memory_space<semaphore_mem>>) src(%dma_wait3A_26 : memref<25x80xi32, #tpu.memory_space<hbm>>) dst(%arg7 : memref<25x80xi32, #tpu.memory_space<vmem>>)
        tpu.yield
      }) : () -> ()
      %scan3A_7 = arith.constant 0 : i32
      %scan3A_8 = arith.constant 0 : i32
      %scan3A_9 = arith.constant 25 : i32
      %scan3A_10 = arith.addi %scan3A_8, %scan3A_9 : i32
      %scan3A_11 = arith.constant 1 : i32
      scf.for %scan3A_13 = %scan3A_8 to %scan3A_10 step %scan3A_11  : i32 {
        "tpu.region"() ({
          %run_scoped3A = tpu.sem_alloc : memref<!tpu.dma_semaphore, #tpu.memory_space<semaphore_mem>>
          %dma_start3A = arith.constant 0 : i32
          %dma_start3A_28 = tpu.memref_slice %arg6[%scan3A_13, %dma_start3A] : memref<25x80xi32, #tpu.memory_space<vmem>> -> memref<1x80xi32, #tpu.memory_space<vmem>>
          %dma_start3A_29 = tpu.memref_squeeze %dma_start3A_28 : memref<1x80xi32, #tpu.memory_space<vmem>> -> memref<80xi32, #tpu.memory_space<vmem>>
          %dma_start3A_30 = arith.constant 0 : i32
          %dma_start3A_31 = arith.constant 0 : i32
          %dma_start3A_32 = tpu.memref_slice %arg2[%dma_start3A_30, %dma_start3A_31] : memref<10000x128xf32, #tpu.memory_space<hbm>> -> memref<10000x128xf32, #tpu.memory_space<hbm>>
          tpu.enqueue_indirect_dma source(%dma_start3A_32 : memref<10000x128xf32, #tpu.memory_space<hbm>>) target(%arg8 : memref<80x128xf32, #tpu.memory_space<vmem>>) offsets(%dma_start3A_29 : memref<80xi32, #tpu.memory_space<vmem>>) semaphore(%run_scoped3A : memref<!tpu.dma_semaphore, #tpu.memory_space<semaphore_mem>>)
          %dma_wait3A = arith.constant 0 : i32
          %dma_wait3A_33 = tpu.memref_slice %arg6[%scan3A_13, %dma_wait3A] : memref<25x80xi32, #tpu.memory_space<vmem>> -> memref<1x80xi32, #tpu.memory_space<vmem>>
          %dma_wait3A_34 = tpu.memref_squeeze %dma_wait3A_33 : memref<1x80xi32, #tpu.memory_space<vmem>> -> memref<80xi32, #tpu.memory_space<vmem>>
          %dma_wait3A_35 = arith.constant 0 : i32
          %dma_wait3A_36 = arith.constant 0 : i32
          %dma_wait3A_37 = tpu.memref_slice %arg2[%dma_wait3A_35, %dma_wait3A_36] : memref<10000x128xf32, #tpu.memory_space<hbm>> -> memref<10000x128xf32, #tpu.memory_space<hbm>>
          tpu.wait_indirect_dma semaphore(%run_scoped3A : memref<!tpu.dma_semaphore, #tpu.memory_space<semaphore_mem>>) src(%dma_wait3A_37 : memref<10000x128xf32, #tpu.memory_space<hbm>>) dst(%arg8 : memref<80x128xf32, #tpu.memory_space<vmem>>)
          tpu.yield
        }) : () -> ()
        "tpu.region"() ({
          %run_scoped3A = tpu.sem_alloc : memref<!tpu.dma_semaphore, #tpu.memory_space<semaphore_mem>>
          %dma_start3A = arith.constant 0 : i32
          %dma_start3A_28 = tpu.memref_slice %arg7[%scan3A_13, %dma_start3A] : memref<25x80xi32, #tpu.memory_space<vmem>> -> memref<1x80xi32, #tpu.memory_space<vmem>>
          %dma_start3A_29 = tpu.memref_squeeze %dma_start3A_28 : memref<1x80xi32, #tpu.memory_space<vmem>> -> memref<80xi32, #tpu.memory_space<vmem>>
          %dma_start3A_30 = arith.constant 0 : i32
          %dma_start3A_31 = arith.constant 0 : i32
          %dma_start3A_32 = tpu.memref_slice %arg2[%dma_start3A_30, %dma_start3A_31] : memref<10000x128xf32, #tpu.memory_space<hbm>> -> memref<10000x128xf32, #tpu.memory_space<hbm>>
          tpu.enqueue_indirect_dma source(%dma_start3A_32 : memref<10000x128xf32, #tpu.memory_space<hbm>>) target(%arg9 : memref<80x128xf32, #tpu.memory_space<vmem>>) offsets(%dma_start3A_29 : memref<80xi32, #tpu.memory_space<vmem>>) semaphore(%run_scoped3A : memref<!tpu.dma_semaphore, #tpu.memory_space<semaphore_mem>>)
          %dma_wait3A = arith.constant 0 : i32
          %dma_wait3A_33 = tpu.memref_slice %arg7[%scan3A_13, %dma_wait3A] : memref<25x80xi32, #tpu.memory_space<vmem>> -> memref<1x80xi32, #tpu.memory_space<vmem>>
          %dma_wait3A_34 = tpu.memref_squeeze %dma_wait3A_33 : memref<1x80xi32, #tpu.memory_space<vmem>> -> memref<80xi32, #tpu.memory_space<vmem>>
          %dma_wait3A_35 = arith.constant 0 : i32
          %dma_wait3A_36 = arith.constant 0 : i32
          %dma_wait3A_37 = tpu.memref_slice %arg2[%dma_wait3A_35, %dma_wait3A_36] : memref<10000x128xf32, #tpu.memory_space<hbm>> -> memref<10000x128xf32, #tpu.memory_space<hbm>>
          tpu.wait_indirect_dma semaphore(%run_scoped3A : memref<!tpu.dma_semaphore, #tpu.memory_space<semaphore_mem>>) src(%dma_wait3A_37 : memref<10000x128xf32, #tpu.memory_space<hbm>>) dst(%arg9 : memref<80x128xf32, #tpu.memory_space<vmem>>)
          tpu.yield
        }) : () -> ()
        %scan3A_14 = arith.constant 0 : i32
        %scan3A_15 = arith.constant 0 : i32
        %scan3A_16 = arith.constant 80 : i32
        %scan3A_17 = arith.addi %scan3A_15, %scan3A_16 : i32
        %scan3A_18 = arith.constant 1 : i32
        scf.for %scan3A_28 = %scan3A_15 to %scan3A_17 step %scan3A_18  : i32 {
          %get3A = arith.index_cast %scan3A_28 : i32 to index
          %get3A_29 = arith.constant 0 : index
          %get3A_30 = tpu.vector_load %arg8[%get3A, %get3A_29] {strides = array<i32>} : memref<80x128xf32, #tpu.memory_space<vmem>>, vector<16xf32>,
          %get3A_31 = arith.index_cast %scan3A_28 : i32 to index
          %get3A_32 = arith.constant 0 : index
          %get3A_33 = tpu.vector_load %arg9[%get3A_31, %get3A_32] {strides = array<i32>} : memref<80x128xf32, #tpu.memory_space<vmem>>, vector<16xf32>,
          %mul3A_34 = arith.mulf %get3A_30, %get3A_33 : vector<16xf32>
          %swap3A = arith.index_cast %scan3A_28 : i32 to index
          %swap3A_35 = arith.constant 0 : index
          %swap3A_36 = tpu.vector_load %arg8[%swap3A, %swap3A_35] {strides = array<i32>} : memref<80x128xf32, #tpu.memory_space<vmem>>, vector<16xf32>,
          tpu.vector_store %arg8[%swap3A, %swap3A_35], %mul3A_34 {strides = array<i32>} : memref<80x128xf32, #tpu.memory_space<vmem>>, vector<16xf32>,
          %get3A_37 = arith.index_cast %scan3A_28 : i32 to index
          %get3A_38 = arith.constant 16 : index
          %get3A_39 = tpu.vector_load %arg8[%get3A_37, %get3A_38] {strides = array<i32>} : memref<80x128xf32, #tpu.memory_space<vmem>>, vector<16xf32>,
          %get3A_40 = arith.index_cast %scan3A_28 : i32 to index
          %get3A_41 = arith.constant 16 : index
          %get3A_42 = tpu.vector_load %arg9[%get3A_40, %get3A_41] {strides = array<i32>} : memref<80x128xf32, #tpu.memory_space<vmem>>, vector<16xf32>,
          %mul3A_43 = arith.mulf %get3A_39, %get3A_42 : vector<16xf32>
          %swap3A_44 = arith.index_cast %scan3A_28 : i32 to index
          %swap3A_45 = arith.constant 16 : index
          %swap3A_46 = tpu.vector_load %arg8[%swap3A_44, %swap3A_45] {strides = array<i32>} : memref<80x128xf32, #tpu.memory_space<vmem>>, vector<16xf32>,
          tpu.vector_store %arg8[%swap3A_44, %swap3A_45], %mul3A_43 {strides = array<i32>} : memref<80x128xf32, #tpu.memory_space<vmem>>, vector<16xf32>,
          %get3A_47 = arith.index_cast %scan3A_28 : i32 to index
          %get3A_48 = arith.constant 32 : index
          %get3A_49 = tpu.vector_load %arg8[%get3A_47, %get3A_48] {strides = array<i32>} : memref<80x128xf32, #tpu.memory_space<vmem>>, vector<16xf32>,
          %get3A_50 = arith.index_cast %scan3A_28 : i32 to index
          %get3A_51 = arith.constant 32 : index
          %get3A_52 = tpu.vector_load %arg9[%get3A_50, %get3A_51] {strides = array<i32>} : memref<80x128xf32, #tpu.memory_space<vmem>>, vector<16xf32>,
          %mul3A_53 = arith.mulf %get3A_49, %get3A_52 : vector<16xf32>
          %swap3A_54 = arith.index_cast %scan3A_28 : i32 to index
          %swap3A_55 = arith.constant 32 : index
          %swap3A_56 = tpu.vector_load %arg8[%swap3A_54, %swap3A_55] {strides = array<i32>} : memref<80x128xf32, #tpu.memory_space<vmem>>, vector<16xf32>,
          tpu.vector_store %arg8[%swap3A_54, %swap3A_55], %mul3A_53 {strides = array<i32>} : memref<80x128xf32, #tpu.memory_space<vmem>>, vector<16xf32>,
          %get3A_57 = arith.index_cast %scan3A_28 : i32 to index
          %get3A_58 = arith.constant 48 : index
          %get3A_59 = tpu.vector_load %arg8[%get3A_57, %get3A_58] {strides = array<i32>} : memref<80x128xf32, #tpu.memory_space<vmem>>, vector<16xf32>,
          %get3A_60 = arith.index_cast %scan3A_28 : i32 to index
          %get3A_61 = arith.constant 48 : index
          %get3A_62 = tpu.vector_load %arg9[%get3A_60, %get3A_61] {strides = array<i32>} : memref<80x128xf32, #tpu.memory_space<vmem>>, vector<16xf32>,
          %mul3A_63 = arith.mulf %get3A_59, %get3A_62 : vector<16xf32>
          %swap3A_64 = arith.index_cast %scan3A_28 : i32 to index
          %swap3A_65 = arith.constant 48 : index
          %swap3A_66 = tpu.vector_load %arg8[%swap3A_64, %swap3A_65] {strides = array<i32>} : memref<80x128xf32, #tpu.memory_space<vmem>>, vector<16xf32>,
          tpu.vector_store %arg8[%swap3A_64, %swap3A_65], %mul3A_63 {strides = array<i32>} : memref<80x128xf32, #tpu.memory_space<vmem>>, vector<16xf32>,
          %get3A_67 = arith.index_cast %scan3A_28 : i32 to index
          %get3A_68 = arith.constant 64 : index
          %get3A_69 = tpu.vector_load %arg8[%get3A_67, %get3A_68] {strides = array<i32>} : memref<80x128xf32, #tpu.memory_space<vmem>>, vector<16xf32>,
          %get3A_70 = arith.index_cast %scan3A_28 : i32 to index
          %get3A_71 = arith.constant 64 : index
          %get3A_72 = tpu.vector_load %arg9[%get3A_70, %get3A_71] {strides = array<i32>} : memref<80x128xf32, #tpu.memory_space<vmem>>, vector<16xf32>,
          %mul3A_73 = arith.mulf %get3A_69, %get3A_72 : vector<16xf32>
          %swap3A_74 = arith.index_cast %scan3A_28 : i32 to index
          %swap3A_75 = arith.constant 64 : index
          %swap3A_76 = tpu.vector_load %arg8[%swap3A_74, %swap3A_75] {strides = array<i32>} : memref<80x128xf32, #tpu.memory_space<vmem>>, vector<16xf32>,
          tpu.vector_store %arg8[%swap3A_74, %swap3A_75], %mul3A_73 {strides = array<i32>} : memref<80x128xf32, #tpu.memory_space<vmem>>, vector<16xf32>,
          %get3A_77 = arith.index_cast %scan3A_28 : i32 to index
          %get3A_78 = arith.constant 80 : index
          %get3A_79 = tpu.vector_load %arg8[%get3A_77, %get3A_78] {strides = array<i32>} : memref<80x128xf32, #tpu.memory_space<vmem>>, vector<16xf32>,
          %get3A_80 = arith.index_cast %scan3A_28 : i32 to index
          %get3A_81 = arith.constant 80 : index
          %get3A_82 = tpu.vector_load %arg9[%get3A_80, %get3A_81] {strides = array<i32>} : memref<80x128xf32, #tpu.memory_space<vmem>>, vector<16xf32>,
          %mul3A_83 = arith.mulf %get3A_79, %get3A_82 : vector<16xf32>
          %swap3A_84 = arith.index_cast %scan3A_28 : i32 to index
          %swap3A_85 = arith.constant 80 : index
          %swap3A_86 = tpu.vector_load %arg8[%swap3A_84, %swap3A_85] {strides = array<i32>} : memref<80x128xf32, #tpu.memory_space<vmem>>, vector<16xf32>,
          tpu.vector_store %arg8[%swap3A_84, %swap3A_85], %mul3A_83 {strides = array<i32>} : memref<80x128xf32, #tpu.memory_space<vmem>>, vector<16xf32>,
          %get3A_87 = arith.index_cast %scan3A_28 : i32 to index
          %get3A_88 = arith.constant 96 : index
          %get3A_89 = tpu.vector_load %arg8[%get3A_87, %get3A_88] {strides = array<i32>} : memref<80x128xf32, #tpu.memory_space<vmem>>, vector<16xf32>,
          %get3A_90 = arith.index_cast %scan3A_28 : i32 to index
          %get3A_91 = arith.constant 96 : index
          %get3A_92 = tpu.vector_load %arg9[%get3A_90, %get3A_91] {strides = array<i32>} : memref<80x128xf32, #tpu.memory_space<vmem>>, vector<16xf32>,
          %mul3A_93 = arith.mulf %get3A_89, %get3A_92 : vector<16xf32>
          %swap3A_94 = arith.index_cast %scan3A_28 : i32 to index
          %swap3A_95 = arith.constant 96 : index
          %swap3A_96 = tpu.vector_load %arg8[%swap3A_94, %swap3A_95] {strides = array<i32>} : memref<80x128xf32, #tpu.memory_space<vmem>>, vector<16xf32>,
          tpu.vector_store %arg8[%swap3A_94, %swap3A_95], %mul3A_93 {strides = array<i32>} : memref<80x128xf32, #tpu.memory_space<vmem>>, vector<16xf32>,
          %get3A_97 = arith.index_cast %scan3A_28 : i32 to index
          %get3A_98 = arith.constant 112 : index
          %get3A_99 = tpu.vector_load %arg8[%get3A_97, %get3A_98] {strides = array<i32>} : memref<80x128xf32, #tpu.memory_space<vmem>>, vector<16xf32>,
          %get3A_100 = arith.index_cast %scan3A_28 : i32 to index
          %get3A_101 = arith.constant 112 : index
          %get3A_102 = tpu.vector_load %arg9[%get3A_100, %get3A_101] {strides = array<i32>} : memref<80x128xf32, #tpu.memory_space<vmem>>, vector<16xf32>,
          %mul3A_103 = arith.mulf %get3A_99, %get3A_102 : vector<16xf32>
          %swap3A_104 = arith.index_cast %scan3A_28 : i32 to index
          %swap3A_105 = arith.constant 112 : index
          %swap3A_106 = tpu.vector_load %arg8[%swap3A_104, %swap3A_105] {strides = array<i32>} : memref<80x128xf32, #tpu.memory_space<vmem>>, vector<16xf32>,
          tpu.vector_store %arg8[%swap3A_104, %swap3A_105], %mul3A_103 {strides = array<i32>} : memref<80x128xf32, #tpu.memory_space<vmem>>, vector<16xf32>,
        }
        %scan3A_19 = arith.constant 80 : i32
        %mul3A_20 = arith.constant 10000 : i32
        %mul3A_21 = arith.muli %add3A, %mul3A_20 : i32
        %mul3A_22 = arith.constant 25 : i32
        %mul3A_23 = arith.muli %scan3A_6, %mul3A_22 : i32
        %add3A_24 = arith.addi %mul3A_23, %scan3A_13 : i32
        %mul3A_25 = arith.constant 80 : i32
        %mul3A_26 = arith.muli %add3A_24, %mul3A_25 : i32
        %add3A_27 = arith.addi %mul3A_21, %mul3A_26 : i32
        "tpu.region"() ({
          %run_scoped3A = tpu.sem_alloc : memref<!tpu.dma_semaphore, #tpu.memory_space<semaphore_mem>>
          %dma_start3A = arith.constant 0 : i32
          %dma_start3A_28 = tpu.memref_slice %arg5[%add3A_27, %dma_start3A] : memref<320000x128xf32, #tpu.memory_space<hbm>> -> memref<80x128xf32, #tpu.memory_space<hbm>>
          %dma_start3A_29 = arith.constant 0 : i32
          %dma_start3A_30 = tpu.memref_slice %arg5[%add3A_27, %dma_start3A_29] : memref<320000x128xf32, #tpu.memory_space<hbm>> -> memref<80x128xf32, #tpu.memory_space<hbm>>
          tpu.enqueue_dma source(%arg8 : memref<80x128xf32, #tpu.memory_space<vmem>>) target(%dma_start3A_30 : memref<80x128xf32, #tpu.memory_space<hbm>>) target_semaphore(%run_scoped3A : memref<!tpu.dma_semaphore, #tpu.memory_space<semaphore_mem>>)
          %dma_wait3A = arith.constant 0 : i32
          %dma_wait3A_31 = tpu.memref_slice %arg5[%add3A_27, %dma_wait3A] : memref<320000x128xf32, #tpu.memory_space<hbm>> -> memref<80x128xf32, #tpu.memory_space<hbm>>
          %dma_wait3A_32 = arith.constant 0 : i32
          %dma_wait3A_33 = tpu.memref_slice %arg5[%add3A_27, %dma_wait3A_32] : memref<320000x128xf32, #tpu.memory_space<hbm>> -> memref<80x128xf32, #tpu.memory_space<hbm>>
          tpu.wait_dma2 semaphore(%run_scoped3A : memref<!tpu.dma_semaphore, #tpu.memory_space<semaphore_mem>>) src(%arg8 : memref<80x128xf32, #tpu.memory_space<vmem>>) dst(%dma_wait3A_33 : memref<80x128xf32, #tpu.memory_space<hbm>>)
          tpu.yield
        }) : () -> ()
      }
      %scan3A_12 = arith.constant 25 : i32
    }
    %scan3A_5 = arith.constant 5 : i32
    return
  }
}

module attributes {stable_mosaic.version = 14 : i64} {
  func.func @body(%arg0: i32, %arg1: memref<2000x1xi32, #tpu.memory_space<vmem>>, %arg2: memref<128x128xf32, #tpu.memory_space<vmem>>, %arg3: memref<2000x128xf32, #tpu.memory_space<vmem>>) attributes {dimension_semantics = [#tpu.dimension_semantics<arbitrary>], iteration_bounds = array<i64: 5>, scalar_prefetch = 0 : i64, scratch_operands = 0 : i64, tpu.core_type = #tpu.core_type<tc>, window_params = [{transform_indices = @transform_0, window_bounds = array<i64: 2000, 1>}, {pipeline_mode = #tpu.pipeline_mode<synchronous>, transform_indices = @transform_1, window_bounds = array<i64: 128, 128>}, {transform_indices = @transform_2, window_bounds = array<i64: 2000, 128>}]} {
    %iota3A = tpu.iota {dimensions = array<i32: 1>} : vector<2000x128xi32>
    %get3A = arith.constant 0 : index
    %get3A_0 = arith.constant 0 : index
    %get3A_1 = vector.load %arg1[%get3A, %get3A_0] : memref<2000x1xi32, #tpu.memory_space<vmem>>, vector<2000x1xi32>
    %eq3A = vector.broadcast %get3A_1 : vector<2000x1xi32> to vector<2000x128xi32>
    %eq3A_2 = arith.cmpi eq, %eq3A, %iota3A : vector<2000x128xi32>
    %convert_element_type3A = arith.extui %eq3A_2 : vector<2000x128xi1> to vector<2000x128xi32>
    %convert_element_type3A_3 = arith.sitofp %convert_element_type3A : vector<2000x128xi32> to vector<2000x128xf32>
    %get3A_4 = arith.constant 0 : index
    %get3A_5 = arith.constant 0 : index
    %get3A_6 = vector.load %arg2[%get3A_4, %get3A_5] : memref<128x128xf32, #tpu.memory_space<vmem>>, vector<128x128xf32>
    %dot_general3A = arith.constant dense<0.000000e+00> : vector<2000x128xf32>
    %dot_general3A_7 = tpu.matmul %convert_element_type3A_3, %get3A_6, %dot_general3A {dimension_numbers = #tpu.dot_dimension_numbers<[1], [0], [0], [1], [0, 0, 1, 1], [], []>, transpose_lhs_hint = false} : vector<2000x128xf32>, vector<128x128xf32>, vector<2000x128xf32> -> vector<2000x128xf32>
    %swap3A = arith.constant 0 : index
    %swap3A_8 = arith.constant 0 : index
    %swap3A_9 = vector.load %arg3[%swap3A, %swap3A_8] : memref<2000x128xf32, #tpu.memory_space<vmem>>, vector<2000x128xf32>
    tpu.vector_store %arg3[%swap3A, %swap3A_8], %dot_general3A_7 {strides = array<i32>} : memref<2000x128xf32, #tpu.memory_space<vmem>>, vector<2000x128xf32>,
    return
  }
  func.func @transform_0(%arg0: i32) -> (i32, i32) {
    %c0_i32 = arith.constant 0 : i32
    %c0_i32_0 = arith.constant 0 : i32
    return %arg0, %c0_i32 : i32, i32
  }
  func.func @transform_1(%arg0: i32) -> (i32, i32) {
    %c0_i32 = arith.constant 0 : i32
    %c0_i32_0 = arith.constant 0 : i32
    %c0_i32_1 = arith.constant 0 : i32
    return %c0_i32, %c0_i32_0 : i32, i32
  }
  func.func @transform_2(%arg0: i32) -> (i32, i32) {
    %c0_i32 = arith.constant 0 : i32
    %c0_i32_0 = arith.constant 0 : i32
    return %arg0, %c0_i32 : i32, i32
  }
}

module attributes {stable_mosaic.version = 14 : i64} {
  func.func @body(%arg0: i32, %arg1: memref<512x1xf32, #tpu.memory_space<vmem>>, %arg2: memref<512x1xf32, #tpu.memory_space<vmem>>, %arg3: memref<512x1xf32, #tpu.memory_space<vmem>>, %arg4: memref<512x1xi32, #tpu.memory_space<vmem>>, %arg5: memref<1x128xf32, #tpu.memory_space<vmem>>, %arg6: memref<1x128xf32, #tpu.memory_space<vmem>>, %arg7: memref<128x128xf32, #tpu.memory_space<vmem>>, %arg8: memref<1x128xf32, #tpu.memory_space<vmem>>, %arg9: memref<128x128xf32, #tpu.memory_space<vmem>>, %arg10: memref<512x128xf32, #tpu.memory_space<vmem>>) attributes {dimension_semantics = [#tpu.dimension_semantics<arbitrary>], iteration_bounds = array<i64: 625>, scalar_prefetch = 0 : i64, scratch_operands = 0 : i64, tpu.core_type = #tpu.core_type<tc>, window_params = [{transform_indices = @transform_0, window_bounds = array<i64: 512, 1>}, {transform_indices = @transform_1, window_bounds = array<i64: 512, 1>}, {transform_indices = @transform_2, window_bounds = array<i64: 512, 1>}, {transform_indices = @transform_3, window_bounds = array<i64: 512, 1>}, {pipeline_mode = #tpu.pipeline_mode<synchronous>, transform_indices = @transform_4, window_bounds = array<i64: 1, 128>}, {pipeline_mode = #tpu.pipeline_mode<synchronous>, transform_indices = @transform_5, window_bounds = array<i64: 1, 128>}, {pipeline_mode = #tpu.pipeline_mode<synchronous>, transform_indices = @transform_6, window_bounds = array<i64: 128, 128>}, {pipeline_mode = #tpu.pipeline_mode<synchronous>, transform_indices = @transform_7, window_bounds = array<i64: 1, 128>}, {pipeline_mode = #tpu.pipeline_mode<synchronous>, transform_indices = @transform_8, window_bounds = array<i64: 128, 128>}, {transform_indices = @transform_9, window_bounds = array<i64: 512, 128>}]} {
    %get3A = arith.constant 0 : index
    %get3A_0 = arith.constant 0 : index
    %get3A_1 = vector.load %arg1[%get3A, %get3A_0] : memref<512x1xf32, #tpu.memory_space<vmem>>, vector<512x1xf32>
    %sqrt3A = math.sqrt %get3A_1 : vector<512x1xf32>
    %get3A_2 = arith.constant 0 : index
    %get3A_3 = arith.constant 0 : index
    %get3A_4 = vector.load %arg3[%get3A_2, %get3A_3] : memref<512x1xf32, #tpu.memory_space<vmem>>, vector<512x1xf32>
    %get3A_5 = arith.constant 0 : index
    %get3A_6 = arith.constant 0 : index
    %get3A_7 = vector.load %arg2[%get3A_5, %get3A_6] : memref<512x1xf32, #tpu.memory_space<vmem>>, vector<512x1xf32>
    %mul3A = arith.mulf %get3A_4, %get3A_7 : vector<512x1xf32>
    %add3A = arith.addf %sqrt3A, %mul3A : vector<512x1xf32>
    %get3A_8 = arith.constant 0 : index
    %get3A_9 = arith.constant 0 : index
    %get3A_10 = vector.load %arg5[%get3A_8, %get3A_9] : memref<1x128xf32, #tpu.memory_space<vmem>>, vector<1x128xf32>
    %mul3A_11 = vector.broadcast %add3A : vector<512x1xf32> to vector<512x128xf32>
    %mul3A_12 = vector.broadcast %get3A_10 : vector<1x128xf32> to vector<512x128xf32>
    %mul3A_13 = arith.mulf %mul3A_11, %mul3A_12 : vector<512x128xf32>
    %get3A_14 = arith.constant 0 : index
    %get3A_15 = arith.constant 0 : index
    %get3A_16 = vector.load %arg6[%get3A_14, %get3A_15] : memref<1x128xf32, #tpu.memory_space<vmem>>, vector<1x128xf32>
    %add3A_17 = vector.broadcast %get3A_16 : vector<1x128xf32> to vector<512x128xf32>
    %add3A_18 = arith.addf %mul3A_13, %add3A_17 : vector<512x128xf32>
    %max3A = arith.constant 0.000000e+00 : f32
    %max3A_19 = vector.broadcast %max3A : f32 to vector<512x128xf32>
    %max3A_20 = arith.maximumf %add3A_18, %max3A_19 : vector<512x128xf32>
    %get3A_21 = arith.constant 0 : index
    %get3A_22 = arith.constant 0 : index
    %get3A_23 = vector.load %arg7[%get3A_21, %get3A_22] : memref<128x128xf32, #tpu.memory_space<vmem>>, vector<128x128xf32>
    %dot_general3A = arith.constant dense<0.000000e+00> : vector<512x128xf32>
    %dot_general3A_24 = tpu.matmul %max3A_20, %get3A_23, %dot_general3A {dimension_numbers = #tpu.dot_dimension_numbers<[1], [0], [0], [1], [0, 0, 1, 1], [], []>, transpose_lhs_hint = false} : vector<512x128xf32>, vector<128x128xf32>, vector<512x128xf32> -> vector<512x128xf32>
    %get3A_25 = arith.constant 0 : index
    %get3A_26 = arith.constant 0 : index
    %get3A_27 = vector.load %arg8[%get3A_25, %get3A_26] : memref<1x128xf32, #tpu.memory_space<vmem>>, vector<1x128xf32>
    %add3A_28 = vector.broadcast %get3A_27 : vector<1x128xf32> to vector<512x128xf32>
    %add3A_29 = arith.addf %dot_general3A_24, %add3A_28 : vector<512x128xf32>
    %iota3A = tpu.iota {dimensions = array<i32: 1>} : vector<512x128xi32>
    %get3A_30 = arith.constant 0 : index
    %get3A_31 = arith.constant 0 : index
    %get3A_32 = vector.load %arg4[%get3A_30, %get3A_31] : memref<512x1xi32, #tpu.memory_space<vmem>>, vector<512x1xi32>
    %eq3A = vector.broadcast %get3A_32 : vector<512x1xi32> to vector<512x128xi32>
    %eq3A_33 = arith.cmpi eq, %eq3A, %iota3A : vector<512x128xi32>
    %convert_element_type3A = arith.extui %eq3A_33 : vector<512x128xi1> to vector<512x128xi32>
    %convert_element_type3A_34 = arith.sitofp %convert_element_type3A : vector<512x128xi32> to vector<512x128xf32>
    %get3A_35 = arith.constant 0 : index
    %get3A_36 = arith.constant 0 : index
    %get3A_37 = vector.load %arg9[%get3A_35, %get3A_36] : memref<128x128xf32, #tpu.memory_space<vmem>>, vector<128x128xf32>
    %dot_general3A_38 = arith.constant dense<0.000000e+00> : vector<512x128xf32>
    %dot_general3A_39 = tpu.matmul %convert_element_type3A_34, %get3A_37, %dot_general3A_38 {dimension_numbers = #tpu.dot_dimension_numbers<[1], [0], [0], [1], [0, 0, 1, 1], [], []>, transpose_lhs_hint = false} : vector<512x128xf32>, vector<128x128xf32>, vector<512x128xf32> -> vector<512x128xf32>
    %mul3A_40 = arith.mulf %add3A_29, %dot_general3A_39 : vector<512x128xf32>
    %swap3A = arith.constant 0 : index
    %swap3A_41 = arith.constant 0 : index
    %swap3A_42 = vector.load %arg10[%swap3A, %swap3A_41] : memref<512x128xf32, #tpu.memory_space<vmem>>, vector<512x128xf32>
    tpu.vector_store %arg10[%swap3A, %swap3A_41], %mul3A_40 {strides = array<i32>} : memref<512x128xf32, #tpu.memory_space<vmem>>, vector<512x128xf32>,
    return
  }
  func.func @transform_0(%arg0: i32) -> (i32, i32) {
    %c0_i32 = arith.constant 0 : i32
    %c0_i32_0 = arith.constant 0 : i32
    return %arg0, %c0_i32 : i32, i32
  }
  func.func @transform_1(%arg0: i32) -> (i32, i32) {
    %c0_i32 = arith.constant 0 : i32
    %c0_i32_0 = arith.constant 0 : i32
    return %arg0, %c0_i32 : i32, i32
  }
  func.func @transform_2(%arg0: i32) -> (i32, i32) {
    %c0_i32 = arith.constant 0 : i32
    %c0_i32_0 = arith.constant 0 : i32
    return %arg0, %c0_i32 : i32, i32
  }
  func.func @transform_3(%arg0: i32) -> (i32, i32) {
    %c0_i32 = arith.constant 0 : i32
    %c0_i32_0 = arith.constant 0 : i32
    return %arg0, %c0_i32 : i32, i32
  }
  func.func @transform_4(%arg0: i32) -> (i32, i32) {
    %c0_i32 = arith.constant 0 : i32
    %c0_i32_0 = arith.constant 0 : i32
    %c0_i32_1 = arith.constant 0 : i32
    return %c0_i32, %c0_i32_0 : i32, i32
  }
  func.func @transform_5(%arg0: i32) -> (i32, i32) {
    %c0_i32 = arith.constant 0 : i32
    %c0_i32_0 = arith.constant 0 : i32
    %c0_i32_1 = arith.constant 0 : i32
    return %c0_i32, %c0_i32_0 : i32, i32
  }
  func.func @transform_6(%arg0: i32) -> (i32, i32) {
    %c0_i32 = arith.constant 0 : i32
    %c0_i32_0 = arith.constant 0 : i32
    %c0_i32_1 = arith.constant 0 : i32
    return %c0_i32, %c0_i32_0 : i32, i32
  }
  func.func @transform_7(%arg0: i32) -> (i32, i32) {
    %c0_i32 = arith.constant 0 : i32
    %c0_i32_0 = arith.constant 0 : i32
    %c0_i32_1 = arith.constant 0 : i32
    return %c0_i32, %c0_i32_0 : i32, i32
  }
  func.func @transform_8(%arg0: i32) -> (i32, i32) {
    %c0_i32 = arith.constant 0 : i32
    %c0_i32_0 = arith.constant 0 : i32
    %c0_i32_1 = arith.constant 0 : i32
    return %c0_i32, %c0_i32_0 : i32, i32
  }
  func.func @transform_9(%arg0: i32) -> (i32, i32) {
    %c0_i32 = arith.constant 0 : i32
    %c0_i32_0 = arith.constant 0 : i32
    return %arg0, %c0_i32 : i32, i32
  }
}

module attributes {stable_mosaic.version = 14 : i64} {
  func.func @body(%arg0: i32, %arg1: memref<2000x128xf32, #tpu.memory_space<vmem>>, %arg2: memref<2000x128xf32, #tpu.memory_space<vmem>>, %arg3: memref<1x128xf32, #tpu.memory_space<vmem>>, %arg4: memref<128x128xf32, #tpu.memory_space<vmem>>, %arg5: memref<1x128xf32, #tpu.memory_space<vmem>>, %arg6: memref<128x128xf32, #tpu.memory_space<vmem>>, %arg7: memref<1x128xf32, #tpu.memory_space<vmem>>, %arg8: memref<2000x128xf32, #tpu.memory_space<vmem>>) attributes {dimension_semantics = [#tpu.dimension_semantics<arbitrary>], iteration_bounds = array<i64: 5>, scalar_prefetch = 0 : i64, scratch_operands = 0 : i64, tpu.core_type = #tpu.core_type<tc>, window_params = [{transform_indices = @transform_0, window_bounds = array<i64: 2000, 128>}, {transform_indices = @transform_1, window_bounds = array<i64: 2000, 128>}, {pipeline_mode = #tpu.pipeline_mode<synchronous>, transform_indices = @transform_2, window_bounds = array<i64: 1, 128>}, {pipeline_mode = #tpu.pipeline_mode<synchronous>, transform_indices = @transform_3, window_bounds = array<i64: 128, 128>}, {pipeline_mode = #tpu.pipeline_mode<synchronous>, transform_indices = @transform_4, window_bounds = array<i64: 1, 128>}, {pipeline_mode = #tpu.pipeline_mode<synchronous>, transform_indices = @transform_5, window_bounds = array<i64: 128, 128>}, {pipeline_mode = #tpu.pipeline_mode<synchronous>, transform_indices = @transform_6, window_bounds = array<i64: 1, 128>}, {transform_indices = @transform_7, window_bounds = array<i64: 2000, 128>}]} {
    %get3A = arith.constant 0 : index
    %get3A_0 = arith.constant 0 : index
    %get3A_1 = vector.load %arg3[%get3A, %get3A_0] : memref<1x128xf32, #tpu.memory_space<vmem>>, vector<1x128xf32>
    %get3A_2 = arith.constant 0 : index
    %get3A_3 = arith.constant 0 : index
    %get3A_4 = vector.load %arg1[%get3A_2, %get3A_3] : memref<2000x128xf32, #tpu.memory_space<vmem>>, vector<2000x128xf32>
    %mul3A = vector.broadcast %get3A_1 : vector<1x128xf32> to vector<2000x128xf32>
    %mul3A_5 = arith.mulf %mul3A, %get3A_4 : vector<2000x128xf32>
    %get3A_6 = arith.constant 0 : index
    %get3A_7 = arith.constant 0 : index
    %get3A_8 = vector.load %arg2[%get3A_6, %get3A_7] : memref<2000x128xf32, #tpu.memory_space<vmem>>, vector<2000x128xf32>
    %add3A = arith.addf %mul3A_5, %get3A_8 : vector<2000x128xf32>
    %get3A_9 = arith.constant 0 : index
    %get3A_10 = arith.constant 0 : index
    %get3A_11 = vector.load %arg4[%get3A_9, %get3A_10] : memref<128x128xf32, #tpu.memory_space<vmem>>, vector<128x128xf32>
    %dot_general3A = arith.constant dense<0.000000e+00> : vector<2000x128xf32>
    %dot_general3A_12 = tpu.matmul %add3A, %get3A_11, %dot_general3A {dimension_numbers = #tpu.dot_dimension_numbers<[1], [0], [0], [1], [0, 0, 1, 1], [], []>, transpose_lhs_hint = false} : vector<2000x128xf32>, vector<128x128xf32>, vector<2000x128xf32> -> vector<2000x128xf32>
    %get3A_13 = arith.constant 0 : index
    %get3A_14 = arith.constant 0 : index
    %get3A_15 = vector.load %arg5[%get3A_13, %get3A_14] : memref<1x128xf32, #tpu.memory_space<vmem>>, vector<1x128xf32>
    %add3A_16 = vector.broadcast %get3A_15 : vector<1x128xf32> to vector<2000x128xf32>
    %add3A_17 = arith.addf %dot_general3A_12, %add3A_16 : vector<2000x128xf32>
    %max3A = arith.constant 0.000000e+00 : f32
    %max3A_18 = vector.broadcast %max3A : f32 to vector<2000x128xf32>
    %max3A_19 = arith.maximumf %add3A_17, %max3A_18 : vector<2000x128xf32>
    %get3A_20 = arith.constant 0 : index
    %get3A_21 = arith.constant 0 : index
    %get3A_22 = vector.load %arg6[%get3A_20, %get3A_21] : memref<128x128xf32, #tpu.memory_space<vmem>>, vector<128x128xf32>
    %dot_general3A_23 = arith.constant dense<0.000000e+00> : vector<2000x128xf32>
    %dot_general3A_24 = tpu.matmul %max3A_19, %get3A_22, %dot_general3A_23 {dimension_numbers = #tpu.dot_dimension_numbers<[1], [0], [0], [1], [0, 0, 1, 1], [], []>, transpose_lhs_hint = false} : vector<2000x128xf32>, vector<128x128xf32>, vector<2000x128xf32> -> vector<2000x128xf32>
    %get3A_25 = arith.constant 0 : index
    %get3A_26 = arith.constant 0 : index
    %get3A_27 = vector.load %arg7[%get3A_25, %get3A_26] : memref<1x128xf32, #tpu.memory_space<vmem>>, vector<1x128xf32>
    %add3A_28 = vector.broadcast %get3A_27 : vector<1x128xf32> to vector<2000x128xf32>
    %add3A_29 = arith.addf %dot_general3A_24, %add3A_28 : vector<2000x128xf32>
    %swap3A = arith.constant 0 : index
    %swap3A_30 = arith.constant 0 : index
    %swap3A_31 = vector.load %arg8[%swap3A, %swap3A_30] : memref<2000x128xf32, #tpu.memory_space<vmem>>, vector<2000x128xf32>
    tpu.vector_store %arg8[%swap3A, %swap3A_30], %add3A_29 {strides = array<i32>} : memref<2000x128xf32, #tpu.memory_space<vmem>>, vector<2000x128xf32>,
    return
  }
  func.func @transform_0(%arg0: i32) -> (i32, i32) {
    %c0_i32 = arith.constant 0 : i32
    %c0_i32_0 = arith.constant 0 : i32
    return %arg0, %c0_i32 : i32, i32
  }
  func.func @transform_1(%arg0: i32) -> (i32, i32) {
    %c0_i32 = arith.constant 0 : i32
    %c0_i32_0 = arith.constant 0 : i32
    return %arg0, %c0_i32 : i32, i32
  }
  func.func @transform_2(%arg0: i32) -> (i32, i32) {
    %c0_i32 = arith.constant 0 : i32
    %c0_i32_0 = arith.constant 0 : i32
    %c0_i32_1 = arith.constant 0 : i32
    return %c0_i32, %c0_i32_0 : i32, i32
  }
  func.func @transform_3(%arg0: i32) -> (i32, i32) {
    %c0_i32 = arith.constant 0 : i32
    %c0_i32_0 = arith.constant 0 : i32
    %c0_i32_1 = arith.constant 0 : i32
    return %c0_i32, %c0_i32_0 : i32, i32
  }
  func.func @transform_4(%arg0: i32) -> (i32, i32) {
    %c0_i32 = arith.constant 0 : i32
    %c0_i32_0 = arith.constant 0 : i32
    %c0_i32_1 = arith.constant 0 : i32
    return %c0_i32, %c0_i32_0 : i32, i32
  }
  func.func @transform_5(%arg0: i32) -> (i32, i32) {
    %c0_i32 = arith.constant 0 : i32
    %c0_i32_0 = arith.constant 0 : i32
    %c0_i32_1 = arith.constant 0 : i32
    return %c0_i32, %c0_i32_0 : i32, i32
  }
  func.func @transform_6(%arg0: i32) -> (i32, i32) {
    %c0_i32 = arith.constant 0 : i32
    %c0_i32_0 = arith.constant 0 : i32
    %c0_i32_1 = arith.constant 0 : i32
    return %c0_i32, %c0_i32_0 : i32, i32
  }
  func.func @transform_7(%arg0: i32) -> (i32, i32) {
    %c0_i32 = arith.constant 0 : i32
    %c0_i32_0 = arith.constant 0 : i32
    return %arg0, %c0_i32 : i32, i32
  }
}

module attributes {stable_mosaic.version = 14 : i64} {
  func.func @body(%arg0: i32, %arg1: memref<512x128xf32, #tpu.memory_space<vmem>>, %arg2: memref<512x128xf32, #tpu.memory_space<vmem>>, %arg3: memref<512x1xf32, #tpu.memory_space<vmem>>, %arg4: memref<512x1xi32, #tpu.memory_space<vmem>>, %arg5: memref<128x128xf32, #tpu.memory_space<vmem>>, %arg6: memref<128x128xf32, #tpu.memory_space<vmem>>, %arg7: memref<1x128xf32, #tpu.memory_space<vmem>>, %arg8: memref<128x64xf32, #tpu.memory_space<vmem>>, %arg9: memref<1x64xf32, #tpu.memory_space<vmem>>, %arg10: memref<1x64xf32, #tpu.memory_space<vmem>>, %arg11: memref<1x1xf32, #tpu.memory_space<vmem>>, %arg12: memref<1x128xf32, #tpu.memory_space<vmem>>) attributes {dimension_semantics = [#tpu.dimension_semantics<arbitrary>], iteration_bounds = array<i64: 625>, scalar_prefetch = 0 : i64, scratch_operands = 0 : i64, tpu.core_type = #tpu.core_type<tc>, window_params = [{transform_indices = @transform_0, window_bounds = array<i64: 512, 128>}, {transform_indices = @transform_1, window_bounds = array<i64: 512, 128>}, {transform_indices = @transform_2, window_bounds = array<i64: 512, 1>}, {transform_indices = @transform_3, window_bounds = array<i64: 512, 1>}, {pipeline_mode = #tpu.pipeline_mode<synchronous>, transform_indices = @transform_4, window_bounds = array<i64: 128, 128>}, {pipeline_mode = #tpu.pipeline_mode<synchronous>, transform_indices = @transform_5, window_bounds = array<i64: 128, 128>}, {pipeline_mode = #tpu.pipeline_mode<synchronous>, transform_indices = @transform_6, window_bounds = array<i64: 1, 128>}, {pipeline_mode = #tpu.pipeline_mode<synchronous>, transform_indices = @transform_7, window_bounds = array<i64: 128, 64>}, {pipeline_mode = #tpu.pipeline_mode<synchronous>, transform_indices = @transform_8, window_bounds = array<i64: 1, 64>}, {pipeline_mode = #tpu.pipeline_mode<synchronous>, transform_indices = @transform_9, window_bounds = array<i64: 1, 64>}, {pipeline_mode = #tpu.pipeline_mode<synchronous>, transform_indices = @transform_10, window_bounds = array<i64: 1, 1>}, {pipeline_mode = #tpu.pipeline_mode<synchronous>, transform_indices = @transform_11, window_bounds = array<i64: 1, 128>}]} {
    %get3A = arith.constant 0 : index
    %get3A_0 = arith.constant 0 : index
    %get3A_1 = vector.load %arg1[%get3A, %get3A_0] : memref<512x128xf32, #tpu.memory_space<vmem>>, vector<512x128xf32>
    %get3A_2 = arith.constant 0 : index
    %get3A_3 = arith.constant 0 : index
    %get3A_4 = vector.load %arg5[%get3A_2, %get3A_3] : memref<128x128xf32, #tpu.memory_space<vmem>>, vector<128x128xf32>
    %dot_general3A = arith.constant dense<0.000000e+00> : vector<512x128xf32>
    %dot_general3A_5 = tpu.matmul %get3A_1, %get3A_4, %dot_general3A {dimension_numbers = #tpu.dot_dimension_numbers<[1], [0], [0], [1], [0, 0, 1, 1], [], []>, transpose_lhs_hint = false} : vector<512x128xf32>, vector<128x128xf32>, vector<512x128xf32> -> vector<512x128xf32>
    %get3A_6 = arith.constant 0 : index
    %get3A_7 = arith.constant 0 : index
    %get3A_8 = vector.load %arg2[%get3A_6, %get3A_7] : memref<512x128xf32, #tpu.memory_space<vmem>>, vector<512x128xf32>
    %get3A_9 = arith.constant 0 : index
    %get3A_10 = arith.constant 0 : index
    %get3A_11 = vector.load %arg6[%get3A_9, %get3A_10] : memref<128x128xf32, #tpu.memory_space<vmem>>, vector<128x128xf32>
    %dot_general3A_12 = arith.constant dense<0.000000e+00> : vector<512x128xf32>
    %dot_general3A_13 = tpu.matmul %get3A_8, %get3A_11, %dot_general3A_12 {dimension_numbers = #tpu.dot_dimension_numbers<[1], [0], [0], [1], [0, 0, 1, 1], [], []>, transpose_lhs_hint = false} : vector<512x128xf32>, vector<128x128xf32>, vector<512x128xf32> -> vector<512x128xf32>
    %add3A = arith.addf %dot_general3A_5, %dot_general3A_13 : vector<512x128xf32>
    %get3A_14 = arith.constant 0 : index
    %get3A_15 = arith.constant 0 : index
    %get3A_16 = vector.load %arg7[%get3A_14, %get3A_15] : memref<1x128xf32, #tpu.memory_space<vmem>>, vector<1x128xf32>
    %add3A_17 = vector.broadcast %get3A_16 : vector<1x128xf32> to vector<512x128xf32>
    %add3A_18 = arith.addf %add3A, %add3A_17 : vector<512x128xf32>
    %max3A = arith.constant 0.000000e+00 : f32
    %max3A_19 = vector.broadcast %max3A : f32 to vector<512x128xf32>
    %max3A_20 = arith.maximumf %add3A_18, %max3A_19 : vector<512x128xf32>
    %get3A_21 = arith.constant 0 : index
    %get3A_22 = arith.constant 0 : index
    %get3A_23 = vector.load %arg8[%get3A_21, %get3A_22] : memref<128x64xf32, #tpu.memory_space<vmem>>, vector<128x64xf32>
    %dot_general3A_24 = arith.constant dense<0.000000e+00> : vector<512x64xf32>
    %dot_general3A_25 = tpu.matmul %max3A_20, %get3A_23, %dot_general3A_24 {dimension_numbers = #tpu.dot_dimension_numbers<[1], [0], [0], [1], [0, 0, 1, 1], [], []>, transpose_lhs_hint = false} : vector<512x128xf32>, vector<128x64xf32>, vector<512x64xf32> -> vector<512x64xf32>
    %get3A_26 = arith.constant 0 : index
    %get3A_27 = arith.constant 0 : index
    %get3A_28 = vector.load %arg9[%get3A_26, %get3A_27] : memref<1x64xf32, #tpu.memory_space<vmem>>, vector<1x64xf32>
    %add3A_29 = vector.broadcast %get3A_28 : vector<1x64xf32> to vector<512x64xf32>
    %add3A_30 = arith.addf %dot_general3A_25, %add3A_29 : vector<512x64xf32>
    %max3A_31 = arith.constant 0.000000e+00 : f32
    %max3A_32 = vector.broadcast %max3A_31 : f32 to vector<512x64xf32>
    %max3A_33 = arith.maximumf %add3A_30, %max3A_32 : vector<512x64xf32>
    %get3A_34 = arith.constant 0 : index
    %get3A_35 = arith.constant 0 : index
    %get3A_36 = vector.load %arg10[%get3A_34, %get3A_35] : memref<1x64xf32, #tpu.memory_space<vmem>>, vector<1x64xf32>
    %mul3A = vector.broadcast %get3A_36 : vector<1x64xf32> to vector<512x64xf32>
    %mul3A_37 = arith.mulf %max3A_33, %mul3A : vector<512x64xf32>
    %reduce_sum3A = arith.constant dense<0.000000e+00> : vector<512xf32>
    %reduce_sum3A_38 = vector.multi_reduction <add>, %mul3A_37, %reduce_sum3A [1] : vector<512x64xf32> to vector<512xf32>
    %broadcast_in_dim3A = vector.shape_cast %reduce_sum3A_38 : vector<512xf32> to vector<512x1xf32>
    %get3A_39 = arith.constant 0 : index
    %get3A_40 = arith.constant 0 : index
    %get3A_41 = vector.load %arg11[%get3A_39, %get3A_40] : memref<1x1xf32, #tpu.memory_space<vmem>>, vector<1x1xf32>
    %add3A_42 = vector.broadcast %get3A_41 : vector<1x1xf32> to vector<512x1xf32>
    %add3A_43 = arith.addf %broadcast_in_dim3A, %add3A_42 : vector<512x1xf32>
    %get3A_44 = arith.constant 0 : index
    %get3A_45 = arith.constant 0 : index
    %get3A_46 = vector.load %arg3[%get3A_44, %get3A_45] : memref<512x1xf32, #tpu.memory_space<vmem>>, vector<512x1xf32>
    %add3A_47 = arith.addf %add3A_43, %get3A_46 : vector<512x1xf32>
    %integer_pow3A = arith.mulf %add3A_47, %add3A_47 : vector<512x1xf32>
    %mul3A_48 = arith.constant 5.000000e-01 : f32
    %mul3A_49 = vector.broadcast %mul3A_48 : f32 to vector<512x1xf32>
    %mul3A_50 = arith.mulf %mul3A_49, %integer_pow3A : vector<512x1xf32>
    %iota3A = tpu.iota {dimensions = array<i32: 1>} : vector<512x128xi32>
    %get3A_51 = arith.constant 0 : index
    %get3A_52 = arith.constant 0 : index
    %get3A_53 = vector.load %arg4[%get3A_51, %get3A_52] : memref<512x1xi32, #tpu.memory_space<vmem>>, vector<512x1xi32>
    %eq3A = vector.broadcast %get3A_53 : vector<512x1xi32> to vector<512x128xi32>
    %eq3A_54 = arith.cmpi eq, %eq3A, %iota3A : vector<512x128xi32>
    %jit3A = arith.constant 0.000000e+00 : f32
    %broadcast_in_dim3A_55 = vector.shape_cast %mul3A_50 : vector<512x1xf32> to vector<512x1xf32>
    %broadcast_in_dim3A_56 = vector.broadcast %broadcast_in_dim3A_55 : vector<512x1xf32> to vector<512x128xf32>
    %broadcast_in_dim3A_57 = vector.broadcast %jit3A : f32 to vector<512x128xf32>
    %select_n3A = arith.select %eq3A_54, %broadcast_in_dim3A_56, %broadcast_in_dim3A_57 : vector<512x128xi1>, vector<512x128xf32>
    %reduce_sum3A_58 = arith.constant dense<0.000000e+00> : vector<128xf32>
    %reduce_sum3A_59 = vector.multi_reduction <add>, %select_n3A, %reduce_sum3A_58 [0] : vector<512x128xf32> to vector<128xf32>
    %broadcast_in_dim3A_60 = vector.shape_cast %reduce_sum3A_59 : vector<128xf32> to vector<1x128xf32>
    %eq3A_61 = arith.constant 0 : i32
    %eq3A_62 = arith.cmpi eq, %arg0, %eq3A_61 : i32
    %convert_element_type3A = arith.extui %eq3A_62 : i1 to i32
    %cond3A = arith.constant 0 : i32
    %cond3A_63 = arith.cmpi ne, %convert_element_type3A, %cond3A : i32
    scf.if %cond3A_63 {
      %broadcast_in_dim3A_70 = arith.constant 0.000000e+00 : f32
      %broadcast_in_dim3A_71 = vector.broadcast %broadcast_in_dim3A_70 : f32 to vector<1x128xf32>
      %swap3A_72 = arith.constant 0 : index
      %swap3A_73 = arith.constant 0 : index
      %swap3A_74 = vector.load %arg12[%swap3A_72, %swap3A_73] : memref<1x128xf32, #tpu.memory_space<vmem>>, vector<1x128xf32>
      tpu.vector_store %arg12[%swap3A_72, %swap3A_73], %broadcast_in_dim3A_71 {strides = array<i32>} : memref<1x128xf32, #tpu.memory_space<vmem>>, vector<1x128xf32>,
    } else {
    }
    %get3A_64 = arith.constant 0 : index
    %get3A_65 = arith.constant 0 : index
    %get3A_66 = vector.load %arg12[%get3A_64, %get3A_65] : memref<1x128xf32, #tpu.memory_space<vmem>>, vector<1x128xf32>
    %add3A_67 = arith.addf %get3A_66, %broadcast_in_dim3A_60 : vector<1x128xf32>
    %swap3A = arith.constant 0 : index
    %swap3A_68 = arith.constant 0 : index
    %swap3A_69 = vector.load %arg12[%swap3A, %swap3A_68] : memref<1x128xf32, #tpu.memory_space<vmem>>, vector<1x128xf32>
    tpu.vector_store %arg12[%swap3A, %swap3A_68], %add3A_67 {strides = array<i32>} : memref<1x128xf32, #tpu.memory_space<vmem>>, vector<1x128xf32>,
    return
  }
  func.func @transform_0(%arg0: i32) -> (i32, i32) {
    %c0_i32 = arith.constant 0 : i32
    %c0_i32_0 = arith.constant 0 : i32
    return %arg0, %c0_i32 : i32, i32
  }
  func.func @transform_1(%arg0: i32) -> (i32, i32) {
    %c0_i32 = arith.constant 0 : i32
    %c0_i32_0 = arith.constant 0 : i32
    return %arg0, %c0_i32 : i32, i32
  }
  func.func @transform_2(%arg0: i32) -> (i32, i32) {
    %c0_i32 = arith.constant 0 : i32
    %c0_i32_0 = arith.constant 0 : i32
    return %arg0, %c0_i32 : i32, i32
  }
  func.func @transform_3(%arg0: i32) -> (i32, i32) {
    %c0_i32 = arith.constant 0 : i32
    %c0_i32_0 = arith.constant 0 : i32
    return %arg0, %c0_i32 : i32, i32
  }
  func.func @transform_4(%arg0: i32) -> (i32, i32) {
    %c0_i32 = arith.constant 0 : i32
    %c0_i32_0 = arith.constant 0 : i32
    %c0_i32_1 = arith.constant 0 : i32
    return %c0_i32, %c0_i32_0 : i32, i32
  }
  func.func @transform_5(%arg0: i32) -> (i32, i32) {
    %c0_i32 = arith.constant 0 : i32
    %c0_i32_0 = arith.constant 0 : i32
    %c0_i32_1 = arith.constant 0 : i32
    return %c0_i32, %c0_i32_0 : i32, i32
  }
  func.func @transform_6(%arg0: i32) -> (i32, i32) {
    %c0_i32 = arith.constant 0 : i32
    %c0_i32_0 = arith.constant 0 : i32
    %c0_i32_1 = arith.constant 0 : i32
    return %c0_i32, %c0_i32_0 : i32, i32
  }
  func.func @transform_7(%arg0: i32) -> (i32, i32) {
    %c0_i32 = arith.constant 0 : i32
    %c0_i32_0 = arith.constant 0 : i32
    %c0_i32_1 = arith.constant 0 : i32
    return %c0_i32, %c0_i32_0 : i32, i32
  }
  func.func @transform_8(%arg0: i32) -> (i32, i32) {
    %c0_i32 = arith.constant 0 : i32
    %c0_i32_0 = arith.constant 0 : i32
    %c0_i32_1 = arith.constant 0 : i32
    return %c0_i32, %c0_i32_0 : i32, i32
  }
  func.func @transform_9(%arg0: i32) -> (i32, i32) {
    %c0_i32 = arith.constant 0 : i32
    %c0_i32_0 = arith.constant 0 : i32
    %c0_i32_1 = arith.constant 0 : i32
    return %c0_i32, %c0_i32_0 : i32, i32
  }
  func.func @transform_10(%arg0: i32) -> (i32, i32) {
    %c0_i32 = arith.constant 0 : i32
    %c0_i32_0 = arith.constant 0 : i32
    %c0_i32_1 = arith.constant 0 : i32
    return %c0_i32, %c0_i32_0 : i32, i32
  }
  func.func @transform_11(%arg0: i32) -> (i32, i32) {
    %c0_i32 = arith.constant 0 : i32
    %c0_i32_0 = arith.constant 0 : i32
    %c0_i32_1 = arith.constant 0 : i32
    return %c0_i32, %c0_i32_0 : i32, i32
  }
}

</mosaic_0001>

<sc_bundles>
// kernel: kernel.15.cloned.1.call-start
scs
__scs_entry_jumppad:
0x0: {  	(pc) =	sbr.rel $0x88, $3  }
0x1: {  	(tag) =	ssettag $0x0;
	lr =	simm.s32 $0x1  }
0x2: {  	[smem:$0x3F79] =	sst lr;
	_ =	strace $0xD0000000  }
0x3: {  	_ = 	snop  }
0x4: {  	_ = 	snop  }
0x5: {  	_ = 	snop  }
0x6: {  	_ = 	snop  }
0x7: {  	_ = 	snop  }
__scs_overlays_trampoline_lowered:
0x8: {  	[smem:$0x3F88] =	sst s0  }
0x9: {  	[smem:$0x3F89] =	sst s1  }
0xa: {  	[smem:$0x3F8A] =	sst s2  }
0xb: {  	[smem:$0x3F8B] =	sst s3  }
0xc: {  	[smem:$0x3F8C] =	sst s4  }
0xd: {  	[smem:$0x3F8D] =	sst s5  }
0xe: {  	[smem:$0x3F8E] =	sst s6  }
0xf: {  	[smem:$0x3F8F] =	sst s7  }
0x10: {  	[smem:$0x3F90] =	sst s8  }
0x11: {  	[smem:$0x3F91] =	sst s9;
	s0 =	simm.s32 @!p0 $0x0  }
0x12: {  	s1 =	sld [smem:$0x3F77];
	s0 =	simm.s32 @p0 $0x1  }
0x13: {  	[smem:$0x3F92] =	sst s0;
	s0 =	simm.s32 @!p1 $0x0  }
0x14: {  	s2 =	sld [smem:$0x3F76];
	s0 =	simm.s32 @p1 $0x1  }
0x15: {  	[smem:$0x3F93] =	sst s0;
	s0 =	simm.s32 @!p2 $0x0  }
0x16: {  	s3 =	sld [smem:$0x3FDB];
	s0 =	simm.s32 @p2 $0x1  }
0x17: {  	s4 =	simm.s32 $0x1BF5;
	[smem:$0x3F95] =	sst s0  }
0x18: {  	s0 =	sld [smem:$0x3F78];
	_ =	swait.ge [sflag:s4], $0x0  }
0x19: {  	s7 =	sld [smem:$0x3F79]  }
0x1a: {  	s8 =	sadd.s32 $0xFFFFE003, lr  }
0x1b: {  	s9 =	sadd.s32 $0xFFFFFEF7, lr;
	s5 =	simm.s32 $0xFFFFFFFF;
	p2 =	slt.u32 s8, $0xFFFFF086  }
0x1c: {  	p1 =	slt.u32 s9, $0xF7A;
	s5 =	simm.s32 @!p2 $0x0  }
0x1d: {  	s5 =	simm.s32 @p1 $0x1;
	p0 =	seq.s32 s7, s2  }
0x1e: {  	s7 =	smul.u32 @!p0 $0xF7A, s2;
	p2 =	seq.s32 @!p0 s5, $0x0  }
0x1f: {  	s9 =	smul.u32 $0xF7A, s1;
	s8 =	simm.s32 @!p0 $0x1BF5;
	p2 =	por !p2, p0  }
0x20: {  	[sflag:s8] =	ssyncset.s32 @!p0 $0xFFFFF086;
	s6 =	sadd.s32 @!p0 s3, s7;
	s7 =	simm.s32 @!p0 $0x108  }
0x21: {  	s3 =	sadd.s32 s3, s9;
	s6 =	sadd.s32 @!p0 $0x88, s6;
	s7 =	simm.s32 @p2 $0x1082  }
0x22: {  	[simem:s7], [sflag:s8] =	dma.local @!p0 [hbm:s6], $0xF7A  }
0x23: {  	s9 =	sor.u32 $0xD0000000, s2;
	s6 =	simm.s32 $0x108;
	_ =	swait.ge @!p0 [sflag:s8], $0x0  }
0x24: {  	s3 =	sadd.s32 $0x88, s3;
	s6 =	simm.s32 @!p1 $0x1082;
	[sflag:s4] =	ssyncset.s32 $0xFFFFF086  }
0x25: {  	[simem:s6], [sflag:s4] =	dma.local [hbm:s3], $0xF7A  }
0x26: {  	[smem:$0x3F79] =	sst s1;
	(tag) =	ssettag s2;
	_ =	strace s9  }
0x27: {  	s1 =	sld [smem:$0x3F89]  }
0x28: {  	s2 =	sld [smem:$0x3F8A]  }
0x29: {  	s4 =	sld [smem:$0x3F8C]  }
0x2a: {  	p0 =	seq.s32 s5, $0x0;
	s5 =	sld [smem:$0x3F8D]  }
0x2b: {  	s6 =	sld [smem:$0x3F8E]  }
0x2c: {  	s7 =	sld [smem:$0x3F8F]  }
0x2d: {  	s3 =	simm.s32 $0x108;
	s8 =	sld [smem:$0x3F90]  }
0x2e: {  	s3 =	simm.s32 @!p0 $0x1082;
	s9 =	sld [smem:$0x3F91]  }
0x2f: {  	lr =	sadd.s32 s0, s3;
	s0 =	sld [smem:$0x3F88]  }
0x30: {  	s3 =	sld [smem:$0x3F8B]  }
0x31: {  	[smem:$0x3F94] =	sst s10  }
0x32: {  	s10 =	sld [smem:$0x3F92];
	_ =	sdelay $0x3  }
0x33: {  	p0 =	seq.s32 s10, $0x1;
	s10 =	sld [smem:$0x3F94];
	_ =	sdelay $0x3  }
0x34: {  	[smem:$0x3F94] =	sst s10  }
0x35: {  	s10 =	sld [smem:$0x3F93];
	_ =	sdelay $0x3  }
0x36: {  	p1 =	seq.s32 s10, $0x1;
	s10 =	sld [smem:$0x3F94];
	_ =	sdelay $0x3  }
0x37: {  	[smem:$0x3F94] =	sst s10  }
0x38: {  	s10 =	sld [smem:$0x3F95]  }
0x39: {  	_ = 	snop;
	(pc) =	sbr.ind lr, $3  }
0x3a: {  	_ = 	snop  }
0x3b: {  	_ = 	snop  }
0x3c: {  	p2 =	seq.s32 s10, $0x1;
	s10 =	sld [smem:$0x3F94]  }
0x3d: {  	_ =	shalt  }
0x3e: {  	_ =	shalt  }
0x3f: {  	_ =	shalt  }
0x40: {  	_ =	shalt  }
0x41: {  	_ =	shalt  }
0x42: {  	_ =	shalt  }
0x43: {  	_ =	shalt  }
0x44: {  	_ =	shalt  }
0x45: {  	_ =	shalt  }
0x46: {  	_ =	shalt  }
0x47: {  	_ =	shalt  }
0x48: {  	_ =	shalt  }
0x49: {  	_ =	shalt  }
0x4a: {  	_ =	shalt  }
0x4b: {  	_ =	shalt  }
0x4c: {  	_ =	shalt  }
0x4d: {  	_ =	shalt  }
0x4e: {  	_ =	shalt  }
0x4f: {  	_ =	shalt  }
0x50: {  	_ =	shalt  }
0x51: {  	_ =	shalt  }
0x52: {  	_ =	shalt  }
0x53: {  	_ =	shalt  }
0x54: {  	_ =	shalt  }
0x55: {  	_ =	shalt  }
0x56: {  	_ =	shalt  }
0x57: {  	_ =	shalt  }
0x58: {  	_ =	shalt  }
0x59: {  	_ =	shalt  }
0x5a: {  	_ =	shalt  }
0x5b: {  	_ =	shalt  }
0x5c: {  	_ =	shalt  }
0x5d: {  	_ =	shalt  }
0x5e: {  	_ =	shalt  }
0x5f: {  	_ =	shalt  }
0x60: {  	_ =	shalt  }
0x61: {  	_ =	shalt  }
0x62: {  	_ =	shalt  }
0x63: {  	_ =	shalt  }
0x64: {  	_ =	shalt  }
0x65: {  	_ =	shalt  }
0x66: {  	_ =	shalt  }
0x67: {  	_ =	shalt  }
0x68: {  	_ =	shalt  }
0x69: {  	_ =	shalt  }
0x6a: {  	_ =	shalt  }
0x6b: {  	_ =	shalt  }
0x6c: {  	_ =	shalt  }
0x6d: {  	_ =	shalt  }
0x6e: {  	_ =	shalt  }
0x6f: {  	_ =	shalt  }
0x70: {  	_ =	shalt  }
0x71: {  	_ =	shalt  }
0x72: {  	_ =	shalt  }
0x73: {  	_ =	shalt  }
0x74: {  	_ =	shalt  }
0x75: {  	_ =	shalt  }
0x76: {  	_ =	shalt  }
0x77: {  	_ =	shalt  }
0x78: {  	_ =	shalt  }
0x79: {  	_ =	shalt  }
0x7a: {  	_ =	shalt  }
0x7b: {  	_ =	shalt  }
0x7c: {  	_ =	shalt  }
0x7d: {  	_ =	shalt  }
0x7e: {  	_ =	shalt  }
0x7f: {  	_ =	shalt  }
0x80: {  	_ =	shalt  }
0x81: {  	_ =	shalt  }
0x82: {  	_ =	shalt  }
0x83: {  	_ =	shalt  }
0x84: {  	_ =	shalt  }
0x85: {  	_ =	shalt  }
0x86: {  	_ =	shalt  }
0x87: {  	_ =	shalt  }
.Lfunc_end0:
.L_simem_size_0:
called_computation_lowered:
.L_overlay_start_0:
0x88: {  	s2 =	sld [smem:$0x3FD9]  }
0x89: {  	s3 =	sld [smem:$0x3FFE];
	_ =	sdelay $0x1  }
0x8a: {  	s1 =	srdreg.scid  }
0x8b: {  	s0 =	sand.u32 $0x1, s1  }
0x8c: {  	s17 =	sshll.u32 s0, $0xA;
	s2 =	sadd.s32 s3, s2  }
0x8d: {  	s2 =	sadd.s32 s2, s17  }
0x8e: {  	[smem:$0x3FA0] =	sst s2  }
0x8f: {  	_ = 	snop  }
0x90: {  	s2 =	sld [smem:$0x3FC5]  }
0x91: {  	s18 =	sld [smem:$0x3FC4]  }
0x92: {  	s4 =	sld [smem:$0x3FD0];
	(tm) =	ssettm $0x1  }
0x93: {  	s5 =	sld [smem:$0x3FFB];
	_ =	sdelay $0x3  }
0x94: {  	_ =	strace s5  }
0x95: {  	s5 =	sld [smem:$0x3FFC];
	_ =	sdelay $0x3  }
0x96: {  	_ =	strace s5  }
0x97: {  	s5 =	sld [smem:$0x3FFD];
	_ =	sdelay $0x3  }
0x98: {  	_ =	strace s5  }
0x99: {  	_ =	strace $0x8FFFFFFF  }
0x9a: {  	s19 =	sld [smem:$0x3FDB];
	_ =	sdelay $0x1  }
0x9b: {  	s6 =	simm.s32 $_scs_section_size  }
0x9c: {  	s7 =	simm.s32 $_size__tile_overlayer_lowered;
	s8 =	simm.s32 $_tile_overlayer_lowered  }
0x9d: {  	s22 =	simm.s32 $0x1BFF;
	s21 =	sshll.u32 s8, $0x1;
	s5 =	sadd.s32 s6, s19  }
0x9e: {  	s9 =	simm.s32 $0x0;
	s20 =	sshll.u32 s7, $0x1;
	s7 =	sadd.s32 s21, s5  }
0x9f: {  	[timem:s9], [sflag:s22] =	dma.local [hbm:s7], s20  }
0xa0: {  	_ =	swait.ge [sflag:s22], s20  }
0xa1: {  	s6 =	ssub.s32 $0x0, s20;
	[sflag:s22] =	ssyncset.done $0x0  }
0xa2: {  	[sflag:s22] =	ssyncadd.s32 s6;
	_ =	sdelay $0x1  }
0xa3: {  	s23 =	simm.s32 $0x1B8B  }
0xa4: {  	_ =	swait.ge [sflag:s23], $0x1  }
0xa5: {  	[sflag:s23] =	ssyncset.done $0x0  }
0xa6: {  	s25 =	simm.s32 $0x1B8E;
	s24 =	sld [smem:$0x3FFE];
	[sflag:s23] =	ssyncadd.s32 $0xFFFFFFFF  }
0xa7: {  	s26 =	simm.s32 $execute0_lowered;
	[smem:$0x3FD2] =	sst s25  }
0xa8: {  	s7 =	sshll.u32 s26, $0x1;
	_ =	strace $0x80000046;
	[dreg:$0x1] =	wrdreg $0xFFFFFFFF  }
0xa9: {  	s28 =	simm.s32 $_size_execute0_lowered;
	s5 =	sadd.s32 s5, s7;
	[dreg:$0x0] =	wrdreg $0x0  }
0xaa: {  	s7 =	sshll.u32 s28, $0x1;
	[dreg:$0x2] =	wrdreg s5  }
0xab: {  	[dreg:$0x3] =	wrdreg s7  }
0xac: {  	[dreg:$0x4] =	wrdreg $0xC0  }
0xad: {  	_ =	task [dreg:s9], $0x5FFFF  }
0xae: {  	[dreg:$0x1] =	wrdreg $0xFFFFFFFF  }
0xaf: {  	[dreg:$0x0] =	wrdreg $0x60  }
0xb0: {  	[dreg:$0x2] =	wrdreg s24  }
0xb1: {  	[dreg:$0x3] =	wrdreg s2  }
0xb2: {  	[dreg:$0x4] =	wrdreg s4  }
0xb3: {  	[dreg:$0x5] =	wrdreg s18  }
0xb4: {  	[dreg:$0x6] =	wrdreg $0x9  }
0xb5: {  	_ =	task.clear_ibuf [dreg:s9], $0x7FFFF;
	_ =	strace $0x90000046  }
0xb6: {  	s29 =	simm.s32 $0x9;
	_ =	strace $0x80000048  }
0xb7: {  	_ =	swait.ge [sflag:s29], $0x1  }
0xb8: {  	[sflag:s29] =	ssyncadd.s32 $0xFFFFFFFF  }
0xb9: {  	_ =	strace $0x90000048  }
0xba: {  	_ =	sfence  }
0xbb: {  	s30 =	sld [smem:$0x0];
	_ =	sdelay $0x2  }
0xbc: {  	s31 =	sshll.u32 s1, $0xD;
	s1 =	sshrl.u32 s1, $0x2  }
0xbd: {  	s3 =	sand.u32 $0x4000, s31;
	s1 =	sadd.s32 s1, s30  }
0xbe: {  	s0 =	sor.u32 s3, s0;
	s1 =	sshll.u32 s1, $0x11  }
0xbf: {  	s0 =	sor.u32 s1, s0  }
0xc0: {  	s0 =	sadd.s32 $0x8F2B, s0  }
0xc1: {  	[sflag:s0] =	ssyncadd.remote.s32 $0x1  }
0xc2: {  	_ =	sfence.sel $0xFFFF  }
0xc3: {  	[dreg:$0x0] =	wrdreg $0xFFFFFFFF;
	(pc) =	sbr.abs _section_cstart, $3  }
0xc4: {  	[dreg:$0x1] =	wrdreg $0xFFFFFFFF  }
0xc5: {  	_ =	task.clear_ibuf [dreg:s9], $0x2FFFF;
	_ =	strace $0x9FFFFFFF  }
0xc6: {  	(tm) =	ssettm $0x7FFFFFFF  }
0xc7: {  	_ =	shalt  }
tec
execute0_lowered:
.L_overlay_start_1:
0x0: {  	(tag) =	ssettag $0x1  }
0x1: {  	s0 =	rddreg [dreg:$0x0]  }
0x2: {  	s3 =	rddreg [dreg:$0x3];
	s4 =	simm.s32 $0x0;
	s1 =	srdreg.scid  }
0x3: {  	s7 =	stileid.u32;
	s17 =	simm.s32 $0x2000;
	s18 =	simm.s32 $0x1  }
0x4: {  	s19 =	simm.s32 $0x4780;
	s20 =	simm.s32 $0x6F00;
	s21 =	simm.s32 $0x9680  }
0x5: {  	s22 =	simm.s32 $0xBE00;
	s23 =	simm.s32 $0xBE80;
	s24 =	simm.s32 $0x1000  }
0x6: {  	s25 =	simm.s32 $0xBF00;
	s26 =	simm.s32 $0xBF80;
	s28 =	simm.s32 $0xC780  }
0x7: {  	s29 =	simm.s32 $0xCF80;
	s30 =	simm.s32 $0x0;
	[smem:$0x7FF] =	sst s4  }
0x8: {  	s5 =	sadd.s32 $0x6400, s0;
	s6 =	sadd.s32 $0x1A400, s0;
	s8 =	sadd.s32 $0x2F000, s0  }
0x9: {  	s9 =	sadd.s32 $0x2EA00, s0;
	s10 =	sadd.s32 $0x2E400, s0;
	s1 =	sand.u32 $0x1, s1  }
0xa: {  	s11 =	sadd.s32 $0x2F600, s0;
	s7 =	sshll.u32 s7, $0x1;
	s2 =	ssub.s32 $0x2, s1  }
0xb: {  	s12 =	sadd.s32 $0x39400, s0;
	s1 =	sor.u32 s1, s7;
	s14 =	sshrl.u32 s2, $0x1  }
0xc: {  	s13 =	sadd.s32 $0x43200, s0;
	s15 =	smul.u32 $0x5000, s1;
	s31 =	ssub.s32 s2, s14  }
0xd: {  	_ =	strace $0x80000047;
	s14 =	smul.u32 $0x2710, s1;
	s16 =	smax.u32 s31, $0x1  }
.LBB2_1:
0xe: {  	s0 =	rddreg [dreg:$0x1]  }
0xf: {  	[tilespmem:s17], [sflag:$0x1] =	stream.linear.gather [hbm4b:s0+s4], $0x2780, $0x38;
	[tilespmem:$0xD780] =	vst v63  }
0x10: {  	_ =	swait.ge [sflag:s18], $0x2780  }
0x11: {  	[sflag:s18] =	ssyncset.done $0x0  }
0x12: {  	[sflag:s18] =	ssyncadd.s32 $0xFFFFD880  }
0x13: {  	[tilespmem:s19], [sflag:$0x1] =	stream.linear.gather [hbm4b:s8+s4], $0x2780, $0x38;
	[tilespmem:$0xD780] =	vst v63  }
0x14: {  	_ =	swait.ge [sflag:s18], $0x2780  }
0x15: {  	[sflag:s18] =	ssyncset.done $0x0  }
0x16: {  	[sflag:s18] =	ssyncadd.s32 $0xFFFFD880  }
0x17: {  	[tilespmem:s20], [sflag:$0x1] =	stream.linear.gather [hbm4b:s9+s4], $0x2780, $0x38;
	[tilespmem:$0xD780] =	vst v63  }
0x18: {  	_ =	swait.ge [sflag:s18], $0x2780  }
0x19: {  	[sflag:s18] =	ssyncset.done $0x0  }
0x1a: {  	[sflag:s18] =	ssyncadd.s32 $0xFFFFD880  }
0x1b: {  	[tilespmem:s21], [sflag:$0x1] =	stream.linear.gather [hbm4b:s10+s4], $0x2780, $0x38;
	[tilespmem:$0xD780] =	vst v63  }
0x1c: {  	_ =	swait.ge [sflag:s18], $0x2780  }
0x1d: {  	[sflag:s18] =	ssyncset.done $0x0  }
0x1e: {  	[sflag:s18] =	ssyncadd.s32 $0xFFFFD880  }
0x1f: {  	s7 =	rddreg [dreg:$0x2]  }
0x20: {  	[tilespmem:s22], [sflag:$0x1] =	stream.linear.gather [hbm4b:s7+s4], $0x80, $0x38;
	[tilespmem:$0xD780] =	vst v63  }
0x21: {  	_ =	swait.ge [sflag:s18], $0x80  }
0x22: {  	[sflag:s18] =	ssyncset.done $0x0  }
0x23: {  	[sflag:s18] =	ssyncadd.s32 $0xFFFFFF80  }
0x24: {  	[tilespmem:s23], [sflag:$0x1] =	stream.linear.gather [hbm4b:s3+s4], $0x80, $0x38;
	[tilespmem:$0xD780] =	vst v63  }
0x25: {  	_ =	swait.ge [sflag:s18], $0x80  }
0x26: {  	[sflag:s18] =	ssyncset.done $0x0  }
0x27: {  	[sflag:s18] =	ssyncadd.s32 $0xFFFFFF80  }
0x28: {  	v0 =	vld [tilespmem:$0xBE80];
	_ =	sdelay $0x5  }
0x29: {  	v1 =	vld [tilespmem:$0xBE90];
	_ =	sdelay $0x1  }
0x2a: {  	v0 =	vld.idx.msk [tilespmem:v0+s22+$0x0], $0xffff;
	_ =	sdelay $0x3  }
0x2b: {  	v2 =	vld [tilespmem:$0xBEA0]  }
0x2c: {  	[tilespmem:$0xBF00] =	vst v0  }
0x2d: {  	v0 =	vld.idx.msk [tilespmem:v1+s22+$0x0], $0xffff;
	_ =	sdelay $0x3  }
0x2e: {  	v59 =	vld [tilespmem:$0xBEB0]  }
0x2f: {  	[tilespmem:$0xBF10] =	vst v0  }
0x30: {  	v0 =	vld.idx.msk [tilespmem:v2+s22+$0x0], $0xffff;
	_ =	sdelay $0x3  }
0x31: {  	v60 =	vld [tilespmem:$0xBEC0]  }
0x32: {  	[tilespmem:$0xBF20] =	vst v0  }
0x33: {  	v0 =	vld.idx.msk [tilespmem:v59+s22+$0x0], $0xffff;
	_ =	sdelay $0x3  }
0x34: {  	v61 =	vld [tilespmem:$0xBED0]  }
0x35: {  	[tilespmem:$0xBF30] =	vst v0  }
0x36: {  	v0 =	vld.idx.msk [tilespmem:v60+s22+$0x0], $0xffff;
	_ =	sdelay $0x3  }
0x37: {  	v62 =	vld [tilespmem:$0xBEE0]  }
0x38: {  	[tilespmem:$0xBF40] =	vst v0  }
0x39: {  	v0 =	vld.idx.msk [tilespmem:v61+s22+$0x0], $0xffff;
	_ =	sdelay $0x3  }
0x3a: {  	v63 =	vld [tilespmem:$0xBEF0]  }
0x3b: {  	[tilespmem:$0xBF50] =	vst v0  }
0x3c: {  	v0 =	vld.idx.msk [tilespmem:v62+s22+$0x0], $0xffff;
	_ =	sdelay $0x4  }
0x3d: {  	[tilespmem:$0xBF60] =	vst v0  }
0x3e: {  	v0 =	vld.idx.msk [tilespmem:v63+s22+$0x0], $0xffff;
	_ =	sdelay $0x4  }
0x3f: {  	s31 =	simm.s32 $0x0;
	[tilespmem:$0xBF70] =	vst v0  }
.LBB2_2:
0x40: {  	s0 =	sshll.u32 s31, $0xC  }
0x41: {  	s0 =	sadd.s32 s15, s0  }
0x42: {  	s1 =	sshrl.u32 s0, $0x3  }
0x43: {  	s0 =	simm.s32 $0x0;
	s2 =	sadd.s32 s5, s1  }
0x44: {  	[tilespmem:s0], [sflag:$0x1] =	stream.linear.gather [hbm4b:s2+s0], $0xC80, $0x38;
	[tilespmem:$0xD780] =	vst v63  }
0x45: {  	_ =	swait.ge [sflag:s18], $0xC80  }
0x46: {  	[sflag:s18] =	ssyncset.done $0x0  }
0x47: {  	s1 =	sadd.s32 s6, s1;
	[sflag:s18] =	ssyncadd.s32 $0xFFFFF380  }
0x48: {  	[tilespmem:s24], [sflag:$0x1] =	stream.linear.gather [hbm4b:s1+s0], $0xC80, $0x38;
	[tilespmem:$0xD780] =	vst v63  }
0x49: {  	_ =	swait.ge [sflag:s18], $0xC80  }
0x4a: {  	[sflag:s18] =	ssyncset.done $0x0  }
0x4b: {  	s7 =	simm.s32 $0x1020;
	s1 =	simm.s32 $0x20;
	[sflag:s18] =	ssyncadd.s32 $0xFFFFF380  }
.LBB2_3:
0x4c: {  	v0 =	vld [tilespmem:s1+$0xFFFFFFE0];
	_ =	sdelay $0x1  }
0x4d: {  	v1 =	vld [tilespmem:s7+$0xFFFFFFE0];
	_ =	sdelay $0x5  }
0x4e: {  	v2 =	vld.idx.msk [tilespmem:v0+s17+$0x0], $0xffff  }
0x4f: {  	v3 =	vld.idx.msk [tilespmem:v0+s19+$0x0], $0xffff  }
0x50: {  	v4 =	vld.idx.msk [tilespmem:v1+s19+$0x0], $0xffff  }
0x51: {  	v5 =	vld.idx.msk [tilespmem:v0+s20+$0x0], $0xffff  }
0x52: {  	v6 =	vld.idx.msk [tilespmem:v1+s20+$0x0], $0xffff  }
0x53: {  	v0 =	vld.idx.msk [tilespmem:v0+s21+$0x0], $0xffff  }
0x54: {  	v1 =	vld.idx.msk [tilespmem:v1+s21+$0x0], $0xffff;
	_ =	sdelay $0x2  }
0x55: {  	v3 =	vsub.f32 v3, v4;
	v28 =	vsub.f32 v5, v6;
	_ =	sdelay $0x1  }
0x56: {  	v0 =	vsub.f32 v0, v1;
	v29 =	vmul.f32 v3, v3;
	v30 =	vmul.f32 v28, v28;
	_ =	sdelay $0x1  }
0x57: {  	v0 =	vmul.f32 v0, v0;
	v31 =	vld.idx.msk [tilespmem:v2+s25+$0x0], $0xffff;
	v1 =	vadd.f32 v30, v29;
	_ =	sdelay $0x1  }
0x58: {  	s2 =	sshra.s32 s0, $0x2;
	v0 =	vadd.f32 v0, v1  }
0x59: {  	[tilespmem:s2+$0xCF80] =	vst v2  }
0x5a: {  	[tilespmem:s2+$0xBF80] =	vst v0  }
0x5b: {  	[tilespmem:s2+$0xC780] =	vst v31  }
0x5c: {  	v0 =	vld [tilespmem:s1+$0xFFFFFFF0];
	_ =	sdelay $0x1  }
0x5d: {  	v32 =	vld [tilespmem:s7+$0xFFFFFFF0];
	_ =	sdelay $0x5  }
0x5e: {  	v2 =	vld.idx.msk [tilespmem:v0+s17+$0x0], $0xffff  }
0x5f: {  	v33 =	vld.idx.msk [tilespmem:v0+s19+$0x0], $0xffff  }
0x60: {  	v4 =	vld.idx.msk [tilespmem:v32+s19+$0x0], $0xffff  }
0x61: {  	v34 =	vld.idx.msk [tilespmem:v0+s20+$0x0], $0xffff  }
0x62: {  	v35 =	vld.idx.msk [tilespmem:v32+s20+$0x0], $0xffff  }
0x63: {  	v0 =	vld.idx.msk [tilespmem:v0+s21+$0x0], $0xffff  }
0x64: {  	v1 =	vld.idx.msk [tilespmem:v32+s21+$0x0], $0xffff;
	_ =	sdelay $0x2  }
0x65: {  	v3 =	vsub.f32 v33, v4;
	v36 =	vsub.f32 v34, v35;
	_ =	sdelay $0x1  }
0x66: {  	v0 =	vsub.f32 v0, v1;
	v37 =	vmul.f32 v3, v3;
	v38 =	vmul.f32 v36, v36;
	_ =	sdelay $0x1  }
0x67: {  	v0 =	vmul.f32 v0, v0;
	v39 =	vld.idx.msk [tilespmem:v2+s25+$0x0], $0xffff;
	v1 =	vadd.f32 v38, v37;
	_ =	sdelay $0x1  }
0x68: {  	v0 =	vadd.f32 v0, v1  }
0x69: {  	[tilespmem:s2+$0xCF90] =	vst v2  }
0x6a: {  	[tilespmem:s2+$0xBF90] =	vst v0  }
0x6b: {  	[tilespmem:s2+$0xC790] =	vst v39  }
0x6c: {  	v0 =	vld [tilespmem:s1+$0x0];
	_ =	sdelay $0x1  }
0x6d: {  	v40 =	vld [tilespmem:s7+$0x0];
	_ =	sdelay $0x5  }
0x6e: {  	v2 =	vld.idx.msk [tilespmem:v0+s17+$0x0], $0xffff  }
0x6f: {  	v41 =	vld.idx.msk [tilespmem:v0+s19+$0x0], $0xffff  }
0x70: {  	v4 =	vld.idx.msk [tilespmem:v40+s19+$0x0], $0xffff  }
0x71: {  	v42 =	vld.idx.msk [tilespmem:v0+s20+$0x0], $0xffff  }
0x72: {  	v43 =	vld.idx.msk [tilespmem:v40+s20+$0x0], $0xffff  }
0x73: {  	v0 =	vld.idx.msk [tilespmem:v0+s21+$0x0], $0xffff  }
0x74: {  	v1 =	vld.idx.msk [tilespmem:v40+s21+$0x0], $0xffff;
	_ =	sdelay $0x2  }
0x75: {  	v3 =	vsub.f32 v41, v4;
	v44 =	vsub.f32 v42, v43;
	_ =	sdelay $0x1  }
0x76: {  	v0 =	vsub.f32 v0, v1;
	v45 =	vmul.f32 v3, v3;
	v46 =	vmul.f32 v44, v44;
	_ =	sdelay $0x1  }
0x77: {  	v0 =	vmul.f32 v0, v0;
	v47 =	vld.idx.msk [tilespmem:v2+s25+$0x0], $0xffff;
	v1 =	vadd.f32 v46, v45;
	_ =	sdelay $0x1  }
0x78: {  	v0 =	vadd.f32 v0, v1  }
0x79: {  	[tilespmem:s2+$0xCFA0] =	vst v2  }
0x7a: {  	[tilespmem:s2+$0xBFA0] =	vst v0  }
0x7b: {  	[tilespmem:s2+$0xC7A0] =	vst v47  }
0x7c: {  	v0 =	vld [tilespmem:s1+$0x10];
	_ =	sdelay $0x1  }
0x7d: {  	v48 =	vld [tilespmem:s7+$0x10];
	_ =	sdelay $0x5  }
0x7e: {  	v2 =	vld.idx.msk [tilespmem:v0+s17+$0x0], $0xffff  }
0x7f: {  	v49 =	vld.idx.msk [tilespmem:v0+s19+$0x0], $0xffff  }
0x80: {  	v4 =	vld.idx.msk [tilespmem:v48+s19+$0x0], $0xffff  }
0x81: {  	v50 =	vld.idx.msk [tilespmem:v0+s20+$0x0], $0xffff  }
0x82: {  	v51 =	vld.idx.msk [tilespmem:v48+s20+$0x0], $0xffff  }
0x83: {  	v0 =	vld.idx.msk [tilespmem:v0+s21+$0x0], $0xffff  }
0x84: {  	v1 =	vld.idx.msk [tilespmem:v48+s21+$0x0], $0xffff;
	_ =	sdelay $0x2  }
0x85: {  	v3 =	vsub.f32 v49, v4;
	v52 =	vsub.f32 v50, v51;
	_ =	sdelay $0x1  }
0x86: {  	v0 =	vsub.f32 v0, v1;
	v53 =	vmul.f32 v3, v3;
	v54 =	vmul.f32 v52, v52;
	_ =	sdelay $0x1  }
0x87: {  	v0 =	vmul.f32 v0, v0;
	v55 =	vld.idx.msk [tilespmem:v2+s25+$0x0], $0xffff;
	v1 =	vadd.f32 v54, v53;
	_ =	sdelay $0x1  }
0x88: {  	v0 =	vadd.f32 v0, v1  }
0x89: {  	[tilespmem:s2+$0xCFB0] =	vst v2  }
0x8a: {  	[tilespmem:s2+$0xBFB0] =	vst v0  }
0x8b: {  	[tilespmem:s2+$0xC7B0] =	vst v55  }
0x8c: {  	v0 =	vld [tilespmem:s1+$0x20];
	_ =	sdelay $0x1  }
0x8d: {  	v56 =	vld [tilespmem:s7+$0x20];
	_ =	sdelay $0x5  }
0x8e: {  	v2 =	vld.idx.msk [tilespmem:v0+s17+$0x0], $0xffff  }
0x8f: {  	v57 =	vld.idx.msk [tilespmem:v0+s19+$0x0], $0xffff  }
0x90: {  	v4 =	vld.idx.msk [tilespmem:v56+s19+$0x0], $0xffff  }
0x91: {  	v58 =	vld.idx.msk [tilespmem:v0+s20+$0x0], $0xffff  }
0x92: {  	v59 =	vld.idx.msk [tilespmem:v56+s20+$0x0], $0xffff  }
0x93: {  	v0 =	vld.idx.msk [tilespmem:v0+s21+$0x0], $0xffff  }
0x94: {  	v1 =	vld.idx.msk [tilespmem:v56+s21+$0x0], $0xffff;
	_ =	sdelay $0x2  }
0x95: {  	v3 =	vsub.f32 v57, v4;
	v60 =	vsub.f32 v58, v59;
	_ =	sdelay $0x1  }
0x96: {  	v0 =	vsub.f32 v0, v1;
	v61 =	vmul.f32 v3, v3;
	v62 =	vmul.f32 v60, v60;
	_ =	sdelay $0x1  }
0x97: {  	p0 =	sne.s32 s0, $0x1E00;
	v0 =	vmul.f32 v0, v0;
	v63 =	vld.idx.msk [tilespmem:v2+s25+$0x0], $0xffff;
	v1 =	vadd.f32 v62, v61  }
.Ltmp0:
0x98: {  	_ = 	snop;
	(pc) =	sbr.rel @p0 .LBB2_3-.Ltmp0, $4  }
0x99: {  	v0 =	vadd.f32 v0, v1  }
0x9a: {  	[tilespmem:s2+$0xCFC0] =	vst v2  }
0x9b: {  	[tilespmem:s2+$0xBFC0] =	vst v0  }
0x9c: {  	s0 =	sadd.s32 $0x140, s0;
	s7 =	sadd.s32 $0x80, s7;
	s1 =	sadd.s32 $0x80, s1;
	[tilespmem:s2+$0xC7C0] =	vst v63  }
0x9d: {  	s0 =	smul.u32 $0x7D0, s31;
	_ =	sdelay $0x1  }
0x9e: {  	s0 =	sadd.s32 s14, s0  }
0x9f: {  	s0 =	sshrl.u32 s0, $0x3  }
0xa0: {  	s1 =	sadd.s32 s11, s0  }
0xa1: {  	[hbm4b:s1+s4] =	stream.linear.scatter [tilespmem:s26], [sflag:$0x1], $0x7D0, $0x38;
	[tilespmem:$0xD780] =	vst v63  }
0xa2: {  	_ =	swait.ge [sflag:s18], $0x7D0  }
0xa3: {  	[sflag:s18] =	ssyncset.done $0x0  }
0xa4: {  	s7 =	sadd.s32 s12, s0;
	[sflag:s18] =	ssyncadd.s32 $0xFFFFF830  }
0xa5: {  	[hbm4b:s7+s4] =	stream.linear.scatter [tilespmem:s28], [sflag:$0x1], $0x7D0, $0x38;
	[tilespmem:$0xD780] =	vst v63  }
0xa6: {  	s31 =	sadd.s32 $0x1, s31;
	_ =	swait.ge [sflag:s18], $0x7D0  }
0xa7: {  	p0 =	sne.s32 s31, $0x5;
	[sflag:s18] =	ssyncset.done $0x0  }
.Ltmp1:
0xa8: {  	s0 =	sadd.s32 s13, s0;
	[sflag:s18] =	ssyncadd.s32 $0xFFFFF830;
	(pc) =	sbr.rel @p0 .LBB2_2-.Ltmp1, $4  }
0xa9: {  	[hbm4b:s0+s4] =	stream.linear.scatter [tilespmem:s29], [sflag:$0x1], $0x7D0, $0x38;
	[tilespmem:$0xD780] =	vst v63  }
0xaa: {  	_ =	swait.ge [sflag:s18], $0x7D0  }
0xab: {  	[sflag:s18] =	ssyncset.done $0x0  }
0xac: {  	[sflag:s18] =	ssyncadd.s32 $0xFFFFF830  }
0xad: {  	s30 =	sadd.s32 $0x1, s30  }
0xae: {  	p0 =	sne.s32 s30, s16  }
.Ltmp2:
0xaf: {  	_ = 	snop;
	(pc) =	sbr.rel @p0 .LBB2_1-.Ltmp2, $1  }
0xb0: {  	_ =	sdelay $0x3  }
0xb1: {  	_ =	sfence.sel $0x180000  }
0xb2: {  	[bflag:$0x0] =	sbarrier.arrive $0xFFFF  }
0xb3: {  	_ =	strace $0x90000047  }
0xb4: {  	s0 =	stileid.u32;
	[bflag:$0x2] =	sbarrier.arrive $0xFFFF  }
0xb5: {  	p0 =	sne.s32 s0, $0x0;
	s0 =	rddreg [dreg:$0x4]  }
0xb6: {  	s0 =	sadd.s32 @!p0 $0x100000, s0  }
0xb7: {  	[sflag:s0] =	ssyncadd.tile.s32 @!p0 $0x1;
	_ =	shalt  }
.Lfunc_end2:
_tile_overlayer_lowered:
.L_overlay_start_2:
0xb8: {  	(tag) =	ssettag $0x2  }
0xb9: {  	s0 =	rddreg [dreg:$0x0];
	s2 =	stileid.u32  }
0xba: {  	s1 =	rddreg [dreg:$0x1];
	p0 =	sne.s32 s2, $0x0  }
0xbb: {  	s3 =	rddreg [dreg:$0x2];
	[bflag:$0x3] =	sbarrier.arrive $0xFFFF;
	s2 =	simm.s32 @!p0 $0x1C01  }
0xbc: {  	[timem:s3], [sflag:s2] =	dma.local @!p0 [hbm:s0], s1  }
0xbd: {  	s0 =	simm.s32 @!p0 $0x1  }
0xbe: {  	_ =	swait.ge @!p0 [sflag:s0], s1  }
0xbf: {  	s1 =	ssub.s32 @!p0 $0x0, s1;
	[sflag:s0] =	ssyncset.done @!p0 $0x0  }
0xc0: {  	[sflag:s0] =	ssyncadd.s32 @!p0 s1  }
0xc1: {  	[bflag:$0x3] =	sbarrier.arrive $0xFFFF  }
0xc2: {  	_ =	shalt  }

// kernel: kernel.18.cloned.1.call-start
scs
__scs_entry_jumppad:
0x0: {  	(pc) =	sbr.rel $0x88, $3  }
0x1: {  	(tag) =	ssettag $0x0;
	lr =	simm.s32 $0x1  }
0x2: {  	[smem:$0x3F79] =	sst lr;
	_ =	strace $0xD0000000  }
0x3: {  	_ = 	snop  }
0x4: {  	_ = 	snop  }
0x5: {  	_ = 	snop  }
0x6: {  	_ = 	snop  }
0x7: {  	_ = 	snop  }
__scs_overlays_trampoline_lowered:
0x8: {  	[smem:$0x3F88] =	sst s0  }
0x9: {  	[smem:$0x3F89] =	sst s1  }
0xa: {  	[smem:$0x3F8A] =	sst s2  }
0xb: {  	[smem:$0x3F8B] =	sst s3  }
0xc: {  	[smem:$0x3F8C] =	sst s4  }
0xd: {  	[smem:$0x3F8D] =	sst s5  }
0xe: {  	[smem:$0x3F8E] =	sst s6  }
0xf: {  	[smem:$0x3F8F] =	sst s7  }
0x10: {  	[smem:$0x3F90] =	sst s8  }
0x11: {  	[smem:$0x3F91] =	sst s9;
	s0 =	simm.s32 @!p0 $0x0  }
0x12: {  	s1 =	sld [smem:$0x3F77];
	s0 =	simm.s32 @p0 $0x1  }
0x13: {  	[smem:$0x3F92] =	sst s0;
	s0 =	simm.s32 @!p1 $0x0  }
0x14: {  	s2 =	sld [smem:$0x3F76];
	s0 =	simm.s32 @p1 $0x1  }
0x15: {  	[smem:$0x3F93] =	sst s0;
	s0 =	simm.s32 @!p2 $0x0  }
0x16: {  	s3 =	sld [smem:$0x3FDB];
	s0 =	simm.s32 @p2 $0x1  }
0x17: {  	s4 =	simm.s32 $0x1BF5;
	[smem:$0x3F95] =	sst s0  }
0x18: {  	s0 =	sld [smem:$0x3F78];
	_ =	swait.ge [sflag:s4], $0x0  }
0x19: {  	s7 =	sld [smem:$0x3F79]  }
0x1a: {  	s8 =	sadd.s32 $0xFFFFE003, lr  }
0x1b: {  	s9 =	sadd.s32 $0xFFFFFEF7, lr;
	s5 =	simm.s32 $0xFFFFFFFF;
	p2 =	slt.u32 s8, $0xFFFFF086  }
0x1c: {  	p1 =	slt.u32 s9, $0xF7A;
	s5 =	simm.s32 @!p2 $0x0  }
0x1d: {  	s5 =	simm.s32 @p1 $0x1;
	p0 =	seq.s32 s7, s2  }
0x1e: {  	s7 =	smul.u32 @!p0 $0xF7A, s2;
	p2 =	seq.s32 @!p0 s5, $0x0  }
0x1f: {  	s9 =	smul.u32 $0xF7A, s1;
	s8 =	simm.s32 @!p0 $0x1BF5;
	p2 =	por !p2, p0  }
0x20: {  	[sflag:s8] =	ssyncset.s32 @!p0 $0xFFFFF086;
	s6 =	sadd.s32 @!p0 s3, s7;
	s7 =	simm.s32 @!p0 $0x108  }
0x21: {  	s3 =	sadd.s32 s3, s9;
	s6 =	sadd.s32 @!p0 $0x88, s6;
	s7 =	simm.s32 @p2 $0x1082  }
0x22: {  	[simem:s7], [sflag:s8] =	dma.local @!p0 [hbm:s6], $0xF7A  }
0x23: {  	s9 =	sor.u32 $0xD0000000, s2;
	s6 =	simm.s32 $0x108;
	_ =	swait.ge @!p0 [sflag:s8], $0x0  }
0x24: {  	s3 =	sadd.s32 $0x88, s3;
	s6 =	simm.s32 @!p1 $0x1082;
	[sflag:s4] =	ssyncset.s32 $0xFFFFF086  }
0x25: {  	[simem:s6], [sflag:s4] =	dma.local [hbm:s3], $0xF7A  }
0x26: {  	[smem:$0x3F79] =	sst s1;
	(tag) =	ssettag s2;
	_ =	strace s9  }
0x27: {  	s1 =	sld [smem:$0x3F89]  }
0x28: {  	s2 =	sld [smem:$0x3F8A]  }
0x29: {  	s4 =	sld [smem:$0x3F8C]  }
0x2a: {  	p0 =	seq.s32 s5, $0x0;
	s5 =	sld [smem:$0x3F8D]  }
0x2b: {  	s6 =	sld [smem:$0x3F8E]  }
0x2c: {  	s7 =	sld [smem:$0x3F8F]  }
0x2d: {  	s3 =	simm.s32 $0x108;
	s8 =	sld [smem:$0x3F90]  }
0x2e: {  	s3 =	simm.s32 @!p0 $0x1082;
	s9 =	sld [smem:$0x3F91]  }
0x2f: {  	lr =	sadd.s32 s0, s3;
	s0 =	sld [smem:$0x3F88]  }
0x30: {  	s3 =	sld [smem:$0x3F8B]  }
0x31: {  	[smem:$0x3F94] =	sst s10  }
0x32: {  	s10 =	sld [smem:$0x3F92];
	_ =	sdelay $0x3  }
0x33: {  	p0 =	seq.s32 s10, $0x1;
	s10 =	sld [smem:$0x3F94];
	_ =	sdelay $0x3  }
0x34: {  	[smem:$0x3F94] =	sst s10  }
0x35: {  	s10 =	sld [smem:$0x3F93];
	_ =	sdelay $0x3  }
0x36: {  	p1 =	seq.s32 s10, $0x1;
	s10 =	sld [smem:$0x3F94];
	_ =	sdelay $0x3  }
0x37: {  	[smem:$0x3F94] =	sst s10  }
0x38: {  	s10 =	sld [smem:$0x3F95]  }
0x39: {  	_ = 	snop;
	(pc) =	sbr.ind lr, $3  }
0x3a: {  	_ = 	snop  }
0x3b: {  	_ = 	snop  }
0x3c: {  	p2 =	seq.s32 s10, $0x1;
	s10 =	sld [smem:$0x3F94]  }
0x3d: {  	_ =	shalt  }
0x3e: {  	_ =	shalt  }
0x3f: {  	_ =	shalt  }
0x40: {  	_ =	shalt  }
0x41: {  	_ =	shalt  }
0x42: {  	_ =	shalt  }
0x43: {  	_ =	shalt  }
0x44: {  	_ =	shalt  }
0x45: {  	_ =	shalt  }
0x46: {  	_ =	shalt  }
0x47: {  	_ =	shalt  }
0x48: {  	_ =	shalt  }
0x49: {  	_ =	shalt  }
0x4a: {  	_ =	shalt  }
0x4b: {  	_ =	shalt  }
0x4c: {  	_ =	shalt  }
0x4d: {  	_ =	shalt  }
0x4e: {  	_ =	shalt  }
0x4f: {  	_ =	shalt  }
0x50: {  	_ =	shalt  }
0x51: {  	_ =	shalt  }
0x52: {  	_ =	shalt  }
0x53: {  	_ =	shalt  }
0x54: {  	_ =	shalt  }
0x55: {  	_ =	shalt  }
0x56: {  	_ =	shalt  }
0x57: {  	_ =	shalt  }
0x58: {  	_ =	shalt  }
0x59: {  	_ =	shalt  }
0x5a: {  	_ =	shalt  }
0x5b: {  	_ =	shalt  }
0x5c: {  	_ =	shalt  }
0x5d: {  	_ =	shalt  }
0x5e: {  	_ =	shalt  }
0x5f: {  	_ =	shalt  }
0x60: {  	_ =	shalt  }
0x61: {  	_ =	shalt  }
0x62: {  	_ =	shalt  }
0x63: {  	_ =	shalt  }
0x64: {  	_ =	shalt  }
0x65: {  	_ =	shalt  }
0x66: {  	_ =	shalt  }
0x67: {  	_ =	shalt  }
0x68: {  	_ =	shalt  }
0x69: {  	_ =	shalt  }
0x6a: {  	_ =	shalt  }
0x6b: {  	_ =	shalt  }
0x6c: {  	_ =	shalt  }
0x6d: {  	_ =	shalt  }
0x6e: {  	_ =	shalt  }
0x6f: {  	_ =	shalt  }
0x70: {  	_ =	shalt  }
0x71: {  	_ =	shalt  }
0x72: {  	_ =	shalt  }
0x73: {  	_ =	shalt  }
0x74: {  	_ =	shalt  }
0x75: {  	_ =	shalt  }
0x76: {  	_ =	shalt  }
0x77: {  	_ =	shalt  }
0x78: {  	_ =	shalt  }
0x79: {  	_ =	shalt  }
0x7a: {  	_ =	shalt  }
0x7b: {  	_ =	shalt  }
0x7c: {  	_ =	shalt  }
0x7d: {  	_ =	shalt  }
0x7e: {  	_ =	shalt  }
0x7f: {  	_ =	shalt  }
0x80: {  	_ =	shalt  }
0x81: {  	_ =	shalt  }
0x82: {  	_ =	shalt  }
0x83: {  	_ =	shalt  }
0x84: {  	_ =	shalt  }
0x85: {  	_ =	shalt  }
0x86: {  	_ =	shalt  }
0x87: {  	_ =	shalt  }
.Lfunc_end0:
.L_simem_size_0:
called_computation.1_lowered:
.L_overlay_start_0:
0x88: {  	s2 =	sld [smem:$0x3FD9]  }
0x89: {  	s3 =	sld [smem:$0x3FFE];
	_ =	sdelay $0x1  }
0x8a: {  	s1 =	srdreg.scid  }
0x8b: {  	s0 =	sand.u32 $0x1, s1  }
0x8c: {  	s16 =	sshll.u32 s0, $0xA;
	s2 =	sadd.s32 s3, s2  }
0x8d: {  	s2 =	sadd.s32 s2, s16  }
0x8e: {  	[smem:$0x3FA0] =	sst s2  }
0x8f: {  	_ = 	snop  }
0x90: {  	(tm) =	ssettm $0x1  }
0x91: {  	s17 =	sld [smem:$0x3FFB];
	_ =	sdelay $0x3  }
0x92: {  	_ =	strace s17  }
0x93: {  	s2 =	sld [smem:$0x3FFC];
	_ =	sdelay $0x3  }
0x94: {  	_ =	strace s2  }
0x95: {  	s2 =	sld [smem:$0x3FFD];
	_ =	sdelay $0x3  }
0x96: {  	_ =	strace s2  }
0x97: {  	_ =	strace $0x8FFFFFFF  }
0x98: {  	s18 =	sld [smem:$0x3FDB];
	_ =	sdelay $0x1  }
0x99: {  	s19 =	simm.s32 $_scs_section_size  }
0x9a: {  	s4 =	simm.s32 $_size__tile_overlayer_lowered;
	s5 =	simm.s32 $_tile_overlayer_lowered  }
0x9b: {  	s22 =	simm.s32 $0x1BFF;
	s21 =	sshll.u32 s5, $0x1;
	s2 =	sadd.s32 s19, s18  }
0x9c: {  	s6 =	simm.s32 $0x0;
	s20 =	sshll.u32 s4, $0x1;
	s4 =	sadd.s32 s21, s2  }
0x9d: {  	[timem:s6], [sflag:s22] =	dma.local [hbm:s4], s20  }
0x9e: {  	_ =	swait.ge [sflag:s22], s20  }
0x9f: {  	s3 =	ssub.s32 $0x0, s20;
	[sflag:s22] =	ssyncset.done $0x0  }
0xa0: {  	[sflag:s22] =	ssyncadd.s32 s3;
	_ =	sdelay $0x1  }
0xa1: {  	s23 =	simm.s32 $0x1B8B  }
0xa2: {  	_ =	swait.ge [sflag:s23], $0x1  }
0xa3: {  	[sflag:s23] =	ssyncset.done $0x0  }
0xa4: {  	s25 =	simm.s32 $0x1B8E;
	s24 =	sld [smem:$0x3FFE];
	[sflag:s23] =	ssyncadd.s32 $0xFFFFFFFF  }
0xa5: {  	s26 =	simm.s32 $execute0_lowered;
	[smem:$0x3FD2] =	sst s25  }
0xa6: {  	s4 =	sshll.u32 s26, $0x1;
	_ =	strace $0x80000049;
	[dreg:$0x1] =	wrdreg $0xFFFFFFFF  }
0xa7: {  	s28 =	simm.s32 $_size_execute0_lowered;
	s2 =	sadd.s32 s2, s4;
	[dreg:$0x0] =	wrdreg $0x0  }
0xa8: {  	s4 =	sshll.u32 s28, $0x1;
	[dreg:$0x2] =	wrdreg s2  }
0xa9: {  	[dreg:$0x3] =	wrdreg s4  }
0xaa: {  	[dreg:$0x4] =	wrdreg $0xC0  }
0xab: {  	_ =	task [dreg:s6], $0x5FFFF  }
0xac: {  	[dreg:$0x1] =	wrdreg $0xFFFFFFFF  }
0xad: {  	[dreg:$0x0] =	wrdreg $0x60  }
0xae: {  	[dreg:$0x2] =	wrdreg s24  }
0xaf: {  	[dreg:$0x3] =	wrdreg $0xA4800  }
0xb0: {  	[dreg:$0x4] =	wrdreg $0x9  }
0xb1: {  	_ =	task.clear_ibuf [dreg:s6], $0x5FFFF;
	_ =	strace $0x90000049  }
0xb2: {  	s29 =	simm.s32 $0x9;
	_ =	strace $0x8000004B  }
0xb3: {  	_ =	swait.ge [sflag:s29], $0x1  }
0xb4: {  	[sflag:s29] =	ssyncadd.s32 $0xFFFFFFFF  }
0xb5: {  	_ =	strace $0x9000004B  }
0xb6: {  	_ =	sfence  }
0xb7: {  	s30 =	sld [smem:$0x0];
	_ =	sdelay $0x2  }
0xb8: {  	s31 =	sshll.u32 s1, $0xD;
	s1 =	sshrl.u32 s1, $0x2  }
0xb9: {  	s3 =	sand.u32 $0x4000, s31;
	s1 =	sadd.s32 s1, s30  }
0xba: {  	s0 =	sor.u32 s3, s0;
	s1 =	sshll.u32 s1, $0x11  }
0xbb: {  	s0 =	sor.u32 s1, s0  }
0xbc: {  	s0 =	sadd.s32 $0x8F2B, s0  }
0xbd: {  	[sflag:s0] =	ssyncadd.remote.s32 $0x1  }
0xbe: {  	_ =	sfence.sel $0xFFFF  }
0xbf: {  	[dreg:$0x0] =	wrdreg $0xFFFFFFFF;
	(pc) =	sbr.abs _section_cstart, $3  }
0xc0: {  	[dreg:$0x1] =	wrdreg $0xFFFFFFFF  }
0xc1: {  	_ =	task.clear_ibuf [dreg:s6], $0x2FFFF;
	_ =	strace $0x9FFFFFFF  }
0xc2: {  	(tm) =	ssettm $0x7FFFFFFF  }
0xc3: {  	_ =	shalt  }
tec
execute0_lowered:
.L_overlay_start_1:
0x0: {  	(tag) =	ssettag $0x1  }
0x1: {  	s14 =	rddreg [dreg:$0x0]  }
0x2: {  	s2 =	rddreg [dreg:$0x1]  }
0x3: {  	s0 =	rddreg [dreg:$0x2]  }
0x4: {  	s1 =	stileid.u32;
	s4 =	srdreg.scid;
	s3 =	simm.s32 $0x0  }
0x5: {  	s16 =	simm.s32 $0x7080;
	s17 =	simm.s32 $0x1;
	s18 =	simm.s32 $0x1000  }
0x6: {  	s19 =	simm.s32 $0x50;
	s21 =	simm.s32 $0x4880;
	s5 =	smul.u32 $0x4E200, s1  }
0x7: {  	s22 =	simm.s32 $0x2000;
	s11 =	sand.u32 $0x1, s4;
	s7 =	smul.u32 $0x138, s1  }
0x8: {  	[smem:$0x7FF] =	sst s3;
	s4 =	sadd.s32 $0xA39000, s14;
	s8 =	smul.u32 $0x27000, s1  }
0x9: {  	s6 =	sadd.s32 $0x4D000, s14;
	p0 =	seq.s32 s1, $0xF;
	s20 =	smul.u32 $0x1390, s11  }
0xa: {  	_ =	strace $0x8000004A;
	s9 =	ssub.s32 $0x2, s11;
	p1 =	seq.s32 s11, $0x0  }
0xb: {  	s11 =	smul.u32 $0xA000, s1;
	s12 =	sadd.s32 s5, s14;
	s5 =	sadd.s32 $0x61000, s14  }
0xc: {  	s8 =	sshrl.u32 s8, $0x2;
	s10 =	sshrl.u32 s9, $0x1;
	p0 =	por !p0, !p1  }
0xd: {  	p1 =	sne.s32 s1, $0xF;
	s7 =	sadd.s32 s7, s20;
	s15 =	ssub.s32 s9, s10  }
0xe: {  	s10 =	sadd.s32 $0x9C000, s2;
	s12 =	sadd.s32 $0x1424200, s12;
	p0 =	por !p0, !p0  }
0xf: {  	v0 =	vmov s20;
	s20 =	simm.s32 $0x2080;
	s7 =	sshll.u32 s7, $0x4;
	s15 =	smax.u32 s15, $0x1  }
0x10: {  	s13 =	sadd.s32 s7, s14;
	s7 =	sadd.s32 s8, s2;
	s14 =	sadd.s32 $0x56A800, s14  }
0x11: {  	v1 =	vimm.f32 $0.0e+00;
	s8 =	sadd.s32 $0x3400, s7;
	s9 =	sadd.s32 $0x6800, s7;
	s13 =	sadd.s32 $0x557000, s13  }
.LBB2_1:
0x12: {  	s23 =	simm.s32 $0x0;
	s24 =	simm.s32 $0x200  }
.LBB2_2:
0x13: {  	p2 =	sne.s32 s24, $0xCE00;
	[tilespmem:s23+$0x70F0] =	vst v1  }
0x14: {  	[tilespmem:s23+$0x7080] =	vst v1  }
0x15: {  	[tilespmem:s23+$0x7090] =	vst v1  }
.Ltmp0:
0x16: {  	[tilespmem:s23+$0x70A0] =	vst v1;
	(pc) =	sbr.rel @p2 .LBB2_2-.Ltmp0, $4  }
0x17: {  	[tilespmem:s23+$0x70B0] =	vst v1  }
0x18: {  	[tilespmem:s23+$0x70C0] =	vst v1  }
0x19: {  	[tilespmem:s23+$0x70D0] =	vst v1  }
0x1a: {  	[tilespmem:s23+$0x70E0] =	vst v1;
	s23 =	sshra.s32 s24, $0x2;
	s24 =	sadd.s32 $0x200, s24  }
0x1b: {  	[tilespmem:s23+$0x70F0] =	vst v1  }
0x1c: {  	[tilespmem:s23+$0x7080] =	vst v1  }
0x1d: {  	[tilespmem:s23+$0x7090] =	vst v1  }
0x1e: {  	[tilespmem:s23+$0x70A0] =	vst v1  }
0x1f: {  	[tilespmem:s23+$0x70B0] =	vst v1  }
0x20: {  	[tilespmem:s23+$0x70C0] =	vst v1  }
0x21: {  	[tilespmem:s23+$0x70D0] =	vst v1  }
0x22: {  	[tilespmem:s23+$0x70E0] =	vst v1  }
0x23: {  	[spmem:s7] =	stream.linear.scatter [tilespmem:s16], [sflag:$0x1], $0x3400, $0x38;
	[tilespmem:$0x14140] =	vst v63  }
0x24: {  	_ =	swait.ge [sflag:s17], $0x3400  }
0x25: {  	[sflag:s17] =	ssyncset.done $0x0  }
0x26: {  	[sflag:s17] =	ssyncadd.s32 $0xFFFFCC00  }
0x27: {  	[spmem:s8] =	stream.linear.scatter [tilespmem:s16], [sflag:$0x1], $0x3400, $0x38;
	[tilespmem:$0x14140] =	vst v63  }
0x28: {  	_ =	swait.ge [sflag:s17], $0x3400  }
0x29: {  	[sflag:s17] =	ssyncset.done $0x0  }
0x2a: {  	[sflag:s17] =	ssyncadd.s32 $0xFFFFCC00  }
0x2b: {  	[spmem:s9] =	stream.linear.scatter [tilespmem:s16], [sflag:$0x1], $0x3400, $0x38;
	[tilespmem:$0x14140] =	vst v63  }
0x2c: {  	_ =	swait.ge [sflag:s17], $0x3400  }
0x2d: {  	[sflag:s17] =	ssyncset.done $0x0  }
0x2e: {  	s23 =	simm.s32 @!p1 $0x7080;
	[sflag:s17] =	ssyncadd.s32 $0xFFFFCC00  }
0x2f: {  	[spmem:s10] =	stream.linear.scatter @!p1 [tilespmem:s23], [sflag:$0x1], $0xC00, $0x38;
	[tilespmem:$0x14140] =	vst v63  }
0x30: {  	s23 =	simm.s32 @!p1 $0x1  }
0x31: {  	_ =	swait.ge @!p1 [sflag:s23], $0xC00  }
0x32: {  	[sflag:s23] =	ssyncset.done @!p1 $0x0  }
0x33: {  	[sflag:s23] =	ssyncadd.s32 @!p1 $0xFFFFF400  }
0x34: {  	s24 =	simm.s32 $0x0;
	s23 =	simm.s32 $0x0;
	[bflag:$0x0] =	sbarrier.arrive $0xFFFF  }
.LBB2_4:
0x35: {  	s25 =	sshll.u32 s24, $0xC  }
0x36: {  	s25 =	sadd.s32 s11, s25  }
0x37: {  	s25 =	sshrl.u32 s25, $0x3  }
0x38: {  	s26 =	sadd.s32 s5, s25  }
0x39: {  	[tilespmem:s23], [sflag:$0x1] =	stream.linear.gather [hbm4b:s26+s23], $0xC80, $0x38;
	[tilespmem:$0x14140] =	vst v63  }
0x3a: {  	_ =	swait.ge [sflag:s17], $0xC80  }
0x3b: {  	[sflag:s17] =	ssyncset.done $0x0  }
0x3c: {  	s25 =	sadd.s32 s6, s25;
	[sflag:s17] =	ssyncadd.s32 $0xFFFFF380  }
0x3d: {  	[tilespmem:s18], [sflag:$0x1] =	stream.linear.gather [hbm4b:s25+s23], $0xC80, $0x38;
	[tilespmem:$0x14140] =	vst v63  }
0x3e: {  	_ =	swait.ge [sflag:s17], $0xC80  }
0x3f: {  	[sflag:s17] =	ssyncset.done $0x0  }
0x40: {  	s26 =	simm.s32 $0x0;
	s25 =	smul.u32 $0x19, s24;
	[sflag:s17] =	ssyncadd.s32 $0xFFFFF380  }
.LBB2_5:
0x41: {  	s28 =	sshll.u32 s26, $0x7  }
0x42: {  	[tilespmem:s20], [sflag:$0x1] =	stream.indirect.gather [hbm4b:s4+s19], $0x80, s28, s19, $0xb8;
	[tilespmem:$0x14140] =	vst v63  }
0x43: {  	s29 =	sadd.s32 s25, s26  }
0x44: {  	_ =	swait.ge [sflag:s17], $0x2800;
	s29 =	smul.u32 $0x500, s29  }
0x45: {  	[sflag:s17] =	ssyncset.done $0x0  }
0x46: {  	s30 =	simm.s32 $0x0;
	[sflag:s17] =	ssyncadd.s32 $0xFFFFD800;
	s29 =	sadd.s32 s12, s29  }
0x47: {  	[tilespmem:s21], [sflag:$0x1] =	stream.linear.gather [hbm4b:s29+s30], $0x2800, $0x38;
	[tilespmem:$0x14140] =	vst v63  }
0x48: {  	_ =	swait.ge [sflag:s17], $0x2800  }
0x49: {  	[sflag:s17] =	ssyncset.done $0x0  }
0x4a: {  	[sflag:s17] =	ssyncadd.s32 $0xFFFFD800  }
0x4b: {  	v2 =	vld [tilespmem:s28+$0x1000];
	_ =	sdelay $0x4  }
0x4c: {  	v2 =	vsub.s32 v2, v0  }
0x4d: {  	v2 =	vmin.u32 v2, $0x1390  }
0x4e: {  	[tilespmem:$0x2000] =	vst v2  }
0x4f: {  	v2 =	vld [tilespmem:s28+$0x1010];
	_ =	sdelay $0x4  }
0x50: {  	v2 =	vsub.s32 v2, v0  }
0x51: {  	v2 =	vmin.u32 v2, $0x1390  }
0x52: {  	[tilespmem:$0x2010] =	vst v2  }
0x53: {  	v2 =	vld [tilespmem:s28+$0x1020];
	_ =	sdelay $0x4  }
0x54: {  	v2 =	vsub.s32 v2, v0  }
0x55: {  	v2 =	vmin.u32 v2, $0x1390  }
0x56: {  	[tilespmem:$0x2020] =	vst v2  }
0x57: {  	v2 =	vld [tilespmem:s28+$0x1030];
	_ =	sdelay $0x4  }
0x58: {  	v2 =	vsub.s32 v2, v0  }
0x59: {  	v2 =	vmin.u32 v2, $0x1390  }
0x5a: {  	[tilespmem:$0x2030] =	vst v2  }
0x5b: {  	v2 =	vld [tilespmem:s28+$0x1040];
	_ =	sdelay $0x4  }
0x5c: {  	v2 =	vsub.s32 v2, v0  }
0x5d: {  	v2 =	vmin.u32 v2, $0x1390  }
0x5e: {  	s28 =	simm.s32 $0x0;
	[tilespmem:$0x2040] =	vst v2  }
0x5f: {  	v8 =	vld [tilespmem:s28+$0x4880]  }
0x60: {  	v13 =	vld [tilespmem:s28+$0x4890]  }
0x61: {  	v7 =	vld [tilespmem:s28+$0x48A0]  }
0x62: {  	v6 =	vld [tilespmem:s28+$0x48B0]  }
0x63: {  	v5 =	vld [tilespmem:s28+$0x48C0]  }
0x64: {  	v4 =	vld [tilespmem:s28+$0x48D0]  }
0x65: {  	v3 =	vld [tilespmem:s28+$0x48E0]  }
0x66: {  	v2 =	vld [tilespmem:s28+$0x48F0]  }
0x67: {  	v14 =	vld [tilespmem:s28+$0x2080]  }
0x68: {  	v15 =	vld [tilespmem:s28+$0x2090]  }
0x69: {  	v12 =	vld [tilespmem:s28+$0x20A0]  }
0x6a: {  	v11 =	vld [tilespmem:s28+$0x20B0]  }
0x6b: {  	v10 =	vld [tilespmem:s28+$0x20C0]  }
0x6c: {  	v9 =	vld [tilespmem:s28+$0x20D0];
	v14 =	vadd.f32 v8, v14  }
0x6d: {  	s29 =	simm.s32 $0x200;
	v13 =	vadd.f32 v13, v15;
	v8 =	vld [tilespmem:s28+$0x20E0]  }
.LBB2_6:
0x6e: {  	s30 =	sshra.s32 s29, $0x2;
	p2 =	sne.s32 s29, $0x9E00;
	v14 =	vmax.f32 v14, $0.0e+00;
	v7 =	vadd.f32 v7, v12;
	v12 =	vld [tilespmem:s28+$0x20F0]  }
0x6f: {  	v15 =	vld [tilespmem:s30+$0x4880];
	[tilespmem:s28+$0x2080] =	vst v14;
	v13 =	vmax.f32 v13, $0.0e+00;
	v6 =	vadd.f32 v6, v11  }
0x70: {  	v16 =	vld [tilespmem:s30+$0x4890];
	[tilespmem:s28+$0x2090] =	vst v13;
	v11 =	vmax.f32 v7, $0.0e+00;
	v5 =	vadd.f32 v5, v10  }
0x71: {  	v7 =	vld [tilespmem:s30+$0x48A0];
	[tilespmem:s28+$0x20A0] =	vst v11;
	v10 =	vmax.f32 v6, $0.0e+00;
	v4 =	vadd.f32 v4, v9  }
0x72: {  	v6 =	vld [tilespmem:s30+$0x48B0];
	[tilespmem:s28+$0x20B0] =	vst v10;
	v9 =	vmax.f32 v5, $0.0e+00;
	v3 =	vadd.f32 v3, v8  }
0x73: {  	v5 =	vld [tilespmem:s30+$0x48C0];
	[tilespmem:s28+$0x20C0] =	vst v9;
	v8 =	vmax.f32 v4, $0.0e+00;
	v2 =	vadd.f32 v2, v12  }
0x74: {  	v4 =	vld [tilespmem:s30+$0x48D0];
	[tilespmem:s28+$0x20D0] =	vst v8;
	v8 =	vmax.f32 v3, $0.0e+00  }
0x75: {  	v3 =	vld [tilespmem:s30+$0x48E0];
	[tilespmem:s28+$0x20E0] =	vst v8;
	v8 =	vmax.f32 v2, $0.0e+00  }
0x76: {  	v2 =	vld [tilespmem:s30+$0x48F0];
	[tilespmem:s28+$0x20F0] =	vst v8;
	s28 =	smov.u32 s30  }
0x77: {  	v8 =	vld [tilespmem:s28+$0x2080]  }
0x78: {  	v13 =	vld [tilespmem:s28+$0x2090]  }
.Ltmp1:
0x79: {  	v12 =	vld [tilespmem:s28+$0x20A0];
	(pc) =	sbr.rel @p2 .LBB2_6-.Ltmp1, $4  }
0x7a: {  	v11 =	vld [tilespmem:s28+$0x20B0]  }
0x7b: {  	v10 =	vld [tilespmem:s28+$0x20C0]  }
0x7c: {  	v14 =	vadd.f32 v15, v8;
	v9 =	vld [tilespmem:s28+$0x20D0]  }
0x7d: {  	s29 =	sadd.s32 $0x200, s29;
	v13 =	vadd.f32 v16, v13;
	v8 =	vld [tilespmem:s28+$0x20E0]  }
0x7e: {  	v14 =	vmax.f32 v14, $0.0e+00;
	v7 =	vadd.f32 v7, v12;
	v63 =	vld [tilespmem:s28+$0x20F0]  }
0x7f: {  	[tilespmem:s28+$0x2080] =	vst v14;
	v13 =	vmax.f32 v13, $0.0e+00;
	v6 =	vadd.f32 v6, v11  }
0x80: {  	[tilespmem:s28+$0x2090] =	vst v13;
	v7 =	vmax.f32 v7, $0.0e+00;
	v5 =	vadd.f32 v5, v10  }
0x81: {  	[tilespmem:s28+$0x20A0] =	vst v7;
	v6 =	vmax.f32 v6, $0.0e+00;
	v4 =	vadd.f32 v4, v9  }
0x82: {  	[tilespmem:s28+$0x20B0] =	vst v6;
	v5 =	vmax.f32 v5, $0.0e+00;
	v3 =	vadd.f32 v3, v8  }
0x83: {  	[tilespmem:s28+$0x20C0] =	vst v5;
	v4 =	vmax.f32 v4, $0.0e+00;
	v2 =	vadd.f32 v2, v63  }
0x84: {  	s26 =	sadd.s32 $0x1, s26;
	[tilespmem:s28+$0x20D0] =	vst v4;
	v3 =	vmax.f32 v3, $0.0e+00  }
0x85: {  	p2 =	sne.s32 s26, $0x19;
	[tilespmem:s28+$0x20E0] =	vst v3;
	v2 =	vmax.f32 v2, $0.0e+00  }
.Ltmp2:
0x86: {  	[tilespmem:s28+$0x20F0] =	vst v2;
	(pc) =	sbr.rel @p2 .LBB2_5-.Ltmp2, $4  }
0x87: {  	[spmem:s2] =	stream.indirect.scatter.add.f32 [tilespmem:s20], [sflag:$0x1], $0x80, s22, s19, $0xb8;
	[tilespmem:$0x14140] =	vst v63  }
0x88: {  	_ =	swait.ge [sflag:s17], $0x2800  }
0x89: {  	[sflag:s17] =	ssyncset.done $0x0  }
0x8a: {  	[sflag:s17] =	ssyncadd.s32 $0xFFFFD800  }
0x8b: {  	s24 =	sadd.s32 $0x1, s24  }
0x8c: {  	p2 =	sne.s32 s24, $0xA  }
.Ltmp3:
0x8d: {  	_ = 	snop;
	(pc) =	sbr.rel @p2 .LBB2_4-.Ltmp3, $1  }
0x8e: {  	_ =	sdelay $0x3  }
0x8f: {  	s23 =	sshll.u32 s1, $0x6  }
0x90: {  	[bflag:$0x0] =	sbarrier.arrive $0xFFFF;
	s24 =	sshrl.u32 s7, $0x3;
	s23 =	sor.u32 $0x1C01, s23  }
0x91: {  	[hbm:s13], [sflag:s23] =	dma.local [spmem:s24], $0x1380  }
0x92: {  	_ =	swait.ge [sflag:s17], $0x1380  }
0x93: {  	s3 =	sadd.s32 $0x1, s3;
	[sflag:s17] =	ssyncset.done $0x0  }
0x94: {  	p2 =	sne.s32 s3, s15;
	s24 =	sshrl.u32 @p0 s10, $0x3;
	[sflag:s17] =	ssyncadd.s32 $0xFFFFEC80  }
0x95: {  	[hbm:s14], [sflag:s23] =	dma.local @p0 [spmem:s24], $0x100  }
.Ltmp4:
0x96: {  	_ = 	snop;
	(pc) =	sbr.rel @p2 .LBB2_1-.Ltmp4, $4  }
0x97: {  	s23 =	simm.s32 @p0 $0x1  }
0x98: {  	_ =	swait.ge @p0 [sflag:s23], $0x100  }
0x99: {  	[sflag:s23] =	ssyncset.done @p0 $0x0  }
0x9a: {  	[sflag:s23] =	ssyncadd.s32 @p0 $0xFFFFFF00  }
0x9b: {  	_ =	sfence.sel $0x180000  }
0x9c: {  	[bflag:$0x0] =	sbarrier.arrive $0xFFFF  }
0x9d: {  	p0 =	sne.s32 s1, $0x0;
	_ =	strace $0x9000004A  }
0x9e: {  	s0 =	sadd.s32 @!p0 $0x100000, s0;
	[bflag:$0x2] =	sbarrier.arrive $0xFFFF  }
0x9f: {  	[sflag:s0] =	ssyncadd.tile.s32 @!p0 $0x1;
	_ =	shalt  }
.Lfunc_end2:
_tile_overlayer_lowered:
.L_overlay_start_2:
0xa0: {  	(tag) =	ssettag $0x2  }
0xa1: {  	s0 =	rddreg [dreg:$0x0];
	s2 =	stileid.u32  }
0xa2: {  	s1 =	rddreg [dreg:$0x1];
	p0 =	sne.s32 s2, $0x0  }
0xa3: {  	s3 =	rddreg [dreg:$0x2];
	[bflag:$0x3] =	sbarrier.arrive $0xFFFF;
	s2 =	simm.s32 @!p0 $0x1C01  }
0xa4: {  	[timem:s3], [sflag:s2] =	dma.local @!p0 [hbm:s0], s1  }
0xa5: {  	s0 =	simm.s32 @!p0 $0x1  }
0xa6: {  	_ =	swait.ge @!p0 [sflag:s0], s1  }
0xa7: {  	s1 =	ssub.s32 @!p0 $0x0, s1;
	[sflag:s0] =	ssyncset.done @!p0 $0x0  }
0xa8: {  	[sflag:s0] =	ssyncadd.s32 @!p0 s1  }
0xa9: {  	[bflag:$0x3] =	sbarrier.arrive $0xFFFF  }
0xaa: {  	_ =	shalt  }

// kernel: kernel.21.cloned.1.call-start
scs
__scs_entry_jumppad:
0x0: {  	(pc) =	sbr.rel $0x88, $3  }
0x1: {  	(tag) =	ssettag $0x0;
	lr =	simm.s32 $0x1  }
0x2: {  	[smem:$0x3F79] =	sst lr;
	_ =	strace $0xD0000000  }
0x3: {  	_ = 	snop  }
0x4: {  	_ = 	snop  }
0x5: {  	_ = 	snop  }
0x6: {  	_ = 	snop  }
0x7: {  	_ = 	snop  }
__scs_overlays_trampoline_lowered:
0x8: {  	[smem:$0x3F88] =	sst s0  }
0x9: {  	[smem:$0x3F89] =	sst s1  }
0xa: {  	[smem:$0x3F8A] =	sst s2  }
0xb: {  	[smem:$0x3F8B] =	sst s3  }
0xc: {  	[smem:$0x3F8C] =	sst s4  }
0xd: {  	[smem:$0x3F8D] =	sst s5  }
0xe: {  	[smem:$0x3F8E] =	sst s6  }
0xf: {  	[smem:$0x3F8F] =	sst s7  }
0x10: {  	[smem:$0x3F90] =	sst s8  }
0x11: {  	[smem:$0x3F91] =	sst s9;
	s0 =	simm.s32 @!p0 $0x0  }
0x12: {  	s1 =	sld [smem:$0x3F77];
	s0 =	simm.s32 @p0 $0x1  }
0x13: {  	[smem:$0x3F92] =	sst s0;
	s0 =	simm.s32 @!p1 $0x0  }
0x14: {  	s2 =	sld [smem:$0x3F76];
	s0 =	simm.s32 @p1 $0x1  }
0x15: {  	[smem:$0x3F93] =	sst s0;
	s0 =	simm.s32 @!p2 $0x0  }
0x16: {  	s3 =	sld [smem:$0x3FDB];
	s0 =	simm.s32 @p2 $0x1  }
0x17: {  	s4 =	simm.s32 $0x1BF5;
	[smem:$0x3F95] =	sst s0  }
0x18: {  	s0 =	sld [smem:$0x3F78];
	_ =	swait.ge [sflag:s4], $0x0  }
0x19: {  	s7 =	sld [smem:$0x3F79]  }
0x1a: {  	s8 =	sadd.s32 $0xFFFFE003, lr  }
0x1b: {  	s9 =	sadd.s32 $0xFFFFFEF7, lr;
	s5 =	simm.s32 $0xFFFFFFFF;
	p2 =	slt.u32 s8, $0xFFFFF086  }
0x1c: {  	p1 =	slt.u32 s9, $0xF7A;
	s5 =	simm.s32 @!p2 $0x0  }
0x1d: {  	s5 =	simm.s32 @p1 $0x1;
	p0 =	seq.s32 s7, s2  }
0x1e: {  	s7 =	smul.u32 @!p0 $0xF7A, s2;
	p2 =	seq.s32 @!p0 s5, $0x0  }
0x1f: {  	s9 =	smul.u32 $0xF7A, s1;
	s8 =	simm.s32 @!p0 $0x1BF5;
	p2 =	por !p2, p0  }
0x20: {  	[sflag:s8] =	ssyncset.s32 @!p0 $0xFFFFF086;
	s6 =	sadd.s32 @!p0 s3, s7;
	s7 =	simm.s32 @!p0 $0x108  }
0x21: {  	s3 =	sadd.s32 s3, s9;
	s6 =	sadd.s32 @!p0 $0x88, s6;
	s7 =	simm.s32 @p2 $0x1082  }
0x22: {  	[simem:s7], [sflag:s8] =	dma.local @!p0 [hbm:s6], $0xF7A  }
0x23: {  	s9 =	sor.u32 $0xD0000000, s2;
	s6 =	simm.s32 $0x108;
	_ =	swait.ge @!p0 [sflag:s8], $0x0  }
0x24: {  	s3 =	sadd.s32 $0x88, s3;
	s6 =	simm.s32 @!p1 $0x1082;
	[sflag:s4] =	ssyncset.s32 $0xFFFFF086  }
0x25: {  	[simem:s6], [sflag:s4] =	dma.local [hbm:s3], $0xF7A  }
0x26: {  	[smem:$0x3F79] =	sst s1;
	(tag) =	ssettag s2;
	_ =	strace s9  }
0x27: {  	s1 =	sld [smem:$0x3F89]  }
0x28: {  	s2 =	sld [smem:$0x3F8A]  }
0x29: {  	s4 =	sld [smem:$0x3F8C]  }
0x2a: {  	p0 =	seq.s32 s5, $0x0;
	s5 =	sld [smem:$0x3F8D]  }
0x2b: {  	s6 =	sld [smem:$0x3F8E]  }
0x2c: {  	s7 =	sld [smem:$0x3F8F]  }
0x2d: {  	s3 =	simm.s32 $0x108;
	s8 =	sld [smem:$0x3F90]  }
0x2e: {  	s3 =	simm.s32 @!p0 $0x1082;
	s9 =	sld [smem:$0x3F91]  }
0x2f: {  	lr =	sadd.s32 s0, s3;
	s0 =	sld [smem:$0x3F88]  }
0x30: {  	s3 =	sld [smem:$0x3F8B]  }
0x31: {  	[smem:$0x3F94] =	sst s10  }
0x32: {  	s10 =	sld [smem:$0x3F92];
	_ =	sdelay $0x3  }
0x33: {  	p0 =	seq.s32 s10, $0x1;
	s10 =	sld [smem:$0x3F94];
	_ =	sdelay $0x3  }
0x34: {  	[smem:$0x3F94] =	sst s10  }
0x35: {  	s10 =	sld [smem:$0x3F93];
	_ =	sdelay $0x3  }
0x36: {  	p1 =	seq.s32 s10, $0x1;
	s10 =	sld [smem:$0x3F94];
	_ =	sdelay $0x3  }
0x37: {  	[smem:$0x3F94] =	sst s10  }
0x38: {  	s10 =	sld [smem:$0x3F95]  }
0x39: {  	_ = 	snop;
	(pc) =	sbr.ind lr, $3  }
0x3a: {  	_ = 	snop  }
0x3b: {  	_ = 	snop  }
0x3c: {  	p2 =	seq.s32 s10, $0x1;
	s10 =	sld [smem:$0x3F94]  }
0x3d: {  	_ =	shalt  }
0x3e: {  	_ =	shalt  }
0x3f: {  	_ =	shalt  }
0x40: {  	_ =	shalt  }
0x41: {  	_ =	shalt  }
0x42: {  	_ =	shalt  }
0x43: {  	_ =	shalt  }
0x44: {  	_ =	shalt  }
0x45: {  	_ =	shalt  }
0x46: {  	_ =	shalt  }
0x47: {  	_ =	shalt  }
0x48: {  	_ =	shalt  }
0x49: {  	_ =	shalt  }
0x4a: {  	_ =	shalt  }
0x4b: {  	_ =	shalt  }
0x4c: {  	_ =	shalt  }
0x4d: {  	_ =	shalt  }
0x4e: {  	_ =	shalt  }
0x4f: {  	_ =	shalt  }
0x50: {  	_ =	shalt  }
0x51: {  	_ =	shalt  }
0x52: {  	_ =	shalt  }
0x53: {  	_ =	shalt  }
0x54: {  	_ =	shalt  }
0x55: {  	_ =	shalt  }
0x56: {  	_ =	shalt  }
0x57: {  	_ =	shalt  }
0x58: {  	_ =	shalt  }
0x59: {  	_ =	shalt  }
0x5a: {  	_ =	shalt  }
0x5b: {  	_ =	shalt  }
0x5c: {  	_ =	shalt  }
0x5d: {  	_ =	shalt  }
0x5e: {  	_ =	shalt  }
0x5f: {  	_ =	shalt  }
0x60: {  	_ =	shalt  }
0x61: {  	_ =	shalt  }
0x62: {  	_ =	shalt  }
0x63: {  	_ =	shalt  }
0x64: {  	_ =	shalt  }
0x65: {  	_ =	shalt  }
0x66: {  	_ =	shalt  }
0x67: {  	_ =	shalt  }
0x68: {  	_ =	shalt  }
0x69: {  	_ =	shalt  }
0x6a: {  	_ =	shalt  }
0x6b: {  	_ =	shalt  }
0x6c: {  	_ =	shalt  }
0x6d: {  	_ =	shalt  }
0x6e: {  	_ =	shalt  }
0x6f: {  	_ =	shalt  }
0x70: {  	_ =	shalt  }
0x71: {  	_ =	shalt  }
0x72: {  	_ =	shalt  }
0x73: {  	_ =	shalt  }
0x74: {  	_ =	shalt  }
0x75: {  	_ =	shalt  }
0x76: {  	_ =	shalt  }
0x77: {  	_ =	shalt  }
0x78: {  	_ =	shalt  }
0x79: {  	_ =	shalt  }
0x7a: {  	_ =	shalt  }
0x7b: {  	_ =	shalt  }
0x7c: {  	_ =	shalt  }
0x7d: {  	_ =	shalt  }
0x7e: {  	_ =	shalt  }
0x7f: {  	_ =	shalt  }
0x80: {  	_ =	shalt  }
0x81: {  	_ =	shalt  }
0x82: {  	_ =	shalt  }
0x83: {  	_ =	shalt  }
0x84: {  	_ =	shalt  }
0x85: {  	_ =	shalt  }
0x86: {  	_ =	shalt  }
0x87: {  	_ =	shalt  }
.Lfunc_end0:
.L_simem_size_0:
called_computation.2_lowered:
.L_overlay_start_0:
0x88: {  	s2 =	sld [smem:$0x3FD9]  }
0x89: {  	s3 =	sld [smem:$0x3FFE];
	_ =	sdelay $0x1  }
0x8a: {  	s1 =	srdreg.scid  }
0x8b: {  	s0 =	sand.u32 $0x1, s1  }
0x8c: {  	s16 =	sshll.u32 s0, $0xA;
	s2 =	sadd.s32 s3, s2  }
0x8d: {  	s2 =	sadd.s32 s2, s16  }
0x8e: {  	[smem:$0x3FA0] =	sst s2  }
0x8f: {  	_ = 	snop  }
0x90: {  	(tm) =	ssettm $0x1  }
0x91: {  	s17 =	sld [smem:$0x3FFB];
	_ =	sdelay $0x3  }
0x92: {  	_ =	strace s17  }
0x93: {  	s2 =	sld [smem:$0x3FFC];
	_ =	sdelay $0x3  }
0x94: {  	_ =	strace s2  }
0x95: {  	s2 =	sld [smem:$0x3FFD];
	_ =	sdelay $0x3  }
0x96: {  	_ =	strace s2  }
0x97: {  	_ =	strace $0x8FFFFFFF  }
0x98: {  	s18 =	sld [smem:$0x3FDB];
	_ =	sdelay $0x1  }
0x99: {  	s19 =	simm.s32 $_scs_section_size  }
0x9a: {  	s4 =	simm.s32 $_size__tile_overlayer_lowered;
	s5 =	simm.s32 $_tile_overlayer_lowered  }
0x9b: {  	s22 =	simm.s32 $0x1BFF;
	s21 =	sshll.u32 s5, $0x1;
	s2 =	sadd.s32 s19, s18  }
0x9c: {  	s6 =	simm.s32 $0x0;
	s20 =	sshll.u32 s4, $0x1;
	s4 =	sadd.s32 s21, s2  }
0x9d: {  	[timem:s6], [sflag:s22] =	dma.local [hbm:s4], s20  }
0x9e: {  	_ =	swait.ge [sflag:s22], s20  }
0x9f: {  	s3 =	ssub.s32 $0x0, s20;
	[sflag:s22] =	ssyncset.done $0x0  }
0xa0: {  	[sflag:s22] =	ssyncadd.s32 s3;
	_ =	sdelay $0x1  }
0xa1: {  	s23 =	simm.s32 $0x1B8B  }
0xa2: {  	_ =	swait.ge [sflag:s23], $0x1  }
0xa3: {  	[sflag:s23] =	ssyncset.done $0x0  }
0xa4: {  	s25 =	simm.s32 $0x1B8E;
	s24 =	sld [smem:$0x3FFE];
	[sflag:s23] =	ssyncadd.s32 $0xFFFFFFFF  }
0xa5: {  	s26 =	simm.s32 $execute0_lowered;
	[smem:$0x3FD2] =	sst s25  }
0xa6: {  	s4 =	sshll.u32 s26, $0x1;
	_ =	strace $0x8000004C;
	[dreg:$0x1] =	wrdreg $0xFFFFFFFF  }
0xa7: {  	s28 =	simm.s32 $_size_execute0_lowered;
	s2 =	sadd.s32 s2, s4;
	[dreg:$0x0] =	wrdreg $0x0  }
0xa8: {  	s4 =	sshll.u32 s28, $0x1;
	[dreg:$0x2] =	wrdreg s2  }
0xa9: {  	[dreg:$0x3] =	wrdreg s4  }
0xaa: {  	[dreg:$0x4] =	wrdreg $0xC0  }
0xab: {  	_ =	task [dreg:s6], $0x5FFFF  }
0xac: {  	[dreg:$0x1] =	wrdreg $0xFFFFFFFF  }
0xad: {  	[dreg:$0x0] =	wrdreg $0x60  }
0xae: {  	[dreg:$0x2] =	wrdreg s24  }
0xaf: {  	[dreg:$0x3] =	wrdreg $0xA4800  }
0xb0: {  	[dreg:$0x4] =	wrdreg $0x9  }
0xb1: {  	_ =	task.clear_ibuf [dreg:s6], $0x5FFFF;
	_ =	strace $0x9000004C  }
0xb2: {  	s29 =	simm.s32 $0x9;
	_ =	strace $0x8000004E  }
0xb3: {  	_ =	swait.ge [sflag:s29], $0x1  }
0xb4: {  	[sflag:s29] =	ssyncadd.s32 $0xFFFFFFFF  }
0xb5: {  	_ =	strace $0x9000004E  }
0xb6: {  	_ =	sfence  }
0xb7: {  	s30 =	sld [smem:$0x0];
	_ =	sdelay $0x2  }
0xb8: {  	s31 =	sshll.u32 s1, $0xD;
	s1 =	sshrl.u32 s1, $0x2  }
0xb9: {  	s3 =	sand.u32 $0x4000, s31;
	s1 =	sadd.s32 s1, s30  }
0xba: {  	s0 =	sor.u32 s3, s0;
	s1 =	sshll.u32 s1, $0x11  }
0xbb: {  	s0 =	sor.u32 s1, s0  }
0xbc: {  	s0 =	sadd.s32 $0x8F2B, s0  }
0xbd: {  	[sflag:s0] =	ssyncadd.remote.s32 $0x1  }
0xbe: {  	_ =	sfence.sel $0xFFFF  }
0xbf: {  	[dreg:$0x0] =	wrdreg $0xFFFFFFFF;
	(pc) =	sbr.abs _section_cstart, $3  }
0xc0: {  	[dreg:$0x1] =	wrdreg $0xFFFFFFFF  }
0xc1: {  	_ =	task.clear_ibuf [dreg:s6], $0x2FFFF;
	_ =	strace $0x9FFFFFFF  }
0xc2: {  	(tm) =	ssettm $0x7FFFFFFF  }
0xc3: {  	_ =	shalt  }
tec
execute0_lowered:
.L_overlay_start_1:
0x0: {  	(tag) =	ssettag $0x1  }
0x1: {  	s14 =	rddreg [dreg:$0x0]  }
0x2: {  	s2 =	rddreg [dreg:$0x1]  }
0x3: {  	s0 =	rddreg [dreg:$0x2]  }
0x4: {  	s1 =	stileid.u32;
	s4 =	srdreg.scid;
	s3 =	simm.s32 $0x0  }
0x5: {  	s16 =	simm.s32 $0x7080;
	s17 =	simm.s32 $0x1;
	s18 =	simm.s32 $0x1000  }
0x6: {  	s19 =	simm.s32 $0x50;
	s21 =	simm.s32 $0x4880;
	s5 =	smul.u32 $0x4E200, s1  }
0x7: {  	s22 =	simm.s32 $0x2000;
	s11 =	sand.u32 $0x1, s4;
	s7 =	smul.u32 $0x138, s1  }
0x8: {  	[smem:$0x7FF] =	sst s3;
	s4 =	sadd.s32 $0x557000, s14;
	s8 =	smul.u32 $0x27000, s1  }
0x9: {  	s6 =	sadd.s32 $0x4D000, s14;
	p0 =	seq.s32 s1, $0xF;
	s20 =	smul.u32 $0x1390, s11  }
0xa: {  	_ =	strace $0x8000004D;
	s9 =	ssub.s32 $0x2, s11;
	p1 =	seq.s32 s11, $0x0  }
0xb: {  	s11 =	smul.u32 $0xA000, s1;
	s12 =	sadd.s32 s5, s14;
	s5 =	sadd.s32 $0x61000, s14  }
0xc: {  	s8 =	sshrl.u32 s8, $0x2;
	s10 =	sshrl.u32 s9, $0x1;
	p0 =	por !p0, !p1  }
0xd: {  	p1 =	sne.s32 s1, $0xF;
	s7 =	sadd.s32 s7, s20;
	s15 =	ssub.s32 s9, s10  }
0xe: {  	s10 =	sadd.s32 $0x9C000, s2;
	s12 =	sadd.s32 $0x1424200, s12;
	p0 =	por !p0, !p0  }
0xf: {  	v0 =	vmov s20;
	s20 =	simm.s32 $0x2080;
	s7 =	sshll.u32 s7, $0x4;
	s15 =	smax.u32 s15, $0x1  }
0x10: {  	s13 =	sadd.s32 s7, s14;
	s7 =	sadd.s32 s8, s2;
	s14 =	sadd.s32 $0x591A00, s14  }
0x11: {  	v1 =	vimm.f32 $0.0e+00;
	s8 =	sadd.s32 $0x3400, s7;
	s9 =	sadd.s32 $0x6800, s7;
	s13 =	sadd.s32 $0x57E200, s13  }
.LBB2_1:
0x12: {  	s23 =	simm.s32 $0x0;
	s24 =	simm.s32 $0x200  }
.LBB2_2:
0x13: {  	p2 =	sne.s32 s24, $0xCE00;
	[tilespmem:s23+$0x70F0] =	vst v1  }
0x14: {  	[tilespmem:s23+$0x7080] =	vst v1  }
0x15: {  	[tilespmem:s23+$0x7090] =	vst v1  }
.Ltmp0:
0x16: {  	[tilespmem:s23+$0x70A0] =	vst v1;
	(pc) =	sbr.rel @p2 .LBB2_2-.Ltmp0, $4  }
0x17: {  	[tilespmem:s23+$0x70B0] =	vst v1  }
0x18: {  	[tilespmem:s23+$0x70C0] =	vst v1  }
0x19: {  	[tilespmem:s23+$0x70D0] =	vst v1  }
0x1a: {  	[tilespmem:s23+$0x70E0] =	vst v1;
	s23 =	sshra.s32 s24, $0x2;
	s24 =	sadd.s32 $0x200, s24  }
0x1b: {  	[tilespmem:s23+$0x70F0] =	vst v1  }
0x1c: {  	[tilespmem:s23+$0x7080] =	vst v1  }
0x1d: {  	[tilespmem:s23+$0x7090] =	vst v1  }
0x1e: {  	[tilespmem:s23+$0x70A0] =	vst v1  }
0x1f: {  	[tilespmem:s23+$0x70B0] =	vst v1  }
0x20: {  	[tilespmem:s23+$0x70C0] =	vst v1  }
0x21: {  	[tilespmem:s23+$0x70D0] =	vst v1  }
0x22: {  	[tilespmem:s23+$0x70E0] =	vst v1  }
0x23: {  	[spmem:s7] =	stream.linear.scatter [tilespmem:s16], [sflag:$0x1], $0x3400, $0x38;
	[tilespmem:$0x14140] =	vst v63  }
0x24: {  	_ =	swait.ge [sflag:s17], $0x3400  }
0x25: {  	[sflag:s17] =	ssyncset.done $0x0  }
0x26: {  	[sflag:s17] =	ssyncadd.s32 $0xFFFFCC00  }
0x27: {  	[spmem:s8] =	stream.linear.scatter [tilespmem:s16], [sflag:$0x1], $0x3400, $0x38;
	[tilespmem:$0x14140] =	vst v63  }
0x28: {  	_ =	swait.ge [sflag:s17], $0x3400  }
0x29: {  	[sflag:s17] =	ssyncset.done $0x0  }
0x2a: {  	[sflag:s17] =	ssyncadd.s32 $0xFFFFCC00  }
0x2b: {  	[spmem:s9] =	stream.linear.scatter [tilespmem:s16], [sflag:$0x1], $0x3400, $0x38;
	[tilespmem:$0x14140] =	vst v63  }
0x2c: {  	_ =	swait.ge [sflag:s17], $0x3400  }
0x2d: {  	[sflag:s17] =	ssyncset.done $0x0  }
0x2e: {  	s23 =	simm.s32 @!p1 $0x7080;
	[sflag:s17] =	ssyncadd.s32 $0xFFFFCC00  }
0x2f: {  	[spmem:s10] =	stream.linear.scatter @!p1 [tilespmem:s23], [sflag:$0x1], $0xC00, $0x38;
	[tilespmem:$0x14140] =	vst v63  }
0x30: {  	s23 =	simm.s32 @!p1 $0x1  }
0x31: {  	_ =	swait.ge @!p1 [sflag:s23], $0xC00  }
0x32: {  	[sflag:s23] =	ssyncset.done @!p1 $0x0  }
0x33: {  	[sflag:s23] =	ssyncadd.s32 @!p1 $0xFFFFF400  }
0x34: {  	s24 =	simm.s32 $0x0;
	s23 =	simm.s32 $0x0;
	[bflag:$0x0] =	sbarrier.arrive $0xFFFF  }
.LBB2_4:
0x35: {  	s25 =	sshll.u32 s24, $0xC  }
0x36: {  	s25 =	sadd.s32 s11, s25  }
0x37: {  	s25 =	sshrl.u32 s25, $0x3  }
0x38: {  	s26 =	sadd.s32 s5, s25  }
0x39: {  	[tilespmem:s23], [sflag:$0x1] =	stream.linear.gather [hbm4b:s26+s23], $0xC80, $0x38;
	[tilespmem:$0x14140] =	vst v63  }
0x3a: {  	_ =	swait.ge [sflag:s17], $0xC80  }
0x3b: {  	[sflag:s17] =	ssyncset.done $0x0  }
0x3c: {  	s25 =	sadd.s32 s6, s25;
	[sflag:s17] =	ssyncadd.s32 $0xFFFFF380  }
0x3d: {  	[tilespmem:s18], [sflag:$0x1] =	stream.linear.gather [hbm4b:s25+s23], $0xC80, $0x38;
	[tilespmem:$0x14140] =	vst v63  }
0x3e: {  	_ =	swait.ge [sflag:s17], $0xC80  }
0x3f: {  	[sflag:s17] =	ssyncset.done $0x0  }
0x40: {  	s26 =	simm.s32 $0x0;
	s25 =	smul.u32 $0x19, s24;
	[sflag:s17] =	ssyncadd.s32 $0xFFFFF380  }
.LBB2_5:
0x41: {  	s28 =	sshll.u32 s26, $0x7  }
0x42: {  	[tilespmem:s20], [sflag:$0x1] =	stream.indirect.gather [hbm4b:s4+s19], $0x80, s28, s19, $0xb8;
	[tilespmem:$0x14140] =	vst v63  }
0x43: {  	s29 =	sadd.s32 s25, s26  }
0x44: {  	_ =	swait.ge [sflag:s17], $0x2800;
	s29 =	smul.u32 $0x500, s29  }
0x45: {  	[sflag:s17] =	ssyncset.done $0x0  }
0x46: {  	s30 =	simm.s32 $0x0;
	[sflag:s17] =	ssyncadd.s32 $0xFFFFD800;
	s29 =	sadd.s32 s12, s29  }
0x47: {  	[tilespmem:s21], [sflag:$0x1] =	stream.linear.gather [hbm4b:s29+s30], $0x2800, $0x38;
	[tilespmem:$0x14140] =	vst v63  }
0x48: {  	_ =	swait.ge [sflag:s17], $0x2800  }
0x49: {  	[sflag:s17] =	ssyncset.done $0x0  }
0x4a: {  	[sflag:s17] =	ssyncadd.s32 $0xFFFFD800  }
0x4b: {  	v2 =	vld [tilespmem:s28+$0x1000];
	_ =	sdelay $0x4  }
0x4c: {  	v2 =	vsub.s32 v2, v0  }
0x4d: {  	v2 =	vmin.u32 v2, $0x1390  }
0x4e: {  	[tilespmem:$0x2000] =	vst v2  }
0x4f: {  	v2 =	vld [tilespmem:s28+$0x1010];
	_ =	sdelay $0x4  }
0x50: {  	v2 =	vsub.s32 v2, v0  }
0x51: {  	v2 =	vmin.u32 v2, $0x1390  }
0x52: {  	[tilespmem:$0x2010] =	vst v2  }
0x53: {  	v2 =	vld [tilespmem:s28+$0x1020];
	_ =	sdelay $0x4  }
0x54: {  	v2 =	vsub.s32 v2, v0  }
0x55: {  	v2 =	vmin.u32 v2, $0x1390  }
0x56: {  	[tilespmem:$0x2020] =	vst v2  }
0x57: {  	v2 =	vld [tilespmem:s28+$0x1030];
	_ =	sdelay $0x4  }
0x58: {  	v2 =	vsub.s32 v2, v0  }
0x59: {  	v2 =	vmin.u32 v2, $0x1390  }
0x5a: {  	[tilespmem:$0x2030] =	vst v2  }
0x5b: {  	v2 =	vld [tilespmem:s28+$0x1040];
	_ =	sdelay $0x4  }
0x5c: {  	v2 =	vsub.s32 v2, v0  }
0x5d: {  	v2 =	vmin.u32 v2, $0x1390  }
0x5e: {  	s28 =	simm.s32 $0x0;
	[tilespmem:$0x2040] =	vst v2  }
0x5f: {  	v8 =	vld [tilespmem:s28+$0x4880]  }
0x60: {  	v13 =	vld [tilespmem:s28+$0x4890]  }
0x61: {  	v7 =	vld [tilespmem:s28+$0x48A0]  }
0x62: {  	v6 =	vld [tilespmem:s28+$0x48B0]  }
0x63: {  	v5 =	vld [tilespmem:s28+$0x48C0]  }
0x64: {  	v4 =	vld [tilespmem:s28+$0x48D0]  }
0x65: {  	v3 =	vld [tilespmem:s28+$0x48E0]  }
0x66: {  	v2 =	vld [tilespmem:s28+$0x48F0]  }
0x67: {  	v14 =	vld [tilespmem:s28+$0x2080]  }
0x68: {  	v15 =	vld [tilespmem:s28+$0x2090]  }
0x69: {  	v12 =	vld [tilespmem:s28+$0x20A0]  }
0x6a: {  	v11 =	vld [tilespmem:s28+$0x20B0]  }
0x6b: {  	v10 =	vld [tilespmem:s28+$0x20C0]  }
0x6c: {  	v9 =	vld [tilespmem:s28+$0x20D0];
	v14 =	vadd.f32 v8, v14  }
0x6d: {  	s29 =	simm.s32 $0x200;
	v13 =	vadd.f32 v13, v15;
	v8 =	vld [tilespmem:s28+$0x20E0]  }
.LBB2_6:
0x6e: {  	s30 =	sshra.s32 s29, $0x2;
	p2 =	sne.s32 s29, $0x9E00;
	v14 =	vmax.f32 v14, $0.0e+00;
	v7 =	vadd.f32 v7, v12;
	v12 =	vld [tilespmem:s28+$0x20F0]  }
0x6f: {  	v15 =	vld [tilespmem:s30+$0x4880];
	[tilespmem:s28+$0x2080] =	vst v14;
	v13 =	vmax.f32 v13, $0.0e+00;
	v6 =	vadd.f32 v6, v11  }
0x70: {  	v16 =	vld [tilespmem:s30+$0x4890];
	[tilespmem:s28+$0x2090] =	vst v13;
	v11 =	vmax.f32 v7, $0.0e+00;
	v5 =	vadd.f32 v5, v10  }
0x71: {  	v7 =	vld [tilespmem:s30+$0x48A0];
	[tilespmem:s28+$0x20A0] =	vst v11;
	v10 =	vmax.f32 v6, $0.0e+00;
	v4 =	vadd.f32 v4, v9  }
0x72: {  	v6 =	vld [tilespmem:s30+$0x48B0];
	[tilespmem:s28+$0x20B0] =	vst v10;
	v9 =	vmax.f32 v5, $0.0e+00;
	v3 =	vadd.f32 v3, v8  }
0x73: {  	v5 =	vld [tilespmem:s30+$0x48C0];
	[tilespmem:s28+$0x20C0] =	vst v9;
	v8 =	vmax.f32 v4, $0.0e+00;
	v2 =	vadd.f32 v2, v12  }
0x74: {  	v4 =	vld [tilespmem:s30+$0x48D0];
	[tilespmem:s28+$0x20D0] =	vst v8;
	v8 =	vmax.f32 v3, $0.0e+00  }
0x75: {  	v3 =	vld [tilespmem:s30+$0x48E0];
	[tilespmem:s28+$0x20E0] =	vst v8;
	v8 =	vmax.f32 v2, $0.0e+00  }
0x76: {  	v2 =	vld [tilespmem:s30+$0x48F0];
	[tilespmem:s28+$0x20F0] =	vst v8;
	s28 =	smov.u32 s30  }
0x77: {  	v8 =	vld [tilespmem:s28+$0x2080]  }
0x78: {  	v13 =	vld [tilespmem:s28+$0x2090]  }
.Ltmp1:
0x79: {  	v12 =	vld [tilespmem:s28+$0x20A0];
	(pc) =	sbr.rel @p2 .LBB2_6-.Ltmp1, $4  }
0x7a: {  	v11 =	vld [tilespmem:s28+$0x20B0]  }
0x7b: {  	v10 =	vld [tilespmem:s28+$0x20C0]  }
0x7c: {  	v14 =	vadd.f32 v15, v8;
	v9 =	vld [tilespmem:s28+$0x20D0]  }
0x7d: {  	s29 =	sadd.s32 $0x200, s29;
	v13 =	vadd.f32 v16, v13;
	v8 =	vld [tilespmem:s28+$0x20E0]  }
0x7e: {  	v14 =	vmax.f32 v14, $0.0e+00;
	v7 =	vadd.f32 v7, v12;
	v63 =	vld [tilespmem:s28+$0x20F0]  }
0x7f: {  	[tilespmem:s28+$0x2080] =	vst v14;
	v13 =	vmax.f32 v13, $0.0e+00;
	v6 =	vadd.f32 v6, v11  }
0x80: {  	[tilespmem:s28+$0x2090] =	vst v13;
	v7 =	vmax.f32 v7, $0.0e+00;
	v5 =	vadd.f32 v5, v10  }
0x81: {  	[tilespmem:s28+$0x20A0] =	vst v7;
	v6 =	vmax.f32 v6, $0.0e+00;
	v4 =	vadd.f32 v4, v9  }
0x82: {  	[tilespmem:s28+$0x20B0] =	vst v6;
	v5 =	vmax.f32 v5, $0.0e+00;
	v3 =	vadd.f32 v3, v8  }
0x83: {  	[tilespmem:s28+$0x20C0] =	vst v5;
	v4 =	vmax.f32 v4, $0.0e+00;
	v2 =	vadd.f32 v2, v63  }
0x84: {  	s26 =	sadd.s32 $0x1, s26;
	[tilespmem:s28+$0x20D0] =	vst v4;
	v3 =	vmax.f32 v3, $0.0e+00  }
0x85: {  	p2 =	sne.s32 s26, $0x19;
	[tilespmem:s28+$0x20E0] =	vst v3;
	v2 =	vmax.f32 v2, $0.0e+00  }
.Ltmp2:
0x86: {  	[tilespmem:s28+$0x20F0] =	vst v2;
	(pc) =	sbr.rel @p2 .LBB2_5-.Ltmp2, $4  }
0x87: {  	[spmem:s2] =	stream.indirect.scatter.add.f32 [tilespmem:s20], [sflag:$0x1], $0x80, s22, s19, $0xb8;
	[tilespmem:$0x14140] =	vst v63  }
0x88: {  	_ =	swait.ge [sflag:s17], $0x2800  }
0x89: {  	[sflag:s17] =	ssyncset.done $0x0  }
0x8a: {  	[sflag:s17] =	ssyncadd.s32 $0xFFFFD800  }
0x8b: {  	s24 =	sadd.s32 $0x1, s24  }
0x8c: {  	p2 =	sne.s32 s24, $0xA  }
.Ltmp3:
0x8d: {  	_ = 	snop;
	(pc) =	sbr.rel @p2 .LBB2_4-.Ltmp3, $1  }
0x8e: {  	_ =	sdelay $0x3  }
0x8f: {  	s23 =	sshll.u32 s1, $0x6  }
0x90: {  	[bflag:$0x0] =	sbarrier.arrive $0xFFFF;
	s24 =	sshrl.u32 s7, $0x3;
	s23 =	sor.u32 $0x1C01, s23  }
0x91: {  	[hbm:s13], [sflag:s23] =	dma.local [spmem:s24], $0x1380  }
0x92: {  	_ =	swait.ge [sflag:s17], $0x1380  }
0x93: {  	s3 =	sadd.s32 $0x1, s3;
	[sflag:s17] =	ssyncset.done $0x0  }
0x94: {  	p2 =	sne.s32 s3, s15;
	s24 =	sshrl.u32 @p0 s10, $0x3;
	[sflag:s17] =	ssyncadd.s32 $0xFFFFEC80  }
0x95: {  	[hbm:s14], [sflag:s23] =	dma.local @p0 [spmem:s24], $0x100  }
.Ltmp4:
0x96: {  	_ = 	snop;
	(pc) =	sbr.rel @p2 .LBB2_1-.Ltmp4, $4  }
0x97: {  	s23 =	simm.s32 @p0 $0x1  }
0x98: {  	_ =	swait.ge @p0 [sflag:s23], $0x100  }
0x99: {  	[sflag:s23] =	ssyncset.done @p0 $0x0  }
0x9a: {  	[sflag:s23] =	ssyncadd.s32 @p0 $0xFFFFFF00  }
0x9b: {  	_ =	sfence.sel $0x180000  }
0x9c: {  	[bflag:$0x0] =	sbarrier.arrive $0xFFFF  }
0x9d: {  	p0 =	sne.s32 s1, $0x0;
	_ =	strace $0x9000004D  }
0x9e: {  	s0 =	sadd.s32 @!p0 $0x100000, s0;
	[bflag:$0x2] =	sbarrier.arrive $0xFFFF  }
0x9f: {  	[sflag:s0] =	ssyncadd.tile.s32 @!p0 $0x1;
	_ =	shalt  }
.Lfunc_end2:
_tile_overlayer_lowered:
.L_overlay_start_2:
0xa0: {  	(tag) =	ssettag $0x2  }
0xa1: {  	s0 =	rddreg [dreg:$0x0];
	s2 =	stileid.u32  }
0xa2: {  	s1 =	rddreg [dreg:$0x1];
	p0 =	sne.s32 s2, $0x0  }
0xa3: {  	s3 =	rddreg [dreg:$0x2];
	[bflag:$0x3] =	sbarrier.arrive $0xFFFF;
	s2 =	simm.s32 @!p0 $0x1C01  }
0xa4: {  	[timem:s3], [sflag:s2] =	dma.local @!p0 [hbm:s0], s1  }
0xa5: {  	s0 =	simm.s32 @!p0 $0x1  }
0xa6: {  	_ =	swait.ge @!p0 [sflag:s0], s1  }
0xa7: {  	s1 =	ssub.s32 @!p0 $0x0, s1;
	[sflag:s0] =	ssyncset.done @!p0 $0x0  }
0xa8: {  	[sflag:s0] =	ssyncadd.s32 @!p0 s1  }
0xa9: {  	[bflag:$0x3] =	sbarrier.arrive $0xFFFF  }
0xaa: {  	_ =	shalt  }

// kernel: kernel.24.cloned.1.call-start
scs
__scs_entry_jumppad:
0x0: {  	(pc) =	sbr.rel $0x88, $3  }
0x1: {  	(tag) =	ssettag $0x0;
	lr =	simm.s32 $0x1  }
0x2: {  	[smem:$0x3F79] =	sst lr;
	_ =	strace $0xD0000000  }
0x3: {  	_ = 	snop  }
0x4: {  	_ = 	snop  }
0x5: {  	_ = 	snop  }
0x6: {  	_ = 	snop  }
0x7: {  	_ = 	snop  }
__scs_overlays_trampoline_lowered:
0x8: {  	[smem:$0x3F88] =	sst s0  }
0x9: {  	[smem:$0x3F89] =	sst s1  }
0xa: {  	[smem:$0x3F8A] =	sst s2  }
0xb: {  	[smem:$0x3F8B] =	sst s3  }
0xc: {  	[smem:$0x3F8C] =	sst s4  }
0xd: {  	[smem:$0x3F8D] =	sst s5  }
0xe: {  	[smem:$0x3F8E] =	sst s6  }
0xf: {  	[smem:$0x3F8F] =	sst s7  }
0x10: {  	[smem:$0x3F90] =	sst s8  }
0x11: {  	[smem:$0x3F91] =	sst s9;
	s0 =	simm.s32 @!p0 $0x0  }
0x12: {  	s1 =	sld [smem:$0x3F77];
	s0 =	simm.s32 @p0 $0x1  }
0x13: {  	[smem:$0x3F92] =	sst s0;
	s0 =	simm.s32 @!p1 $0x0  }
0x14: {  	s2 =	sld [smem:$0x3F76];
	s0 =	simm.s32 @p1 $0x1  }
0x15: {  	[smem:$0x3F93] =	sst s0;
	s0 =	simm.s32 @!p2 $0x0  }
0x16: {  	s3 =	sld [smem:$0x3FDB];
	s0 =	simm.s32 @p2 $0x1  }
0x17: {  	s4 =	simm.s32 $0x1BF5;
	[smem:$0x3F95] =	sst s0  }
0x18: {  	s0 =	sld [smem:$0x3F78];
	_ =	swait.ge [sflag:s4], $0x0  }
0x19: {  	s7 =	sld [smem:$0x3F79]  }
0x1a: {  	s8 =	sadd.s32 $0xFFFFE003, lr  }
0x1b: {  	s9 =	sadd.s32 $0xFFFFFEF7, lr;
	s5 =	simm.s32 $0xFFFFFFFF;
	p2 =	slt.u32 s8, $0xFFFFF086  }
0x1c: {  	p1 =	slt.u32 s9, $0xF7A;
	s5 =	simm.s32 @!p2 $0x0  }
0x1d: {  	s5 =	simm.s32 @p1 $0x1;
	p0 =	seq.s32 s7, s2  }
0x1e: {  	s7 =	smul.u32 @!p0 $0xF7A, s2;
	p2 =	seq.s32 @!p0 s5, $0x0  }
0x1f: {  	s9 =	smul.u32 $0xF7A, s1;
	s8 =	simm.s32 @!p0 $0x1BF5;
	p2 =	por !p2, p0  }
0x20: {  	[sflag:s8] =	ssyncset.s32 @!p0 $0xFFFFF086;
	s6 =	sadd.s32 @!p0 s3, s7;
	s7 =	simm.s32 @!p0 $0x108  }
0x21: {  	s3 =	sadd.s32 s3, s9;
	s6 =	sadd.s32 @!p0 $0x88, s6;
	s7 =	simm.s32 @p2 $0x1082  }
0x22: {  	[simem:s7], [sflag:s8] =	dma.local @!p0 [hbm:s6], $0xF7A  }
0x23: {  	s9 =	sor.u32 $0xD0000000, s2;
	s6 =	simm.s32 $0x108;
	_ =	swait.ge @!p0 [sflag:s8], $0x0  }
0x24: {  	s3 =	sadd.s32 $0x88, s3;
	s6 =	simm.s32 @!p1 $0x1082;
	[sflag:s4] =	ssyncset.s32 $0xFFFFF086  }
0x25: {  	[simem:s6], [sflag:s4] =	dma.local [hbm:s3], $0xF7A  }
0x26: {  	[smem:$0x3F79] =	sst s1;
	(tag) =	ssettag s2;
	_ =	strace s9  }
0x27: {  	s1 =	sld [smem:$0x3F89]  }
0x28: {  	s2 =	sld [smem:$0x3F8A]  }
0x29: {  	s4 =	sld [smem:$0x3F8C]  }
0x2a: {  	p0 =	seq.s32 s5, $0x0;
	s5 =	sld [smem:$0x3F8D]  }
0x2b: {  	s6 =	sld [smem:$0x3F8E]  }
0x2c: {  	s7 =	sld [smem:$0x3F8F]  }
0x2d: {  	s3 =	simm.s32 $0x108;
	s8 =	sld [smem:$0x3F90]  }
0x2e: {  	s3 =	simm.s32 @!p0 $0x1082;
	s9 =	sld [smem:$0x3F91]  }
0x2f: {  	lr =	sadd.s32 s0, s3;
	s0 =	sld [smem:$0x3F88]  }
0x30: {  	s3 =	sld [smem:$0x3F8B]  }
0x31: {  	[smem:$0x3F94] =	sst s10  }
0x32: {  	s10 =	sld [smem:$0x3F92];
	_ =	sdelay $0x3  }
0x33: {  	p0 =	seq.s32 s10, $0x1;
	s10 =	sld [smem:$0x3F94];
	_ =	sdelay $0x3  }
0x34: {  	[smem:$0x3F94] =	sst s10  }
0x35: {  	s10 =	sld [smem:$0x3F93];
	_ =	sdelay $0x3  }
0x36: {  	p1 =	seq.s32 s10, $0x1;
	s10 =	sld [smem:$0x3F94];
	_ =	sdelay $0x3  }
0x37: {  	[smem:$0x3F94] =	sst s10  }
0x38: {  	s10 =	sld [smem:$0x3F95]  }
0x39: {  	_ = 	snop;
	(pc) =	sbr.ind lr, $3  }
0x3a: {  	_ = 	snop  }
0x3b: {  	_ = 	snop  }
0x3c: {  	p2 =	seq.s32 s10, $0x1;
	s10 =	sld [smem:$0x3F94]  }
0x3d: {  	_ =	shalt  }
0x3e: {  	_ =	shalt  }
0x3f: {  	_ =	shalt  }
0x40: {  	_ =	shalt  }
0x41: {  	_ =	shalt  }
0x42: {  	_ =	shalt  }
0x43: {  	_ =	shalt  }
0x44: {  	_ =	shalt  }
0x45: {  	_ =	shalt  }
0x46: {  	_ =	shalt  }
0x47: {  	_ =	shalt  }
0x48: {  	_ =	shalt  }
0x49: {  	_ =	shalt  }
0x4a: {  	_ =	shalt  }
0x4b: {  	_ =	shalt  }
0x4c: {  	_ =	shalt  }
0x4d: {  	_ =	shalt  }
0x4e: {  	_ =	shalt  }
0x4f: {  	_ =	shalt  }
0x50: {  	_ =	shalt  }
0x51: {  	_ =	shalt  }
0x52: {  	_ =	shalt  }
0x53: {  	_ =	shalt  }
0x54: {  	_ =	shalt  }
0x55: {  	_ =	shalt  }
0x56: {  	_ =	shalt  }
0x57: {  	_ =	shalt  }
0x58: {  	_ =	shalt  }
0x59: {  	_ =	shalt  }
0x5a: {  	_ =	shalt  }
0x5b: {  	_ =	shalt  }
0x5c: {  	_ =	shalt  }
0x5d: {  	_ =	shalt  }
0x5e: {  	_ =	shalt  }
0x5f: {  	_ =	shalt  }
0x60: {  	_ =	shalt  }
0x61: {  	_ =	shalt  }
0x62: {  	_ =	shalt  }
0x63: {  	_ =	shalt  }
0x64: {  	_ =	shalt  }
0x65: {  	_ =	shalt  }
0x66: {  	_ =	shalt  }
0x67: {  	_ =	shalt  }
0x68: {  	_ =	shalt  }
0x69: {  	_ =	shalt  }
0x6a: {  	_ =	shalt  }
0x6b: {  	_ =	shalt  }
0x6c: {  	_ =	shalt  }
0x6d: {  	_ =	shalt  }
0x6e: {  	_ =	shalt  }
0x6f: {  	_ =	shalt  }
0x70: {  	_ =	shalt  }
0x71: {  	_ =	shalt  }
0x72: {  	_ =	shalt  }
0x73: {  	_ =	shalt  }
0x74: {  	_ =	shalt  }
0x75: {  	_ =	shalt  }
0x76: {  	_ =	shalt  }
0x77: {  	_ =	shalt  }
0x78: {  	_ =	shalt  }
0x79: {  	_ =	shalt  }
0x7a: {  	_ =	shalt  }
0x7b: {  	_ =	shalt  }
0x7c: {  	_ =	shalt  }
0x7d: {  	_ =	shalt  }
0x7e: {  	_ =	shalt  }
0x7f: {  	_ =	shalt  }
0x80: {  	_ =	shalt  }
0x81: {  	_ =	shalt  }
0x82: {  	_ =	shalt  }
0x83: {  	_ =	shalt  }
0x84: {  	_ =	shalt  }
0x85: {  	_ =	shalt  }
0x86: {  	_ =	shalt  }
0x87: {  	_ =	shalt  }
.Lfunc_end0:
.L_simem_size_0:
called_computation.3_lowered:
.L_overlay_start_0:
0x88: {  	s2 =	sld [smem:$0x3FD9]  }
0x89: {  	s3 =	sld [smem:$0x3FFE];
	_ =	sdelay $0x1  }
0x8a: {  	s1 =	srdreg.scid  }
0x8b: {  	s0 =	sand.u32 $0x1, s1  }
0x8c: {  	s16 =	sshll.u32 s0, $0xA;
	s2 =	sadd.s32 s3, s2  }
0x8d: {  	s2 =	sadd.s32 s2, s16  }
0x8e: {  	[smem:$0x3FA0] =	sst s2  }
0x8f: {  	_ = 	snop  }
0x90: {  	(tm) =	ssettm $0x1  }
0x91: {  	s17 =	sld [smem:$0x3FFB];
	_ =	sdelay $0x3  }
0x92: {  	_ =	strace s17  }
0x93: {  	s2 =	sld [smem:$0x3FFC];
	_ =	sdelay $0x3  }
0x94: {  	_ =	strace s2  }
0x95: {  	s2 =	sld [smem:$0x3FFD];
	_ =	sdelay $0x3  }
0x96: {  	_ =	strace s2  }
0x97: {  	_ =	strace $0x8FFFFFFF  }
0x98: {  	s18 =	sld [smem:$0x3FDB];
	_ =	sdelay $0x1  }
0x99: {  	s19 =	simm.s32 $_scs_section_size  }
0x9a: {  	s4 =	simm.s32 $_size__tile_overlayer_lowered;
	s5 =	simm.s32 $_tile_overlayer_lowered  }
0x9b: {  	s22 =	simm.s32 $0x1BFF;
	s21 =	sshll.u32 s5, $0x1;
	s2 =	sadd.s32 s19, s18  }
0x9c: {  	s6 =	simm.s32 $0x0;
	s20 =	sshll.u32 s4, $0x1;
	s4 =	sadd.s32 s21, s2  }
0x9d: {  	[timem:s6], [sflag:s22] =	dma.local [hbm:s4], s20  }
0x9e: {  	_ =	swait.ge [sflag:s22], s20  }
0x9f: {  	s3 =	ssub.s32 $0x0, s20;
	[sflag:s22] =	ssyncset.done $0x0  }
0xa0: {  	[sflag:s22] =	ssyncadd.s32 s3;
	_ =	sdelay $0x1  }
0xa1: {  	s23 =	simm.s32 $0x1B8B  }
0xa2: {  	_ =	swait.ge [sflag:s23], $0x1  }
0xa3: {  	[sflag:s23] =	ssyncset.done $0x0  }
0xa4: {  	s25 =	simm.s32 $0x1B8E;
	s24 =	sld [smem:$0x3FFE];
	[sflag:s23] =	ssyncadd.s32 $0xFFFFFFFF  }
0xa5: {  	s26 =	simm.s32 $execute0_lowered;
	[smem:$0x3FD2] =	sst s25  }
0xa6: {  	s4 =	sshll.u32 s26, $0x1;
	_ =	strace $0x8000004F;
	[dreg:$0x1] =	wrdreg $0xFFFFFFFF  }
0xa7: {  	s28 =	simm.s32 $_size_execute0_lowered;
	s2 =	sadd.s32 s2, s4;
	[dreg:$0x0] =	wrdreg $0x0  }
0xa8: {  	s4 =	sshll.u32 s28, $0x1;
	[dreg:$0x2] =	wrdreg s2  }
0xa9: {  	[dreg:$0x3] =	wrdreg s4  }
0xaa: {  	[dreg:$0x4] =	wrdreg $0xC0  }
0xab: {  	_ =	task [dreg:s6], $0x5FFFF  }
0xac: {  	[dreg:$0x1] =	wrdreg $0xFFFFFFFF  }
0xad: {  	[dreg:$0x0] =	wrdreg $0x60  }
0xae: {  	[dreg:$0x2] =	wrdreg s24  }
0xaf: {  	[dreg:$0x3] =	wrdreg $0xA4800  }
0xb0: {  	[dreg:$0x4] =	wrdreg $0x9  }
0xb1: {  	_ =	task.clear_ibuf [dreg:s6], $0x5FFFF;
	_ =	strace $0x9000004F  }
0xb2: {  	s29 =	simm.s32 $0x9;
	_ =	strace $0x80000051  }
0xb3: {  	_ =	swait.ge [sflag:s29], $0x1  }
0xb4: {  	[sflag:s29] =	ssyncadd.s32 $0xFFFFFFFF  }
0xb5: {  	_ =	strace $0x90000051  }
0xb6: {  	_ =	sfence  }
0xb7: {  	s30 =	sld [smem:$0x0];
	_ =	sdelay $0x2  }
0xb8: {  	s31 =	sshll.u32 s1, $0xD;
	s1 =	sshrl.u32 s1, $0x2  }
0xb9: {  	s3 =	sand.u32 $0x4000, s31;
	s1 =	sadd.s32 s1, s30  }
0xba: {  	s0 =	sor.u32 s3, s0;
	s1 =	sshll.u32 s1, $0x11  }
0xbb: {  	s0 =	sor.u32 s1, s0  }
0xbc: {  	s0 =	sadd.s32 $0x8F2B, s0  }
0xbd: {  	[sflag:s0] =	ssyncadd.remote.s32 $0x1  }
0xbe: {  	_ =	sfence.sel $0xFFFF  }
0xbf: {  	[dreg:$0x0] =	wrdreg $0xFFFFFFFF;
	(pc) =	sbr.abs _section_cstart, $3  }
0xc0: {  	[dreg:$0x1] =	wrdreg $0xFFFFFFFF  }
0xc1: {  	_ =	task.clear_ibuf [dreg:s6], $0x2FFFF;
	_ =	strace $0x9FFFFFFF  }
0xc2: {  	(tm) =	ssettm $0x7FFFFFFF  }
0xc3: {  	_ =	shalt  }
tec
execute0_lowered:
.L_overlay_start_1:
0x0: {  	(tag) =	ssettag $0x1  }
0x1: {  	s14 =	rddreg [dreg:$0x0]  }
0x2: {  	s2 =	rddreg [dreg:$0x1]  }
0x3: {  	s0 =	rddreg [dreg:$0x2]  }
0x4: {  	s1 =	stileid.u32;
	s4 =	srdreg.scid;
	s3 =	simm.s32 $0x0  }
0x5: {  	s16 =	simm.s32 $0x7080;
	s17 =	simm.s32 $0x1;
	s18 =	simm.s32 $0x1000  }
0x6: {  	s19 =	simm.s32 $0x50;
	s21 =	simm.s32 $0x4880;
	s5 =	smul.u32 $0x4E200, s1  }
0x7: {  	s22 =	simm.s32 $0x2000;
	s11 =	sand.u32 $0x1, s4;
	s7 =	smul.u32 $0x138, s1  }
0x8: {  	[smem:$0x7FF] =	sst s3;
	s4 =	sadd.s32 $0x557000, s14;
	s8 =	smul.u32 $0x27000, s1  }
0x9: {  	s6 =	sadd.s32 $0x4D000, s14;
	p0 =	seq.s32 s1, $0xF;
	s20 =	smul.u32 $0x1390, s11  }
0xa: {  	_ =	strace $0x80000050;
	s9 =	ssub.s32 $0x2, s11;
	p1 =	seq.s32 s11, $0x0  }
0xb: {  	s11 =	smul.u32 $0xA000, s1;
	s12 =	sadd.s32 s5, s14;
	s5 =	sadd.s32 $0x61000, s14  }
0xc: {  	s8 =	sshrl.u32 s8, $0x2;
	s10 =	sshrl.u32 s9, $0x1;
	p0 =	por !p0, !p1  }
0xd: {  	p1 =	sne.s32 s1, $0xF;
	s7 =	sadd.s32 s7, s20;
	s15 =	ssub.s32 s9, s10  }
0xe: {  	s10 =	sadd.s32 $0x9C000, s2;
	s12 =	sadd.s32 $0x1424200, s12;
	p0 =	por !p0, !p0  }
0xf: {  	v0 =	vmov s20;
	s20 =	simm.s32 $0x2080;
	s7 =	sshll.u32 s7, $0x4;
	s15 =	smax.u32 s15, $0x1  }
0x10: {  	s13 =	sadd.s32 s7, s14;
	s7 =	sadd.s32 s8, s2;
	s14 =	sadd.s32 $0x591A00, s14  }
0x11: {  	v1 =	vimm.f32 $0.0e+00;
	s8 =	sadd.s32 $0x3400, s7;
	s9 =	sadd.s32 $0x6800, s7;
	s13 =	sadd.s32 $0x57E200, s13  }
.LBB2_1:
0x12: {  	s23 =	simm.s32 $0x0;
	s24 =	simm.s32 $0x200  }
.LBB2_2:
0x13: {  	p2 =	sne.s32 s24, $0xCE00;
	[tilespmem:s23+$0x70F0] =	vst v1  }
0x14: {  	[tilespmem:s23+$0x7080] =	vst v1  }
0x15: {  	[tilespmem:s23+$0x7090] =	vst v1  }
.Ltmp0:
0x16: {  	[tilespmem:s23+$0x70A0] =	vst v1;
	(pc) =	sbr.rel @p2 .LBB2_2-.Ltmp0, $4  }
0x17: {  	[tilespmem:s23+$0x70B0] =	vst v1  }
0x18: {  	[tilespmem:s23+$0x70C0] =	vst v1  }
0x19: {  	[tilespmem:s23+$0x70D0] =	vst v1  }
0x1a: {  	[tilespmem:s23+$0x70E0] =	vst v1;
	s23 =	sshra.s32 s24, $0x2;
	s24 =	sadd.s32 $0x200, s24  }
0x1b: {  	[tilespmem:s23+$0x70F0] =	vst v1  }
0x1c: {  	[tilespmem:s23+$0x7080] =	vst v1  }
0x1d: {  	[tilespmem:s23+$0x7090] =	vst v1  }
0x1e: {  	[tilespmem:s23+$0x70A0] =	vst v1  }
0x1f: {  	[tilespmem:s23+$0x70B0] =	vst v1  }
0x20: {  	[tilespmem:s23+$0x70C0] =	vst v1  }
0x21: {  	[tilespmem:s23+$0x70D0] =	vst v1  }
0x22: {  	[tilespmem:s23+$0x70E0] =	vst v1  }
0x23: {  	[spmem:s7] =	stream.linear.scatter [tilespmem:s16], [sflag:$0x1], $0x3400, $0x38;
	[tilespmem:$0x14140] =	vst v63  }
0x24: {  	_ =	swait.ge [sflag:s17], $0x3400  }
0x25: {  	[sflag:s17] =	ssyncset.done $0x0  }
0x26: {  	[sflag:s17] =	ssyncadd.s32 $0xFFFFCC00  }
0x27: {  	[spmem:s8] =	stream.linear.scatter [tilespmem:s16], [sflag:$0x1], $0x3400, $0x38;
	[tilespmem:$0x14140] =	vst v63  }
0x28: {  	_ =	swait.ge [sflag:s17], $0x3400  }
0x29: {  	[sflag:s17] =	ssyncset.done $0x0  }
0x2a: {  	[sflag:s17] =	ssyncadd.s32 $0xFFFFCC00  }
0x2b: {  	[spmem:s9] =	stream.linear.scatter [tilespmem:s16], [sflag:$0x1], $0x3400, $0x38;
	[tilespmem:$0x14140] =	vst v63  }
0x2c: {  	_ =	swait.ge [sflag:s17], $0x3400  }
0x2d: {  	[sflag:s17] =	ssyncset.done $0x0  }
0x2e: {  	s23 =	simm.s32 @!p1 $0x7080;
	[sflag:s17] =	ssyncadd.s32 $0xFFFFCC00  }
0x2f: {  	[spmem:s10] =	stream.linear.scatter @!p1 [tilespmem:s23], [sflag:$0x1], $0xC00, $0x38;
	[tilespmem:$0x14140] =	vst v63  }
0x30: {  	s23 =	simm.s32 @!p1 $0x1  }
0x31: {  	_ =	swait.ge @!p1 [sflag:s23], $0xC00  }
0x32: {  	[sflag:s23] =	ssyncset.done @!p1 $0x0  }
0x33: {  	[sflag:s23] =	ssyncadd.s32 @!p1 $0xFFFFF400  }
0x34: {  	s24 =	simm.s32 $0x0;
	s23 =	simm.s32 $0x0;
	[bflag:$0x0] =	sbarrier.arrive $0xFFFF  }
.LBB2_4:
0x35: {  	s25 =	sshll.u32 s24, $0xC  }
0x36: {  	s25 =	sadd.s32 s11, s25  }
0x37: {  	s25 =	sshrl.u32 s25, $0x3  }
0x38: {  	s26 =	sadd.s32 s5, s25  }
0x39: {  	[tilespmem:s23], [sflag:$0x1] =	stream.linear.gather [hbm4b:s26+s23], $0xC80, $0x38;
	[tilespmem:$0x14140] =	vst v63  }
0x3a: {  	_ =	swait.ge [sflag:s17], $0xC80  }
0x3b: {  	[sflag:s17] =	ssyncset.done $0x0  }
0x3c: {  	s25 =	sadd.s32 s6, s25;
	[sflag:s17] =	ssyncadd.s32 $0xFFFFF380  }
0x3d: {  	[tilespmem:s18], [sflag:$0x1] =	stream.linear.gather [hbm4b:s25+s23], $0xC80, $0x38;
	[tilespmem:$0x14140] =	vst v63  }
0x3e: {  	_ =	swait.ge [sflag:s17], $0xC80  }
0x3f: {  	[sflag:s17] =	ssyncset.done $0x0  }
0x40: {  	s26 =	simm.s32 $0x0;
	s25 =	smul.u32 $0x19, s24;
	[sflag:s17] =	ssyncadd.s32 $0xFFFFF380  }
.LBB2_5:
0x41: {  	s28 =	sshll.u32 s26, $0x7  }
0x42: {  	[tilespmem:s20], [sflag:$0x1] =	stream.indirect.gather [hbm4b:s4+s19], $0x80, s28, s19, $0xb8;
	[tilespmem:$0x14140] =	vst v63  }
0x43: {  	s29 =	sadd.s32 s25, s26  }
0x44: {  	_ =	swait.ge [sflag:s17], $0x2800;
	s29 =	smul.u32 $0x500, s29  }
0x45: {  	[sflag:s17] =	ssyncset.done $0x0  }
0x46: {  	s30 =	simm.s32 $0x0;
	[sflag:s17] =	ssyncadd.s32 $0xFFFFD800;
	s29 =	sadd.s32 s12, s29  }
0x47: {  	[tilespmem:s21], [sflag:$0x1] =	stream.linear.gather [hbm4b:s29+s30], $0x2800, $0x38;
	[tilespmem:$0x14140] =	vst v63  }
0x48: {  	_ =	swait.ge [sflag:s17], $0x2800  }
0x49: {  	[sflag:s17] =	ssyncset.done $0x0  }
0x4a: {  	[sflag:s17] =	ssyncadd.s32 $0xFFFFD800  }
0x4b: {  	v2 =	vld [tilespmem:s28+$0x1000];
	_ =	sdelay $0x4  }
0x4c: {  	v2 =	vsub.s32 v2, v0  }
0x4d: {  	v2 =	vmin.u32 v2, $0x1390  }
0x4e: {  	[tilespmem:$0x2000] =	vst v2  }
0x4f: {  	v2 =	vld [tilespmem:s28+$0x1010];
	_ =	sdelay $0x4  }
0x50: {  	v2 =	vsub.s32 v2, v0  }
0x51: {  	v2 =	vmin.u32 v2, $0x1390  }
0x52: {  	[tilespmem:$0x2010] =	vst v2  }
0x53: {  	v2 =	vld [tilespmem:s28+$0x1020];
	_ =	sdelay $0x4  }
0x54: {  	v2 =	vsub.s32 v2, v0  }
0x55: {  	v2 =	vmin.u32 v2, $0x1390  }
0x56: {  	[tilespmem:$0x2020] =	vst v2  }
0x57: {  	v2 =	vld [tilespmem:s28+$0x1030];
	_ =	sdelay $0x4  }
0x58: {  	v2 =	vsub.s32 v2, v0  }
0x59: {  	v2 =	vmin.u32 v2, $0x1390  }
0x5a: {  	[tilespmem:$0x2030] =	vst v2  }
0x5b: {  	v2 =	vld [tilespmem:s28+$0x1040];
	_ =	sdelay $0x4  }
0x5c: {  	v2 =	vsub.s32 v2, v0  }
0x5d: {  	v2 =	vmin.u32 v2, $0x1390  }
0x5e: {  	s28 =	simm.s32 $0x0;
	[tilespmem:$0x2040] =	vst v2  }
0x5f: {  	v8 =	vld [tilespmem:s28+$0x4880]  }
0x60: {  	v13 =	vld [tilespmem:s28+$0x4890]  }
0x61: {  	v7 =	vld [tilespmem:s28+$0x48A0]  }
0x62: {  	v6 =	vld [tilespmem:s28+$0x48B0]  }
0x63: {  	v5 =	vld [tilespmem:s28+$0x48C0]  }
0x64: {  	v4 =	vld [tilespmem:s28+$0x48D0]  }
0x65: {  	v3 =	vld [tilespmem:s28+$0x48E0]  }
0x66: {  	v2 =	vld [tilespmem:s28+$0x48F0]  }
0x67: {  	v14 =	vld [tilespmem:s28+$0x2080]  }
0x68: {  	v15 =	vld [tilespmem:s28+$0x2090]  }
0x69: {  	v12 =	vld [tilespmem:s28+$0x20A0]  }
0x6a: {  	v11 =	vld [tilespmem:s28+$0x20B0]  }
0x6b: {  	v10 =	vld [tilespmem:s28+$0x20C0]  }
0x6c: {  	v9 =	vld [tilespmem:s28+$0x20D0];
	v14 =	vadd.f32 v8, v14  }
0x6d: {  	s29 =	simm.s32 $0x200;
	v13 =	vadd.f32 v13, v15;
	v8 =	vld [tilespmem:s28+$0x20E0]  }
.LBB2_6:
0x6e: {  	s30 =	sshra.s32 s29, $0x2;
	p2 =	sne.s32 s29, $0x9E00;
	v14 =	vmax.f32 v14, $0.0e+00;
	v7 =	vadd.f32 v7, v12;
	v12 =	vld [tilespmem:s28+$0x20F0]  }
0x6f: {  	v15 =	vld [tilespmem:s30+$0x4880];
	[tilespmem:s28+$0x2080] =	vst v14;
	v13 =	vmax.f32 v13, $0.0e+00;
	v6 =	vadd.f32 v6, v11  }
0x70: {  	v16 =	vld [tilespmem:s30+$0x4890];
	[tilespmem:s28+$0x2090] =	vst v13;
	v11 =	vmax.f32 v7, $0.0e+00;
	v5 =	vadd.f32 v5, v10  }
0x71: {  	v7 =	vld [tilespmem:s30+$0x48A0];
	[tilespmem:s28+$0x20A0] =	vst v11;
	v10 =	vmax.f32 v6, $0.0e+00;
	v4 =	vadd.f32 v4, v9  }
0x72: {  	v6 =	vld [tilespmem:s30+$0x48B0];
	[tilespmem:s28+$0x20B0] =	vst v10;
	v9 =	vmax.f32 v5, $0.0e+00;
	v3 =	vadd.f32 v3, v8  }
0x73: {  	v5 =	vld [tilespmem:s30+$0x48C0];
	[tilespmem:s28+$0x20C0] =	vst v9;
	v8 =	vmax.f32 v4, $0.0e+00;
	v2 =	vadd.f32 v2, v12  }
0x74: {  	v4 =	vld [tilespmem:s30+$0x48D0];
	[tilespmem:s28+$0x20D0] =	vst v8;
	v8 =	vmax.f32 v3, $0.0e+00  }
0x75: {  	v3 =	vld [tilespmem:s30+$0x48E0];
	[tilespmem:s28+$0x20E0] =	vst v8;
	v8 =	vmax.f32 v2, $0.0e+00  }
0x76: {  	v2 =	vld [tilespmem:s30+$0x48F0];
	[tilespmem:s28+$0x20F0] =	vst v8;
	s28 =	smov.u32 s30  }
0x77: {  	v8 =	vld [tilespmem:s28+$0x2080]  }
0x78: {  	v13 =	vld [tilespmem:s28+$0x2090]  }
.Ltmp1:
0x79: {  	v12 =	vld [tilespmem:s28+$0x20A0];
	(pc) =	sbr.rel @p2 .LBB2_6-.Ltmp1, $4  }
0x7a: {  	v11 =	vld [tilespmem:s28+$0x20B0]  }
0x7b: {  	v10 =	vld [tilespmem:s28+$0x20C0]  }
0x7c: {  	v14 =	vadd.f32 v15, v8;
	v9 =	vld [tilespmem:s28+$0x20D0]  }
0x7d: {  	s29 =	sadd.s32 $0x200, s29;
	v13 =	vadd.f32 v16, v13;
	v8 =	vld [tilespmem:s28+$0x20E0]  }
0x7e: {  	v14 =	vmax.f32 v14, $0.0e+00;
	v7 =	vadd.f32 v7, v12;
	v63 =	vld [tilespmem:s28+$0x20F0]  }
0x7f: {  	[tilespmem:s28+$0x2080] =	vst v14;
	v13 =	vmax.f32 v13, $0.0e+00;
	v6 =	vadd.f32 v6, v11  }
0x80: {  	[tilespmem:s28+$0x2090] =	vst v13;
	v7 =	vmax.f32 v7, $0.0e+00;
	v5 =	vadd.f32 v5, v10  }
0x81: {  	[tilespmem:s28+$0x20A0] =	vst v7;
	v6 =	vmax.f32 v6, $0.0e+00;
	v4 =	vadd.f32 v4, v9  }
0x82: {  	[tilespmem:s28+$0x20B0] =	vst v6;
	v5 =	vmax.f32 v5, $0.0e+00;
	v3 =	vadd.f32 v3, v8  }
0x83: {  	[tilespmem:s28+$0x20C0] =	vst v5;
	v4 =	vmax.f32 v4, $0.0e+00;
	v2 =	vadd.f32 v2, v63  }
0x84: {  	s26 =	sadd.s32 $0x1, s26;
	[tilespmem:s28+$0x20D0] =	vst v4;
	v3 =	vmax.f32 v3, $0.0e+00  }
0x85: {  	p2 =	sne.s32 s26, $0x19;
	[tilespmem:s28+$0x20E0] =	vst v3;
	v2 =	vmax.f32 v2, $0.0e+00  }
.Ltmp2:
0x86: {  	[tilespmem:s28+$0x20F0] =	vst v2;
	(pc) =	sbr.rel @p2 .LBB2_5-.Ltmp2, $4  }
0x87: {  	[spmem:s2] =	stream.indirect.scatter.add.f32 [tilespmem:s20], [sflag:$0x1], $0x80, s22, s19, $0xb8;
	[tilespmem:$0x14140] =	vst v63  }
0x88: {  	_ =	swait.ge [sflag:s17], $0x2800  }
0x89: {  	[sflag:s17] =	ssyncset.done $0x0  }
0x8a: {  	[sflag:s17] =	ssyncadd.s32 $0xFFFFD800  }
0x8b: {  	s24 =	sadd.s32 $0x1, s24  }
0x8c: {  	p2 =	sne.s32 s24, $0xA  }
.Ltmp3:
0x8d: {  	_ = 	snop;
	(pc) =	sbr.rel @p2 .LBB2_4-.Ltmp3, $1  }
0x8e: {  	_ =	sdelay $0x3  }
0x8f: {  	s23 =	sshll.u32 s1, $0x6  }
0x90: {  	[bflag:$0x0] =	sbarrier.arrive $0xFFFF;
	s24 =	sshrl.u32 s7, $0x3;
	s23 =	sor.u32 $0x1C01, s23  }
0x91: {  	[hbm:s13], [sflag:s23] =	dma.local [spmem:s24], $0x1380  }
0x92: {  	_ =	swait.ge [sflag:s17], $0x1380  }
0x93: {  	s3 =	sadd.s32 $0x1, s3;
	[sflag:s17] =	ssyncset.done $0x0  }
0x94: {  	p2 =	sne.s32 s3, s15;
	s24 =	sshrl.u32 @p0 s10, $0x3;
	[sflag:s17] =	ssyncadd.s32 $0xFFFFEC80  }
0x95: {  	[hbm:s14], [sflag:s23] =	dma.local @p0 [spmem:s24], $0x100  }
.Ltmp4:
0x96: {  	_ = 	snop;
	(pc) =	sbr.rel @p2 .LBB2_1-.Ltmp4, $4  }
0x97: {  	s23 =	simm.s32 @p0 $0x1  }
0x98: {  	_ =	swait.ge @p0 [sflag:s23], $0x100  }
0x99: {  	[sflag:s23] =	ssyncset.done @p0 $0x0  }
0x9a: {  	[sflag:s23] =	ssyncadd.s32 @p0 $0xFFFFFF00  }
0x9b: {  	_ =	sfence.sel $0x180000  }
0x9c: {  	[bflag:$0x0] =	sbarrier.arrive $0xFFFF  }
0x9d: {  	p0 =	sne.s32 s1, $0x0;
	_ =	strace $0x90000050  }
0x9e: {  	s0 =	sadd.s32 @!p0 $0x100000, s0;
	[bflag:$0x2] =	sbarrier.arrive $0xFFFF  }
0x9f: {  	[sflag:s0] =	ssyncadd.tile.s32 @!p0 $0x1;
	_ =	shalt  }
.Lfunc_end2:
_tile_overlayer_lowered:
.L_overlay_start_2:
0xa0: {  	(tag) =	ssettag $0x2  }
0xa1: {  	s0 =	rddreg [dreg:$0x0];
	s2 =	stileid.u32  }
0xa2: {  	s1 =	rddreg [dreg:$0x1];
	p0 =	sne.s32 s2, $0x0  }
0xa3: {  	s3 =	rddreg [dreg:$0x2];
	[bflag:$0x3] =	sbarrier.arrive $0xFFFF;
	s2 =	simm.s32 @!p0 $0x1C01  }
0xa4: {  	[timem:s3], [sflag:s2] =	dma.local @!p0 [hbm:s0], s1  }
0xa5: {  	s0 =	simm.s32 @!p0 $0x1  }
0xa6: {  	_ =	swait.ge @!p0 [sflag:s0], s1  }
0xa7: {  	s1 =	ssub.s32 @!p0 $0x0, s1;
	[sflag:s0] =	ssyncset.done @!p0 $0x0  }
0xa8: {  	[sflag:s0] =	ssyncadd.s32 @!p0 s1  }
0xa9: {  	[bflag:$0x3] =	sbarrier.arrive $0xFFFF  }
0xaa: {  	_ =	shalt  }

// kernel: kernel.27.cloned.1.call-start
scs
__scs_entry_jumppad:
0x0: {  	(pc) =	sbr.rel $0x88, $3  }
0x1: {  	(tag) =	ssettag $0x0;
	lr =	simm.s32 $0x1  }
0x2: {  	[smem:$0x3F79] =	sst lr;
	_ =	strace $0xD0000000  }
0x3: {  	_ = 	snop  }
0x4: {  	_ = 	snop  }
0x5: {  	_ = 	snop  }
0x6: {  	_ = 	snop  }
0x7: {  	_ = 	snop  }
__scs_overlays_trampoline_lowered:
0x8: {  	[smem:$0x3F88] =	sst s0  }
0x9: {  	[smem:$0x3F89] =	sst s1  }
0xa: {  	[smem:$0x3F8A] =	sst s2  }
0xb: {  	[smem:$0x3F8B] =	sst s3  }
0xc: {  	[smem:$0x3F8C] =	sst s4  }
0xd: {  	[smem:$0x3F8D] =	sst s5  }
0xe: {  	[smem:$0x3F8E] =	sst s6  }
0xf: {  	[smem:$0x3F8F] =	sst s7  }
0x10: {  	[smem:$0x3F90] =	sst s8  }
0x11: {  	[smem:$0x3F91] =	sst s9;
	s0 =	simm.s32 @!p0 $0x0  }
0x12: {  	s1 =	sld [smem:$0x3F77];
	s0 =	simm.s32 @p0 $0x1  }
0x13: {  	[smem:$0x3F92] =	sst s0;
	s0 =	simm.s32 @!p1 $0x0  }
0x14: {  	s2 =	sld [smem:$0x3F76];
	s0 =	simm.s32 @p1 $0x1  }
0x15: {  	[smem:$0x3F93] =	sst s0;
	s0 =	simm.s32 @!p2 $0x0  }
0x16: {  	s3 =	sld [smem:$0x3FDB];
	s0 =	simm.s32 @p2 $0x1  }
0x17: {  	s4 =	simm.s32 $0x1BF5;
	[smem:$0x3F95] =	sst s0  }
0x18: {  	s0 =	sld [smem:$0x3F78];
	_ =	swait.ge [sflag:s4], $0x0  }
0x19: {  	s7 =	sld [smem:$0x3F79]  }
0x1a: {  	s8 =	sadd.s32 $0xFFFFE003, lr  }
0x1b: {  	s9 =	sadd.s32 $0xFFFFFEF7, lr;
	s5 =	simm.s32 $0xFFFFFFFF;
	p2 =	slt.u32 s8, $0xFFFFF086  }
0x1c: {  	p1 =	slt.u32 s9, $0xF7A;
	s5 =	simm.s32 @!p2 $0x0  }
0x1d: {  	s5 =	simm.s32 @p1 $0x1;
	p0 =	seq.s32 s7, s2  }
0x1e: {  	s7 =	smul.u32 @!p0 $0xF7A, s2;
	p2 =	seq.s32 @!p0 s5, $0x0  }
0x1f: {  	s9 =	smul.u32 $0xF7A, s1;
	s8 =	simm.s32 @!p0 $0x1BF5;
	p2 =	por !p2, p0  }
0x20: {  	[sflag:s8] =	ssyncset.s32 @!p0 $0xFFFFF086;
	s6 =	sadd.s32 @!p0 s3, s7;
	s7 =	simm.s32 @!p0 $0x108  }
0x21: {  	s3 =	sadd.s32 s3, s9;
	s6 =	sadd.s32 @!p0 $0x88, s6;
	s7 =	simm.s32 @p2 $0x1082  }
0x22: {  	[simem:s7], [sflag:s8] =	dma.local @!p0 [hbm:s6], $0xF7A  }
0x23: {  	s9 =	sor.u32 $0xD0000000, s2;
	s6 =	simm.s32 $0x108;
	_ =	swait.ge @!p0 [sflag:s8], $0x0  }
0x24: {  	s3 =	sadd.s32 $0x88, s3;
	s6 =	simm.s32 @!p1 $0x1082;
	[sflag:s4] =	ssyncset.s32 $0xFFFFF086  }
0x25: {  	[simem:s6], [sflag:s4] =	dma.local [hbm:s3], $0xF7A  }
0x26: {  	[smem:$0x3F79] =	sst s1;
	(tag) =	ssettag s2;
	_ =	strace s9  }
0x27: {  	s1 =	sld [smem:$0x3F89]  }
0x28: {  	s2 =	sld [smem:$0x3F8A]  }
0x29: {  	s4 =	sld [smem:$0x3F8C]  }
0x2a: {  	p0 =	seq.s32 s5, $0x0;
	s5 =	sld [smem:$0x3F8D]  }
0x2b: {  	s6 =	sld [smem:$0x3F8E]  }
0x2c: {  	s7 =	sld [smem:$0x3F8F]  }
0x2d: {  	s3 =	simm.s32 $0x108;
	s8 =	sld [smem:$0x3F90]  }
0x2e: {  	s3 =	simm.s32 @!p0 $0x1082;
	s9 =	sld [smem:$0x3F91]  }
0x2f: {  	lr =	sadd.s32 s0, s3;
	s0 =	sld [smem:$0x3F88]  }
0x30: {  	s3 =	sld [smem:$0x3F8B]  }
0x31: {  	[smem:$0x3F94] =	sst s10  }
0x32: {  	s10 =	sld [smem:$0x3F92];
	_ =	sdelay $0x3  }
0x33: {  	p0 =	seq.s32 s10, $0x1;
	s10 =	sld [smem:$0x3F94];
	_ =	sdelay $0x3  }
0x34: {  	[smem:$0x3F94] =	sst s10  }
0x35: {  	s10 =	sld [smem:$0x3F93];
	_ =	sdelay $0x3  }
0x36: {  	p1 =	seq.s32 s10, $0x1;
	s10 =	sld [smem:$0x3F94];
	_ =	sdelay $0x3  }
0x37: {  	[smem:$0x3F94] =	sst s10  }
0x38: {  	s10 =	sld [smem:$0x3F95]  }
0x39: {  	_ = 	snop;
	(pc) =	sbr.ind lr, $3  }
0x3a: {  	_ = 	snop  }
0x3b: {  	_ = 	snop  }
0x3c: {  	p2 =	seq.s32 s10, $0x1;
	s10 =	sld [smem:$0x3F94]  }
0x3d: {  	_ =	shalt  }
0x3e: {  	_ =	shalt  }
0x3f: {  	_ =	shalt  }
0x40: {  	_ =	shalt  }
0x41: {  	_ =	shalt  }
0x42: {  	_ =	shalt  }
0x43: {  	_ =	shalt  }
0x44: {  	_ =	shalt  }
0x45: {  	_ =	shalt  }
0x46: {  	_ =	shalt  }
0x47: {  	_ =	shalt  }
0x48: {  	_ =	shalt  }
0x49: {  	_ =	shalt  }
0x4a: {  	_ =	shalt  }
0x4b: {  	_ =	shalt  }
0x4c: {  	_ =	shalt  }
0x4d: {  	_ =	shalt  }
0x4e: {  	_ =	shalt  }
0x4f: {  	_ =	shalt  }
0x50: {  	_ =	shalt  }
0x51: {  	_ =	shalt  }
0x52: {  	_ =	shalt  }
0x53: {  	_ =	shalt  }
0x54: {  	_ =	shalt  }
0x55: {  	_ =	shalt  }
0x56: {  	_ =	shalt  }
0x57: {  	_ =	shalt  }
0x58: {  	_ =	shalt  }
0x59: {  	_ =	shalt  }
0x5a: {  	_ =	shalt  }
0x5b: {  	_ =	shalt  }
0x5c: {  	_ =	shalt  }
0x5d: {  	_ =	shalt  }
0x5e: {  	_ =	shalt  }
0x5f: {  	_ =	shalt  }
0x60: {  	_ =	shalt  }
0x61: {  	_ =	shalt  }
0x62: {  	_ =	shalt  }
0x63: {  	_ =	shalt  }
0x64: {  	_ =	shalt  }
0x65: {  	_ =	shalt  }
0x66: {  	_ =	shalt  }
0x67: {  	_ =	shalt  }
0x68: {  	_ =	shalt  }
0x69: {  	_ =	shalt  }
0x6a: {  	_ =	shalt  }
0x6b: {  	_ =	shalt  }
0x6c: {  	_ =	shalt  }
0x6d: {  	_ =	shalt  }
0x6e: {  	_ =	shalt  }
0x6f: {  	_ =	shalt  }
0x70: {  	_ =	shalt  }
0x71: {  	_ =	shalt  }
0x72: {  	_ =	shalt  }
0x73: {  	_ =	shalt  }
0x74: {  	_ =	shalt  }
0x75: {  	_ =	shalt  }
0x76: {  	_ =	shalt  }
0x77: {  	_ =	shalt  }
0x78: {  	_ =	shalt  }
0x79: {  	_ =	shalt  }
0x7a: {  	_ =	shalt  }
0x7b: {  	_ =	shalt  }
0x7c: {  	_ =	shalt  }
0x7d: {  	_ =	shalt  }
0x7e: {  	_ =	shalt  }
0x7f: {  	_ =	shalt  }
0x80: {  	_ =	shalt  }
0x81: {  	_ =	shalt  }
0x82: {  	_ =	shalt  }
0x83: {  	_ =	shalt  }
0x84: {  	_ =	shalt  }
0x85: {  	_ =	shalt  }
0x86: {  	_ =	shalt  }
0x87: {  	_ =	shalt  }
.Lfunc_end0:
.L_simem_size_0:
called_computation.4_lowered:
.L_overlay_start_0:
0x88: {  	s2 =	sld [smem:$0x3FD9]  }
0x89: {  	s3 =	sld [smem:$0x3FFE];
	_ =	sdelay $0x1  }
0x8a: {  	s1 =	srdreg.scid  }
0x8b: {  	s0 =	sand.u32 $0x1, s1  }
0x8c: {  	s16 =	sshll.u32 s0, $0xA;
	s2 =	sadd.s32 s3, s2  }
0x8d: {  	s2 =	sadd.s32 s2, s16  }
0x8e: {  	[smem:$0x3FA0] =	sst s2  }
0x8f: {  	_ = 	snop  }
0x90: {  	(tm) =	ssettm $0x1  }
0x91: {  	s17 =	sld [smem:$0x3FFB];
	_ =	sdelay $0x3  }
0x92: {  	_ =	strace s17  }
0x93: {  	s2 =	sld [smem:$0x3FFC];
	_ =	sdelay $0x3  }
0x94: {  	_ =	strace s2  }
0x95: {  	s2 =	sld [smem:$0x3FFD];
	_ =	sdelay $0x3  }
0x96: {  	_ =	strace s2  }
0x97: {  	_ =	strace $0x8FFFFFFF  }
0x98: {  	s18 =	sld [smem:$0x3FDB];
	_ =	sdelay $0x1  }
0x99: {  	s19 =	simm.s32 $_scs_section_size  }
0x9a: {  	s4 =	simm.s32 $_size__tile_overlayer_lowered;
	s5 =	simm.s32 $_tile_overlayer_lowered  }
0x9b: {  	s22 =	simm.s32 $0x1BFF;
	s21 =	sshll.u32 s5, $0x1;
	s2 =	sadd.s32 s19, s18  }
0x9c: {  	s6 =	simm.s32 $0x0;
	s20 =	sshll.u32 s4, $0x1;
	s4 =	sadd.s32 s21, s2  }
0x9d: {  	[timem:s6], [sflag:s22] =	dma.local [hbm:s4], s20  }
0x9e: {  	_ =	swait.ge [sflag:s22], s20  }
0x9f: {  	s3 =	ssub.s32 $0x0, s20;
	[sflag:s22] =	ssyncset.done $0x0  }
0xa0: {  	[sflag:s22] =	ssyncadd.s32 s3;
	_ =	sdelay $0x1  }
0xa1: {  	s23 =	simm.s32 $0x1B8B  }
0xa2: {  	_ =	swait.ge [sflag:s23], $0x1  }
0xa3: {  	[sflag:s23] =	ssyncset.done $0x0  }
0xa4: {  	s25 =	simm.s32 $0x1B8E;
	s24 =	sld [smem:$0x3FFE];
	[sflag:s23] =	ssyncadd.s32 $0xFFFFFFFF  }
0xa5: {  	s26 =	simm.s32 $execute0_lowered;
	[smem:$0x3FD2] =	sst s25  }
0xa6: {  	s4 =	sshll.u32 s26, $0x1;
	_ =	strace $0x80000052;
	[dreg:$0x1] =	wrdreg $0xFFFFFFFF  }
0xa7: {  	s28 =	simm.s32 $_size_execute0_lowered;
	s2 =	sadd.s32 s2, s4;
	[dreg:$0x0] =	wrdreg $0x0  }
0xa8: {  	s4 =	sshll.u32 s28, $0x1;
	[dreg:$0x2] =	wrdreg s2  }
0xa9: {  	[dreg:$0x3] =	wrdreg s4  }
0xaa: {  	[dreg:$0x4] =	wrdreg $0xC0  }
0xab: {  	_ =	task [dreg:s6], $0x5FFFF  }
0xac: {  	[dreg:$0x1] =	wrdreg $0xFFFFFFFF  }
0xad: {  	[dreg:$0x0] =	wrdreg $0x60  }
0xae: {  	[dreg:$0x2] =	wrdreg s24  }
0xaf: {  	[dreg:$0x3] =	wrdreg $0xA4800  }
0xb0: {  	[dreg:$0x4] =	wrdreg $0x9  }
0xb1: {  	_ =	task.clear_ibuf [dreg:s6], $0x5FFFF;
	_ =	strace $0x90000052  }
0xb2: {  	s29 =	simm.s32 $0x9;
	_ =	strace $0x80000054  }
0xb3: {  	_ =	swait.ge [sflag:s29], $0x1  }
0xb4: {  	[sflag:s29] =	ssyncadd.s32 $0xFFFFFFFF  }
0xb5: {  	_ =	strace $0x90000054  }
0xb6: {  	_ =	sfence  }
0xb7: {  	s30 =	sld [smem:$0x0];
	_ =	sdelay $0x2  }
0xb8: {  	s31 =	sshll.u32 s1, $0xD;
	s1 =	sshrl.u32 s1, $0x2  }
0xb9: {  	s3 =	sand.u32 $0x4000, s31;
	s1 =	sadd.s32 s1, s30  }
0xba: {  	s0 =	sor.u32 s3, s0;
	s1 =	sshll.u32 s1, $0x11  }
0xbb: {  	s0 =	sor.u32 s1, s0  }
0xbc: {  	s0 =	sadd.s32 $0x8F2B, s0  }
0xbd: {  	[sflag:s0] =	ssyncadd.remote.s32 $0x1  }
0xbe: {  	_ =	sfence.sel $0xFFFF  }
0xbf: {  	[dreg:$0x0] =	wrdreg $0xFFFFFFFF;
	(pc) =	sbr.abs _section_cstart, $3  }
0xc0: {  	[dreg:$0x1] =	wrdreg $0xFFFFFFFF  }
0xc1: {  	_ =	task.clear_ibuf [dreg:s6], $0x2FFFF;
	_ =	strace $0x9FFFFFFF  }
0xc2: {  	(tm) =	ssettm $0x7FFFFFFF  }
0xc3: {  	_ =	shalt  }
tec
execute0_lowered:
.L_overlay_start_1:
0x0: {  	(tag) =	ssettag $0x1  }
0x1: {  	s14 =	rddreg [dreg:$0x0]  }
0x2: {  	s2 =	rddreg [dreg:$0x1]  }
0x3: {  	s0 =	rddreg [dreg:$0x2]  }
0x4: {  	s1 =	stileid.u32;
	s4 =	srdreg.scid;
	s3 =	simm.s32 $0x0  }
0x5: {  	s16 =	simm.s32 $0x7080;
	s17 =	simm.s32 $0x1;
	s18 =	simm.s32 $0x1000  }
0x6: {  	s19 =	simm.s32 $0x50;
	s21 =	simm.s32 $0x4880;
	s5 =	smul.u32 $0x4E200, s1  }
0x7: {  	s22 =	simm.s32 $0x2000;
	s11 =	sand.u32 $0x1, s4;
	s7 =	smul.u32 $0x138, s1  }
0x8: {  	[smem:$0x7FF] =	sst s3;
	s4 =	sadd.s32 $0x557000, s14;
	s8 =	smul.u32 $0x27000, s1  }
0x9: {  	s6 =	sadd.s32 $0x4D000, s14;
	p0 =	seq.s32 s1, $0xF;
	s20 =	smul.u32 $0x1390, s11  }
0xa: {  	_ =	strace $0x80000053;
	s9 =	ssub.s32 $0x2, s11;
	p1 =	seq.s32 s11, $0x0  }
0xb: {  	s11 =	smul.u32 $0xA000, s1;
	s12 =	sadd.s32 s5, s14;
	s5 =	sadd.s32 $0x61000, s14  }
0xc: {  	s8 =	sshrl.u32 s8, $0x2;
	s10 =	sshrl.u32 s9, $0x1;
	p0 =	por !p0, !p1  }
0xd: {  	p1 =	sne.s32 s1, $0xF;
	s7 =	sadd.s32 s7, s20;
	s15 =	ssub.s32 s9, s10  }
0xe: {  	s10 =	sadd.s32 $0x9C000, s2;
	s12 =	sadd.s32 $0x1424200, s12;
	p0 =	por !p0, !p0  }
0xf: {  	v0 =	vmov s20;
	s20 =	simm.s32 $0x2080;
	s7 =	sshll.u32 s7, $0x4;
	s15 =	smax.u32 s15, $0x1  }
0x10: {  	s13 =	sadd.s32 s7, s14;
	s7 =	sadd.s32 s8, s2;
	s14 =	sadd.s32 $0x591A00, s14  }
0x11: {  	v1 =	vimm.f32 $0.0e+00;
	s8 =	sadd.s32 $0x3400, s7;
	s9 =	sadd.s32 $0x6800, s7;
	s13 =	sadd.s32 $0x57E200, s13  }
.LBB2_1:
0x12: {  	s23 =	simm.s32 $0x0;
	s24 =	simm.s32 $0x200  }
.LBB2_2:
0x13: {  	p2 =	sne.s32 s24, $0xCE00;
	[tilespmem:s23+$0x70F0] =	vst v1  }
0x14: {  	[tilespmem:s23+$0x7080] =	vst v1  }
0x15: {  	[tilespmem:s23+$0x7090] =	vst v1  }
.Ltmp0:
0x16: {  	[tilespmem:s23+$0x70A0] =	vst v1;
	(pc) =	sbr.rel @p2 .LBB2_2-.Ltmp0, $4  }
0x17: {  	[tilespmem:s23+$0x70B0] =	vst v1  }
0x18: {  	[tilespmem:s23+$0x70C0] =	vst v1  }
0x19: {  	[tilespmem:s23+$0x70D0] =	vst v1  }
0x1a: {  	[tilespmem:s23+$0x70E0] =	vst v1;
	s23 =	sshra.s32 s24, $0x2;
	s24 =	sadd.s32 $0x200, s24  }
0x1b: {  	[tilespmem:s23+$0x70F0] =	vst v1  }
0x1c: {  	[tilespmem:s23+$0x7080] =	vst v1  }
0x1d: {  	[tilespmem:s23+$0x7090] =	vst v1  }
0x1e: {  	[tilespmem:s23+$0x70A0] =	vst v1  }
0x1f: {  	[tilespmem:s23+$0x70B0] =	vst v1  }
0x20: {  	[tilespmem:s23+$0x70C0] =	vst v1  }
0x21: {  	[tilespmem:s23+$0x70D0] =	vst v1  }
0x22: {  	[tilespmem:s23+$0x70E0] =	vst v1  }
0x23: {  	[spmem:s7] =	stream.linear.scatter [tilespmem:s16], [sflag:$0x1], $0x3400, $0x38;
	[tilespmem:$0x14140] =	vst v63  }
0x24: {  	_ =	swait.ge [sflag:s17], $0x3400  }
0x25: {  	[sflag:s17] =	ssyncset.done $0x0  }
0x26: {  	[sflag:s17] =	ssyncadd.s32 $0xFFFFCC00  }
0x27: {  	[spmem:s8] =	stream.linear.scatter [tilespmem:s16], [sflag:$0x1], $0x3400, $0x38;
	[tilespmem:$0x14140] =	vst v63  }
0x28: {  	_ =	swait.ge [sflag:s17], $0x3400  }
0x29: {  	[sflag:s17] =	ssyncset.done $0x0  }
0x2a: {  	[sflag:s17] =	ssyncadd.s32 $0xFFFFCC00  }
0x2b: {  	[spmem:s9] =	stream.linear.scatter [tilespmem:s16], [sflag:$0x1], $0x3400, $0x38;
	[tilespmem:$0x14140] =	vst v63  }
0x2c: {  	_ =	swait.ge [sflag:s17], $0x3400  }
0x2d: {  	[sflag:s17] =	ssyncset.done $0x0  }
0x2e: {  	s23 =	simm.s32 @!p1 $0x7080;
	[sflag:s17] =	ssyncadd.s32 $0xFFFFCC00  }
0x2f: {  	[spmem:s10] =	stream.linear.scatter @!p1 [tilespmem:s23], [sflag:$0x1], $0xC00, $0x38;
	[tilespmem:$0x14140] =	vst v63  }
0x30: {  	s23 =	simm.s32 @!p1 $0x1  }
0x31: {  	_ =	swait.ge @!p1 [sflag:s23], $0xC00  }
0x32: {  	[sflag:s23] =	ssyncset.done @!p1 $0x0  }
0x33: {  	[sflag:s23] =	ssyncadd.s32 @!p1 $0xFFFFF400  }
0x34: {  	s24 =	simm.s32 $0x0;
	s23 =	simm.s32 $0x0;
	[bflag:$0x0] =	sbarrier.arrive $0xFFFF  }
.LBB2_4:
0x35: {  	s25 =	sshll.u32 s24, $0xC  }
0x36: {  	s25 =	sadd.s32 s11, s25  }
0x37: {  	s25 =	sshrl.u32 s25, $0x3  }
0x38: {  	s26 =	sadd.s32 s5, s25  }
0x39: {  	[tilespmem:s23], [sflag:$0x1] =	stream.linear.gather [hbm4b:s26+s23], $0xC80, $0x38;
	[tilespmem:$0x14140] =	vst v63  }
0x3a: {  	_ =	swait.ge [sflag:s17], $0xC80  }
0x3b: {  	[sflag:s17] =	ssyncset.done $0x0  }
0x3c: {  	s25 =	sadd.s32 s6, s25;
	[sflag:s17] =	ssyncadd.s32 $0xFFFFF380  }
0x3d: {  	[tilespmem:s18], [sflag:$0x1] =	stream.linear.gather [hbm4b:s25+s23], $0xC80, $0x38;
	[tilespmem:$0x14140] =	vst v63  }
0x3e: {  	_ =	swait.ge [sflag:s17], $0xC80  }
0x3f: {  	[sflag:s17] =	ssyncset.done $0x0  }
0x40: {  	s26 =	simm.s32 $0x0;
	s25 =	smul.u32 $0x19, s24;
	[sflag:s17] =	ssyncadd.s32 $0xFFFFF380  }
.LBB2_5:
0x41: {  	s28 =	sshll.u32 s26, $0x7  }
0x42: {  	[tilespmem:s20], [sflag:$0x1] =	stream.indirect.gather [hbm4b:s4+s19], $0x80, s28, s19, $0xb8;
	[tilespmem:$0x14140] =	vst v63  }
0x43: {  	s29 =	sadd.s32 s25, s26  }
0x44: {  	_ =	swait.ge [sflag:s17], $0x2800;
	s29 =	smul.u32 $0x500, s29  }
0x45: {  	[sflag:s17] =	ssyncset.done $0x0  }
0x46: {  	s30 =	simm.s32 $0x0;
	[sflag:s17] =	ssyncadd.s32 $0xFFFFD800;
	s29 =	sadd.s32 s12, s29  }
0x47: {  	[tilespmem:s21], [sflag:$0x1] =	stream.linear.gather [hbm4b:s29+s30], $0x2800, $0x38;
	[tilespmem:$0x14140] =	vst v63  }
0x48: {  	_ =	swait.ge [sflag:s17], $0x2800  }
0x49: {  	[sflag:s17] =	ssyncset.done $0x0  }
0x4a: {  	[sflag:s17] =	ssyncadd.s32 $0xFFFFD800  }
0x4b: {  	v2 =	vld [tilespmem:s28+$0x1000];
	_ =	sdelay $0x4  }
0x4c: {  	v2 =	vsub.s32 v2, v0  }
0x4d: {  	v2 =	vmin.u32 v2, $0x1390  }
0x4e: {  	[tilespmem:$0x2000] =	vst v2  }
0x4f: {  	v2 =	vld [tilespmem:s28+$0x1010];
	_ =	sdelay $0x4  }
0x50: {  	v2 =	vsub.s32 v2, v0  }
0x51: {  	v2 =	vmin.u32 v2, $0x1390  }
0x52: {  	[tilespmem:$0x2010] =	vst v2  }
0x53: {  	v2 =	vld [tilespmem:s28+$0x1020];
	_ =	sdelay $0x4  }
0x54: {  	v2 =	vsub.s32 v2, v0  }
0x55: {  	v2 =	vmin.u32 v2, $0x1390  }
0x56: {  	[tilespmem:$0x2020] =	vst v2  }
0x57: {  	v2 =	vld [tilespmem:s28+$0x1030];
	_ =	sdelay $0x4  }
0x58: {  	v2 =	vsub.s32 v2, v0  }
0x59: {  	v2 =	vmin.u32 v2, $0x1390  }
0x5a: {  	[tilespmem:$0x2030] =	vst v2  }
0x5b: {  	v2 =	vld [tilespmem:s28+$0x1040];
	_ =	sdelay $0x4  }
0x5c: {  	v2 =	vsub.s32 v2, v0  }
0x5d: {  	v2 =	vmin.u32 v2, $0x1390  }
0x5e: {  	s28 =	simm.s32 $0x0;
	[tilespmem:$0x2040] =	vst v2  }
0x5f: {  	v8 =	vld [tilespmem:s28+$0x4880]  }
0x60: {  	v13 =	vld [tilespmem:s28+$0x4890]  }
0x61: {  	v7 =	vld [tilespmem:s28+$0x48A0]  }
0x62: {  	v6 =	vld [tilespmem:s28+$0x48B0]  }
0x63: {  	v5 =	vld [tilespmem:s28+$0x48C0]  }
0x64: {  	v4 =	vld [tilespmem:s28+$0x48D0]  }
0x65: {  	v3 =	vld [tilespmem:s28+$0x48E0]  }
0x66: {  	v2 =	vld [tilespmem:s28+$0x48F0]  }
0x67: {  	v14 =	vld [tilespmem:s28+$0x2080]  }
0x68: {  	v15 =	vld [tilespmem:s28+$0x2090]  }
0x69: {  	v12 =	vld [tilespmem:s28+$0x20A0]  }
0x6a: {  	v11 =	vld [tilespmem:s28+$0x20B0]  }
0x6b: {  	v10 =	vld [tilespmem:s28+$0x20C0]  }
0x6c: {  	v9 =	vld [tilespmem:s28+$0x20D0];
	v14 =	vadd.f32 v8, v14  }
0x6d: {  	s29 =	simm.s32 $0x200;
	v13 =	vadd.f32 v13, v15;
	v8 =	vld [tilespmem:s28+$0x20E0]  }
.LBB2_6:
0x6e: {  	s30 =	sshra.s32 s29, $0x2;
	p2 =	sne.s32 s29, $0x9E00;
	v14 =	vmax.f32 v14, $0.0e+00;
	v7 =	vadd.f32 v7, v12;
	v12 =	vld [tilespmem:s28+$0x20F0]  }
0x6f: {  	v15 =	vld [tilespmem:s30+$0x4880];
	[tilespmem:s28+$0x2080] =	vst v14;
	v13 =	vmax.f32 v13, $0.0e+00;
	v6 =	vadd.f32 v6, v11  }
0x70: {  	v16 =	vld [tilespmem:s30+$0x4890];
	[tilespmem:s28+$0x2090] =	vst v13;
	v11 =	vmax.f32 v7, $0.0e+00;
	v5 =	vadd.f32 v5, v10  }
0x71: {  	v7 =	vld [tilespmem:s30+$0x48A0];
	[tilespmem:s28+$0x20A0] =	vst v11;
	v10 =	vmax.f32 v6, $0.0e+00;
	v4 =	vadd.f32 v4, v9  }
0x72: {  	v6 =	vld [tilespmem:s30+$0x48B0];
	[tilespmem:s28+$0x20B0] =	vst v10;
	v9 =	vmax.f32 v5, $0.0e+00;
	v3 =	vadd.f32 v3, v8  }
0x73: {  	v5 =	vld [tilespmem:s30+$0x48C0];
	[tilespmem:s28+$0x20C0] =	vst v9;
	v8 =	vmax.f32 v4, $0.0e+00;
	v2 =	vadd.f32 v2, v12  }
0x74: {  	v4 =	vld [tilespmem:s30+$0x48D0];
	[tilespmem:s28+$0x20D0] =	vst v8;
	v8 =	vmax.f32 v3, $0.0e+00  }
0x75: {  	v3 =	vld [tilespmem:s30+$0x48E0];
	[tilespmem:s28+$0x20E0] =	vst v8;
	v8 =	vmax.f32 v2, $0.0e+00  }
0x76: {  	v2 =	vld [tilespmem:s30+$0x48F0];
	[tilespmem:s28+$0x20F0] =	vst v8;
	s28 =	smov.u32 s30  }
0x77: {  	v8 =	vld [tilespmem:s28+$0x2080]  }
0x78: {  	v13 =	vld [tilespmem:s28+$0x2090]  }
.Ltmp1:
0x79: {  	v12 =	vld [tilespmem:s28+$0x20A0];
	(pc) =	sbr.rel @p2 .LBB2_6-.Ltmp1, $4  }
0x7a: {  	v11 =	vld [tilespmem:s28+$0x20B0]  }
0x7b: {  	v10 =	vld [tilespmem:s28+$0x20C0]  }
0x7c: {  	v14 =	vadd.f32 v15, v8;
	v9 =	vld [tilespmem:s28+$0x20D0]  }
0x7d: {  	s29 =	sadd.s32 $0x200, s29;
	v13 =	vadd.f32 v16, v13;
	v8 =	vld [tilespmem:s28+$0x20E0]  }
0x7e: {  	v14 =	vmax.f32 v14, $0.0e+00;
	v7 =	vadd.f32 v7, v12;
	v63 =	vld [tilespmem:s28+$0x20F0]  }
0x7f: {  	[tilespmem:s28+$0x2080] =	vst v14;
	v13 =	vmax.f32 v13, $0.0e+00;
	v6 =	vadd.f32 v6, v11  }
0x80: {  	[tilespmem:s28+$0x2090] =	vst v13;
	v7 =	vmax.f32 v7, $0.0e+00;
	v5 =	vadd.f32 v5, v10  }
0x81: {  	[tilespmem:s28+$0x20A0] =	vst v7;
	v6 =	vmax.f32 v6, $0.0e+00;
	v4 =	vadd.f32 v4, v9  }
0x82: {  	[tilespmem:s28+$0x20B0] =	vst v6;
	v5 =	vmax.f32 v5, $0.0e+00;
	v3 =	vadd.f32 v3, v8  }
0x83: {  	[tilespmem:s28+$0x20C0] =	vst v5;
	v4 =	vmax.f32 v4, $0.0e+00;
	v2 =	vadd.f32 v2, v63  }
0x84: {  	s26 =	sadd.s32 $0x1, s26;
	[tilespmem:s28+$0x20D0] =	vst v4;
	v3 =	vmax.f32 v3, $0.0e+00  }
0x85: {  	p2 =	sne.s32 s26, $0x19;
	[tilespmem:s28+$0x20E0] =	vst v3;
	v2 =	vmax.f32 v2, $0.0e+00  }
.Ltmp2:
0x86: {  	[tilespmem:s28+$0x20F0] =	vst v2;
	(pc) =	sbr.rel @p2 .LBB2_5-.Ltmp2, $4  }
0x87: {  	[spmem:s2] =	stream.indirect.scatter.add.f32 [tilespmem:s20], [sflag:$0x1], $0x80, s22, s19, $0xb8;
	[tilespmem:$0x14140] =	vst v63  }
0x88: {  	_ =	swait.ge [sflag:s17], $0x2800  }
0x89: {  	[sflag:s17] =	ssyncset.done $0x0  }
0x8a: {  	[sflag:s17] =	ssyncadd.s32 $0xFFFFD800  }
0x8b: {  	s24 =	sadd.s32 $0x1, s24  }
0x8c: {  	p2 =	sne.s32 s24, $0xA  }
.Ltmp3:
0x8d: {  	_ = 	snop;
	(pc) =	sbr.rel @p2 .LBB2_4-.Ltmp3, $1  }
0x8e: {  	_ =	sdelay $0x3  }
0x8f: {  	s23 =	sshll.u32 s1, $0x6  }
0x90: {  	[bflag:$0x0] =	sbarrier.arrive $0xFFFF;
	s24 =	sshrl.u32 s7, $0x3;
	s23 =	sor.u32 $0x1C01, s23  }
0x91: {  	[hbm:s13], [sflag:s23] =	dma.local [spmem:s24], $0x1380  }
0x92: {  	_ =	swait.ge [sflag:s17], $0x1380  }
0x93: {  	s3 =	sadd.s32 $0x1, s3;
	[sflag:s17] =	ssyncset.done $0x0  }
0x94: {  	p2 =	sne.s32 s3, s15;
	s24 =	sshrl.u32 @p0 s10, $0x3;
	[sflag:s17] =	ssyncadd.s32 $0xFFFFEC80  }
0x95: {  	[hbm:s14], [sflag:s23] =	dma.local @p0 [spmem:s24], $0x100  }
.Ltmp4:
0x96: {  	_ = 	snop;
	(pc) =	sbr.rel @p2 .LBB2_1-.Ltmp4, $4  }
0x97: {  	s23 =	simm.s32 @p0 $0x1  }
0x98: {  	_ =	swait.ge @p0 [sflag:s23], $0x100  }
0x99: {  	[sflag:s23] =	ssyncset.done @p0 $0x0  }
0x9a: {  	[sflag:s23] =	ssyncadd.s32 @p0 $0xFFFFFF00  }
0x9b: {  	_ =	sfence.sel $0x180000  }
0x9c: {  	[bflag:$0x0] =	sbarrier.arrive $0xFFFF  }
0x9d: {  	p0 =	sne.s32 s1, $0x0;
	_ =	strace $0x90000053  }
0x9e: {  	s0 =	sadd.s32 @!p0 $0x100000, s0;
	[bflag:$0x2] =	sbarrier.arrive $0xFFFF  }
0x9f: {  	[sflag:s0] =	ssyncadd.tile.s32 @!p0 $0x1;
	_ =	shalt  }
.Lfunc_end2:
_tile_overlayer_lowered:
.L_overlay_start_2:
0xa0: {  	(tag) =	ssettag $0x2  }
0xa1: {  	s0 =	rddreg [dreg:$0x0];
	s2 =	stileid.u32  }
0xa2: {  	s1 =	rddreg [dreg:$0x1];
	p0 =	sne.s32 s2, $0x0  }
0xa3: {  	s3 =	rddreg [dreg:$0x2];
	[bflag:$0x3] =	sbarrier.arrive $0xFFFF;
	s2 =	simm.s32 @!p0 $0x1C01  }
0xa4: {  	[timem:s3], [sflag:s2] =	dma.local @!p0 [hbm:s0], s1  }
0xa5: {  	s0 =	simm.s32 @!p0 $0x1  }
0xa6: {  	_ =	swait.ge @!p0 [sflag:s0], s1  }
0xa7: {  	s1 =	ssub.s32 @!p0 $0x0, s1;
	[sflag:s0] =	ssyncset.done @!p0 $0x0  }
0xa8: {  	[sflag:s0] =	ssyncadd.s32 @!p0 s1  }
0xa9: {  	[bflag:$0x3] =	sbarrier.arrive $0xFFFF  }
0xaa: {  	_ =	shalt  }

// kernel: kernel.30.cloned.1.call-start
scs
__scs_entry_jumppad:
0x0: {  	(pc) =	sbr.rel $0x88, $3  }
0x1: {  	(tag) =	ssettag $0x0;
	lr =	simm.s32 $0x1  }
0x2: {  	[smem:$0x3F79] =	sst lr;
	_ =	strace $0xD0000000  }
0x3: {  	_ = 	snop  }
0x4: {  	_ = 	snop  }
0x5: {  	_ = 	snop  }
0x6: {  	_ = 	snop  }
0x7: {  	_ = 	snop  }
__scs_overlays_trampoline_lowered:
0x8: {  	[smem:$0x3F88] =	sst s0  }
0x9: {  	[smem:$0x3F89] =	sst s1  }
0xa: {  	[smem:$0x3F8A] =	sst s2  }
0xb: {  	[smem:$0x3F8B] =	sst s3  }
0xc: {  	[smem:$0x3F8C] =	sst s4  }
0xd: {  	[smem:$0x3F8D] =	sst s5  }
0xe: {  	[smem:$0x3F8E] =	sst s6  }
0xf: {  	[smem:$0x3F8F] =	sst s7  }
0x10: {  	[smem:$0x3F90] =	sst s8  }
0x11: {  	[smem:$0x3F91] =	sst s9;
	s0 =	simm.s32 @!p0 $0x0  }
0x12: {  	s1 =	sld [smem:$0x3F77];
	s0 =	simm.s32 @p0 $0x1  }
0x13: {  	[smem:$0x3F92] =	sst s0;
	s0 =	simm.s32 @!p1 $0x0  }
0x14: {  	s2 =	sld [smem:$0x3F76];
	s0 =	simm.s32 @p1 $0x1  }
0x15: {  	[smem:$0x3F93] =	sst s0;
	s0 =	simm.s32 @!p2 $0x0  }
0x16: {  	s3 =	sld [smem:$0x3FDB];
	s0 =	simm.s32 @p2 $0x1  }
0x17: {  	s4 =	simm.s32 $0x1BF5;
	[smem:$0x3F95] =	sst s0  }
0x18: {  	s0 =	sld [smem:$0x3F78];
	_ =	swait.ge [sflag:s4], $0x0  }
0x19: {  	s7 =	sld [smem:$0x3F79]  }
0x1a: {  	s8 =	sadd.s32 $0xFFFFE003, lr  }
0x1b: {  	s9 =	sadd.s32 $0xFFFFFEF7, lr;
	s5 =	simm.s32 $0xFFFFFFFF;
	p2 =	slt.u32 s8, $0xFFFFF086  }
0x1c: {  	p1 =	slt.u32 s9, $0xF7A;
	s5 =	simm.s32 @!p2 $0x0  }
0x1d: {  	s5 =	simm.s32 @p1 $0x1;
	p0 =	seq.s32 s7, s2  }
0x1e: {  	s7 =	smul.u32 @!p0 $0xF7A, s2;
	p2 =	seq.s32 @!p0 s5, $0x0  }
0x1f: {  	s9 =	smul.u32 $0xF7A, s1;
	s8 =	simm.s32 @!p0 $0x1BF5;
	p2 =	por !p2, p0  }
0x20: {  	[sflag:s8] =	ssyncset.s32 @!p0 $0xFFFFF086;
	s6 =	sadd.s32 @!p0 s3, s7;
	s7 =	simm.s32 @!p0 $0x108  }
0x21: {  	s3 =	sadd.s32 s3, s9;
	s6 =	sadd.s32 @!p0 $0x88, s6;
	s7 =	simm.s32 @p2 $0x1082  }
0x22: {  	[simem:s7], [sflag:s8] =	dma.local @!p0 [hbm:s6], $0xF7A  }
0x23: {  	s9 =	sor.u32 $0xD0000000, s2;
	s6 =	simm.s32 $0x108;
	_ =	swait.ge @!p0 [sflag:s8], $0x0  }
0x24: {  	s3 =	sadd.s32 $0x88, s3;
	s6 =	simm.s32 @!p1 $0x1082;
	[sflag:s4] =	ssyncset.s32 $0xFFFFF086  }
0x25: {  	[simem:s6], [sflag:s4] =	dma.local [hbm:s3], $0xF7A  }
0x26: {  	[smem:$0x3F79] =	sst s1;
	(tag) =	ssettag s2;
	_ =	strace s9  }
0x27: {  	s1 =	sld [smem:$0x3F89]  }
0x28: {  	s2 =	sld [smem:$0x3F8A]  }
0x29: {  	s4 =	sld [smem:$0x3F8C]  }
0x2a: {  	p0 =	seq.s32 s5, $0x0;
	s5 =	sld [smem:$0x3F8D]  }
0x2b: {  	s6 =	sld [smem:$0x3F8E]  }
0x2c: {  	s7 =	sld [smem:$0x3F8F]  }
0x2d: {  	s3 =	simm.s32 $0x108;
	s8 =	sld [smem:$0x3F90]  }
0x2e: {  	s3 =	simm.s32 @!p0 $0x1082;
	s9 =	sld [smem:$0x3F91]  }
0x2f: {  	lr =	sadd.s32 s0, s3;
	s0 =	sld [smem:$0x3F88]  }
0x30: {  	s3 =	sld [smem:$0x3F8B]  }
0x31: {  	[smem:$0x3F94] =	sst s10  }
0x32: {  	s10 =	sld [smem:$0x3F92];
	_ =	sdelay $0x3  }
0x33: {  	p0 =	seq.s32 s10, $0x1;
	s10 =	sld [smem:$0x3F94];
	_ =	sdelay $0x3  }
0x34: {  	[smem:$0x3F94] =	sst s10  }
0x35: {  	s10 =	sld [smem:$0x3F93];
	_ =	sdelay $0x3  }
0x36: {  	p1 =	seq.s32 s10, $0x1;
	s10 =	sld [smem:$0x3F94];
	_ =	sdelay $0x3  }
0x37: {  	[smem:$0x3F94] =	sst s10  }
0x38: {  	s10 =	sld [smem:$0x3F95]  }
0x39: {  	_ = 	snop;
	(pc) =	sbr.ind lr, $3  }
0x3a: {  	_ = 	snop  }
0x3b: {  	_ = 	snop  }
0x3c: {  	p2 =	seq.s32 s10, $0x1;
	s10 =	sld [smem:$0x3F94]  }
0x3d: {  	_ =	shalt  }
0x3e: {  	_ =	shalt  }
0x3f: {  	_ =	shalt  }
0x40: {  	_ =	shalt  }
0x41: {  	_ =	shalt  }
0x42: {  	_ =	shalt  }
0x43: {  	_ =	shalt  }
0x44: {  	_ =	shalt  }
0x45: {  	_ =	shalt  }
0x46: {  	_ =	shalt  }
0x47: {  	_ =	shalt  }
0x48: {  	_ =	shalt  }
0x49: {  	_ =	shalt  }
0x4a: {  	_ =	shalt  }
0x4b: {  	_ =	shalt  }
0x4c: {  	_ =	shalt  }
0x4d: {  	_ =	shalt  }
0x4e: {  	_ =	shalt  }
0x4f: {  	_ =	shalt  }
0x50: {  	_ =	shalt  }
0x51: {  	_ =	shalt  }
0x52: {  	_ =	shalt  }
0x53: {  	_ =	shalt  }
0x54: {  	_ =	shalt  }
0x55: {  	_ =	shalt  }
0x56: {  	_ =	shalt  }
0x57: {  	_ =	shalt  }
0x58: {  	_ =	shalt  }
0x59: {  	_ =	shalt  }
0x5a: {  	_ =	shalt  }
0x5b: {  	_ =	shalt  }
0x5c: {  	_ =	shalt  }
0x5d: {  	_ =	shalt  }
0x5e: {  	_ =	shalt  }
0x5f: {  	_ =	shalt  }
0x60: {  	_ =	shalt  }
0x61: {  	_ =	shalt  }
0x62: {  	_ =	shalt  }
0x63: {  	_ =	shalt  }
0x64: {  	_ =	shalt  }
0x65: {  	_ =	shalt  }
0x66: {  	_ =	shalt  }
0x67: {  	_ =	shalt  }
0x68: {  	_ =	shalt  }
0x69: {  	_ =	shalt  }
0x6a: {  	_ =	shalt  }
0x6b: {  	_ =	shalt  }
0x6c: {  	_ =	shalt  }
0x6d: {  	_ =	shalt  }
0x6e: {  	_ =	shalt  }
0x6f: {  	_ =	shalt  }
0x70: {  	_ =	shalt  }
0x71: {  	_ =	shalt  }
0x72: {  	_ =	shalt  }
0x73: {  	_ =	shalt  }
0x74: {  	_ =	shalt  }
0x75: {  	_ =	shalt  }
0x76: {  	_ =	shalt  }
0x77: {  	_ =	shalt  }
0x78: {  	_ =	shalt  }
0x79: {  	_ =	shalt  }
0x7a: {  	_ =	shalt  }
0x7b: {  	_ =	shalt  }
0x7c: {  	_ =	shalt  }
0x7d: {  	_ =	shalt  }
0x7e: {  	_ =	shalt  }
0x7f: {  	_ =	shalt  }
0x80: {  	_ =	shalt  }
0x81: {  	_ =	shalt  }
0x82: {  	_ =	shalt  }
0x83: {  	_ =	shalt  }
0x84: {  	_ =	shalt  }
0x85: {  	_ =	shalt  }
0x86: {  	_ =	shalt  }
0x87: {  	_ =	shalt  }
.Lfunc_end0:
.L_simem_size_0:
called_computation.5_lowered:
.L_overlay_start_0:
0x88: {  	s2 =	sld [smem:$0x3FD9]  }
0x89: {  	s3 =	sld [smem:$0x3FFE];
	_ =	sdelay $0x1  }
0x8a: {  	s1 =	srdreg.scid  }
0x8b: {  	s0 =	sand.u32 $0x1, s1  }
0x8c: {  	s16 =	sshll.u32 s0, $0xA;
	s2 =	sadd.s32 s3, s2  }
0x8d: {  	s2 =	sadd.s32 s2, s16  }
0x8e: {  	[smem:$0x3FA0] =	sst s2  }
0x8f: {  	_ = 	snop  }
0x90: {  	(tm) =	ssettm $0x1  }
0x91: {  	s17 =	sld [smem:$0x3FFB];
	_ =	sdelay $0x3  }
0x92: {  	_ =	strace s17  }
0x93: {  	s2 =	sld [smem:$0x3FFC];
	_ =	sdelay $0x3  }
0x94: {  	_ =	strace s2  }
0x95: {  	s2 =	sld [smem:$0x3FFD];
	_ =	sdelay $0x3  }
0x96: {  	_ =	strace s2  }
0x97: {  	_ =	strace $0x8FFFFFFF  }
0x98: {  	s18 =	sld [smem:$0x3FDB];
	_ =	sdelay $0x1  }
0x99: {  	s19 =	simm.s32 $_scs_section_size  }
0x9a: {  	s4 =	simm.s32 $_size__tile_overlayer_lowered;
	s5 =	simm.s32 $_tile_overlayer_lowered  }
0x9b: {  	s22 =	simm.s32 $0x1BFF;
	s21 =	sshll.u32 s5, $0x1;
	s2 =	sadd.s32 s19, s18  }
0x9c: {  	s6 =	simm.s32 $0x0;
	s20 =	sshll.u32 s4, $0x1;
	s4 =	sadd.s32 s21, s2  }
0x9d: {  	[timem:s6], [sflag:s22] =	dma.local [hbm:s4], s20  }
0x9e: {  	_ =	swait.ge [sflag:s22], s20  }
0x9f: {  	s3 =	ssub.s32 $0x0, s20;
	[sflag:s22] =	ssyncset.done $0x0  }
0xa0: {  	[sflag:s22] =	ssyncadd.s32 s3;
	_ =	sdelay $0x1  }
0xa1: {  	s23 =	simm.s32 $0x1B8B  }
0xa2: {  	_ =	swait.ge [sflag:s23], $0x1  }
0xa3: {  	[sflag:s23] =	ssyncset.done $0x0  }
0xa4: {  	s25 =	simm.s32 $0x1B8E;
	s24 =	sld [smem:$0x3FFE];
	[sflag:s23] =	ssyncadd.s32 $0xFFFFFFFF  }
0xa5: {  	s26 =	simm.s32 $execute0_lowered;
	[smem:$0x3FD2] =	sst s25  }
0xa6: {  	s4 =	sshll.u32 s26, $0x1;
	_ =	strace $0x80000055;
	[dreg:$0x1] =	wrdreg $0xFFFFFFFF  }
0xa7: {  	s28 =	simm.s32 $_size_execute0_lowered;
	s2 =	sadd.s32 s2, s4;
	[dreg:$0x0] =	wrdreg $0x0  }
0xa8: {  	s4 =	sshll.u32 s28, $0x1;
	[dreg:$0x2] =	wrdreg s2  }
0xa9: {  	[dreg:$0x3] =	wrdreg s4  }
0xaa: {  	[dreg:$0x4] =	wrdreg $0xC0  }
0xab: {  	_ =	task [dreg:s6], $0x5FFFF  }
0xac: {  	[dreg:$0x1] =	wrdreg $0xFFFFFFFF  }
0xad: {  	[dreg:$0x0] =	wrdreg $0x60  }
0xae: {  	[dreg:$0x2] =	wrdreg s24  }
0xaf: {  	[dreg:$0x3] =	wrdreg $0x9  }
0xb0: {  	_ =	task.clear_ibuf [dreg:s6], $0x4FFFF;
	_ =	strace $0x90000055  }
0xb1: {  	s29 =	simm.s32 $0x9;
	_ =	strace $0x80000057  }
0xb2: {  	_ =	swait.ge [sflag:s29], $0x1  }
0xb3: {  	[sflag:s29] =	ssyncadd.s32 $0xFFFFFFFF  }
0xb4: {  	_ =	strace $0x90000057  }
0xb5: {  	_ =	sfence  }
0xb6: {  	s30 =	sld [smem:$0x0];
	_ =	sdelay $0x2  }
0xb7: {  	s31 =	sshll.u32 s1, $0xD;
	s1 =	sshrl.u32 s1, $0x2  }
0xb8: {  	s3 =	sand.u32 $0x4000, s31;
	s1 =	sadd.s32 s1, s30  }
0xb9: {  	s0 =	sor.u32 s3, s0;
	s1 =	sshll.u32 s1, $0x11  }
0xba: {  	s0 =	sor.u32 s1, s0  }
0xbb: {  	s0 =	sadd.s32 $0x8F2B, s0  }
0xbc: {  	[sflag:s0] =	ssyncadd.remote.s32 $0x1  }
0xbd: {  	_ =	sfence.sel $0xFFFF  }
0xbe: {  	[dreg:$0x0] =	wrdreg $0xFFFFFFFF;
	(pc) =	sbr.abs _section_cstart, $3  }
0xbf: {  	[dreg:$0x1] =	wrdreg $0xFFFFFFFF  }
0xc0: {  	_ =	task.clear_ibuf [dreg:s6], $0x2FFFF;
	_ =	strace $0x9FFFFFFF  }
0xc1: {  	(tm) =	ssettm $0x7FFFFFFF  }
tec
execute0_lowered:
.L_overlay_start_1:
0x0: {  	(tag) =	ssettag $0x1  }
0x1: {  	s6 =	rddreg [dreg:$0x0]  }
0x2: {  	s0 =	rddreg [dreg:$0x1];
	s3 =	srdreg.scid  }
0x3: {  	s1 =	stileid.u32;
	s2 =	simm.s32 $0x0;
	s11 =	simm.s32 $0x50  }
0x4: {  	s12 =	simm.s32 $0x2000;
	s13 =	simm.s32 $0x4800;
	s14 =	simm.s32 $0x0  }
0x5: {  	s3 =	sand.u32 $0x1, s3;
	s4 =	sshll.u32 s1, $0x1;
	[smem:$0x7FF] =	sst s2  }
0x6: {  	s5 =	sadd.s32 $0x1A400, s6;
	s7 =	sor.u32 s3, s4;
	s9 =	ssub.s32 $0x2, s3  }
0x7: {  	_ =	strace $0x80000056;
	s8 =	smul.u32 $0x27100, s7;
	s10 =	sshrl.u32 s9, $0x1  }
0x8: {  	s3 =	sadd.s32 $0x4D000, s6;
	s4 =	sadd.s32 $0x6400, s6;
	s9 =	ssub.s32 s9, s10  }
0x9: {  	s10 =	simm.s32 $0x1000;
	s8 =	sadd.s32 s8, s6;
	s6 =	smul.u32 $0x5000, s7  }
0xa: {  	s7 =	sadd.s32 $0x557000, s8;
	s8 =	smax.u32 s9, $0x1;
	s9 =	simm.s32 $0x1  }
.LBB2_1:
0xb: {  	s15 =	simm.s32 $0x0  }
.LBB2_2:
0xc: {  	s16 =	sshll.u32 s15, $0xC  }
0xd: {  	s16 =	sadd.s32 s6, s16  }
0xe: {  	s17 =	sshrl.u32 s16, $0x3  }
0xf: {  	s16 =	simm.s32 $0x0;
	s18 =	sadd.s32 s4, s17  }
0x10: {  	[tilespmem:s16], [sflag:$0x1] =	stream.linear.gather [hbm4b:s18+s16], $0xC80, $0x38;
	[tilespmem:$0x7000] =	vst v63  }
0x11: {  	_ =	swait.ge [sflag:s9], $0xC80  }
0x12: {  	[sflag:s9] =	ssyncset.done $0x0  }
0x13: {  	s17 =	sadd.s32 s5, s17;
	[sflag:s9] =	ssyncadd.s32 $0xFFFFF380  }
0x14: {  	[tilespmem:s10], [sflag:$0x1] =	stream.linear.gather [hbm4b:s17+s16], $0xC80, $0x38;
	[tilespmem:$0x7000] =	vst v63  }
0x15: {  	_ =	swait.ge [sflag:s9], $0xC80  }
0x16: {  	[sflag:s9] =	ssyncset.done $0x0  }
0x17: {  	s17 =	smul.u32 $0x19, s15;
	[sflag:s9] =	ssyncadd.s32 $0xFFFFF380  }
.LBB2_3:
0x18: {  	s18 =	sshll.u32 s16, $0x7  }
0x19: {  	[tilespmem:s12], [sflag:$0x1] =	stream.indirect.gather [hbm4b:s3+s11], $0x80, s18, s11, $0xb8;
	[tilespmem:$0x7000] =	vst v63  }
0x1a: {  	_ =	swait.ge [sflag:s9], $0x2800  }
0x1b: {  	[sflag:s9] =	ssyncset.done $0x0  }
0x1c: {  	s18 =	sadd.s32 $0x1000, s18;
	[sflag:s9] =	ssyncadd.s32 $0xFFFFD800  }
0x1d: {  	[tilespmem:s13], [sflag:$0x1] =	stream.indirect.gather [hbm4b:s3+s11], $0x80, s18, s11, $0xb8;
	[tilespmem:$0x7000] =	vst v63  }
0x1e: {  	_ =	swait.ge [sflag:s9], $0x2800  }
0x1f: {  	[sflag:s9] =	ssyncset.done $0x0  }
0x20: {  	s18 =	simm.s32 $0x0;
	[sflag:s9] =	ssyncadd.s32 $0xFFFFD800  }
0x21: {  	v7 =	vld [tilespmem:s18+$0x4800]  }
0x22: {  	v11 =	vld [tilespmem:s18+$0x4810]  }
0x23: {  	v5 =	vld [tilespmem:s18+$0x4820]  }
0x24: {  	v4 =	vld [tilespmem:s18+$0x4830]  }
0x25: {  	v3 =	vld [tilespmem:s18+$0x4840]  }
0x26: {  	v2 =	vld [tilespmem:s18+$0x4850]  }
0x27: {  	v1 =	vld [tilespmem:s18+$0x4860]  }
0x28: {  	v0 =	vld [tilespmem:s18+$0x4870]  }
0x29: {  	v12 =	vld [tilespmem:s18+$0x2000]  }
0x2a: {  	v13 =	vld [tilespmem:s18+$0x2010]  }
0x2b: {  	v10 =	vld [tilespmem:s18+$0x2020]  }
0x2c: {  	v9 =	vld [tilespmem:s18+$0x2030]  }
0x2d: {  	v8 =	vld [tilespmem:s18+$0x2040]  }
0x2e: {  	v6 =	vld [tilespmem:s18+$0x2050];
	v12 =	vmul.f32 v7, v12  }
0x2f: {  	s19 =	simm.s32 $0x200;
	v11 =	vmul.f32 v11, v13;
	v7 =	vld [tilespmem:s18+$0x2060]  }
.LBB2_4:
0x30: {  	s20 =	sshra.s32 s19, $0x2;
	p0 =	sne.s32 s19, $0x9E00;
	[tilespmem:s18+$0x2000] =	vst v12;
	v5 =	vmul.f32 v5, v10;
	v10 =	vld [tilespmem:s18+$0x2070]  }
0x31: {  	v12 =	vld [tilespmem:s20+$0x4800];
	[tilespmem:s18+$0x2010] =	vst v11;
	v4 =	vmul.f32 v4, v9  }
0x32: {  	v11 =	vld [tilespmem:s20+$0x4810];
	[tilespmem:s18+$0x2020] =	vst v5;
	v3 =	vmul.f32 v3, v8  }
0x33: {  	v5 =	vld [tilespmem:s20+$0x4820];
	[tilespmem:s18+$0x2030] =	vst v4;
	v2 =	vmul.f32 v2, v6  }
0x34: {  	v4 =	vld [tilespmem:s20+$0x4830];
	[tilespmem:s18+$0x2040] =	vst v3;
	v1 =	vmul.f32 v1, v7  }
0x35: {  	v3 =	vld [tilespmem:s20+$0x4840];
	[tilespmem:s18+$0x2050] =	vst v2;
	v0 =	vmul.f32 v0, v10  }
0x36: {  	v2 =	vld [tilespmem:s20+$0x4850];
	[tilespmem:s18+$0x2060] =	vst v1  }
0x37: {  	v1 =	vld [tilespmem:s20+$0x4860];
	[tilespmem:s18+$0x2070] =	vst v0;
	s18 =	smov.u32 s20  }
0x38: {  	v0 =	vld [tilespmem:s18+$0x4870]  }
0x39: {  	v6 =	vld [tilespmem:s18+$0x2000]  }
0x3a: {  	v7 =	vld [tilespmem:s18+$0x2010]  }
.Ltmp0:
0x3b: {  	v10 =	vld [tilespmem:s18+$0x2020];
	(pc) =	sbr.rel @p0 .LBB2_4-.Ltmp0, $4  }
0x3c: {  	v9 =	vld [tilespmem:s18+$0x2030]  }
0x3d: {  	v8 =	vld [tilespmem:s18+$0x2040]  }
0x3e: {  	v12 =	vmul.f32 v12, v6;
	v6 =	vld [tilespmem:s18+$0x2050]  }
0x3f: {  	s19 =	sadd.s32 $0x200, s19;
	v11 =	vmul.f32 v11, v7;
	v7 =	vld [tilespmem:s18+$0x2060]  }
0x40: {  	[tilespmem:s18+$0x2000] =	vst v12;
	v5 =	vmul.f32 v5, v10;
	v63 =	vld [tilespmem:s18+$0x2070]  }
0x41: {  	[tilespmem:s18+$0x2010] =	vst v11;
	v4 =	vmul.f32 v4, v9  }
0x42: {  	[tilespmem:s18+$0x2020] =	vst v5;
	v3 =	vmul.f32 v3, v8  }
0x43: {  	[tilespmem:s18+$0x2030] =	vst v4;
	v2 =	vmul.f32 v2, v6  }
0x44: {  	s19 =	sadd.s32 s17, s16;
	[tilespmem:s18+$0x2040] =	vst v3;
	v1 =	vmul.f32 v1, v7  }
0x45: {  	s16 =	sadd.s32 $0x1, s16;
	s19 =	smul.u32 $0x500, s19;
	[tilespmem:s18+$0x2050] =	vst v2;
	v0 =	vmul.f32 v0, v63  }
0x46: {  	p0 =	sne.s32 s16, $0x19;
	[tilespmem:s18+$0x2060] =	vst v1  }
.Ltmp1:
0x47: {  	s31 =	sadd.s32 s7, s19;
	[tilespmem:s18+$0x2070] =	vst v0;
	(pc) =	sbr.rel @p0 .LBB2_3-.Ltmp1, $4  }
0x48: {  	[hbm4b:s31+s2] =	stream.linear.scatter [tilespmem:s12], [sflag:$0x1], $0x2800, $0x38;
	[tilespmem:$0x7000] =	vst v63  }
0x49: {  	_ =	swait.ge [sflag:s9], $0x2800  }
0x4a: {  	[sflag:s9] =	ssyncset.done $0x0  }
0x4b: {  	[sflag:s9] =	ssyncadd.s32 $0xFFFFD800  }
0x4c: {  	s15 =	sadd.s32 $0x1, s15  }
0x4d: {  	p0 =	sne.s32 s15, $0x5  }
.Ltmp2:
0x4e: {  	_ = 	snop;
	(pc) =	sbr.rel @p0 .LBB2_2-.Ltmp2, $1  }
0x4f: {  	_ =	sdelay $0x3  }
0x50: {  	s14 =	sadd.s32 $0x1, s14  }
0x51: {  	p0 =	sne.s32 s14, s8  }
.Ltmp3:
0x52: {  	_ = 	snop;
	(pc) =	sbr.rel @p0 .LBB2_1-.Ltmp3, $1  }
0x53: {  	_ =	sdelay $0x3  }
0x54: {  	_ =	sfence.sel $0x180000  }
0x55: {  	[bflag:$0x0] =	sbarrier.arrive $0xFFFF  }
0x56: {  	p0 =	sne.s32 s1, $0x0;
	_ =	strace $0x90000056  }
0x57: {  	s0 =	sadd.s32 @!p0 $0x100000, s0;
	[bflag:$0x2] =	sbarrier.arrive $0xFFFF  }
0x58: {  	[sflag:s0] =	ssyncadd.tile.s32 @!p0 $0x1;
	_ =	shalt  }
.Lfunc_end2:
_tile_overlayer_lowered:
.L_overlay_start_2:
0x59: {  	(tag) =	ssettag $0x2  }
0x5a: {  	s0 =	rddreg [dreg:$0x0];
	s2 =	stileid.u32  }
0x5b: {  	s1 =	rddreg [dreg:$0x1];
	p0 =	sne.s32 s2, $0x0  }
0x5c: {  	s3 =	rddreg [dreg:$0x2];
	[bflag:$0x3] =	sbarrier.arrive $0xFFFF;
	s2 =	simm.s32 @!p0 $0x1C01  }
0x5d: {  	[timem:s3], [sflag:s2] =	dma.local @!p0 [hbm:s0], s1  }
0x5e: {  	s0 =	simm.s32 @!p0 $0x1  }
0x5f: {  	_ =	swait.ge @!p0 [sflag:s0], s1  }
0x60: {  	s1 =	ssub.s32 @!p0 $0x0, s1;
	[sflag:s0] =	ssyncset.done @!p0 $0x0  }
0x61: {  	[sflag:s0] =	ssyncadd.s32 @!p0 s1  }
0x62: {  	[bflag:$0x3] =	sbarrier.arrive $0xFFFF  }
0x63: {  	_ =	shalt  }

</sc_bundles>
